<compile_context>
chip_gen: v7x
topology: tpu7x:2x2x1
jax: 0.10.2.dev20260603
libtpu: 0.0.44.dev20260713+nightly
codegen_flags: <defaults>
</compile_context>

<pallas_src>
import functools
import jax
import jax.numpy as jnp
from jax import lax
from jax.experimental import pallas as pl
from jax.experimental.pallas import tpu as pltpu
from jax.experimental.pallas import tpu_sc as plsc

_N = 10000
_NP = 10240
_E = 320000
_D = 128
_FEAT = 256
_NUM_LAYER = 2
_K = 1000
_ES = 32000
_MAXB = 257

_BN = 2560
_NW = 32
_EPW = _E // _NW
_EC = 2000
_SELCAP = 8192 + 64
_RPT = _NP // 16
_DUMMY = _N



def _score_body(h, wlt, qb, w1, b1, w2, b2):
    heur = jnp.dot(h, wlt, preferred_element_type=jnp.float32) + qb
    x = h * heur
    hh = jax.nn.relu(jnp.dot(x, w1, preferred_element_type=jnp.float32) + b1)
    return jnp.dot(hh, w2, preferred_element_type=jnp.float32) + b2


def _score_kernel(h_ref, wlt_ref, qb_ref, w1_ref, b1_ref, w2_ref, b2_ref,
                  score_ref, li_ref):
    h = h_ref[...]
    s = _score_body(h, wlt_ref[...], qb_ref[...], w1_ref[...], b1_ref[...],
                    w2_ref[...], b2_ref[...])
    score_ref[...] = s
    li_ref[...] = jax.nn.sigmoid(s) * h


def _update_kernel(h_ref, a0_ref, a1_ref, upd_ref, wl_ref, bl_ref,
                   wlt_ref, qb_ref, w1_ref, b1_ref, w2_ref, b2_ref,
                   hn_ref, score_ref, li_ref):
    agg = a0_ref[...] + a1_ref[...]
    ho = jax.nn.relu(jnp.dot(agg, wl_ref[...],
                             preferred_element_type=jnp.float32) + bl_ref[...])
    hn = h_ref[...] + upd_ref[...] * ho
    s = _score_body(hn, wlt_ref[...], qb_ref[...], w1_ref[...], b1_ref[...],
                    w2_ref[...], b2_ref[...])
    hn_ref[...] = hn
    score_ref[...] = s
    li_ref[...] = jax.nn.sigmoid(s) * hn


def _mk_score_call():
    grid = _NP // _BN
    return pl.pallas_call(
        _score_kernel,
        grid=(grid,),
        in_specs=[
            pl.BlockSpec((_BN, _D), lambda i: (i, 0)),
            pl.BlockSpec((_D, _D), lambda i: (0, 0)),
            pl.BlockSpec((1, _D), lambda i: (0, 0)),
            pl.BlockSpec((_D, _FEAT), lambda i: (0, 0)),
            pl.BlockSpec((1, _FEAT), lambda i: (0, 0)),
            pl.BlockSpec((_FEAT, 1), lambda i: (0, 0)),
            pl.BlockSpec((1, 1), lambda i: (0, 0)),
        ],
        out_specs=[
            pl.BlockSpec((_BN, 1), lambda i: (i, 0)),
            pl.BlockSpec((_BN, _D), lambda i: (i, 0)),
        ],
        out_shape=[
            jax.ShapeDtypeStruct((_NP, 1), jnp.float32),
            jax.ShapeDtypeStruct((_NP, _D), jnp.float32),
        ],
    )


def _mk_update_call():
    grid = _NP // _BN
    return pl.pallas_call(
        _update_kernel,
        grid=(grid,),
        in_specs=[
            pl.BlockSpec((_BN, _D), lambda i: (i, 0)),
            pl.BlockSpec((_BN, _D), lambda i: (i, 0)),
            pl.BlockSpec((_BN, _D), lambda i: (i, 0)),
            pl.BlockSpec((_BN, 1), lambda i: (i, 0)),
            pl.BlockSpec((_D, _D), lambda i: (0, 0)),
            pl.BlockSpec((1, _D), lambda i: (0, 0)),
            pl.BlockSpec((_D, _D), lambda i: (0, 0)),
            pl.BlockSpec((1, _D), lambda i: (0, 0)),
            pl.BlockSpec((_D, _FEAT), lambda i: (0, 0)),
            pl.BlockSpec((1, _FEAT), lambda i: (0, 0)),
            pl.BlockSpec((_FEAT, 1), lambda i: (0, 0)),
            pl.BlockSpec((1, 1), lambda i: (0, 0)),
        ],
        out_specs=[
            pl.BlockSpec((_BN, _D), lambda i: (i, 0)),
            pl.BlockSpec((_BN, 1), lambda i: (i, 0)),
            pl.BlockSpec((_BN, _D), lambda i: (i, 0)),
        ],
        out_shape=[
            jax.ShapeDtypeStruct((_NP, _D), jnp.float32),
            jax.ShapeDtypeStruct((_NP, 1), jnp.float32),
            jax.ShapeDtypeStruct((_NP, _D), jnp.float32),
        ],
    )



def _sc_edge_body(src_hbm, dst_hbm, score_hbm, sb_hbm, b_hbm, et_hbm,
                  li_hbm, zeros_hbm, agg_out,
                  src_v, dst_v, score_v, sb_v, b_v, et_v,
                  sel_s, sel_d, rows_v, rows_w, agg_sh, sem, sem2):
    cid = lax.axis_index("c")
    sid = lax.axis_index("s")
    wid = cid * 16 + sid
    base = wid * _EPW

    pltpu.sync_copy(score_hbm, score_v)
    pltpu.sync_copy(sb_hbm, sb_v)
    pltpu.sync_copy(b_hbm, b_v)
    pltpu.sync_copy(et_hbm, et_v)
    pltpu.sync_copy(zeros_hbm.at[pl.ds(sid * _RPT, _RPT)],
                    agg_sh.at[pl.ds(sid * _RPT, _RPT)])

    sbv = sb_v[...]
    bv = b_v[...]
    etv = et_v[...]

    offv = jnp.zeros((16,), jnp.int32)
    for g in range(_EPW // _EC):
        gbase = base + g * _EC
        pltpu.sync_copy(src_hbm.at[pl.ds(gbase, _EC)], src_v)
        pltpu.sync_copy(dst_hbm.at[pl.ds(gbase, _EC)], dst_v)

        def body_a(i, off, gbase=gbase):
            s = src_v[pl.ds(i * 16, 16)]
            d = dst_v[pl.ds(i * 16, 16)]
            sc = plsc.load_gather(score_v, [s])
            eid = gbase + i * 16 + lax.iota(jnp.int32, 16)
            keep = (sc > sbv) | ((s == bv) & (eid < etv))
            ki = keep.astype(jnp.int32)
            pos = off + plsc.cumsum(ki) - 1
            plsc.store_scatter(sel_s, [pos], s, mask=keep)
            plsc.store_scatter(sel_d, [pos], d, mask=keep)
            return off + jnp.sum(ki)

        offv = lax.fori_loop(0, _EC // 16, body_a, offv)
    cnt = jnp.max(offv)
    for q in range(4):
        tail = cnt + q * 16 + lax.iota(jnp.int32, 16)
        plsc.store_scatter(sel_s, [tail], jnp.zeros((16,), jnp.int32))
        plsc.store_scatter(sel_d, [tail], jnp.full((16,), _DUMMY, jnp.int32))

    plsc.subcore_barrier()

    nch = (cnt + 63) // 64

    def _issue(buf, sm, batch):
        pltpu.async_copy(li_hbm.at[sel_s.at[pl.ds(batch * 64, 64)]], buf, sm)

    def _drain(buf, sm):
        pltpu.make_async_copy(li_hbm.at[pl.ds(0, 64)], buf, sm).wait()

    def _scatter(buf, batch):
        for q in range(4):
            dv = sel_d[pl.ds(batch * 64 + q * 16, 16)]
            pltpu.sync_copy(buf.at[pl.ds(q * 16, 16)],
                            agg_sh.at[dv], add=True)

    @pl.when(nch > 0)
    def _():
        _issue(rows_v, sem, 0)

    @pl.when(nch > 1)
    def _():
        _issue(rows_w, sem2, 1)

    def body_b(j, carry):
        b0 = 2 * j
        _drain(rows_v, sem)
        _scatter(rows_v, b0)

        @pl.when(b0 + 2 < nch)
        def _():
            _issue(rows_v, sem, b0 + 2)

        @pl.when(b0 + 1 < nch)
        def _():
            _drain(rows_w, sem2)
            _scatter(rows_w, b0 + 1)

            @pl.when(b0 + 3 < nch)
            def _():
                _issue(rows_w, sem2, b0 + 3)

        return carry

    lax.fori_loop(0, (nch + 1) // 2, body_b, jnp.int32(0))

    plsc.subcore_barrier()
    pltpu.sync_copy(agg_sh.at[pl.ds(sid * _RPT, _RPT)],
                    agg_out.at[cid].at[pl.ds(sid * _RPT, _RPT)])


def _mk_sc_edge_call():
    mesh = plsc.VectorSubcoreMesh(core_axis_name="c", subcore_axis_name="s")
    return functools.partial(
        pl.kernel,
        out_type=jax.ShapeDtypeStruct((2, _NP, _D), jnp.float32),
        mesh=mesh,
        compiler_params=pltpu.CompilerParams(needs_layout_passes=False),
        scratch_types=[
            pltpu.VMEM((_EC,), jnp.int32),
            pltpu.VMEM((_EC,), jnp.int32),
            pltpu.VMEM((_NP,), jnp.float32),
            pltpu.VMEM((16,), jnp.float32),
            pltpu.VMEM((16,), jnp.int32),
            pltpu.VMEM((16,), jnp.int32),
            pltpu.VMEM((_SELCAP,), jnp.int32),
            pltpu.VMEM((_SELCAP,), jnp.int32),
            pltpu.VMEM((64, _D), jnp.float32),
            pltpu.VMEM((64, _D), jnp.float32),
            pltpu.VMEM_SHARED((_NP, _D), jnp.float32),
            pltpu.SemaphoreType.DMA,
            pltpu.SemaphoreType.DMA,
        ],
    )(_sc_edge_body)



def _select_thresholds(score, deg, src):
    top_vals, top_nodes = lax.top_k(score, _K)
    deg_top = deg[top_nodes]
    cum = jnp.cumsum(deg_top)
    p = jnp.searchsorted(cum, jnp.int32(_ES))
    is_full = p >= _K
    pc = jnp.minimum(p, _K - 1)
    b = top_nodes[pc]
    sb = top_vals[pc]
    csel = jnp.where(p > 0, cum[jnp.maximum(p - 1, 0)], 0)
    rem = jnp.maximum(_ES - csel, 0)
    bcnt = jnp.cumsum((src == b).astype(jnp.int32))
    et = jnp.where(is_full, _E,
                   jnp.searchsorted(bcnt, rem, side="right"))
    return sb, b, et



def kernel(node_feat, query, edge_index, W_lin, b_lin, W_mlp1, b_mlp1,
           W_mlp2, b_mlp2, W_layer, b_layer):
    src = edge_index[0]
    dst = edge_index[1]

    wlt = W_lin[:_D]
    qb = (query @ W_lin[_D:] + b_lin)[None, :]
    b1 = b_mlp1[None, :]
    b2 = b_mlp2[None, :]

    score_call = _mk_score_call()
    update_call = _mk_update_call()
    sc_edge = _mk_sc_edge_call()

    hid0 = jnp.pad(node_feat, ((0, _NP - _N), (0, 0)))
    zeros = jnp.zeros((_NP, _D), jnp.float32)

    deg = jax.ops.segment_sum(jnp.ones((_E,), jnp.int32), src,
                              num_segments=_NP)
    upd = (deg > 0).astype(jnp.float32)[:, None]

    hidden = hid0
    score2d, li = score_call(hidden, wlt, qb, W_mlp1, b1, W_mlp2, b2)

    for i in range(_NUM_LAYER):
        score = score2d[:_N, 0]
        sb, b, et = _select_thresholds(score, deg, src)
        agg = sc_edge(src, dst, score2d[:, 0],
                      jnp.full((16,), sb, jnp.float32),
                      jnp.full((16,), b, jnp.int32),
                      jnp.full((16,), et, jnp.int32),
                      li, zeros)
        hidden, score2d, li = update_call(
            hidden, agg[0], agg[1], upd, W_layer[i], b_layer[i][None, :],
            wlt, qb, W_mlp1, b1, W_mlp2, b2)

    return score2d[:_N, 0]

# --- scband reference (transcript-rebuilt; emitter-appended) ---
"""Pipeline reference for scband-conditioned-pna-63763084477013 (READ-ONLY COPY).

The authoritative reference and input builder live on the scoring server;
editing this copy changes nothing except your own understanding.
"""

import jax, jax.numpy as jnp
import numpy as np

N = 10000
E = 320000
D = 128          # base_layer input_dim == output_dim
FEAT = 2 * D     # feature_dim = output_dim + input_dim
NUM_LAYER = 2
NODE_RATIO = 0.1
DEGREE_RATIO = 1.0


def setup_inputs(seed: int = 0) -> dict:
    key = jax.random.key(seed)
    ks = jax.random.split(key, 10)
    node_feat = jax.random.normal(ks[0], (N, D), dtype=jnp.float32)
    query = jax.random.normal(ks[1], (D,), dtype=jnp.float32)
    edge_index = jax.random.randint(ks[2], (2, E), 0, N, dtype=jnp.int32)
    # learned parameters (self.linear: Linear(feature_dim, output_dim))
    W_lin = jax.random.normal(ks[3], (FEAT, D), dtype=jnp.float32) * 0.05
    b_lin = jnp.zeros((D,), dtype=jnp.float32)
    # MLP(output_dim, [feature_dim]*(num_mlp_layer-1) + [1])
    W_mlp1 = jax.random.normal(ks[4], (D, FEAT), dtype=jnp.float32) * 0.05
    b_mlp1 = jnp.zeros((FEAT,), dtype=jnp.float32)
    W_mlp2 = jax.random.normal(ks[5], (FEAT, 1), dtype=jnp.float32) * 0.05
    b_mlp2 = jnp.zeros((1,), dtype=jnp.float32)
    # per-layer GNN transform weights (stand-in for deep-copied base_layer)
    W_layer = jax.random.normal(ks[6], (NUM_LAYER, D, D), dtype=jnp.float32) * 0.05
    b_layer = jnp.zeros((NUM_LAYER, D), dtype=jnp.float32)
    return {
        'node_feat': node_feat, 'query': query, 'edge_index': edge_index,
        'W_lin': W_lin, 'b_lin': b_lin,
        'W_mlp1': W_mlp1, 'b_mlp1': b_mlp1,
        'W_mlp2': W_mlp2, 'b_mlp2': b_mlp2,
        'W_layer': W_layer, 'b_layer': b_layer,
    }


def reference(node_feat, query, edge_index, W_lin, b_lin, W_mlp1, b_mlp1,
              W_mlp2, b_mlp2, W_layer, b_layer):
    src = edge_index[0]
    dst = edge_index[1]

    def score_fn(hidden):
        # heuristic = self.linear(cat([hidden, rel_embeds]))
        q = jnp.broadcast_to(query[None, :], hidden.shape)
        heur = jnp.concatenate([hidden, q], axis=-1) @ W_lin + b_lin
        x = hidden * heur
        h = jax.nn.relu(x @ W_mlp1 + b_mlp1)
        return (h @ W_mlp2 + b_mlp2)[:, 0]

    hidden = node_feat
    score = score_fn(hidden)
    degree_out = jax.ops.segment_sum(jnp.ones((E,), jnp.float32), src, num_segments=N)

    k = int(NODE_RATIO * N)                      # ks = node_ratio * num_nodes
    es = int(DEGREE_RATIO * k * E / N)           # es = degree_ratio * ks * num_edges / num_nodes

    for i in range(NUM_LAYER):
        # --- select_edges: top-k nodes by score, mask edges by src membership ---
        _, top_nodes = jax.lax.top_k(score, k)
        src_mask = jnp.zeros((N,), dtype=bool).at[top_nodes].set(True)
        edge_active = src_mask[src]
        # --- top-es edges among active edges (ranked by src score) ---
        edge_score = jnp.where(edge_active, score[src], -jnp.inf)
        _, top_edges = jax.lax.top_k(edge_score, es)
        edge_mask = jnp.zeros((E,), dtype=bool).at[top_edges].set(True)
        edge_mask = edge_mask & edge_active
        # --- masked message passing on selected subgraph ---
        layer_input = jax.nn.sigmoid(score)[:, None] * hidden
        msg = jnp.where(edge_mask[:, None], layer_input[src], 0.0)
        agg = jax.ops.segment_sum(msg, dst, num_segments=N)
        hidden_out = jax.nn.relu(agg @ W_layer[i] + b_layer[i])
        # --- residual update on nodes with out-degree > 0, then rescore ---
        upd = (degree_out > 0)[:, None]
        hidden = hidden + jnp.where(upd, hidden_out, 0.0)
        score = score_fn(hidden)

    return score

if __name__ == "__main__":
    import jax
    _d = setup_inputs()
    print(jax.jit(kernel)(*tuple(_d.values())))

</pallas_src>

<mosaic_0001>
#map = affine_map<(d0, d1) -> (0)>
#map1 = affine_map<(d0, d1) -> (0, 0)>
#map2 = affine_map<(d0, d1) -> (0, 0, 0)>
module attributes {stable_mosaic.version = 14 : i64} {
  func.func @_sc_edge_body(%arg0: i32, %arg1: i32, %arg2: memref<320000xi32, #tpu.memory_space<hbm>>, %arg3: memref<320000xi32, #tpu.memory_space<hbm>>, %arg4: memref<10240xf32, #tpu.memory_space<hbm>>, %arg5: memref<16xf32, #tpu.memory_space<hbm>>, %arg6: memref<16xi32, #tpu.memory_space<hbm>>, %arg7: memref<16xi32, #tpu.memory_space<hbm>>, %arg8: memref<10240x128xf32, #tpu.memory_space<hbm>>, %arg9: memref<10240x128xf32, #tpu.memory_space<hbm>>, %arg10: memref<2x10240x128xf32, #tpu.memory_space<hbm>>, %arg11: memref<2000xi32, #tpu.memory_space<vmem>>, %arg12: memref<2000xi32, #tpu.memory_space<vmem>>, %arg13: memref<10240xf32, #tpu.memory_space<vmem>>, %arg14: memref<16xf32, #tpu.memory_space<vmem>>, %arg15: memref<16xi32, #tpu.memory_space<vmem>>, %arg16: memref<16xi32, #tpu.memory_space<vmem>>, %arg17: memref<8256xi32, #tpu.memory_space<vmem>>, %arg18: memref<8256xi32, #tpu.memory_space<vmem>>, %arg19: memref<64x128xf32, #tpu.memory_space<vmem>>, %arg20: memref<64x128xf32, #tpu.memory_space<vmem>>, %arg21: memref<10240x128xf32, #tpu.memory_space<vmem_shared>>, %arg22: memref<!tpu.dma_semaphore, #tpu.memory_space<semaphore_mem>>, %arg23: memref<!tpu.dma_semaphore, #tpu.memory_space<semaphore_mem>>) attributes {dimension_semantics = [#tpu.dimension_semantics<core_parallel>, #tpu.dimension_semantics<subcore_parallel>], iteration_bounds = array<i64: 2, 16>, scalar_prefetch = 0 : i64, scratch_operands = 13 : i64, tpu.core_type = #tpu.core_type<sc_vector_subcore>, window_params = [{transform_indices = #map}, {transform_indices = #map}, {transform_indices = #map}, {transform_indices = #map}, {transform_indices = #map}, {transform_indices = #map}, {transform_indices = #map1}, {transform_indices = #map1}, {transform_indices = #map2}]} {
    %mul3A = arith.constant 16 : i32
    %mul3A_0 = arith.muli %arg0, %mul3A : i32
    %add3A = arith.addi %mul3A_0, %arg1 : i32
    %mul3A_1 = arith.constant 10000 : i32
    %mul3A_2 = arith.muli %add3A, %mul3A_1 : i32
    "tpu.region"() ({
      %run_scoped3A = tpu.sem_alloc : memref<!tpu.dma_semaphore, #tpu.memory_space<semaphore_mem>>
      tpu.enqueue_dma source(%arg4 : memref<10240xf32, #tpu.memory_space<hbm>>) target(%arg13 : memref<10240xf32, #tpu.memory_space<vmem>>) target_semaphore(%run_scoped3A : memref<!tpu.dma_semaphore, #tpu.memory_space<semaphore_mem>>)
      tpu.wait_dma2 semaphore(%run_scoped3A : memref<!tpu.dma_semaphore, #tpu.memory_space<semaphore_mem>>) src(%arg4 : memref<10240xf32, #tpu.memory_space<hbm>>) dst(%arg13 : memref<10240xf32, #tpu.memory_space<vmem>>)
      tpu.yield
    }) : () -> ()
    "tpu.region"() ({
      %run_scoped3A = tpu.sem_alloc : memref<!tpu.dma_semaphore, #tpu.memory_space<semaphore_mem>>
      tpu.enqueue_dma source(%arg5 : memref<16xf32, #tpu.memory_space<hbm>>) target(%arg14 : memref<16xf32, #tpu.memory_space<vmem>>) target_semaphore(%run_scoped3A : memref<!tpu.dma_semaphore, #tpu.memory_space<semaphore_mem>>)
      tpu.wait_dma2 semaphore(%run_scoped3A : memref<!tpu.dma_semaphore, #tpu.memory_space<semaphore_mem>>) src(%arg5 : memref<16xf32, #tpu.memory_space<hbm>>) dst(%arg14 : memref<16xf32, #tpu.memory_space<vmem>>)
      tpu.yield
    }) : () -> ()
    "tpu.region"() ({
      %run_scoped3A = tpu.sem_alloc : memref<!tpu.dma_semaphore, #tpu.memory_space<semaphore_mem>>
      tpu.enqueue_dma source(%arg6 : memref<16xi32, #tpu.memory_space<hbm>>) target(%arg15 : memref<16xi32, #tpu.memory_space<vmem>>) target_semaphore(%run_scoped3A : memref<!tpu.dma_semaphore, #tpu.memory_space<semaphore_mem>>)
      tpu.wait_dma2 semaphore(%run_scoped3A : memref<!tpu.dma_semaphore, #tpu.memory_space<semaphore_mem>>) src(%arg6 : memref<16xi32, #tpu.memory_space<hbm>>) dst(%arg15 : memref<16xi32, #tpu.memory_space<vmem>>)
      tpu.yield
    }) : () -> ()
    "tpu.region"() ({
      %run_scoped3A = tpu.sem_alloc : memref<!tpu.dma_semaphore, #tpu.memory_space<semaphore_mem>>
      tpu.enqueue_dma source(%arg7 : memref<16xi32, #tpu.memory_space<hbm>>) target(%arg16 : memref<16xi32, #tpu.memory_space<vmem>>) target_semaphore(%run_scoped3A : memref<!tpu.dma_semaphore, #tpu.memory_space<semaphore_mem>>)
      tpu.wait_dma2 semaphore(%run_scoped3A : memref<!tpu.dma_semaphore, #tpu.memory_space<semaphore_mem>>) src(%arg7 : memref<16xi32, #tpu.memory_space<hbm>>) dst(%arg16 : memref<16xi32, #tpu.memory_space<vmem>>)
      tpu.yield
    }) : () -> ()
    %mul3A_3 = arith.constant 640 : i32
    %mul3A_4 = arith.muli %arg1, %mul3A_3 : i32
    %mul3A_5 = arith.constant 640 : i32
    %mul3A_6 = arith.muli %arg1, %mul3A_5 : i32
    "tpu.region"() ({
      %run_scoped3A = tpu.sem_alloc : memref<!tpu.dma_semaphore, #tpu.memory_space<semaphore_mem>>
      %dma_start3A = arith.constant 0 : i32
      %dma_start3A_159 = tpu.memref_slice %arg21[%mul3A_6, %dma_start3A] : memref<10240x128xf32, #tpu.memory_space<vmem_shared>> -> memref<640x128xf32, #tpu.memory_space<vmem_shared>>
      %dma_start3A_160 = arith.constant 0 : i32
      %dma_start3A_161 = tpu.memref_slice %arg9[%mul3A_4, %dma_start3A_160] : memref<10240x128xf32, #tpu.memory_space<hbm>> -> memref<640x128xf32, #tpu.memory_space<hbm>>
      tpu.enqueue_dma source(%dma_start3A_161 : memref<640x128xf32, #tpu.memory_space<hbm>>) target(%dma_start3A_159 : memref<640x128xf32, #tpu.memory_space<vmem_shared>>) target_semaphore(%run_scoped3A : memref<!tpu.dma_semaphore, #tpu.memory_space<semaphore_mem>>)
      %dma_wait3A = arith.constant 0 : i32
      %dma_wait3A_162 = tpu.memref_slice %arg21[%mul3A_6, %dma_wait3A] : memref<10240x128xf32, #tpu.memory_space<vmem_shared>> -> memref<640x128xf32, #tpu.memory_space<vmem_shared>>
      %dma_wait3A_163 = arith.constant 0 : i32
      %dma_wait3A_164 = tpu.memref_slice %arg9[%mul3A_4, %dma_wait3A_163] : memref<10240x128xf32, #tpu.memory_space<hbm>> -> memref<640x128xf32, #tpu.memory_space<hbm>>
      tpu.wait_dma2 semaphore(%run_scoped3A : memref<!tpu.dma_semaphore, #tpu.memory_space<semaphore_mem>>) src(%dma_wait3A_164 : memref<640x128xf32, #tpu.memory_space<hbm>>) dst(%dma_wait3A_162 : memref<640x128xf32, #tpu.memory_space<vmem_shared>>)
      tpu.yield
    }) : () -> ()
    %get3A = arith.constant 0 : index
    %get3A_7 = tpu.vector_load %arg14[%get3A] {strides = array<i32>} : memref<16xf32, #tpu.memory_space<vmem>>, vector<16xf32>,
    %get3A_8 = arith.constant 0 : index
    %get3A_9 = tpu.vector_load %arg15[%get3A_8] {strides = array<i32>} : memref<16xi32, #tpu.memory_space<vmem>>, vector<16xi32>,
    %get3A_10 = arith.constant 0 : index
    %get3A_11 = tpu.vector_load %arg16[%get3A_10] {strides = array<i32>} : memref<16xi32, #tpu.memory_space<vmem>>, vector<16xi32>,
    %broadcast_in_dim3A = arith.constant 0 : i32
    %broadcast_in_dim3A_12 = vector.broadcast %broadcast_in_dim3A : i32 to vector<16xi32>
    %add3A_13 = arith.constant 0 : i32
    %add3A_14 = arith.addi %mul3A_2, %add3A_13 : i32
    "tpu.region"() ({
      %run_scoped3A = tpu.sem_alloc : memref<!tpu.dma_semaphore, #tpu.memory_space<semaphore_mem>>
      %dma_start3A = tpu.memref_slice %arg2[%add3A_14] : memref<320000xi32, #tpu.memory_space<hbm>> -> memref<2000xi32, #tpu.memory_space<hbm>>
      %dma_start3A_159 = tpu.memref_slice %arg2[%add3A_14] : memref<320000xi32, #tpu.memory_space<hbm>> -> memref<2000xi32, #tpu.memory_space<hbm>>
      tpu.enqueue_dma source(%dma_start3A_159 : memref<2000xi32, #tpu.memory_space<hbm>>) target(%arg11 : memref<2000xi32, #tpu.memory_space<vmem>>) target_semaphore(%run_scoped3A : memref<!tpu.dma_semaphore, #tpu.memory_space<semaphore_mem>>)
      %dma_wait3A = tpu.memref_slice %arg2[%add3A_14] : memref<320000xi32, #tpu.memory_space<hbm>> -> memref<2000xi32, #tpu.memory_space<hbm>>
      %dma_wait3A_160 = tpu.memref_slice %arg2[%add3A_14] : memref<320000xi32, #tpu.memory_space<hbm>> -> memref<2000xi32, #tpu.memory_space<hbm>>
      tpu.wait_dma2 semaphore(%run_scoped3A : memref<!tpu.dma_semaphore, #tpu.memory_space<semaphore_mem>>) src(%dma_wait3A_160 : memref<2000xi32, #tpu.memory_space<hbm>>) dst(%arg11 : memref<2000xi32, #tpu.memory_space<vmem>>)
      tpu.yield
    }) : () -> ()
    "tpu.region"() ({
      %run_scoped3A = tpu.sem_alloc : memref<!tpu.dma_semaphore, #tpu.memory_space<semaphore_mem>>
      %dma_start3A = tpu.memref_slice %arg3[%add3A_14] : memref<320000xi32, #tpu.memory_space<hbm>> -> memref<2000xi32, #tpu.memory_space<hbm>>
      %dma_start3A_159 = tpu.memref_slice %arg3[%add3A_14] : memref<320000xi32, #tpu.memory_space<hbm>> -> memref<2000xi32, #tpu.memory_space<hbm>>
      tpu.enqueue_dma source(%dma_start3A_159 : memref<2000xi32, #tpu.memory_space<hbm>>) target(%arg12 : memref<2000xi32, #tpu.memory_space<vmem>>) target_semaphore(%run_scoped3A : memref<!tpu.dma_semaphore, #tpu.memory_space<semaphore_mem>>)
      %dma_wait3A = tpu.memref_slice %arg3[%add3A_14] : memref<320000xi32, #tpu.memory_space<hbm>> -> memref<2000xi32, #tpu.memory_space<hbm>>
      %dma_wait3A_160 = tpu.memref_slice %arg3[%add3A_14] : memref<320000xi32, #tpu.memory_space<hbm>> -> memref<2000xi32, #tpu.memory_space<hbm>>
      tpu.wait_dma2 semaphore(%run_scoped3A : memref<!tpu.dma_semaphore, #tpu.memory_space<semaphore_mem>>) src(%dma_wait3A_160 : memref<2000xi32, #tpu.memory_space<hbm>>) dst(%arg12 : memref<2000xi32, #tpu.memory_space<vmem>>)
      tpu.yield
    }) : () -> ()
    %scan3A = arith.constant 0 : i32
    %scan3A_15 = arith.constant 125 : i32
    %scan3A_16 = arith.addi %scan3A, %scan3A_15 : i32
    %scan3A_17 = arith.constant 1 : i32
    %scan3A_18 = scf.for %scan3A_159 = %scan3A to %scan3A_16 step %scan3A_17 iter_args(%scan3A_160 = %broadcast_in_dim3A_12) -> (vector<16xi32>)  : i32 {
      %mul3A_161 = arith.constant 16 : i32
      %mul3A_162 = arith.muli %scan3A_159, %mul3A_161 : i32
      %get3A_163 = arith.index_cast %mul3A_162 : i32 to index
      %get3A_164 = tpu.vector_load %arg11[%get3A_163] {strides = array<i32>} : memref<2000xi32, #tpu.memory_space<vmem>>, vector<16xi32>,
      %mul3A_165 = arith.constant 16 : i32
      %mul3A_166 = arith.muli %scan3A_159, %mul3A_165 : i32
      %get3A_167 = arith.index_cast %mul3A_166 : i32 to index
      %get3A_168 = tpu.vector_load %arg12[%get3A_167] {strides = array<i32>} : memref<2000xi32, #tpu.memory_space<vmem>>, vector<16xi32>,
      %gather3A = tpu.vector_load_idx %arg13[%get3A_164] : memref<10240xf32, #tpu.memory_space<vmem>>[vector<16xi32>], vector<16xf32>,
      %mul3A_169 = arith.constant 16 : i32
      %mul3A_170 = arith.muli %scan3A_159, %mul3A_169 : i32
      %add3A_171 = arith.addi %add3A_14, %mul3A_170 : i32
      %iota3A_172 = tpu.iota {dimensions = array<i32: 0>} : vector<16xi32>
      %add3A_173 = vector.broadcast %add3A_171 : i32 to vector<16xi32>
      %add3A_174 = arith.addi %add3A_173, %iota3A_172 : vector<16xi32>
      %gt3A_175 = arith.cmpf ogt, %gather3A, %get3A_7 : vector<16xf32>
      %eq3A = arith.cmpi eq, %get3A_164, %get3A_9 : vector<16xi32>
      %lt3A = arith.cmpi slt, %add3A_174, %get3A_11 : vector<16xi32>
      %and3A_176 = arith.andi %eq3A, %lt3A : vector<16xi1>
      %or3A = arith.ori %gt3A_175, %and3A_176 : vector<16xi1>
      %convert_element_type3A_177 = arith.extui %or3A : vector<16xi1> to vector<16xi32>
      %broadcast_in_dim3A_178 = arith.constant true
      %broadcast_in_dim3A_179 = vector.broadcast %broadcast_in_dim3A_178 : i1 to vector<16xi1>
      %masked_cumsum3A = tpu.scan <sum>, %convert_element_type3A_177 masked %broadcast_in_dim3A_179 : vector<16xi32>, vector<16xi1> -> vector<16xi32>
      %add3A_180 = arith.addi %scan3A_160, %masked_cumsum3A : vector<16xi32>
      %sub3A_181 = arith.constant 1 : i32
      %sub3A_182 = vector.broadcast %sub3A_181 : i32 to vector<16xi32>
      %sub3A_183 = arith.subi %add3A_180, %sub3A_182 : vector<16xi32>
      tpu.vector_store_idx %arg17[%sub3A_183], %get3A_164 masked %or3A : memref<8256xi32, #tpu.memory_space<vmem>>[vector<16xi32>], vector<16xi32>, vector<16xi1>
      tpu.vector_store_idx %arg18[%sub3A_183], %get3A_168 masked %or3A : memref<8256xi32, #tpu.memory_space<vmem>>[vector<16xi32>], vector<16xi32>, vector<16xi1>
      %reduce_sum3A = arith.constant true
      %reduce_sum3A_184 = vector.broadcast %reduce_sum3A : i1 to vector<16xi1>
      %reduce_sum3A_185 = tpu.scan <sum>, %convert_element_type3A_177 masked %reduce_sum3A_184 : vector<16xi32>, vector<16xi1> -> vector<16xi32>
      %reduce_sum3A_186 = vector.extract %reduce_sum3A_185[15] : i32 from vector<16xi32>
      %add3A_187 = vector.broadcast %reduce_sum3A_186 : i32 to vector<16xi32>
      %add3A_188 = arith.addi %scan3A_160, %add3A_187 : vector<16xi32>
      scf.yield %add3A_188 : vector<16xi32>
    }
    %scan3A_19 = arith.constant 125 : i32
    %add3A_20 = arith.constant 2000 : i32
    %add3A_21 = arith.addi %mul3A_2, %add3A_20 : i32
    "tpu.region"() ({
      %run_scoped3A = tpu.sem_alloc : memref<!tpu.dma_semaphore, #tpu.memory_space<semaphore_mem>>
      %dma_start3A = tpu.memref_slice %arg2[%add3A_21] : memref<320000xi32, #tpu.memory_space<hbm>> -> memref<2000xi32, #tpu.memory_space<hbm>>
      %dma_start3A_159 = tpu.memref_slice %arg2[%add3A_21] : memref<320000xi32, #tpu.memory_space<hbm>> -> memref<2000xi32, #tpu.memory_space<hbm>>
      tpu.enqueue_dma source(%dma_start3A_159 : memref<2000xi32, #tpu.memory_space<hbm>>) target(%arg11 : memref<2000xi32, #tpu.memory_space<vmem>>) target_semaphore(%run_scoped3A : memref<!tpu.dma_semaphore, #tpu.memory_space<semaphore_mem>>)
      %dma_wait3A = tpu.memref_slice %arg2[%add3A_21] : memref<320000xi32, #tpu.memory_space<hbm>> -> memref<2000xi32, #tpu.memory_space<hbm>>
      %dma_wait3A_160 = tpu.memref_slice %arg2[%add3A_21] : memref<320000xi32, #tpu.memory_space<hbm>> -> memref<2000xi32, #tpu.memory_space<hbm>>
      tpu.wait_dma2 semaphore(%run_scoped3A : memref<!tpu.dma_semaphore, #tpu.memory_space<semaphore_mem>>) src(%dma_wait3A_160 : memref<2000xi32, #tpu.memory_space<hbm>>) dst(%arg11 : memref<2000xi32, #tpu.memory_space<vmem>>)
      tpu.yield
    }) : () -> ()
    "tpu.region"() ({
      %run_scoped3A = tpu.sem_alloc : memref<!tpu.dma_semaphore, #tpu.memory_space<semaphore_mem>>
      %dma_start3A = tpu.memref_slice %arg3[%add3A_21] : memref<320000xi32, #tpu.memory_space<hbm>> -> memref<2000xi32, #tpu.memory_space<hbm>>
      %dma_start3A_159 = tpu.memref_slice %arg3[%add3A_21] : memref<320000xi32, #tpu.memory_space<hbm>> -> memref<2000xi32, #tpu.memory_space<hbm>>
      tpu.enqueue_dma source(%dma_start3A_159 : memref<2000xi32, #tpu.memory_space<hbm>>) target(%arg12 : memref<2000xi32, #tpu.memory_space<vmem>>) target_semaphore(%run_scoped3A : memref<!tpu.dma_semaphore, #tpu.memory_space<semaphore_mem>>)
      %dma_wait3A = tpu.memref_slice %arg3[%add3A_21] : memref<320000xi32, #tpu.memory_space<hbm>> -> memref<2000xi32, #tpu.memory_space<hbm>>
      %dma_wait3A_160 = tpu.memref_slice %arg3[%add3A_21] : memref<320000xi32, #tpu.memory_space<hbm>> -> memref<2000xi32, #tpu.memory_space<hbm>>
      tpu.wait_dma2 semaphore(%run_scoped3A : memref<!tpu.dma_semaphore, #tpu.memory_space<semaphore_mem>>) src(%dma_wait3A_160 : memref<2000xi32, #tpu.memory_space<hbm>>) dst(%arg12 : memref<2000xi32, #tpu.memory_space<vmem>>)
      tpu.yield
    }) : () -> ()
    %scan3A_22 = arith.constant 0 : i32
    %scan3A_23 = arith.constant 125 : i32
    %scan3A_24 = arith.addi %scan3A_22, %scan3A_23 : i32
    %scan3A_25 = arith.constant 1 : i32
    %scan3A_26 = scf.for %scan3A_159 = %scan3A_22 to %scan3A_24 step %scan3A_25 iter_args(%scan3A_160 = %scan3A_18) -> (vector<16xi32>)  : i32 {
      %mul3A_161 = arith.constant 16 : i32
      %mul3A_162 = arith.muli %scan3A_159, %mul3A_161 : i32
      %get3A_163 = arith.index_cast %mul3A_162 : i32 to index
      %get3A_164 = tpu.vector_load %arg11[%get3A_163] {strides = array<i32>} : memref<2000xi32, #tpu.memory_space<vmem>>, vector<16xi32>,
      %mul3A_165 = arith.constant 16 : i32
      %mul3A_166 = arith.muli %scan3A_159, %mul3A_165 : i32
      %get3A_167 = arith.index_cast %mul3A_166 : i32 to index
      %get3A_168 = tpu.vector_load %arg12[%get3A_167] {strides = array<i32>} : memref<2000xi32, #tpu.memory_space<vmem>>, vector<16xi32>,
      %gather3A = tpu.vector_load_idx %arg13[%get3A_164] : memref<10240xf32, #tpu.memory_space<vmem>>[vector<16xi32>], vector<16xf32>,
      %mul3A_169 = arith.constant 16 : i32
      %mul3A_170 = arith.muli %scan3A_159, %mul3A_169 : i32
      %add3A_171 = arith.addi %add3A_21, %mul3A_170 : i32
      %iota3A_172 = tpu.iota {dimensions = array<i32: 0>} : vector<16xi32>
      %add3A_173 = vector.broadcast %add3A_171 : i32 to vector<16xi32>
      %add3A_174 = arith.addi %add3A_173, %iota3A_172 : vector<16xi32>
      %gt3A_175 = arith.cmpf ogt, %gather3A, %get3A_7 : vector<16xf32>
      %eq3A = arith.cmpi eq, %get3A_164, %get3A_9 : vector<16xi32>
      %lt3A = arith.cmpi slt, %add3A_174, %get3A_11 : vector<16xi32>
      %and3A_176 = arith.andi %eq3A, %lt3A : vector<16xi1>
      %or3A = arith.ori %gt3A_175, %and3A_176 : vector<16xi1>
      %convert_element_type3A_177 = arith.extui %or3A : vector<16xi1> to vector<16xi32>
      %broadcast_in_dim3A_178 = arith.constant true
      %broadcast_in_dim3A_179 = vector.broadcast %broadcast_in_dim3A_178 : i1 to vector<16xi1>
      %masked_cumsum3A = tpu.scan <sum>, %convert_element_type3A_177 masked %broadcast_in_dim3A_179 : vector<16xi32>, vector<16xi1> -> vector<16xi32>
      %add3A_180 = arith.addi %scan3A_160, %masked_cumsum3A : vector<16xi32>
      %sub3A_181 = arith.constant 1 : i32
      %sub3A_182 = vector.broadcast %sub3A_181 : i32 to vector<16xi32>
      %sub3A_183 = arith.subi %add3A_180, %sub3A_182 : vector<16xi32>
      tpu.vector_store_idx %arg17[%sub3A_183], %get3A_164 masked %or3A : memref<8256xi32, #tpu.memory_space<vmem>>[vector<16xi32>], vector<16xi32>, vector<16xi1>
      tpu.vector_store_idx %arg18[%sub3A_183], %get3A_168 masked %or3A : memref<8256xi32, #tpu.memory_space<vmem>>[vector<16xi32>], vector<16xi32>, vector<16xi1>
      %reduce_sum3A = arith.constant true
      %reduce_sum3A_184 = vector.broadcast %reduce_sum3A : i1 to vector<16xi1>
      %reduce_sum3A_185 = tpu.scan <sum>, %convert_element_type3A_177 masked %reduce_sum3A_184 : vector<16xi32>, vector<16xi1> -> vector<16xi32>
      %reduce_sum3A_186 = vector.extract %reduce_sum3A_185[15] : i32 from vector<16xi32>
      %add3A_187 = vector.broadcast %reduce_sum3A_186 : i32 to vector<16xi32>
      %add3A_188 = arith.addi %scan3A_160, %add3A_187 : vector<16xi32>
      scf.yield %add3A_188 : vector<16xi32>
    }
    %scan3A_27 = arith.constant 125 : i32
    %add3A_28 = arith.constant 4000 : i32
    %add3A_29 = arith.addi %mul3A_2, %add3A_28 : i32
    "tpu.region"() ({
      %run_scoped3A = tpu.sem_alloc : memref<!tpu.dma_semaphore, #tpu.memory_space<semaphore_mem>>
      %dma_start3A = tpu.memref_slice %arg2[%add3A_29] : memref<320000xi32, #tpu.memory_space<hbm>> -> memref<2000xi32, #tpu.memory_space<hbm>>
      %dma_start3A_159 = tpu.memref_slice %arg2[%add3A_29] : memref<320000xi32, #tpu.memory_space<hbm>> -> memref<2000xi32, #tpu.memory_space<hbm>>
      tpu.enqueue_dma source(%dma_start3A_159 : memref<2000xi32, #tpu.memory_space<hbm>>) target(%arg11 : memref<2000xi32, #tpu.memory_space<vmem>>) target_semaphore(%run_scoped3A : memref<!tpu.dma_semaphore, #tpu.memory_space<semaphore_mem>>)
      %dma_wait3A = tpu.memref_slice %arg2[%add3A_29] : memref<320000xi32, #tpu.memory_space<hbm>> -> memref<2000xi32, #tpu.memory_space<hbm>>
      %dma_wait3A_160 = tpu.memref_slice %arg2[%add3A_29] : memref<320000xi32, #tpu.memory_space<hbm>> -> memref<2000xi32, #tpu.memory_space<hbm>>
      tpu.wait_dma2 semaphore(%run_scoped3A : memref<!tpu.dma_semaphore, #tpu.memory_space<semaphore_mem>>) src(%dma_wait3A_160 : memref<2000xi32, #tpu.memory_space<hbm>>) dst(%arg11 : memref<2000xi32, #tpu.memory_space<vmem>>)
      tpu.yield
    }) : () -> ()
    "tpu.region"() ({
      %run_scoped3A = tpu.sem_alloc : memref<!tpu.dma_semaphore, #tpu.memory_space<semaphore_mem>>
      %dma_start3A = tpu.memref_slice %arg3[%add3A_29] : memref<320000xi32, #tpu.memory_space<hbm>> -> memref<2000xi32, #tpu.memory_space<hbm>>
      %dma_start3A_159 = tpu.memref_slice %arg3[%add3A_29] : memref<320000xi32, #tpu.memory_space<hbm>> -> memref<2000xi32, #tpu.memory_space<hbm>>
      tpu.enqueue_dma source(%dma_start3A_159 : memref<2000xi32, #tpu.memory_space<hbm>>) target(%arg12 : memref<2000xi32, #tpu.memory_space<vmem>>) target_semaphore(%run_scoped3A : memref<!tpu.dma_semaphore, #tpu.memory_space<semaphore_mem>>)
      %dma_wait3A = tpu.memref_slice %arg3[%add3A_29] : memref<320000xi32, #tpu.memory_space<hbm>> -> memref<2000xi32, #tpu.memory_space<hbm>>
      %dma_wait3A_160 = tpu.memref_slice %arg3[%add3A_29] : memref<320000xi32, #tpu.memory_space<hbm>> -> memref<2000xi32, #tpu.memory_space<hbm>>
      tpu.wait_dma2 semaphore(%run_scoped3A : memref<!tpu.dma_semaphore, #tpu.memory_space<semaphore_mem>>) src(%dma_wait3A_160 : memref<2000xi32, #tpu.memory_space<hbm>>) dst(%arg12 : memref<2000xi32, #tpu.memory_space<vmem>>)
      tpu.yield
    }) : () -> ()
    %scan3A_30 = arith.constant 0 : i32
    %scan3A_31 = arith.constant 125 : i32
    %scan3A_32 = arith.addi %scan3A_30, %scan3A_31 : i32
    %scan3A_33 = arith.constant 1 : i32
    %scan3A_34 = scf.for %scan3A_159 = %scan3A_30 to %scan3A_32 step %scan3A_33 iter_args(%scan3A_160 = %scan3A_26) -> (vector<16xi32>)  : i32 {
      %mul3A_161 = arith.constant 16 : i32
      %mul3A_162 = arith.muli %scan3A_159, %mul3A_161 : i32
      %get3A_163 = arith.index_cast %mul3A_162 : i32 to index
      %get3A_164 = tpu.vector_load %arg11[%get3A_163] {strides = array<i32>} : memref<2000xi32, #tpu.memory_space<vmem>>, vector<16xi32>,
      %mul3A_165 = arith.constant 16 : i32
      %mul3A_166 = arith.muli %scan3A_159, %mul3A_165 : i32
      %get3A_167 = arith.index_cast %mul3A_166 : i32 to index
      %get3A_168 = tpu.vector_load %arg12[%get3A_167] {strides = array<i32>} : memref<2000xi32, #tpu.memory_space<vmem>>, vector<16xi32>,
      %gather3A = tpu.vector_load_idx %arg13[%get3A_164] : memref<10240xf32, #tpu.memory_space<vmem>>[vector<16xi32>], vector<16xf32>,
      %mul3A_169 = arith.constant 16 : i32
      %mul3A_170 = arith.muli %scan3A_159, %mul3A_169 : i32
      %add3A_171 = arith.addi %add3A_29, %mul3A_170 : i32
      %iota3A_172 = tpu.iota {dimensions = array<i32: 0>} : vector<16xi32>
      %add3A_173 = vector.broadcast %add3A_171 : i32 to vector<16xi32>
      %add3A_174 = arith.addi %add3A_173, %iota3A_172 : vector<16xi32>
      %gt3A_175 = arith.cmpf ogt, %gather3A, %get3A_7 : vector<16xf32>
      %eq3A = arith.cmpi eq, %get3A_164, %get3A_9 : vector<16xi32>
      %lt3A = arith.cmpi slt, %add3A_174, %get3A_11 : vector<16xi32>
      %and3A_176 = arith.andi %eq3A, %lt3A : vector<16xi1>
      %or3A = arith.ori %gt3A_175, %and3A_176 : vector<16xi1>
      %convert_element_type3A_177 = arith.extui %or3A : vector<16xi1> to vector<16xi32>
      %broadcast_in_dim3A_178 = arith.constant true
      %broadcast_in_dim3A_179 = vector.broadcast %broadcast_in_dim3A_178 : i1 to vector<16xi1>
      %masked_cumsum3A = tpu.scan <sum>, %convert_element_type3A_177 masked %broadcast_in_dim3A_179 : vector<16xi32>, vector<16xi1> -> vector<16xi32>
      %add3A_180 = arith.addi %scan3A_160, %masked_cumsum3A : vector<16xi32>
      %sub3A_181 = arith.constant 1 : i32
      %sub3A_182 = vector.broadcast %sub3A_181 : i32 to vector<16xi32>
      %sub3A_183 = arith.subi %add3A_180, %sub3A_182 : vector<16xi32>
      tpu.vector_store_idx %arg17[%sub3A_183], %get3A_164 masked %or3A : memref<8256xi32, #tpu.memory_space<vmem>>[vector<16xi32>], vector<16xi32>, vector<16xi1>
      tpu.vector_store_idx %arg18[%sub3A_183], %get3A_168 masked %or3A : memref<8256xi32, #tpu.memory_space<vmem>>[vector<16xi32>], vector<16xi32>, vector<16xi1>
      %reduce_sum3A = arith.constant true
      %reduce_sum3A_184 = vector.broadcast %reduce_sum3A : i1 to vector<16xi1>
      %reduce_sum3A_185 = tpu.scan <sum>, %convert_element_type3A_177 masked %reduce_sum3A_184 : vector<16xi32>, vector<16xi1> -> vector<16xi32>
      %reduce_sum3A_186 = vector.extract %reduce_sum3A_185[15] : i32 from vector<16xi32>
      %add3A_187 = vector.broadcast %reduce_sum3A_186 : i32 to vector<16xi32>
      %add3A_188 = arith.addi %scan3A_160, %add3A_187 : vector<16xi32>
      scf.yield %add3A_188 : vector<16xi32>
    }
    %scan3A_35 = arith.constant 125 : i32
    %add3A_36 = arith.constant 6000 : i32
    %add3A_37 = arith.addi %mul3A_2, %add3A_36 : i32
    "tpu.region"() ({
      %run_scoped3A = tpu.sem_alloc : memref<!tpu.dma_semaphore, #tpu.memory_space<semaphore_mem>>
      %dma_start3A = tpu.memref_slice %arg2[%add3A_37] : memref<320000xi32, #tpu.memory_space<hbm>> -> memref<2000xi32, #tpu.memory_space<hbm>>
      %dma_start3A_159 = tpu.memref_slice %arg2[%add3A_37] : memref<320000xi32, #tpu.memory_space<hbm>> -> memref<2000xi32, #tpu.memory_space<hbm>>
      tpu.enqueue_dma source(%dma_start3A_159 : memref<2000xi32, #tpu.memory_space<hbm>>) target(%arg11 : memref<2000xi32, #tpu.memory_space<vmem>>) target_semaphore(%run_scoped3A : memref<!tpu.dma_semaphore, #tpu.memory_space<semaphore_mem>>)
      %dma_wait3A = tpu.memref_slice %arg2[%add3A_37] : memref<320000xi32, #tpu.memory_space<hbm>> -> memref<2000xi32, #tpu.memory_space<hbm>>
      %dma_wait3A_160 = tpu.memref_slice %arg2[%add3A_37] : memref<320000xi32, #tpu.memory_space<hbm>> -> memref<2000xi32, #tpu.memory_space<hbm>>
      tpu.wait_dma2 semaphore(%run_scoped3A : memref<!tpu.dma_semaphore, #tpu.memory_space<semaphore_mem>>) src(%dma_wait3A_160 : memref<2000xi32, #tpu.memory_space<hbm>>) dst(%arg11 : memref<2000xi32, #tpu.memory_space<vmem>>)
      tpu.yield
    }) : () -> ()
    "tpu.region"() ({
      %run_scoped3A = tpu.sem_alloc : memref<!tpu.dma_semaphore, #tpu.memory_space<semaphore_mem>>
      %dma_start3A = tpu.memref_slice %arg3[%add3A_37] : memref<320000xi32, #tpu.memory_space<hbm>> -> memref<2000xi32, #tpu.memory_space<hbm>>
      %dma_start3A_159 = tpu.memref_slice %arg3[%add3A_37] : memref<320000xi32, #tpu.memory_space<hbm>> -> memref<2000xi32, #tpu.memory_space<hbm>>
      tpu.enqueue_dma source(%dma_start3A_159 : memref<2000xi32, #tpu.memory_space<hbm>>) target(%arg12 : memref<2000xi32, #tpu.memory_space<vmem>>) target_semaphore(%run_scoped3A : memref<!tpu.dma_semaphore, #tpu.memory_space<semaphore_mem>>)
      %dma_wait3A = tpu.memref_slice %arg3[%add3A_37] : memref<320000xi32, #tpu.memory_space<hbm>> -> memref<2000xi32, #tpu.memory_space<hbm>>
      %dma_wait3A_160 = tpu.memref_slice %arg3[%add3A_37] : memref<320000xi32, #tpu.memory_space<hbm>> -> memref<2000xi32, #tpu.memory_space<hbm>>
      tpu.wait_dma2 semaphore(%run_scoped3A : memref<!tpu.dma_semaphore, #tpu.memory_space<semaphore_mem>>) src(%dma_wait3A_160 : memref<2000xi32, #tpu.memory_space<hbm>>) dst(%arg12 : memref<2000xi32, #tpu.memory_space<vmem>>)
      tpu.yield
    }) : () -> ()
    %scan3A_38 = arith.constant 0 : i32
    %scan3A_39 = arith.constant 125 : i32
    %scan3A_40 = arith.addi %scan3A_38, %scan3A_39 : i32
    %scan3A_41 = arith.constant 1 : i32
    %scan3A_42 = scf.for %scan3A_159 = %scan3A_38 to %scan3A_40 step %scan3A_41 iter_args(%scan3A_160 = %scan3A_34) -> (vector<16xi32>)  : i32 {
      %mul3A_161 = arith.constant 16 : i32
      %mul3A_162 = arith.muli %scan3A_159, %mul3A_161 : i32
      %get3A_163 = arith.index_cast %mul3A_162 : i32 to index
      %get3A_164 = tpu.vector_load %arg11[%get3A_163] {strides = array<i32>} : memref<2000xi32, #tpu.memory_space<vmem>>, vector<16xi32>,
      %mul3A_165 = arith.constant 16 : i32
      %mul3A_166 = arith.muli %scan3A_159, %mul3A_165 : i32
      %get3A_167 = arith.index_cast %mul3A_166 : i32 to index
      %get3A_168 = tpu.vector_load %arg12[%get3A_167] {strides = array<i32>} : memref<2000xi32, #tpu.memory_space<vmem>>, vector<16xi32>,
      %gather3A = tpu.vector_load_idx %arg13[%get3A_164] : memref<10240xf32, #tpu.memory_space<vmem>>[vector<16xi32>], vector<16xf32>,
      %mul3A_169 = arith.constant 16 : i32
      %mul3A_170 = arith.muli %scan3A_159, %mul3A_169 : i32
      %add3A_171 = arith.addi %add3A_37, %mul3A_170 : i32
      %iota3A_172 = tpu.iota {dimensions = array<i32: 0>} : vector<16xi32>
      %add3A_173 = vector.broadcast %add3A_171 : i32 to vector<16xi32>
      %add3A_174 = arith.addi %add3A_173, %iota3A_172 : vector<16xi32>
      %gt3A_175 = arith.cmpf ogt, %gather3A, %get3A_7 : vector<16xf32>
      %eq3A = arith.cmpi eq, %get3A_164, %get3A_9 : vector<16xi32>
      %lt3A = arith.cmpi slt, %add3A_174, %get3A_11 : vector<16xi32>
      %and3A_176 = arith.andi %eq3A, %lt3A : vector<16xi1>
      %or3A = arith.ori %gt3A_175, %and3A_176 : vector<16xi1>
      %convert_element_type3A_177 = arith.extui %or3A : vector<16xi1> to vector<16xi32>
      %broadcast_in_dim3A_178 = arith.constant true
      %broadcast_in_dim3A_179 = vector.broadcast %broadcast_in_dim3A_178 : i1 to vector<16xi1>
      %masked_cumsum3A = tpu.scan <sum>, %convert_element_type3A_177 masked %broadcast_in_dim3A_179 : vector<16xi32>, vector<16xi1> -> vector<16xi32>
      %add3A_180 = arith.addi %scan3A_160, %masked_cumsum3A : vector<16xi32>
      %sub3A_181 = arith.constant 1 : i32
      %sub3A_182 = vector.broadcast %sub3A_181 : i32 to vector<16xi32>
      %sub3A_183 = arith.subi %add3A_180, %sub3A_182 : vector<16xi32>
      tpu.vector_store_idx %arg17[%sub3A_183], %get3A_164 masked %or3A : memref<8256xi32, #tpu.memory_space<vmem>>[vector<16xi32>], vector<16xi32>, vector<16xi1>
      tpu.vector_store_idx %arg18[%sub3A_183], %get3A_168 masked %or3A : memref<8256xi32, #tpu.memory_space<vmem>>[vector<16xi32>], vector<16xi32>, vector<16xi1>
      %reduce_sum3A = arith.constant true
      %reduce_sum3A_184 = vector.broadcast %reduce_sum3A : i1 to vector<16xi1>
      %reduce_sum3A_185 = tpu.scan <sum>, %convert_element_type3A_177 masked %reduce_sum3A_184 : vector<16xi32>, vector<16xi1> -> vector<16xi32>
      %reduce_sum3A_186 = vector.extract %reduce_sum3A_185[15] : i32 from vector<16xi32>
      %add3A_187 = vector.broadcast %reduce_sum3A_186 : i32 to vector<16xi32>
      %add3A_188 = arith.addi %scan3A_160, %add3A_187 : vector<16xi32>
      scf.yield %add3A_188 : vector<16xi32>
    }
    %scan3A_43 = arith.constant 125 : i32
    %add3A_44 = arith.constant 8000 : i32
    %add3A_45 = arith.addi %mul3A_2, %add3A_44 : i32
    "tpu.region"() ({
      %run_scoped3A = tpu.sem_alloc : memref<!tpu.dma_semaphore, #tpu.memory_space<semaphore_mem>>
      %dma_start3A = tpu.memref_slice %arg2[%add3A_45] : memref<320000xi32, #tpu.memory_space<hbm>> -> memref<2000xi32, #tpu.memory_space<hbm>>
      %dma_start3A_159 = tpu.memref_slice %arg2[%add3A_45] : memref<320000xi32, #tpu.memory_space<hbm>> -> memref<2000xi32, #tpu.memory_space<hbm>>
      tpu.enqueue_dma source(%dma_start3A_159 : memref<2000xi32, #tpu.memory_space<hbm>>) target(%arg11 : memref<2000xi32, #tpu.memory_space<vmem>>) target_semaphore(%run_scoped3A : memref<!tpu.dma_semaphore, #tpu.memory_space<semaphore_mem>>)
      %dma_wait3A = tpu.memref_slice %arg2[%add3A_45] : memref<320000xi32, #tpu.memory_space<hbm>> -> memref<2000xi32, #tpu.memory_space<hbm>>
      %dma_wait3A_160 = tpu.memref_slice %arg2[%add3A_45] : memref<320000xi32, #tpu.memory_space<hbm>> -> memref<2000xi32, #tpu.memory_space<hbm>>
      tpu.wait_dma2 semaphore(%run_scoped3A : memref<!tpu.dma_semaphore, #tpu.memory_space<semaphore_mem>>) src(%dma_wait3A_160 : memref<2000xi32, #tpu.memory_space<hbm>>) dst(%arg11 : memref<2000xi32, #tpu.memory_space<vmem>>)
      tpu.yield
    }) : () -> ()
    "tpu.region"() ({
      %run_scoped3A = tpu.sem_alloc : memref<!tpu.dma_semaphore, #tpu.memory_space<semaphore_mem>>
      %dma_start3A = tpu.memref_slice %arg3[%add3A_45] : memref<320000xi32, #tpu.memory_space<hbm>> -> memref<2000xi32, #tpu.memory_space<hbm>>
      %dma_start3A_159 = tpu.memref_slice %arg3[%add3A_45] : memref<320000xi32, #tpu.memory_space<hbm>> -> memref<2000xi32, #tpu.memory_space<hbm>>
      tpu.enqueue_dma source(%dma_start3A_159 : memref<2000xi32, #tpu.memory_space<hbm>>) target(%arg12 : memref<2000xi32, #tpu.memory_space<vmem>>) target_semaphore(%run_scoped3A : memref<!tpu.dma_semaphore, #tpu.memory_space<semaphore_mem>>)
      %dma_wait3A = tpu.memref_slice %arg3[%add3A_45] : memref<320000xi32, #tpu.memory_space<hbm>> -> memref<2000xi32, #tpu.memory_space<hbm>>
      %dma_wait3A_160 = tpu.memref_slice %arg3[%add3A_45] : memref<320000xi32, #tpu.memory_space<hbm>> -> memref<2000xi32, #tpu.memory_space<hbm>>
      tpu.wait_dma2 semaphore(%run_scoped3A : memref<!tpu.dma_semaphore, #tpu.memory_space<semaphore_mem>>) src(%dma_wait3A_160 : memref<2000xi32, #tpu.memory_space<hbm>>) dst(%arg12 : memref<2000xi32, #tpu.memory_space<vmem>>)
      tpu.yield
    }) : () -> ()
    %scan3A_46 = arith.constant 0 : i32
    %scan3A_47 = arith.constant 125 : i32
    %scan3A_48 = arith.addi %scan3A_46, %scan3A_47 : i32
    %scan3A_49 = arith.constant 1 : i32
    %scan3A_50 = scf.for %scan3A_159 = %scan3A_46 to %scan3A_48 step %scan3A_49 iter_args(%scan3A_160 = %scan3A_42) -> (vector<16xi32>)  : i32 {
      %mul3A_161 = arith.constant 16 : i32
      %mul3A_162 = arith.muli %scan3A_159, %mul3A_161 : i32
      %get3A_163 = arith.index_cast %mul3A_162 : i32 to index
      %get3A_164 = tpu.vector_load %arg11[%get3A_163] {strides = array<i32>} : memref<2000xi32, #tpu.memory_space<vmem>>, vector<16xi32>,
      %mul3A_165 = arith.constant 16 : i32
      %mul3A_166 = arith.muli %scan3A_159, %mul3A_165 : i32
      %get3A_167 = arith.index_cast %mul3A_166 : i32 to index
      %get3A_168 = tpu.vector_load %arg12[%get3A_167] {strides = array<i32>} : memref<2000xi32, #tpu.memory_space<vmem>>, vector<16xi32>,
      %gather3A = tpu.vector_load_idx %arg13[%get3A_164] : memref<10240xf32, #tpu.memory_space<vmem>>[vector<16xi32>], vector<16xf32>,
      %mul3A_169 = arith.constant 16 : i32
      %mul3A_170 = arith.muli %scan3A_159, %mul3A_169 : i32
      %add3A_171 = arith.addi %add3A_45, %mul3A_170 : i32
      %iota3A_172 = tpu.iota {dimensions = array<i32: 0>} : vector<16xi32>
      %add3A_173 = vector.broadcast %add3A_171 : i32 to vector<16xi32>
      %add3A_174 = arith.addi %add3A_173, %iota3A_172 : vector<16xi32>
      %gt3A_175 = arith.cmpf ogt, %gather3A, %get3A_7 : vector<16xf32>
      %eq3A = arith.cmpi eq, %get3A_164, %get3A_9 : vector<16xi32>
      %lt3A = arith.cmpi slt, %add3A_174, %get3A_11 : vector<16xi32>
      %and3A_176 = arith.andi %eq3A, %lt3A : vector<16xi1>
      %or3A = arith.ori %gt3A_175, %and3A_176 : vector<16xi1>
      %convert_element_type3A_177 = arith.extui %or3A : vector<16xi1> to vector<16xi32>
      %broadcast_in_dim3A_178 = arith.constant true
      %broadcast_in_dim3A_179 = vector.broadcast %broadcast_in_dim3A_178 : i1 to vector<16xi1>
      %masked_cumsum3A = tpu.scan <sum>, %convert_element_type3A_177 masked %broadcast_in_dim3A_179 : vector<16xi32>, vector<16xi1> -> vector<16xi32>
      %add3A_180 = arith.addi %scan3A_160, %masked_cumsum3A : vector<16xi32>
      %sub3A_181 = arith.constant 1 : i32
      %sub3A_182 = vector.broadcast %sub3A_181 : i32 to vector<16xi32>
      %sub3A_183 = arith.subi %add3A_180, %sub3A_182 : vector<16xi32>
      tpu.vector_store_idx %arg17[%sub3A_183], %get3A_164 masked %or3A : memref<8256xi32, #tpu.memory_space<vmem>>[vector<16xi32>], vector<16xi32>, vector<16xi1>
      tpu.vector_store_idx %arg18[%sub3A_183], %get3A_168 masked %or3A : memref<8256xi32, #tpu.memory_space<vmem>>[vector<16xi32>], vector<16xi32>, vector<16xi1>
      %reduce_sum3A = arith.constant true
      %reduce_sum3A_184 = vector.broadcast %reduce_sum3A : i1 to vector<16xi1>
      %reduce_sum3A_185 = tpu.scan <sum>, %convert_element_type3A_177 masked %reduce_sum3A_184 : vector<16xi32>, vector<16xi1> -> vector<16xi32>
      %reduce_sum3A_186 = vector.extract %reduce_sum3A_185[15] : i32 from vector<16xi32>
      %add3A_187 = vector.broadcast %reduce_sum3A_186 : i32 to vector<16xi32>
      %add3A_188 = arith.addi %scan3A_160, %add3A_187 : vector<16xi32>
      scf.yield %add3A_188 : vector<16xi32>
    }
    %scan3A_51 = arith.constant 125 : i32
    %reduce_max3A = arith.constant true
    %reduce_max3A_52 = vector.broadcast %reduce_max3A : i1 to vector<16xi1>
    %reduce_max3A_53 = arith.constant -2147483648 : i32
    %reduce_max3A_54 = vector.broadcast %reduce_max3A_53 : i32 to vector<16xi32>
    %reduce_max3A_55 = arith.xori %scan3A_50, %reduce_max3A_54 : vector<16xi32>
    %reduce_max3A_56 = tpu.scan <max>, %reduce_max3A_55 masked %reduce_max3A_52 : vector<16xi32>, vector<16xi1> -> vector<16xi32>
    %reduce_max3A_57 = arith.xori %reduce_max3A_56, %reduce_max3A_54 : vector<16xi32>
    %reduce_max3A_58 = vector.extract %reduce_max3A_57[15] : i32 from vector<16xi32>
    %add3A_59 = arith.constant 0 : i32
    %add3A_60 = arith.addi %reduce_max3A_58, %add3A_59 : i32
    %iota3A = tpu.iota {dimensions = array<i32: 0>} : vector<16xi32>
    %add3A_61 = vector.broadcast %add3A_60 : i32 to vector<16xi32>
    %add3A_62 = arith.addi %add3A_61, %iota3A : vector<16xi32>
    %broadcast_in_dim3A_63 = arith.constant 0 : i32
    %broadcast_in_dim3A_64 = vector.broadcast %broadcast_in_dim3A_63 : i32 to vector<16xi32>
    tpu.vector_store_idx %arg17[%add3A_62], %broadcast_in_dim3A_64 : memref<8256xi32, #tpu.memory_space<vmem>>[vector<16xi32>], vector<16xi32>,
    %broadcast_in_dim3A_65 = arith.constant 10000 : i32
    %broadcast_in_dim3A_66 = vector.broadcast %broadcast_in_dim3A_65 : i32 to vector<16xi32>
    tpu.vector_store_idx %arg18[%add3A_62], %broadcast_in_dim3A_66 : memref<8256xi32, #tpu.memory_space<vmem>>[vector<16xi32>], vector<16xi32>,
    %add3A_67 = arith.constant 16 : i32
    %add3A_68 = arith.addi %reduce_max3A_58, %add3A_67 : i32
    %iota3A_69 = tpu.iota {dimensions = array<i32: 0>} : vector<16xi32>
    %add3A_70 = vector.broadcast %add3A_68 : i32 to vector<16xi32>
    %add3A_71 = arith.addi %add3A_70, %iota3A_69 : vector<16xi32>
    %broadcast_in_dim3A_72 = arith.constant 0 : i32
    %broadcast_in_dim3A_73 = vector.broadcast %broadcast_in_dim3A_72 : i32 to vector<16xi32>
    tpu.vector_store_idx %arg17[%add3A_71], %broadcast_in_dim3A_73 : memref<8256xi32, #tpu.memory_space<vmem>>[vector<16xi32>], vector<16xi32>,
    %broadcast_in_dim3A_74 = arith.constant 10000 : i32
    %broadcast_in_dim3A_75 = vector.broadcast %broadcast_in_dim3A_74 : i32 to vector<16xi32>
    tpu.vector_store_idx %arg18[%add3A_71], %broadcast_in_dim3A_75 : memref<8256xi32, #tpu.memory_space<vmem>>[vector<16xi32>], vector<16xi32>,
    %add3A_76 = arith.constant 32 : i32
    %add3A_77 = arith.addi %reduce_max3A_58, %add3A_76 : i32
    %iota3A_78 = tpu.iota {dimensions = array<i32: 0>} : vector<16xi32>
    %add3A_79 = vector.broadcast %add3A_77 : i32 to vector<16xi32>
    %add3A_80 = arith.addi %add3A_79, %iota3A_78 : vector<16xi32>
    %broadcast_in_dim3A_81 = arith.constant 0 : i32
    %broadcast_in_dim3A_82 = vector.broadcast %broadcast_in_dim3A_81 : i32 to vector<16xi32>
    tpu.vector_store_idx %arg17[%add3A_80], %broadcast_in_dim3A_82 : memref<8256xi32, #tpu.memory_space<vmem>>[vector<16xi32>], vector<16xi32>,
    %broadcast_in_dim3A_83 = arith.constant 10000 : i32
    %broadcast_in_dim3A_84 = vector.broadcast %broadcast_in_dim3A_83 : i32 to vector<16xi32>
    tpu.vector_store_idx %arg18[%add3A_80], %broadcast_in_dim3A_84 : memref<8256xi32, #tpu.memory_space<vmem>>[vector<16xi32>], vector<16xi32>,
    %add3A_85 = arith.constant 48 : i32
    %add3A_86 = arith.addi %reduce_max3A_58, %add3A_85 : i32
    %iota3A_87 = tpu.iota {dimensions = array<i32: 0>} : vector<16xi32>
    %add3A_88 = vector.broadcast %add3A_86 : i32 to vector<16xi32>
    %add3A_89 = arith.addi %add3A_88, %iota3A_87 : vector<16xi32>
    %broadcast_in_dim3A_90 = arith.constant 0 : i32
    %broadcast_in_dim3A_91 = vector.broadcast %broadcast_in_dim3A_90 : i32 to vector<16xi32>
    tpu.vector_store_idx %arg17[%add3A_89], %broadcast_in_dim3A_91 : memref<8256xi32, #tpu.memory_space<vmem>>[vector<16xi32>], vector<16xi32>,
    %broadcast_in_dim3A_92 = arith.constant 10000 : i32
    %broadcast_in_dim3A_93 = vector.broadcast %broadcast_in_dim3A_92 : i32 to vector<16xi32>
    tpu.vector_store_idx %arg18[%add3A_89], %broadcast_in_dim3A_93 : memref<8256xi32, #tpu.memory_space<vmem>>[vector<16xi32>], vector<16xi32>,
    %barrier3A = arith.constant 0 : index
    tpu.barrier barrier_id(%barrier3A)
    %add3A_94 = arith.constant 63 : i32
    %add3A_95 = arith.addi %reduce_max3A_58, %add3A_94 : i32
    %jit3A = arith.constant 64 : i32
    %div3A = arith.divsi %add3A_95, %jit3A : i32
    %sign3A = arith.constant 0 : i32
    %sign3A_96 = arith.cmpi sgt, %add3A_95, %sign3A : i32
    %sign3A_97 = arith.extui %sign3A_96 : i1 to i32
    %sign3A_98 = arith.constant 0 : i32
    %sign3A_99 = arith.cmpi slt, %add3A_95, %sign3A_98 : i32
    %sign3A_100 = arith.extui %sign3A_99 : i1 to i32
    %sign3A_101 = arith.subi %sign3A_97, %sign3A_100 : i32
    %sign3A_102 = arith.constant 0 : i32
    %sign3A_103 = arith.cmpi sgt, %jit3A, %sign3A_102 : i32
    %sign3A_104 = arith.extui %sign3A_103 : i1 to i32
    %sign3A_105 = arith.constant 0 : i32
    %sign3A_106 = arith.cmpi slt, %jit3A, %sign3A_105 : i32
    %sign3A_107 = arith.extui %sign3A_106 : i1 to i32
    %sign3A_108 = arith.subi %sign3A_104, %sign3A_107 : i32
    %ne3A = arith.cmpi ne, %sign3A_101, %sign3A_108 : i32
    %rem3A = arith.remsi %add3A_95, %jit3A : i32
    %ne3A_109 = arith.constant 0 : i32
    %ne3A_110 = arith.cmpi ne, %rem3A, %ne3A_109 : i32
    %and3A = arith.andi %ne3A, %ne3A_110 : i1
    %sub3A = arith.constant 1 : i32
    %sub3A_111 = arith.subi %div3A, %sub3A : i32
    %select_n3A = arith.select %and3A, %sub3A_111, %div3A : i32
    %gt3A = arith.constant 0 : i32
    %gt3A_112 = arith.cmpi sgt, %select_n3A, %gt3A : i32
    %convert_element_type3A = arith.extui %gt3A_112 : i1 to i32
    %cond3A = arith.constant 0 : i32
    %cond3A_113 = arith.cmpi ne, %convert_element_type3A, %cond3A : i32
    scf.if %cond3A_113 {
      %dma_start3A = arith.constant 0 : i32
      %dma_start3A_159 = tpu.memref_slice %arg17[%dma_start3A] : memref<8256xi32, #tpu.memory_space<vmem>> -> memref<64xi32, #tpu.memory_space<vmem>>
      %dma_start3A_160 = arith.constant 0 : i32
      %dma_start3A_161 = arith.constant 0 : i32
      %dma_start3A_162 = tpu.memref_slice %arg8[%dma_start3A_160, %dma_start3A_161] : memref<10240x128xf32, #tpu.memory_space<hbm>> -> memref<10240x128xf32, #tpu.memory_space<hbm>>
      tpu.enqueue_indirect_dma source(%dma_start3A_162 : memref<10240x128xf32, #tpu.memory_space<hbm>>) target(%arg19 : memref<64x128xf32, #tpu.memory_space<vmem>>) offsets(%dma_start3A_159 : memref<64xi32, #tpu.memory_space<vmem>>) semaphore(%arg22 : memref<!tpu.dma_semaphore, #tpu.memory_space<semaphore_mem>>)
    } else {
    }
    %gt3A_114 = arith.constant 1 : i32
    %gt3A_115 = arith.cmpi sgt, %select_n3A, %gt3A_114 : i32
    %convert_element_type3A_116 = arith.extui %gt3A_115 : i1 to i32
    %cond3A_117 = arith.constant 0 : i32
    %cond3A_118 = arith.cmpi ne, %convert_element_type3A_116, %cond3A_117 : i32
    scf.if %cond3A_118 {
      %dma_start3A = arith.constant 64 : i32
      %dma_start3A_159 = tpu.memref_slice %arg17[%dma_start3A] : memref<8256xi32, #tpu.memory_space<vmem>> -> memref<64xi32, #tpu.memory_space<vmem>>
      %dma_start3A_160 = arith.constant 0 : i32
      %dma_start3A_161 = arith.constant 0 : i32
      %dma_start3A_162 = tpu.memref_slice %arg8[%dma_start3A_160, %dma_start3A_161] : memref<10240x128xf32, #tpu.memory_space<hbm>> -> memref<10240x128xf32, #tpu.memory_space<hbm>>
      tpu.enqueue_indirect_dma source(%dma_start3A_162 : memref<10240x128xf32, #tpu.memory_space<hbm>>) target(%arg20 : memref<64x128xf32, #tpu.memory_space<vmem>>) offsets(%dma_start3A_159 : memref<64xi32, #tpu.memory_space<vmem>>) semaphore(%arg23 : memref<!tpu.dma_semaphore, #tpu.memory_space<semaphore_mem>>)
    } else {
    }
    %add3A_119 = arith.constant 1 : i32
    %add3A_120 = arith.addi %select_n3A, %add3A_119 : i32
    %jit3A_121 = arith.constant 2 : i32
    %div3A_122 = arith.divsi %add3A_120, %jit3A_121 : i32
    %sign3A_123 = arith.constant 0 : i32
    %sign3A_124 = arith.cmpi sgt, %add3A_120, %sign3A_123 : i32
    %sign3A_125 = arith.extui %sign3A_124 : i1 to i32
    %sign3A_126 = arith.constant 0 : i32
    %sign3A_127 = arith.cmpi slt, %add3A_120, %sign3A_126 : i32
    %sign3A_128 = arith.extui %sign3A_127 : i1 to i32
    %sign3A_129 = arith.subi %sign3A_125, %sign3A_128 : i32
    %sign3A_130 = arith.constant 0 : i32
    %sign3A_131 = arith.cmpi sgt, %jit3A_121, %sign3A_130 : i32
    %sign3A_132 = arith.extui %sign3A_131 : i1 to i32
    %sign3A_133 = arith.constant 0 : i32
    %sign3A_134 = arith.cmpi slt, %jit3A_121, %sign3A_133 : i32
    %sign3A_135 = arith.extui %sign3A_134 : i1 to i32
    %sign3A_136 = arith.subi %sign3A_132, %sign3A_135 : i32
    %ne3A_137 = arith.cmpi ne, %sign3A_129, %sign3A_136 : i32
    %rem3A_138 = arith.remsi %add3A_120, %jit3A_121 : i32
    %ne3A_139 = arith.constant 0 : i32
    %ne3A_140 = arith.cmpi ne, %rem3A_138, %ne3A_139 : i32
    %and3A_141 = arith.andi %ne3A_137, %ne3A_140 : i1
    %sub3A_142 = arith.constant 1 : i32
    %sub3A_143 = arith.subi %div3A_122, %sub3A_142 : i32
    %select_n3A_144 = arith.select %and3A_141, %sub3A_143, %div3A_122 : i32
    %while3A = arith.constant 0 : i32
    %while3A_145 = arith.constant 0 : i32
    %while3A_146 = arith.subi %select_n3A_144, %while3A_145 : i32
    %while3A_147 = arith.addi %while3A_145, %while3A_146 : i32
    %while3A_148 = arith.constant 1 : i32
    %while3A_149 = arith.divsi %while3A_146, %while3A_148 : i32
    %while3A_150 = arith.muli %while3A_149, %while3A_148 : i32
    %while3A_151 = arith.addi %while3A_145, %while3A_150 : i32
    %while3A_152 = arith.constant 1 : i32
    scf.for %while3A_159 = %while3A_145 to %while3A_151 step %while3A_152  : i32 {
      %mul3A_160 = arith.constant 2 : i32
      %mul3A_161 = arith.muli %mul3A_160, %while3A_159 : i32
      %dma_wait3A = arith.constant 0 : i32
      %dma_wait3A_162 = arith.constant 0 : i32
      %dma_wait3A_163 = tpu.memref_slice %arg8[%dma_wait3A, %dma_wait3A_162] : memref<10240x128xf32, #tpu.memory_space<hbm>> -> memref<64x128xf32, #tpu.memory_space<hbm>>
      %dma_wait3A_164 = arith.constant 0 : i32
      %dma_wait3A_165 = arith.constant 0 : i32
      %dma_wait3A_166 = tpu.memref_slice %arg8[%dma_wait3A_164, %dma_wait3A_165] : memref<10240x128xf32, #tpu.memory_space<hbm>> -> memref<64x128xf32, #tpu.memory_space<hbm>>
      tpu.wait_dma2 semaphore(%arg22 : memref<!tpu.dma_semaphore, #tpu.memory_space<semaphore_mem>>) src(%dma_wait3A_166 : memref<64x128xf32, #tpu.memory_space<hbm>>) dst(%arg19 : memref<64x128xf32, #tpu.memory_space<vmem>>)
      %mul3A_167 = arith.constant 64 : i32
      %mul3A_168 = arith.muli %mul3A_161, %mul3A_167 : i32
      %add3A_169 = arith.constant 0 : i32
      %add3A_170 = arith.addi %mul3A_168, %add3A_169 : i32
      %get3A_171 = arith.index_cast %add3A_170 : i32 to index
      %get3A_172 = tpu.vector_load %arg18[%get3A_171] {strides = array<i32>} : memref<8256xi32, #tpu.memory_space<vmem>>, vector<16xi32>,
      "tpu.region"() ({
        %run_scoped3A = tpu.sem_alloc : memref<!tpu.dma_semaphore, #tpu.memory_space<semaphore_mem>>
        %dma_start3A = arith.constant 0 : i32
        %dma_start3A_202 = arith.constant 0 : i32
        %dma_start3A_203 = tpu.memref_slice %arg19[%dma_start3A, %dma_start3A_202] : memref<64x128xf32, #tpu.memory_space<vmem>> -> memref<16x128xf32, #tpu.memory_space<vmem>>
        %dma_start3A_204 = arith.constant 0 : i32
        %dma_start3A_205 = arith.constant 0 : i32
        %dma_start3A_206 = tpu.memref_slice %arg21[%dma_start3A_204, %dma_start3A_205] : memref<10240x128xf32, #tpu.memory_space<vmem_shared>> -> memref<10240x128xf32, #tpu.memory_space<vmem_shared>>
        tpu.enqueue_indirect_dma source(%dma_start3A_203 : memref<16x128xf32, #tpu.memory_space<vmem>>) target(%dma_start3A_206 : memref<10240x128xf32, #tpu.memory_space<vmem_shared>>) offsets(%get3A_172 : vector<16xi32>) semaphore(%run_scoped3A : memref<!tpu.dma_semaphore, #tpu.memory_space<semaphore_mem>>) {add = true}
        %dma_wait3A_207 = arith.constant 0 : i32
        %dma_wait3A_208 = arith.constant 0 : i32
        %dma_wait3A_209 = tpu.memref_slice %arg19[%dma_wait3A_207, %dma_wait3A_208] : memref<64x128xf32, #tpu.memory_space<vmem>> -> memref<16x128xf32, #tpu.memory_space<vmem>>
        %dma_wait3A_210 = arith.constant 0 : i32
        %dma_wait3A_211 = arith.constant 0 : i32
        %dma_wait3A_212 = tpu.memref_slice %arg21[%dma_wait3A_210, %dma_wait3A_211] : memref<10240x128xf32, #tpu.memory_space<vmem_shared>> -> memref<10240x128xf32, #tpu.memory_space<vmem_shared>>
        tpu.wait_indirect_dma semaphore(%run_scoped3A : memref<!tpu.dma_semaphore, #tpu.memory_space<semaphore_mem>>) src(%dma_wait3A_209 : memref<16x128xf32, #tpu.memory_space<vmem>>) dst(%dma_wait3A_212 : memref<10240x128xf32, #tpu.memory_space<vmem_shared>>)
        tpu.yield
      }) : () -> ()
      %mul3A_173 = arith.constant 64 : i32
      %mul3A_174 = arith.muli %mul3A_161, %mul3A_173 : i32
      %add3A_175 = arith.constant 16 : i32
      %add3A_176 = arith.addi %mul3A_174, %add3A_175 : i32
      %get3A_177 = arith.index_cast %add3A_176 : i32 to index
      %get3A_178 = tpu.vector_load %arg18[%get3A_177] {strides = array<i32>} : memref<8256xi32, #tpu.memory_space<vmem>>, vector<16xi32>,
      "tpu.region"() ({
        %run_scoped3A = tpu.sem_alloc : memref<!tpu.dma_semaphore, #tpu.memory_space<semaphore_mem>>
        %dma_start3A = arith.constant 16 : i32
        %dma_start3A_202 = arith.constant 0 : i32
        %dma_start3A_203 = tpu.memref_slice %arg19[%dma_start3A, %dma_start3A_202] : memref<64x128xf32, #tpu.memory_space<vmem>> -> memref<16x128xf32, #tpu.memory_space<vmem>>
        %dma_start3A_204 = arith.constant 0 : i32
        %dma_start3A_205 = arith.constant 0 : i32
        %dma_start3A_206 = tpu.memref_slice %arg21[%dma_start3A_204, %dma_start3A_205] : memref<10240x128xf32, #tpu.memory_space<vmem_shared>> -> memref<10240x128xf32, #tpu.memory_space<vmem_shared>>
        tpu.enqueue_indirect_dma source(%dma_start3A_203 : memref<16x128xf32, #tpu.memory_space<vmem>>) target(%dma_start3A_206 : memref<10240x128xf32, #tpu.memory_space<vmem_shared>>) offsets(%get3A_178 : vector<16xi32>) semaphore(%run_scoped3A : memref<!tpu.dma_semaphore, #tpu.memory_space<semaphore_mem>>) {add = true}
        %dma_wait3A_207 = arith.constant 16 : i32
        %dma_wait3A_208 = arith.constant 0 : i32
        %dma_wait3A_209 = tpu.memref_slice %arg19[%dma_wait3A_207, %dma_wait3A_208] : memref<64x128xf32, #tpu.memory_space<vmem>> -> memref<16x128xf32, #tpu.memory_space<vmem>>
        %dma_wait3A_210 = arith.constant 0 : i32
        %dma_wait3A_211 = arith.constant 0 : i32
        %dma_wait3A_212 = tpu.memref_slice %arg21[%dma_wait3A_210, %dma_wait3A_211] : memref<10240x128xf32, #tpu.memory_space<vmem_shared>> -> memref<10240x128xf32, #tpu.memory_space<vmem_shared>>
        tpu.wait_indirect_dma semaphore(%run_scoped3A : memref<!tpu.dma_semaphore, #tpu.memory_space<semaphore_mem>>) src(%dma_wait3A_209 : memref<16x128xf32, #tpu.memory_space<vmem>>) dst(%dma_wait3A_212 : memref<10240x128xf32, #tpu.memory_space<vmem_shared>>)
        tpu.yield
      }) : () -> ()
      %mul3A_179 = arith.constant 64 : i32
      %mul3A_180 = arith.muli %mul3A_161, %mul3A_179 : i32
      %add3A_181 = arith.constant 32 : i32
      %add3A_182 = arith.addi %mul3A_180, %add3A_181 : i32
      %get3A_183 = arith.index_cast %add3A_182 : i32 to index
      %get3A_184 = tpu.vector_load %arg18[%get3A_183] {strides = array<i32>} : memref<8256xi32, #tpu.memory_space<vmem>>, vector<16xi32>,
      "tpu.region"() ({
        %run_scoped3A = tpu.sem_alloc : memref<!tpu.dma_semaphore, #tpu.memory_space<semaphore_mem>>
        %dma_start3A = arith.constant 32 : i32
        %dma_start3A_202 = arith.constant 0 : i32
        %dma_start3A_203 = tpu.memref_slice %arg19[%dma_start3A, %dma_start3A_202] : memref<64x128xf32, #tpu.memory_space<vmem>> -> memref<16x128xf32, #tpu.memory_space<vmem>>
        %dma_start3A_204 = arith.constant 0 : i32
        %dma_start3A_205 = arith.constant 0 : i32
        %dma_start3A_206 = tpu.memref_slice %arg21[%dma_start3A_204, %dma_start3A_205] : memref<10240x128xf32, #tpu.memory_space<vmem_shared>> -> memref<10240x128xf32, #tpu.memory_space<vmem_shared>>
        tpu.enqueue_indirect_dma source(%dma_start3A_203 : memref<16x128xf32, #tpu.memory_space<vmem>>) target(%dma_start3A_206 : memref<10240x128xf32, #tpu.memory_space<vmem_shared>>) offsets(%get3A_184 : vector<16xi32>) semaphore(%run_scoped3A : memref<!tpu.dma_semaphore, #tpu.memory_space<semaphore_mem>>) {add = true}
        %dma_wait3A_207 = arith.constant 32 : i32
        %dma_wait3A_208 = arith.constant 0 : i32
        %dma_wait3A_209 = tpu.memref_slice %arg19[%dma_wait3A_207, %dma_wait3A_208] : memref<64x128xf32, #tpu.memory_space<vmem>> -> memref<16x128xf32, #tpu.memory_space<vmem>>
        %dma_wait3A_210 = arith.constant 0 : i32
        %dma_wait3A_211 = arith.constant 0 : i32
        %dma_wait3A_212 = tpu.memref_slice %arg21[%dma_wait3A_210, %dma_wait3A_211] : memref<10240x128xf32, #tpu.memory_space<vmem_shared>> -> memref<10240x128xf32, #tpu.memory_space<vmem_shared>>
        tpu.wait_indirect_dma semaphore(%run_scoped3A : memref<!tpu.dma_semaphore, #tpu.memory_space<semaphore_mem>>) src(%dma_wait3A_209 : memref<16x128xf32, #tpu.memory_space<vmem>>) dst(%dma_wait3A_212 : memref<10240x128xf32, #tpu.memory_space<vmem_shared>>)
        tpu.yield
      }) : () -> ()
      %mul3A_185 = arith.constant 64 : i32
      %mul3A_186 = arith.muli %mul3A_161, %mul3A_185 : i32
      %add3A_187 = arith.constant 48 : i32
      %add3A_188 = arith.addi %mul3A_186, %add3A_187 : i32
      %get3A_189 = arith.index_cast %add3A_188 : i32 to index
      %get3A_190 = tpu.vector_load %arg18[%get3A_189] {strides = array<i32>} : memref<8256xi32, #tpu.memory_space<vmem>>, vector<16xi32>,
      "tpu.region"() ({
        %run_scoped3A = tpu.sem_alloc : memref<!tpu.dma_semaphore, #tpu.memory_space<semaphore_mem>>
        %dma_start3A = arith.constant 48 : i32
        %dma_start3A_202 = arith.constant 0 : i32
        %dma_start3A_203 = tpu.memref_slice %arg19[%dma_start3A, %dma_start3A_202] : memref<64x128xf32, #tpu.memory_space<vmem>> -> memref<16x128xf32, #tpu.memory_space<vmem>>
        %dma_start3A_204 = arith.constant 0 : i32
        %dma_start3A_205 = arith.constant 0 : i32
        %dma_start3A_206 = tpu.memref_slice %arg21[%dma_start3A_204, %dma_start3A_205] : memref<10240x128xf32, #tpu.memory_space<vmem_shared>> -> memref<10240x128xf32, #tpu.memory_space<vmem_shared>>
        tpu.enqueue_indirect_dma source(%dma_start3A_203 : memref<16x128xf32, #tpu.memory_space<vmem>>) target(%dma_start3A_206 : memref<10240x128xf32, #tpu.memory_space<vmem_shared>>) offsets(%get3A_190 : vector<16xi32>) semaphore(%run_scoped3A : memref<!tpu.dma_semaphore, #tpu.memory_space<semaphore_mem>>) {add = true}
        %dma_wait3A_207 = arith.constant 48 : i32
        %dma_wait3A_208 = arith.constant 0 : i32
        %dma_wait3A_209 = tpu.memref_slice %arg19[%dma_wait3A_207, %dma_wait3A_208] : memref<64x128xf32, #tpu.memory_space<vmem>> -> memref<16x128xf32, #tpu.memory_space<vmem>>
        %dma_wait3A_210 = arith.constant 0 : i32
        %dma_wait3A_211 = arith.constant 0 : i32
        %dma_wait3A_212 = tpu.memref_slice %arg21[%dma_wait3A_210, %dma_wait3A_211] : memref<10240x128xf32, #tpu.memory_space<vmem_shared>> -> memref<10240x128xf32, #tpu.memory_space<vmem_shared>>
        tpu.wait_indirect_dma semaphore(%run_scoped3A : memref<!tpu.dma_semaphore, #tpu.memory_space<semaphore_mem>>) src(%dma_wait3A_209 : memref<16x128xf32, #tpu.memory_space<vmem>>) dst(%dma_wait3A_212 : memref<10240x128xf32, #tpu.memory_space<vmem_shared>>)
        tpu.yield
      }) : () -> ()
      %add3A_191 = arith.constant 2 : i32
      %add3A_192 = arith.addi %mul3A_161, %add3A_191 : i32
      %lt3A = arith.cmpi slt, %add3A_192, %select_n3A : i32
      %convert_element_type3A_193 = arith.extui %lt3A : i1 to i32
      %cond3A_194 = arith.constant 0 : i32
      %cond3A_195 = arith.cmpi ne, %convert_element_type3A_193, %cond3A_194 : i32
      scf.if %cond3A_195 {
        %add3A_202 = arith.constant 2 : i32
        %add3A_203 = arith.addi %mul3A_161, %add3A_202 : i32
        %mul3A_204 = arith.constant 64 : i32
        %mul3A_205 = arith.muli %add3A_203, %mul3A_204 : i32
        %dma_start3A = tpu.memref_slice %arg17[%mul3A_205] : memref<8256xi32, #tpu.memory_space<vmem>> -> memref<64xi32, #tpu.memory_space<vmem>>
        %dma_start3A_206 = arith.constant 0 : i32
        %dma_start3A_207 = arith.constant 0 : i32
        %dma_start3A_208 = tpu.memref_slice %arg8[%dma_start3A_206, %dma_start3A_207] : memref<10240x128xf32, #tpu.memory_space<hbm>> -> memref<10240x128xf32, #tpu.memory_space<hbm>>
        tpu.enqueue_indirect_dma source(%dma_start3A_208 : memref<10240x128xf32, #tpu.memory_space<hbm>>) target(%arg19 : memref<64x128xf32, #tpu.memory_space<vmem>>) offsets(%dma_start3A : memref<64xi32, #tpu.memory_space<vmem>>) semaphore(%arg22 : memref<!tpu.dma_semaphore, #tpu.memory_space<semaphore_mem>>)
      } else {
      }
      %add3A_196 = arith.constant 1 : i32
      %add3A_197 = arith.addi %mul3A_161, %add3A_196 : i32
      %lt3A_198 = arith.cmpi slt, %add3A_197, %select_n3A : i32
      %convert_element_type3A_199 = arith.extui %lt3A_198 : i1 to i32
      %cond3A_200 = arith.constant 0 : i32
      %cond3A_201 = arith.cmpi ne, %convert_element_type3A_199, %cond3A_200 : i32
      scf.if %cond3A_201 {
        %dma_wait3A_202 = arith.constant 0 : i32
        %dma_wait3A_203 = arith.constant 0 : i32
        %dma_wait3A_204 = tpu.memref_slice %arg8[%dma_wait3A_202, %dma_wait3A_203] : memref<10240x128xf32, #tpu.memory_space<hbm>> -> memref<64x128xf32, #tpu.memory_space<hbm>>
        %dma_wait3A_205 = arith.constant 0 : i32
        %dma_wait3A_206 = arith.constant 0 : i32
        %dma_wait3A_207 = tpu.memref_slice %arg8[%dma_wait3A_205, %dma_wait3A_206] : memref<10240x128xf32, #tpu.memory_space<hbm>> -> memref<64x128xf32, #tpu.memory_space<hbm>>
        tpu.wait_dma2 semaphore(%arg23 : memref<!tpu.dma_semaphore, #tpu.memory_space<semaphore_mem>>) src(%dma_wait3A_207 : memref<64x128xf32, #tpu.memory_space<hbm>>) dst(%arg20 : memref<64x128xf32, #tpu.memory_space<vmem>>)
        %add3A_208 = arith.constant 1 : i32
        %add3A_209 = arith.addi %mul3A_161, %add3A_208 : i32
        %mul3A_210 = arith.constant 64 : i32
        %mul3A_211 = arith.muli %add3A_209, %mul3A_210 : i32
        %add3A_212 = arith.constant 0 : i32
        %add3A_213 = arith.addi %mul3A_211, %add3A_212 : i32
        %get3A_214 = arith.index_cast %add3A_213 : i32 to index
        %get3A_215 = tpu.vector_load %arg18[%get3A_214] {strides = array<i32>} : memref<8256xi32, #tpu.memory_space<vmem>>, vector<16xi32>,
        "tpu.region"() ({
          %run_scoped3A = tpu.sem_alloc : memref<!tpu.dma_semaphore, #tpu.memory_space<semaphore_mem>>
          %dma_start3A = arith.constant 0 : i32
          %dma_start3A_240 = arith.constant 0 : i32
          %dma_start3A_241 = tpu.memref_slice %arg20[%dma_start3A, %dma_start3A_240] : memref<64x128xf32, #tpu.memory_space<vmem>> -> memref<16x128xf32, #tpu.memory_space<vmem>>
          %dma_start3A_242 = arith.constant 0 : i32
          %dma_start3A_243 = arith.constant 0 : i32
          %dma_start3A_244 = tpu.memref_slice %arg21[%dma_start3A_242, %dma_start3A_243] : memref<10240x128xf32, #tpu.memory_space<vmem_shared>> -> memref<10240x128xf32, #tpu.memory_space<vmem_shared>>
          tpu.enqueue_indirect_dma source(%dma_start3A_241 : memref<16x128xf32, #tpu.memory_space<vmem>>) target(%dma_start3A_244 : memref<10240x128xf32, #tpu.memory_space<vmem_shared>>) offsets(%get3A_215 : vector<16xi32>) semaphore(%run_scoped3A : memref<!tpu.dma_semaphore, #tpu.memory_space<semaphore_mem>>) {add = true}
          %dma_wait3A_245 = arith.constant 0 : i32
          %dma_wait3A_246 = arith.constant 0 : i32
          %dma_wait3A_247 = tpu.memref_slice %arg20[%dma_wait3A_245, %dma_wait3A_246] : memref<64x128xf32, #tpu.memory_space<vmem>> -> memref<16x128xf32, #tpu.memory_space<vmem>>
          %dma_wait3A_248 = arith.constant 0 : i32
          %dma_wait3A_249 = arith.constant 0 : i32
          %dma_wait3A_250 = tpu.memref_slice %arg21[%dma_wait3A_248, %dma_wait3A_249] : memref<10240x128xf32, #tpu.memory_space<vmem_shared>> -> memref<10240x128xf32, #tpu.memory_space<vmem_shared>>
          tpu.wait_indirect_dma semaphore(%run_scoped3A : memref<!tpu.dma_semaphore, #tpu.memory_space<semaphore_mem>>) src(%dma_wait3A_247 : memref<16x128xf32, #tpu.memory_space<vmem>>) dst(%dma_wait3A_250 : memref<10240x128xf32, #tpu.memory_space<vmem_shared>>)
          tpu.yield
        }) : () -> ()
        %mul3A_216 = arith.constant 64 : i32
        %mul3A_217 = arith.muli %add3A_209, %mul3A_216 : i32
        %add3A_218 = arith.constant 16 : i32
        %add3A_219 = arith.addi %mul3A_217, %add3A_218 : i32
        %get3A_220 = arith.index_cast %add3A_219 : i32 to index
        %get3A_221 = tpu.vector_load %arg18[%get3A_220] {strides = array<i32>} : memref<8256xi32, #tpu.memory_space<vmem>>, vector<16xi32>,
        "tpu.region"() ({
          %run_scoped3A = tpu.sem_alloc : memref<!tpu.dma_semaphore, #tpu.memory_space<semaphore_mem>>
          %dma_start3A = arith.constant 16 : i32
          %dma_start3A_240 = arith.constant 0 : i32
          %dma_start3A_241 = tpu.memref_slice %arg20[%dma_start3A, %dma_start3A_240] : memref<64x128xf32, #tpu.memory_space<vmem>> -> memref<16x128xf32, #tpu.memory_space<vmem>>
          %dma_start3A_242 = arith.constant 0 : i32
          %dma_start3A_243 = arith.constant 0 : i32
          %dma_start3A_244 = tpu.memref_slice %arg21[%dma_start3A_242, %dma_start3A_243] : memref<10240x128xf32, #tpu.memory_space<vmem_shared>> -> memref<10240x128xf32, #tpu.memory_space<vmem_shared>>
          tpu.enqueue_indirect_dma source(%dma_start3A_241 : memref<16x128xf32, #tpu.memory_space<vmem>>) target(%dma_start3A_244 : memref<10240x128xf32, #tpu.memory_space<vmem_shared>>) offsets(%get3A_221 : vector<16xi32>) semaphore(%run_scoped3A : memref<!tpu.dma_semaphore, #tpu.memory_space<semaphore_mem>>) {add = true}
          %dma_wait3A_245 = arith.constant 16 : i32
          %dma_wait3A_246 = arith.constant 0 : i32
          %dma_wait3A_247 = tpu.memref_slice %arg20[%dma_wait3A_245, %dma_wait3A_246] : memref<64x128xf32, #tpu.memory_space<vmem>> -> memref<16x128xf32, #tpu.memory_space<vmem>>
          %dma_wait3A_248 = arith.constant 0 : i32
          %dma_wait3A_249 = arith.constant 0 : i32
          %dma_wait3A_250 = tpu.memref_slice %arg21[%dma_wait3A_248, %dma_wait3A_249] : memref<10240x128xf32, #tpu.memory_space<vmem_shared>> -> memref<10240x128xf32, #tpu.memory_space<vmem_shared>>
          tpu.wait_indirect_dma semaphore(%run_scoped3A : memref<!tpu.dma_semaphore, #tpu.memory_space<semaphore_mem>>) src(%dma_wait3A_247 : memref<16x128xf32, #tpu.memory_space<vmem>>) dst(%dma_wait3A_250 : memref<10240x128xf32, #tpu.memory_space<vmem_shared>>)
          tpu.yield
        }) : () -> ()
        %mul3A_222 = arith.constant 64 : i32
        %mul3A_223 = arith.muli %add3A_209, %mul3A_222 : i32
        %add3A_224 = arith.constant 32 : i32
        %add3A_225 = arith.addi %mul3A_223, %add3A_224 : i32
        %get3A_226 = arith.index_cast %add3A_225 : i32 to index
        %get3A_227 = tpu.vector_load %arg18[%get3A_226] {strides = array<i32>} : memref<8256xi32, #tpu.memory_space<vmem>>, vector<16xi32>,
        "tpu.region"() ({
          %run_scoped3A = tpu.sem_alloc : memref<!tpu.dma_semaphore, #tpu.memory_space<semaphore_mem>>
          %dma_start3A = arith.constant 32 : i32
          %dma_start3A_240 = arith.constant 0 : i32
          %dma_start3A_241 = tpu.memref_slice %arg20[%dma_start3A, %dma_start3A_240] : memref<64x128xf32, #tpu.memory_space<vmem>> -> memref<16x128xf32, #tpu.memory_space<vmem>>
          %dma_start3A_242 = arith.constant 0 : i32
          %dma_start3A_243 = arith.constant 0 : i32
          %dma_start3A_244 = tpu.memref_slice %arg21[%dma_start3A_242, %dma_start3A_243] : memref<10240x128xf32, #tpu.memory_space<vmem_shared>> -> memref<10240x128xf32, #tpu.memory_space<vmem_shared>>
          tpu.enqueue_indirect_dma source(%dma_start3A_241 : memref<16x128xf32, #tpu.memory_space<vmem>>) target(%dma_start3A_244 : memref<10240x128xf32, #tpu.memory_space<vmem_shared>>) offsets(%get3A_227 : vector<16xi32>) semaphore(%run_scoped3A : memref<!tpu.dma_semaphore, #tpu.memory_space<semaphore_mem>>) {add = true}
          %dma_wait3A_245 = arith.constant 32 : i32
          %dma_wait3A_246 = arith.constant 0 : i32
          %dma_wait3A_247 = tpu.memref_slice %arg20[%dma_wait3A_245, %dma_wait3A_246] : memref<64x128xf32, #tpu.memory_space<vmem>> -> memref<16x128xf32, #tpu.memory_space<vmem>>
          %dma_wait3A_248 = arith.constant 0 : i32
          %dma_wait3A_249 = arith.constant 0 : i32
          %dma_wait3A_250 = tpu.memref_slice %arg21[%dma_wait3A_248, %dma_wait3A_249] : memref<10240x128xf32, #tpu.memory_space<vmem_shared>> -> memref<10240x128xf32, #tpu.memory_space<vmem_shared>>
          tpu.wait_indirect_dma semaphore(%run_scoped3A : memref<!tpu.dma_semaphore, #tpu.memory_space<semaphore_mem>>) src(%dma_wait3A_247 : memref<16x128xf32, #tpu.memory_space<vmem>>) dst(%dma_wait3A_250 : memref<10240x128xf32, #tpu.memory_space<vmem_shared>>)
          tpu.yield
        }) : () -> ()
        %mul3A_228 = arith.constant 64 : i32
        %mul3A_229 = arith.muli %add3A_209, %mul3A_228 : i32
        %add3A_230 = arith.constant 48 : i32
        %add3A_231 = arith.addi %mul3A_229, %add3A_230 : i32
        %get3A_232 = arith.index_cast %add3A_231 : i32 to index
        %get3A_233 = tpu.vector_load %arg18[%get3A_232] {strides = array<i32>} : memref<8256xi32, #tpu.memory_space<vmem>>, vector<16xi32>,
        "tpu.region"() ({
          %run_scoped3A = tpu.sem_alloc : memref<!tpu.dma_semaphore, #tpu.memory_space<semaphore_mem>>
          %dma_start3A = arith.constant 48 : i32
          %dma_start3A_240 = arith.constant 0 : i32
          %dma_start3A_241 = tpu.memref_slice %arg20[%dma_start3A, %dma_start3A_240] : memref<64x128xf32, #tpu.memory_space<vmem>> -> memref<16x128xf32, #tpu.memory_space<vmem>>
          %dma_start3A_242 = arith.constant 0 : i32
          %dma_start3A_243 = arith.constant 0 : i32
          %dma_start3A_244 = tpu.memref_slice %arg21[%dma_start3A_242, %dma_start3A_243] : memref<10240x128xf32, #tpu.memory_space<vmem_shared>> -> memref<10240x128xf32, #tpu.memory_space<vmem_shared>>
          tpu.enqueue_indirect_dma source(%dma_start3A_241 : memref<16x128xf32, #tpu.memory_space<vmem>>) target(%dma_start3A_244 : memref<10240x128xf32, #tpu.memory_space<vmem_shared>>) offsets(%get3A_233 : vector<16xi32>) semaphore(%run_scoped3A : memref<!tpu.dma_semaphore, #tpu.memory_space<semaphore_mem>>) {add = true}
          %dma_wait3A_245 = arith.constant 48 : i32
          %dma_wait3A_246 = arith.constant 0 : i32
          %dma_wait3A_247 = tpu.memref_slice %arg20[%dma_wait3A_245, %dma_wait3A_246] : memref<64x128xf32, #tpu.memory_space<vmem>> -> memref<16x128xf32, #tpu.memory_space<vmem>>
          %dma_wait3A_248 = arith.constant 0 : i32
          %dma_wait3A_249 = arith.constant 0 : i32
          %dma_wait3A_250 = tpu.memref_slice %arg21[%dma_wait3A_248, %dma_wait3A_249] : memref<10240x128xf32, #tpu.memory_space<vmem_shared>> -> memref<10240x128xf32, #tpu.memory_space<vmem_shared>>
          tpu.wait_indirect_dma semaphore(%run_scoped3A : memref<!tpu.dma_semaphore, #tpu.memory_space<semaphore_mem>>) src(%dma_wait3A_247 : memref<16x128xf32, #tpu.memory_space<vmem>>) dst(%dma_wait3A_250 : memref<10240x128xf32, #tpu.memory_space<vmem_shared>>)
          tpu.yield
        }) : () -> ()
        %add3A_234 = arith.constant 3 : i32
        %add3A_235 = arith.addi %mul3A_161, %add3A_234 : i32
        %lt3A_236 = arith.cmpi slt, %add3A_235, %select_n3A : i32
        %convert_element_type3A_237 = arith.extui %lt3A_236 : i1 to i32
        %cond3A_238 = arith.constant 0 : i32
        %cond3A_239 = arith.cmpi ne, %convert_element_type3A_237, %cond3A_238 : i32
        scf.if %cond3A_239 {
          %add3A_240 = arith.constant 3 : i32
          %add3A_241 = arith.addi %mul3A_161, %add3A_240 : i32
          %mul3A_242 = arith.constant 64 : i32
          %mul3A_243 = arith.muli %add3A_241, %mul3A_242 : i32
          %dma_start3A = tpu.memref_slice %arg17[%mul3A_243] : memref<8256xi32, #tpu.memory_space<vmem>> -> memref<64xi32, #tpu.memory_space<vmem>>
          %dma_start3A_244 = arith.constant 0 : i32
          %dma_start3A_245 = arith.constant 0 : i32
          %dma_start3A_246 = tpu.memref_slice %arg8[%dma_start3A_244, %dma_start3A_245] : memref<10240x128xf32, #tpu.memory_space<hbm>> -> memref<10240x128xf32, #tpu.memory_space<hbm>>
          tpu.enqueue_indirect_dma source(%dma_start3A_246 : memref<10240x128xf32, #tpu.memory_space<hbm>>) target(%arg20 : memref<64x128xf32, #tpu.memory_space<vmem>>) offsets(%dma_start3A : memref<64xi32, #tpu.memory_space<vmem>>) semaphore(%arg23 : memref<!tpu.dma_semaphore, #tpu.memory_space<semaphore_mem>>)
        } else {
        }
      } else {
      }
    }
    %while3A_153 = arith.constant 1 : i32
    scf.for %while3A_159 = %while3A_151 to %while3A_147 step %while3A_153  : i32 {
      %mul3A_160 = arith.constant 2 : i32
      %mul3A_161 = arith.muli %mul3A_160, %while3A_159 : i32
      %dma_wait3A = arith.constant 0 : i32
      %dma_wait3A_162 = arith.constant 0 : i32
      %dma_wait3A_163 = tpu.memref_slice %arg8[%dma_wait3A, %dma_wait3A_162] : memref<10240x128xf32, #tpu.memory_space<hbm>> -> memref<64x128xf32, #tpu.memory_space<hbm>>
      %dma_wait3A_164 = arith.constant 0 : i32
      %dma_wait3A_165 = arith.constant 0 : i32
      %dma_wait3A_166 = tpu.memref_slice %arg8[%dma_wait3A_164, %dma_wait3A_165] : memref<10240x128xf32, #tpu.memory_space<hbm>> -> memref<64x128xf32, #tpu.memory_space<hbm>>
      tpu.wait_dma2 semaphore(%arg22 : memref<!tpu.dma_semaphore, #tpu.memory_space<semaphore_mem>>) src(%dma_wait3A_166 : memref<64x128xf32, #tpu.memory_space<hbm>>) dst(%arg19 : memref<64x128xf32, #tpu.memory_space<vmem>>)
      %mul3A_167 = arith.constant 64 : i32
      %mul3A_168 = arith.muli %mul3A_161, %mul3A_167 : i32
      %add3A_169 = arith.constant 0 : i32
      %add3A_170 = arith.addi %mul3A_168, %add3A_169 : i32
      %get3A_171 = arith.index_cast %add3A_170 : i32 to index
      %get3A_172 = tpu.vector_load %arg18[%get3A_171] {strides = array<i32>} : memref<8256xi32, #tpu.memory_space<vmem>>, vector<16xi32>,
      "tpu.region"() ({
        %run_scoped3A = tpu.sem_alloc : memref<!tpu.dma_semaphore, #tpu.memory_space<semaphore_mem>>
        %dma_start3A = arith.constant 0 : i32
        %dma_start3A_202 = arith.constant 0 : i32
        %dma_start3A_203 = tpu.memref_slice %arg19[%dma_start3A, %dma_start3A_202] : memref<64x128xf32, #tpu.memory_space<vmem>> -> memref<16x128xf32, #tpu.memory_space<vmem>>
        %dma_start3A_204 = arith.constant 0 : i32
        %dma_start3A_205 = arith.constant 0 : i32
        %dma_start3A_206 = tpu.memref_slice %arg21[%dma_start3A_204, %dma_start3A_205] : memref<10240x128xf32, #tpu.memory_space<vmem_shared>> -> memref<10240x128xf32, #tpu.memory_space<vmem_shared>>
        tpu.enqueue_indirect_dma source(%dma_start3A_203 : memref<16x128xf32, #tpu.memory_space<vmem>>) target(%dma_start3A_206 : memref<10240x128xf32, #tpu.memory_space<vmem_shared>>) offsets(%get3A_172 : vector<16xi32>) semaphore(%run_scoped3A : memref<!tpu.dma_semaphore, #tpu.memory_space<semaphore_mem>>) {add = true}
        %dma_wait3A_207 = arith.constant 0 : i32
        %dma_wait3A_208 = arith.constant 0 : i32
        %dma_wait3A_209 = tpu.memref_slice %arg19[%dma_wait3A_207, %dma_wait3A_208] : memref<64x128xf32, #tpu.memory_space<vmem>> -> memref<16x128xf32, #tpu.memory_space<vmem>>
        %dma_wait3A_210 = arith.constant 0 : i32
        %dma_wait3A_211 = arith.constant 0 : i32
        %dma_wait3A_212 = tpu.memref_slice %arg21[%dma_wait3A_210, %dma_wait3A_211] : memref<10240x128xf32, #tpu.memory_space<vmem_shared>> -> memref<10240x128xf32, #tpu.memory_space<vmem_shared>>
        tpu.wait_indirect_dma semaphore(%run_scoped3A : memref<!tpu.dma_semaphore, #tpu.memory_space<semaphore_mem>>) src(%dma_wait3A_209 : memref<16x128xf32, #tpu.memory_space<vmem>>) dst(%dma_wait3A_212 : memref<10240x128xf32, #tpu.memory_space<vmem_shared>>)
        tpu.yield
      }) : () -> ()
      %mul3A_173 = arith.constant 64 : i32
      %mul3A_174 = arith.muli %mul3A_161, %mul3A_173 : i32
      %add3A_175 = arith.constant 16 : i32
      %add3A_176 = arith.addi %mul3A_174, %add3A_175 : i32
      %get3A_177 = arith.index_cast %add3A_176 : i32 to index
      %get3A_178 = tpu.vector_load %arg18[%get3A_177] {strides = array<i32>} : memref<8256xi32, #tpu.memory_space<vmem>>, vector<16xi32>,
      "tpu.region"() ({
        %run_scoped3A = tpu.sem_alloc : memref<!tpu.dma_semaphore, #tpu.memory_space<semaphore_mem>>
        %dma_start3A = arith.constant 16 : i32
        %dma_start3A_202 = arith.constant 0 : i32
        %dma_start3A_203 = tpu.memref_slice %arg19[%dma_start3A, %dma_start3A_202] : memref<64x128xf32, #tpu.memory_space<vmem>> -> memref<16x128xf32, #tpu.memory_space<vmem>>
        %dma_start3A_204 = arith.constant 0 : i32
        %dma_start3A_205 = arith.constant 0 : i32
        %dma_start3A_206 = tpu.memref_slice %arg21[%dma_start3A_204, %dma_start3A_205] : memref<10240x128xf32, #tpu.memory_space<vmem_shared>> -> memref<10240x128xf32, #tpu.memory_space<vmem_shared>>
        tpu.enqueue_indirect_dma source(%dma_start3A_203 : memref<16x128xf32, #tpu.memory_space<vmem>>) target(%dma_start3A_206 : memref<10240x128xf32, #tpu.memory_space<vmem_shared>>) offsets(%get3A_178 : vector<16xi32>) semaphore(%run_scoped3A : memref<!tpu.dma_semaphore, #tpu.memory_space<semaphore_mem>>) {add = true}
        %dma_wait3A_207 = arith.constant 16 : i32
        %dma_wait3A_208 = arith.constant 0 : i32
        %dma_wait3A_209 = tpu.memref_slice %arg19[%dma_wait3A_207, %dma_wait3A_208] : memref<64x128xf32, #tpu.memory_space<vmem>> -> memref<16x128xf32, #tpu.memory_space<vmem>>
        %dma_wait3A_210 = arith.constant 0 : i32
        %dma_wait3A_211 = arith.constant 0 : i32
        %dma_wait3A_212 = tpu.memref_slice %arg21[%dma_wait3A_210, %dma_wait3A_211] : memref<10240x128xf32, #tpu.memory_space<vmem_shared>> -> memref<10240x128xf32, #tpu.memory_space<vmem_shared>>
        tpu.wait_indirect_dma semaphore(%run_scoped3A : memref<!tpu.dma_semaphore, #tpu.memory_space<semaphore_mem>>) src(%dma_wait3A_209 : memref<16x128xf32, #tpu.memory_space<vmem>>) dst(%dma_wait3A_212 : memref<10240x128xf32, #tpu.memory_space<vmem_shared>>)
        tpu.yield
      }) : () -> ()
      %mul3A_179 = arith.constant 64 : i32
      %mul3A_180 = arith.muli %mul3A_161, %mul3A_179 : i32
      %add3A_181 = arith.constant 32 : i32
      %add3A_182 = arith.addi %mul3A_180, %add3A_181 : i32
      %get3A_183 = arith.index_cast %add3A_182 : i32 to index
      %get3A_184 = tpu.vector_load %arg18[%get3A_183] {strides = array<i32>} : memref<8256xi32, #tpu.memory_space<vmem>>, vector<16xi32>,
      "tpu.region"() ({
        %run_scoped3A = tpu.sem_alloc : memref<!tpu.dma_semaphore, #tpu.memory_space<semaphore_mem>>
        %dma_start3A = arith.constant 32 : i32
        %dma_start3A_202 = arith.constant 0 : i32
        %dma_start3A_203 = tpu.memref_slice %arg19[%dma_start3A, %dma_start3A_202] : memref<64x128xf32, #tpu.memory_space<vmem>> -> memref<16x128xf32, #tpu.memory_space<vmem>>
        %dma_start3A_204 = arith.constant 0 : i32
        %dma_start3A_205 = arith.constant 0 : i32
        %dma_start3A_206 = tpu.memref_slice %arg21[%dma_start3A_204, %dma_start3A_205] : memref<10240x128xf32, #tpu.memory_space<vmem_shared>> -> memref<10240x128xf32, #tpu.memory_space<vmem_shared>>
        tpu.enqueue_indirect_dma source(%dma_start3A_203 : memref<16x128xf32, #tpu.memory_space<vmem>>) target(%dma_start3A_206 : memref<10240x128xf32, #tpu.memory_space<vmem_shared>>) offsets(%get3A_184 : vector<16xi32>) semaphore(%run_scoped3A : memref<!tpu.dma_semaphore, #tpu.memory_space<semaphore_mem>>) {add = true}
        %dma_wait3A_207 = arith.constant 32 : i32
        %dma_wait3A_208 = arith.constant 0 : i32
        %dma_wait3A_209 = tpu.memref_slice %arg19[%dma_wait3A_207, %dma_wait3A_208] : memref<64x128xf32, #tpu.memory_space<vmem>> -> memref<16x128xf32, #tpu.memory_space<vmem>>
        %dma_wait3A_210 = arith.constant 0 : i32
        %dma_wait3A_211 = arith.constant 0 : i32
        %dma_wait3A_212 = tpu.memref_slice %arg21[%dma_wait3A_210, %dma_wait3A_211] : memref<10240x128xf32, #tpu.memory_space<vmem_shared>> -> memref<10240x128xf32, #tpu.memory_space<vmem_shared>>
        tpu.wait_indirect_dma semaphore(%run_scoped3A : memref<!tpu.dma_semaphore, #tpu.memory_space<semaphore_mem>>) src(%dma_wait3A_209 : memref<16x128xf32, #tpu.memory_space<vmem>>) dst(%dma_wait3A_212 : memref<10240x128xf32, #tpu.memory_space<vmem_shared>>)
        tpu.yield
      }) : () -> ()
      %mul3A_185 = arith.constant 64 : i32
      %mul3A_186 = arith.muli %mul3A_161, %mul3A_185 : i32
      %add3A_187 = arith.constant 48 : i32
      %add3A_188 = arith.addi %mul3A_186, %add3A_187 : i32
      %get3A_189 = arith.index_cast %add3A_188 : i32 to index
      %get3A_190 = tpu.vector_load %arg18[%get3A_189] {strides = array<i32>} : memref<8256xi32, #tpu.memory_space<vmem>>, vector<16xi32>,
      "tpu.region"() ({
        %run_scoped3A = tpu.sem_alloc : memref<!tpu.dma_semaphore, #tpu.memory_space<semaphore_mem>>
        %dma_start3A = arith.constant 48 : i32
        %dma_start3A_202 = arith.constant 0 : i32
        %dma_start3A_203 = tpu.memref_slice %arg19[%dma_start3A, %dma_start3A_202] : memref<64x128xf32, #tpu.memory_space<vmem>> -> memref<16x128xf32, #tpu.memory_space<vmem>>
        %dma_start3A_204 = arith.constant 0 : i32
        %dma_start3A_205 = arith.constant 0 : i32
        %dma_start3A_206 = tpu.memref_slice %arg21[%dma_start3A_204, %dma_start3A_205] : memref<10240x128xf32, #tpu.memory_space<vmem_shared>> -> memref<10240x128xf32, #tpu.memory_space<vmem_shared>>
        tpu.enqueue_indirect_dma source(%dma_start3A_203 : memref<16x128xf32, #tpu.memory_space<vmem>>) target(%dma_start3A_206 : memref<10240x128xf32, #tpu.memory_space<vmem_shared>>) offsets(%get3A_190 : vector<16xi32>) semaphore(%run_scoped3A : memref<!tpu.dma_semaphore, #tpu.memory_space<semaphore_mem>>) {add = true}
        %dma_wait3A_207 = arith.constant 48 : i32
        %dma_wait3A_208 = arith.constant 0 : i32
        %dma_wait3A_209 = tpu.memref_slice %arg19[%dma_wait3A_207, %dma_wait3A_208] : memref<64x128xf32, #tpu.memory_space<vmem>> -> memref<16x128xf32, #tpu.memory_space<vmem>>
        %dma_wait3A_210 = arith.constant 0 : i32
        %dma_wait3A_211 = arith.constant 0 : i32
        %dma_wait3A_212 = tpu.memref_slice %arg21[%dma_wait3A_210, %dma_wait3A_211] : memref<10240x128xf32, #tpu.memory_space<vmem_shared>> -> memref<10240x128xf32, #tpu.memory_space<vmem_shared>>
        tpu.wait_indirect_dma semaphore(%run_scoped3A : memref<!tpu.dma_semaphore, #tpu.memory_space<semaphore_mem>>) src(%dma_wait3A_209 : memref<16x128xf32, #tpu.memory_space<vmem>>) dst(%dma_wait3A_212 : memref<10240x128xf32, #tpu.memory_space<vmem_shared>>)
        tpu.yield
      }) : () -> ()
      %add3A_191 = arith.constant 2 : i32
      %add3A_192 = arith.addi %mul3A_161, %add3A_191 : i32
      %lt3A = arith.cmpi slt, %add3A_192, %select_n3A : i32
      %convert_element_type3A_193 = arith.extui %lt3A : i1 to i32
      %cond3A_194 = arith.constant 0 : i32
      %cond3A_195 = arith.cmpi ne, %convert_element_type3A_193, %cond3A_194 : i32
      scf.if %cond3A_195 {
        %add3A_202 = arith.constant 2 : i32
        %add3A_203 = arith.addi %mul3A_161, %add3A_202 : i32
        %mul3A_204 = arith.constant 64 : i32
        %mul3A_205 = arith.muli %add3A_203, %mul3A_204 : i32
        %dma_start3A = tpu.memref_slice %arg17[%mul3A_205] : memref<8256xi32, #tpu.memory_space<vmem>> -> memref<64xi32, #tpu.memory_space<vmem>>
        %dma_start3A_206 = arith.constant 0 : i32
        %dma_start3A_207 = arith.constant 0 : i32
        %dma_start3A_208 = tpu.memref_slice %arg8[%dma_start3A_206, %dma_start3A_207] : memref<10240x128xf32, #tpu.memory_space<hbm>> -> memref<10240x128xf32, #tpu.memory_space<hbm>>
        tpu.enqueue_indirect_dma source(%dma_start3A_208 : memref<10240x128xf32, #tpu.memory_space<hbm>>) target(%arg19 : memref<64x128xf32, #tpu.memory_space<vmem>>) offsets(%dma_start3A : memref<64xi32, #tpu.memory_space<vmem>>) semaphore(%arg22 : memref<!tpu.dma_semaphore, #tpu.memory_space<semaphore_mem>>)
      } else {
      }
      %add3A_196 = arith.constant 1 : i32
      %add3A_197 = arith.addi %mul3A_161, %add3A_196 : i32
      %lt3A_198 = arith.cmpi slt, %add3A_197, %select_n3A : i32
      %convert_element_type3A_199 = arith.extui %lt3A_198 : i1 to i32
      %cond3A_200 = arith.constant 0 : i32
      %cond3A_201 = arith.cmpi ne, %convert_element_type3A_199, %cond3A_200 : i32
      scf.if %cond3A_201 {
        %dma_wait3A_202 = arith.constant 0 : i32
        %dma_wait3A_203 = arith.constant 0 : i32
        %dma_wait3A_204 = tpu.memref_slice %arg8[%dma_wait3A_202, %dma_wait3A_203] : memref<10240x128xf32, #tpu.memory_space<hbm>> -> memref<64x128xf32, #tpu.memory_space<hbm>>
        %dma_wait3A_205 = arith.constant 0 : i32
        %dma_wait3A_206 = arith.constant 0 : i32
        %dma_wait3A_207 = tpu.memref_slice %arg8[%dma_wait3A_205, %dma_wait3A_206] : memref<10240x128xf32, #tpu.memory_space<hbm>> -> memref<64x128xf32, #tpu.memory_space<hbm>>
        tpu.wait_dma2 semaphore(%arg23 : memref<!tpu.dma_semaphore, #tpu.memory_space<semaphore_mem>>) src(%dma_wait3A_207 : memref<64x128xf32, #tpu.memory_space<hbm>>) dst(%arg20 : memref<64x128xf32, #tpu.memory_space<vmem>>)
        %add3A_208 = arith.constant 1 : i32
        %add3A_209 = arith.addi %mul3A_161, %add3A_208 : i32
        %mul3A_210 = arith.constant 64 : i32
        %mul3A_211 = arith.muli %add3A_209, %mul3A_210 : i32
        %add3A_212 = arith.constant 0 : i32
        %add3A_213 = arith.addi %mul3A_211, %add3A_212 : i32
        %get3A_214 = arith.index_cast %add3A_213 : i32 to index
        %get3A_215 = tpu.vector_load %arg18[%get3A_214] {strides = array<i32>} : memref<8256xi32, #tpu.memory_space<vmem>>, vector<16xi32>,
        "tpu.region"() ({
          %run_scoped3A = tpu.sem_alloc : memref<!tpu.dma_semaphore, #tpu.memory_space<semaphore_mem>>
          %dma_start3A = arith.constant 0 : i32
          %dma_start3A_240 = arith.constant 0 : i32
          %dma_start3A_241 = tpu.memref_slice %arg20[%dma_start3A, %dma_start3A_240] : memref<64x128xf32, #tpu.memory_space<vmem>> -> memref<16x128xf32, #tpu.memory_space<vmem>>
          %dma_start3A_242 = arith.constant 0 : i32
          %dma_start3A_243 = arith.constant 0 : i32
          %dma_start3A_244 = tpu.memref_slice %arg21[%dma_start3A_242, %dma_start3A_243] : memref<10240x128xf32, #tpu.memory_space<vmem_shared>> -> memref<10240x128xf32, #tpu.memory_space<vmem_shared>>
          tpu.enqueue_indirect_dma source(%dma_start3A_241 : memref<16x128xf32, #tpu.memory_space<vmem>>) target(%dma_start3A_244 : memref<10240x128xf32, #tpu.memory_space<vmem_shared>>) offsets(%get3A_215 : vector<16xi32>) semaphore(%run_scoped3A : memref<!tpu.dma_semaphore, #tpu.memory_space<semaphore_mem>>) {add = true}
          %dma_wait3A_245 = arith.constant 0 : i32
          %dma_wait3A_246 = arith.constant 0 : i32
          %dma_wait3A_247 = tpu.memref_slice %arg20[%dma_wait3A_245, %dma_wait3A_246] : memref<64x128xf32, #tpu.memory_space<vmem>> -> memref<16x128xf32, #tpu.memory_space<vmem>>
          %dma_wait3A_248 = arith.constant 0 : i32
          %dma_wait3A_249 = arith.constant 0 : i32
          %dma_wait3A_250 = tpu.memref_slice %arg21[%dma_wait3A_248, %dma_wait3A_249] : memref<10240x128xf32, #tpu.memory_space<vmem_shared>> -> memref<10240x128xf32, #tpu.memory_space<vmem_shared>>
          tpu.wait_indirect_dma semaphore(%run_scoped3A : memref<!tpu.dma_semaphore, #tpu.memory_space<semaphore_mem>>) src(%dma_wait3A_247 : memref<16x128xf32, #tpu.memory_space<vmem>>) dst(%dma_wait3A_250 : memref<10240x128xf32, #tpu.memory_space<vmem_shared>>)
          tpu.yield
        }) : () -> ()
        %mul3A_216 = arith.constant 64 : i32
        %mul3A_217 = arith.muli %add3A_209, %mul3A_216 : i32
        %add3A_218 = arith.constant 16 : i32
        %add3A_219 = arith.addi %mul3A_217, %add3A_218 : i32
        %get3A_220 = arith.index_cast %add3A_219 : i32 to index
        %get3A_221 = tpu.vector_load %arg18[%get3A_220] {strides = array<i32>} : memref<8256xi32, #tpu.memory_space<vmem>>, vector<16xi32>,
        "tpu.region"() ({
          %run_scoped3A = tpu.sem_alloc : memref<!tpu.dma_semaphore, #tpu.memory_space<semaphore_mem>>
          %dma_start3A = arith.constant 16 : i32
          %dma_start3A_240 = arith.constant 0 : i32
          %dma_start3A_241 = tpu.memref_slice %arg20[%dma_start3A, %dma_start3A_240] : memref<64x128xf32, #tpu.memory_space<vmem>> -> memref<16x128xf32, #tpu.memory_space<vmem>>
          %dma_start3A_242 = arith.constant 0 : i32
          %dma_start3A_243 = arith.constant 0 : i32
          %dma_start3A_244 = tpu.memref_slice %arg21[%dma_start3A_242, %dma_start3A_243] : memref<10240x128xf32, #tpu.memory_space<vmem_shared>> -> memref<10240x128xf32, #tpu.memory_space<vmem_shared>>
          tpu.enqueue_indirect_dma source(%dma_start3A_241 : memref<16x128xf32, #tpu.memory_space<vmem>>) target(%dma_start3A_244 : memref<10240x128xf32, #tpu.memory_space<vmem_shared>>) offsets(%get3A_221 : vector<16xi32>) semaphore(%run_scoped3A : memref<!tpu.dma_semaphore, #tpu.memory_space<semaphore_mem>>) {add = true}
          %dma_wait3A_245 = arith.constant 16 : i32
          %dma_wait3A_246 = arith.constant 0 : i32
          %dma_wait3A_247 = tpu.memref_slice %arg20[%dma_wait3A_245, %dma_wait3A_246] : memref<64x128xf32, #tpu.memory_space<vmem>> -> memref<16x128xf32, #tpu.memory_space<vmem>>
          %dma_wait3A_248 = arith.constant 0 : i32
          %dma_wait3A_249 = arith.constant 0 : i32
          %dma_wait3A_250 = tpu.memref_slice %arg21[%dma_wait3A_248, %dma_wait3A_249] : memref<10240x128xf32, #tpu.memory_space<vmem_shared>> -> memref<10240x128xf32, #tpu.memory_space<vmem_shared>>
          tpu.wait_indirect_dma semaphore(%run_scoped3A : memref<!tpu.dma_semaphore, #tpu.memory_space<semaphore_mem>>) src(%dma_wait3A_247 : memref<16x128xf32, #tpu.memory_space<vmem>>) dst(%dma_wait3A_250 : memref<10240x128xf32, #tpu.memory_space<vmem_shared>>)
          tpu.yield
        }) : () -> ()
        %mul3A_222 = arith.constant 64 : i32
        %mul3A_223 = arith.muli %add3A_209, %mul3A_222 : i32
        %add3A_224 = arith.constant 32 : i32
        %add3A_225 = arith.addi %mul3A_223, %add3A_224 : i32
        %get3A_226 = arith.index_cast %add3A_225 : i32 to index
        %get3A_227 = tpu.vector_load %arg18[%get3A_226] {strides = array<i32>} : memref<8256xi32, #tpu.memory_space<vmem>>, vector<16xi32>,
        "tpu.region"() ({
          %run_scoped3A = tpu.sem_alloc : memref<!tpu.dma_semaphore, #tpu.memory_space<semaphore_mem>>
          %dma_start3A = arith.constant 32 : i32
          %dma_start3A_240 = arith.constant 0 : i32
          %dma_start3A_241 = tpu.memref_slice %arg20[%dma_start3A, %dma_start3A_240] : memref<64x128xf32, #tpu.memory_space<vmem>> -> memref<16x128xf32, #tpu.memory_space<vmem>>
          %dma_start3A_242 = arith.constant 0 : i32
          %dma_start3A_243 = arith.constant 0 : i32
          %dma_start3A_244 = tpu.memref_slice %arg21[%dma_start3A_242, %dma_start3A_243] : memref<10240x128xf32, #tpu.memory_space<vmem_shared>> -> memref<10240x128xf32, #tpu.memory_space<vmem_shared>>
          tpu.enqueue_indirect_dma source(%dma_start3A_241 : memref<16x128xf32, #tpu.memory_space<vmem>>) target(%dma_start3A_244 : memref<10240x128xf32, #tpu.memory_space<vmem_shared>>) offsets(%get3A_227 : vector<16xi32>) semaphore(%run_scoped3A : memref<!tpu.dma_semaphore, #tpu.memory_space<semaphore_mem>>) {add = true}
          %dma_wait3A_245 = arith.constant 32 : i32
          %dma_wait3A_246 = arith.constant 0 : i32
          %dma_wait3A_247 = tpu.memref_slice %arg20[%dma_wait3A_245, %dma_wait3A_246] : memref<64x128xf32, #tpu.memory_space<vmem>> -> memref<16x128xf32, #tpu.memory_space<vmem>>
          %dma_wait3A_248 = arith.constant 0 : i32
          %dma_wait3A_249 = arith.constant 0 : i32
          %dma_wait3A_250 = tpu.memref_slice %arg21[%dma_wait3A_248, %dma_wait3A_249] : memref<10240x128xf32, #tpu.memory_space<vmem_shared>> -> memref<10240x128xf32, #tpu.memory_space<vmem_shared>>
          tpu.wait_indirect_dma semaphore(%run_scoped3A : memref<!tpu.dma_semaphore, #tpu.memory_space<semaphore_mem>>) src(%dma_wait3A_247 : memref<16x128xf32, #tpu.memory_space<vmem>>) dst(%dma_wait3A_250 : memref<10240x128xf32, #tpu.memory_space<vmem_shared>>)
          tpu.yield
        }) : () -> ()
        %mul3A_228 = arith.constant 64 : i32
        %mul3A_229 = arith.muli %add3A_209, %mul3A_228 : i32
        %add3A_230 = arith.constant 48 : i32
        %add3A_231 = arith.addi %mul3A_229, %add3A_230 : i32
        %get3A_232 = arith.index_cast %add3A_231 : i32 to index
        %get3A_233 = tpu.vector_load %arg18[%get3A_232] {strides = array<i32>} : memref<8256xi32, #tpu.memory_space<vmem>>, vector<16xi32>,
        "tpu.region"() ({
          %run_scoped3A = tpu.sem_alloc : memref<!tpu.dma_semaphore, #tpu.memory_space<semaphore_mem>>
          %dma_start3A = arith.constant 48 : i32
          %dma_start3A_240 = arith.constant 0 : i32
          %dma_start3A_241 = tpu.memref_slice %arg20[%dma_start3A, %dma_start3A_240] : memref<64x128xf32, #tpu.memory_space<vmem>> -> memref<16x128xf32, #tpu.memory_space<vmem>>
          %dma_start3A_242 = arith.constant 0 : i32
          %dma_start3A_243 = arith.constant 0 : i32
          %dma_start3A_244 = tpu.memref_slice %arg21[%dma_start3A_242, %dma_start3A_243] : memref<10240x128xf32, #tpu.memory_space<vmem_shared>> -> memref<10240x128xf32, #tpu.memory_space<vmem_shared>>
          tpu.enqueue_indirect_dma source(%dma_start3A_241 : memref<16x128xf32, #tpu.memory_space<vmem>>) target(%dma_start3A_244 : memref<10240x128xf32, #tpu.memory_space<vmem_shared>>) offsets(%get3A_233 : vector<16xi32>) semaphore(%run_scoped3A : memref<!tpu.dma_semaphore, #tpu.memory_space<semaphore_mem>>) {add = true}
          %dma_wait3A_245 = arith.constant 48 : i32
          %dma_wait3A_246 = arith.constant 0 : i32
          %dma_wait3A_247 = tpu.memref_slice %arg20[%dma_wait3A_245, %dma_wait3A_246] : memref<64x128xf32, #tpu.memory_space<vmem>> -> memref<16x128xf32, #tpu.memory_space<vmem>>
          %dma_wait3A_248 = arith.constant 0 : i32
          %dma_wait3A_249 = arith.constant 0 : i32
          %dma_wait3A_250 = tpu.memref_slice %arg21[%dma_wait3A_248, %dma_wait3A_249] : memref<10240x128xf32, #tpu.memory_space<vmem_shared>> -> memref<10240x128xf32, #tpu.memory_space<vmem_shared>>
          tpu.wait_indirect_dma semaphore(%run_scoped3A : memref<!tpu.dma_semaphore, #tpu.memory_space<semaphore_mem>>) src(%dma_wait3A_247 : memref<16x128xf32, #tpu.memory_space<vmem>>) dst(%dma_wait3A_250 : memref<10240x128xf32, #tpu.memory_space<vmem_shared>>)
          tpu.yield
        }) : () -> ()
        %add3A_234 = arith.constant 3 : i32
        %add3A_235 = arith.addi %mul3A_161, %add3A_234 : i32
        %lt3A_236 = arith.cmpi slt, %add3A_235, %select_n3A : i32
        %convert_element_type3A_237 = arith.extui %lt3A_236 : i1 to i32
        %cond3A_238 = arith.constant 0 : i32
        %cond3A_239 = arith.cmpi ne, %convert_element_type3A_237, %cond3A_238 : i32
        scf.if %cond3A_239 {
          %add3A_240 = arith.constant 3 : i32
          %add3A_241 = arith.addi %mul3A_161, %add3A_240 : i32
          %mul3A_242 = arith.constant 64 : i32
          %mul3A_243 = arith.muli %add3A_241, %mul3A_242 : i32
          %dma_start3A = tpu.memref_slice %arg17[%mul3A_243] : memref<8256xi32, #tpu.memory_space<vmem>> -> memref<64xi32, #tpu.memory_space<vmem>>
          %dma_start3A_244 = arith.constant 0 : i32
          %dma_start3A_245 = arith.constant 0 : i32
          %dma_start3A_246 = tpu.memref_slice %arg8[%dma_start3A_244, %dma_start3A_245] : memref<10240x128xf32, #tpu.memory_space<hbm>> -> memref<10240x128xf32, #tpu.memory_space<hbm>>
          tpu.enqueue_indirect_dma source(%dma_start3A_246 : memref<10240x128xf32, #tpu.memory_space<hbm>>) target(%arg20 : memref<64x128xf32, #tpu.memory_space<vmem>>) offsets(%dma_start3A : memref<64xi32, #tpu.memory_space<vmem>>) semaphore(%arg23 : memref<!tpu.dma_semaphore, #tpu.memory_space<semaphore_mem>>)
        } else {
        }
      } else {
      }
    }
    %barrier3A_154 = arith.constant 0 : index
    tpu.barrier barrier_id(%barrier3A_154)
    %mul3A_155 = arith.constant 640 : i32
    %mul3A_156 = arith.muli %arg1, %mul3A_155 : i32
    %mul3A_157 = arith.constant 640 : i32
    %mul3A_158 = arith.muli %arg1, %mul3A_157 : i32
    "tpu.region"() ({
      %run_scoped3A = tpu.sem_alloc : memref<!tpu.dma_semaphore, #tpu.memory_space<semaphore_mem>>
      %dma_start3A = arith.constant 0 : i32
      %dma_start3A_159 = arith.constant 0 : i32
      %dma_start3A_160 = tpu.memref_slice %arg10[%arg0, %dma_start3A, %dma_start3A_159] : memref<2x10240x128xf32, #tpu.memory_space<hbm>> -> memref<1x10240x128xf32, #tpu.memory_space<hbm>>
      %dma_start3A_161 = tpu.memref_squeeze %dma_start3A_160 : memref<1x10240x128xf32, #tpu.memory_space<hbm>> -> memref<10240x128xf32, #tpu.memory_space<hbm>>
      %dma_start3A_162 = arith.constant 0 : i32
      %dma_start3A_163 = tpu.memref_slice %dma_start3A_161[%mul3A_158, %dma_start3A_162] : memref<10240x128xf32, #tpu.memory_space<hbm>> -> memref<640x128xf32, #tpu.memory_space<hbm>>
      %dma_start3A_164 = arith.constant 0 : i32
      %dma_start3A_165 = tpu.memref_slice %arg21[%mul3A_156, %dma_start3A_164] : memref<10240x128xf32, #tpu.memory_space<vmem_shared>> -> memref<640x128xf32, #tpu.memory_space<vmem_shared>>
      tpu.enqueue_dma source(%dma_start3A_165 : memref<640x128xf32, #tpu.memory_space<vmem_shared>>) target(%dma_start3A_163 : memref<640x128xf32, #tpu.memory_space<hbm>>) target_semaphore(%run_scoped3A : memref<!tpu.dma_semaphore, #tpu.memory_space<semaphore_mem>>)
      %dma_wait3A = arith.constant 0 : i32
      %dma_wait3A_166 = arith.constant 0 : i32
      %dma_wait3A_167 = tpu.memref_slice %arg10[%arg0, %dma_wait3A, %dma_wait3A_166] : memref<2x10240x128xf32, #tpu.memory_space<hbm>> -> memref<1x10240x128xf32, #tpu.memory_space<hbm>>
      %dma_wait3A_168 = tpu.memref_squeeze %dma_wait3A_167 : memref<1x10240x128xf32, #tpu.memory_space<hbm>> -> memref<10240x128xf32, #tpu.memory_space<hbm>>
      %dma_wait3A_169 = arith.constant 0 : i32
      %dma_wait3A_170 = tpu.memref_slice %dma_wait3A_168[%mul3A_158, %dma_wait3A_169] : memref<10240x128xf32, #tpu.memory_space<hbm>> -> memref<640x128xf32, #tpu.memory_space<hbm>>
      %dma_wait3A_171 = arith.constant 0 : i32
      %dma_wait3A_172 = tpu.memref_slice %arg21[%mul3A_156, %dma_wait3A_171] : memref<10240x128xf32, #tpu.memory_space<vmem_shared>> -> memref<640x128xf32, #tpu.memory_space<vmem_shared>>
      tpu.wait_dma2 semaphore(%run_scoped3A : memref<!tpu.dma_semaphore, #tpu.memory_space<semaphore_mem>>) src(%dma_wait3A_172 : memref<640x128xf32, #tpu.memory_space<vmem_shared>>) dst(%dma_wait3A_170 : memref<640x128xf32, #tpu.memory_space<hbm>>)
      tpu.yield
    }) : () -> ()
    return
  }
}

#map = affine_map<(d0, d1) -> (0)>
#map1 = affine_map<(d0, d1) -> (0, 0)>
#map2 = affine_map<(d0, d1) -> (0, 0, 0)>
module attributes {stable_mosaic.version = 14 : i64} {
  func.func @_sc_edge_body(%arg0: i32, %arg1: i32, %arg2: memref<320000xi32, #tpu.memory_space<hbm>>, %arg3: memref<320000xi32, #tpu.memory_space<hbm>>, %arg4: memref<10240xf32, #tpu.memory_space<hbm>>, %arg5: memref<16xf32, #tpu.memory_space<hbm>>, %arg6: memref<16xi32, #tpu.memory_space<hbm>>, %arg7: memref<16xi32, #tpu.memory_space<hbm>>, %arg8: memref<10240x128xf32, #tpu.memory_space<hbm>>, %arg9: memref<10240x128xf32, #tpu.memory_space<hbm>>, %arg10: memref<2x10240x128xf32, #tpu.memory_space<hbm>>, %arg11: memref<2000xi32, #tpu.memory_space<vmem>>, %arg12: memref<2000xi32, #tpu.memory_space<vmem>>, %arg13: memref<10240xf32, #tpu.memory_space<vmem>>, %arg14: memref<16xf32, #tpu.memory_space<vmem>>, %arg15: memref<16xi32, #tpu.memory_space<vmem>>, %arg16: memref<16xi32, #tpu.memory_space<vmem>>, %arg17: memref<8256xi32, #tpu.memory_space<vmem>>, %arg18: memref<8256xi32, #tpu.memory_space<vmem>>, %arg19: memref<64x128xf32, #tpu.memory_space<vmem>>, %arg20: memref<64x128xf32, #tpu.memory_space<vmem>>, %arg21: memref<10240x128xf32, #tpu.memory_space<vmem_shared>>, %arg22: memref<!tpu.dma_semaphore, #tpu.memory_space<semaphore_mem>>, %arg23: memref<!tpu.dma_semaphore, #tpu.memory_space<semaphore_mem>>) attributes {dimension_semantics = [#tpu.dimension_semantics<core_parallel>, #tpu.dimension_semantics<subcore_parallel>], iteration_bounds = array<i64: 2, 16>, scalar_prefetch = 0 : i64, scratch_operands = 13 : i64, tpu.core_type = #tpu.core_type<sc_vector_subcore>, window_params = [{transform_indices = #map}, {transform_indices = #map}, {transform_indices = #map}, {transform_indices = #map}, {transform_indices = #map}, {transform_indices = #map}, {transform_indices = #map1}, {transform_indices = #map1}, {transform_indices = #map2}]} {
    %mul3A = arith.constant 16 : i32
    %mul3A_0 = arith.muli %arg0, %mul3A : i32
    %add3A = arith.addi %mul3A_0, %arg1 : i32
    %mul3A_1 = arith.constant 10000 : i32
    %mul3A_2 = arith.muli %add3A, %mul3A_1 : i32
    "tpu.region"() ({
      %run_scoped3A = tpu.sem_alloc : memref<!tpu.dma_semaphore, #tpu.memory_space<semaphore_mem>>
      tpu.enqueue_dma source(%arg4 : memref<10240xf32, #tpu.memory_space<hbm>>) target(%arg13 : memref<10240xf32, #tpu.memory_space<vmem>>) target_semaphore(%run_scoped3A : memref<!tpu.dma_semaphore, #tpu.memory_space<semaphore_mem>>)
      tpu.wait_dma2 semaphore(%run_scoped3A : memref<!tpu.dma_semaphore, #tpu.memory_space<semaphore_mem>>) src(%arg4 : memref<10240xf32, #tpu.memory_space<hbm>>) dst(%arg13 : memref<10240xf32, #tpu.memory_space<vmem>>)
      tpu.yield
    }) : () -> ()
    "tpu.region"() ({
      %run_scoped3A = tpu.sem_alloc : memref<!tpu.dma_semaphore, #tpu.memory_space<semaphore_mem>>
      tpu.enqueue_dma source(%arg5 : memref<16xf32, #tpu.memory_space<hbm>>) target(%arg14 : memref<16xf32, #tpu.memory_space<vmem>>) target_semaphore(%run_scoped3A : memref<!tpu.dma_semaphore, #tpu.memory_space<semaphore_mem>>)
      tpu.wait_dma2 semaphore(%run_scoped3A : memref<!tpu.dma_semaphore, #tpu.memory_space<semaphore_mem>>) src(%arg5 : memref<16xf32, #tpu.memory_space<hbm>>) dst(%arg14 : memref<16xf32, #tpu.memory_space<vmem>>)
      tpu.yield
    }) : () -> ()
    "tpu.region"() ({
      %run_scoped3A = tpu.sem_alloc : memref<!tpu.dma_semaphore, #tpu.memory_space<semaphore_mem>>
      tpu.enqueue_dma source(%arg6 : memref<16xi32, #tpu.memory_space<hbm>>) target(%arg15 : memref<16xi32, #tpu.memory_space<vmem>>) target_semaphore(%run_scoped3A : memref<!tpu.dma_semaphore, #tpu.memory_space<semaphore_mem>>)
      tpu.wait_dma2 semaphore(%run_scoped3A : memref<!tpu.dma_semaphore, #tpu.memory_space<semaphore_mem>>) src(%arg6 : memref<16xi32, #tpu.memory_space<hbm>>) dst(%arg15 : memref<16xi32, #tpu.memory_space<vmem>>)
      tpu.yield
    }) : () -> ()
    "tpu.region"() ({
      %run_scoped3A = tpu.sem_alloc : memref<!tpu.dma_semaphore, #tpu.memory_space<semaphore_mem>>
      tpu.enqueue_dma source(%arg7 : memref<16xi32, #tpu.memory_space<hbm>>) target(%arg16 : memref<16xi32, #tpu.memory_space<vmem>>) target_semaphore(%run_scoped3A : memref<!tpu.dma_semaphore, #tpu.memory_space<semaphore_mem>>)
      tpu.wait_dma2 semaphore(%run_scoped3A : memref<!tpu.dma_semaphore, #tpu.memory_space<semaphore_mem>>) src(%arg7 : memref<16xi32, #tpu.memory_space<hbm>>) dst(%arg16 : memref<16xi32, #tpu.memory_space<vmem>>)
      tpu.yield
    }) : () -> ()
    %mul3A_3 = arith.constant 640 : i32
    %mul3A_4 = arith.muli %arg1, %mul3A_3 : i32
    %mul3A_5 = arith.constant 640 : i32
    %mul3A_6 = arith.muli %arg1, %mul3A_5 : i32
    "tpu.region"() ({
      %run_scoped3A = tpu.sem_alloc : memref<!tpu.dma_semaphore, #tpu.memory_space<semaphore_mem>>
      %dma_start3A = arith.constant 0 : i32
      %dma_start3A_159 = tpu.memref_slice %arg21[%mul3A_6, %dma_start3A] : memref<10240x128xf32, #tpu.memory_space<vmem_shared>> -> memref<640x128xf32, #tpu.memory_space<vmem_shared>>
      %dma_start3A_160 = arith.constant 0 : i32
      %dma_start3A_161 = tpu.memref_slice %arg9[%mul3A_4, %dma_start3A_160] : memref<10240x128xf32, #tpu.memory_space<hbm>> -> memref<640x128xf32, #tpu.memory_space<hbm>>
      tpu.enqueue_dma source(%dma_start3A_161 : memref<640x128xf32, #tpu.memory_space<hbm>>) target(%dma_start3A_159 : memref<640x128xf32, #tpu.memory_space<vmem_shared>>) target_semaphore(%run_scoped3A : memref<!tpu.dma_semaphore, #tpu.memory_space<semaphore_mem>>)
      %dma_wait3A = arith.constant 0 : i32
      %dma_wait3A_162 = tpu.memref_slice %arg21[%mul3A_6, %dma_wait3A] : memref<10240x128xf32, #tpu.memory_space<vmem_shared>> -> memref<640x128xf32, #tpu.memory_space<vmem_shared>>
      %dma_wait3A_163 = arith.constant 0 : i32
      %dma_wait3A_164 = tpu.memref_slice %arg9[%mul3A_4, %dma_wait3A_163] : memref<10240x128xf32, #tpu.memory_space<hbm>> -> memref<640x128xf32, #tpu.memory_space<hbm>>
      tpu.wait_dma2 semaphore(%run_scoped3A : memref<!tpu.dma_semaphore, #tpu.memory_space<semaphore_mem>>) src(%dma_wait3A_164 : memref<640x128xf32, #tpu.memory_space<hbm>>) dst(%dma_wait3A_162 : memref<640x128xf32, #tpu.memory_space<vmem_shared>>)
      tpu.yield
    }) : () -> ()
    %get3A = arith.constant 0 : index
    %get3A_7 = tpu.vector_load %arg14[%get3A] {strides = array<i32>} : memref<16xf32, #tpu.memory_space<vmem>>, vector<16xf32>,
    %get3A_8 = arith.constant 0 : index
    %get3A_9 = tpu.vector_load %arg15[%get3A_8] {strides = array<i32>} : memref<16xi32, #tpu.memory_space<vmem>>, vector<16xi32>,
    %get3A_10 = arith.constant 0 : index
    %get3A_11 = tpu.vector_load %arg16[%get3A_10] {strides = array<i32>} : memref<16xi32, #tpu.memory_space<vmem>>, vector<16xi32>,
    %broadcast_in_dim3A = arith.constant 0 : i32
    %broadcast_in_dim3A_12 = vector.broadcast %broadcast_in_dim3A : i32 to vector<16xi32>
    %add3A_13 = arith.constant 0 : i32
    %add3A_14 = arith.addi %mul3A_2, %add3A_13 : i32
    "tpu.region"() ({
      %run_scoped3A = tpu.sem_alloc : memref<!tpu.dma_semaphore, #tpu.memory_space<semaphore_mem>>
      %dma_start3A = tpu.memref_slice %arg2[%add3A_14] : memref<320000xi32, #tpu.memory_space<hbm>> -> memref<2000xi32, #tpu.memory_space<hbm>>
      %dma_start3A_159 = tpu.memref_slice %arg2[%add3A_14] : memref<320000xi32, #tpu.memory_space<hbm>> -> memref<2000xi32, #tpu.memory_space<hbm>>
      tpu.enqueue_dma source(%dma_start3A_159 : memref<2000xi32, #tpu.memory_space<hbm>>) target(%arg11 : memref<2000xi32, #tpu.memory_space<vmem>>) target_semaphore(%run_scoped3A : memref<!tpu.dma_semaphore, #tpu.memory_space<semaphore_mem>>)
      %dma_wait3A = tpu.memref_slice %arg2[%add3A_14] : memref<320000xi32, #tpu.memory_space<hbm>> -> memref<2000xi32, #tpu.memory_space<hbm>>
      %dma_wait3A_160 = tpu.memref_slice %arg2[%add3A_14] : memref<320000xi32, #tpu.memory_space<hbm>> -> memref<2000xi32, #tpu.memory_space<hbm>>
      tpu.wait_dma2 semaphore(%run_scoped3A : memref<!tpu.dma_semaphore, #tpu.memory_space<semaphore_mem>>) src(%dma_wait3A_160 : memref<2000xi32, #tpu.memory_space<hbm>>) dst(%arg11 : memref<2000xi32, #tpu.memory_space<vmem>>)
      tpu.yield
    }) : () -> ()
    "tpu.region"() ({
      %run_scoped3A = tpu.sem_alloc : memref<!tpu.dma_semaphore, #tpu.memory_space<semaphore_mem>>
      %dma_start3A = tpu.memref_slice %arg3[%add3A_14] : memref<320000xi32, #tpu.memory_space<hbm>> -> memref<2000xi32, #tpu.memory_space<hbm>>
      %dma_start3A_159 = tpu.memref_slice %arg3[%add3A_14] : memref<320000xi32, #tpu.memory_space<hbm>> -> memref<2000xi32, #tpu.memory_space<hbm>>
      tpu.enqueue_dma source(%dma_start3A_159 : memref<2000xi32, #tpu.memory_space<hbm>>) target(%arg12 : memref<2000xi32, #tpu.memory_space<vmem>>) target_semaphore(%run_scoped3A : memref<!tpu.dma_semaphore, #tpu.memory_space<semaphore_mem>>)
      %dma_wait3A = tpu.memref_slice %arg3[%add3A_14] : memref<320000xi32, #tpu.memory_space<hbm>> -> memref<2000xi32, #tpu.memory_space<hbm>>
      %dma_wait3A_160 = tpu.memref_slice %arg3[%add3A_14] : memref<320000xi32, #tpu.memory_space<hbm>> -> memref<2000xi32, #tpu.memory_space<hbm>>
      tpu.wait_dma2 semaphore(%run_scoped3A : memref<!tpu.dma_semaphore, #tpu.memory_space<semaphore_mem>>) src(%dma_wait3A_160 : memref<2000xi32, #tpu.memory_space<hbm>>) dst(%arg12 : memref<2000xi32, #tpu.memory_space<vmem>>)
      tpu.yield
    }) : () -> ()
    %scan3A = arith.constant 0 : i32
    %scan3A_15 = arith.constant 125 : i32
    %scan3A_16 = arith.addi %scan3A, %scan3A_15 : i32
    %scan3A_17 = arith.constant 1 : i32
    %scan3A_18 = scf.for %scan3A_159 = %scan3A to %scan3A_16 step %scan3A_17 iter_args(%scan3A_160 = %broadcast_in_dim3A_12) -> (vector<16xi32>)  : i32 {
      %mul3A_161 = arith.constant 16 : i32
      %mul3A_162 = arith.muli %scan3A_159, %mul3A_161 : i32
      %get3A_163 = arith.index_cast %mul3A_162 : i32 to index
      %get3A_164 = tpu.vector_load %arg11[%get3A_163] {strides = array<i32>} : memref<2000xi32, #tpu.memory_space<vmem>>, vector<16xi32>,
      %mul3A_165 = arith.constant 16 : i32
      %mul3A_166 = arith.muli %scan3A_159, %mul3A_165 : i32
      %get3A_167 = arith.index_cast %mul3A_166 : i32 to index
      %get3A_168 = tpu.vector_load %arg12[%get3A_167] {strides = array<i32>} : memref<2000xi32, #tpu.memory_space<vmem>>, vector<16xi32>,
      %gather3A = tpu.vector_load_idx %arg13[%get3A_164] : memref<10240xf32, #tpu.memory_space<vmem>>[vector<16xi32>], vector<16xf32>,
      %mul3A_169 = arith.constant 16 : i32
      %mul3A_170 = arith.muli %scan3A_159, %mul3A_169 : i32
      %add3A_171 = arith.addi %add3A_14, %mul3A_170 : i32
      %iota3A_172 = tpu.iota {dimensions = array<i32: 0>} : vector<16xi32>
      %add3A_173 = vector.broadcast %add3A_171 : i32 to vector<16xi32>
      %add3A_174 = arith.addi %add3A_173, %iota3A_172 : vector<16xi32>
      %gt3A_175 = arith.cmpf ogt, %gather3A, %get3A_7 : vector<16xf32>
      %eq3A = arith.cmpi eq, %get3A_164, %get3A_9 : vector<16xi32>
      %lt3A = arith.cmpi slt, %add3A_174, %get3A_11 : vector<16xi32>
      %and3A_176 = arith.andi %eq3A, %lt3A : vector<16xi1>
      %or3A = arith.ori %gt3A_175, %and3A_176 : vector<16xi1>
      %convert_element_type3A_177 = arith.extui %or3A : vector<16xi1> to vector<16xi32>
      %broadcast_in_dim3A_178 = arith.constant true
      %broadcast_in_dim3A_179 = vector.broadcast %broadcast_in_dim3A_178 : i1 to vector<16xi1>
      %masked_cumsum3A = tpu.scan <sum>, %convert_element_type3A_177 masked %broadcast_in_dim3A_179 : vector<16xi32>, vector<16xi1> -> vector<16xi32>
      %add3A_180 = arith.addi %scan3A_160, %masked_cumsum3A : vector<16xi32>
      %sub3A_181 = arith.constant 1 : i32
      %sub3A_182 = vector.broadcast %sub3A_181 : i32 to vector<16xi32>
      %sub3A_183 = arith.subi %add3A_180, %sub3A_182 : vector<16xi32>
      tpu.vector_store_idx %arg17[%sub3A_183], %get3A_164 masked %or3A : memref<8256xi32, #tpu.memory_space<vmem>>[vector<16xi32>], vector<16xi32>, vector<16xi1>
      tpu.vector_store_idx %arg18[%sub3A_183], %get3A_168 masked %or3A : memref<8256xi32, #tpu.memory_space<vmem>>[vector<16xi32>], vector<16xi32>, vector<16xi1>
      %reduce_sum3A = arith.constant true
      %reduce_sum3A_184 = vector.broadcast %reduce_sum3A : i1 to vector<16xi1>
      %reduce_sum3A_185 = tpu.scan <sum>, %convert_element_type3A_177 masked %reduce_sum3A_184 : vector<16xi32>, vector<16xi1> -> vector<16xi32>
      %reduce_sum3A_186 = vector.extract %reduce_sum3A_185[15] : i32 from vector<16xi32>
      %add3A_187 = vector.broadcast %reduce_sum3A_186 : i32 to vector<16xi32>
      %add3A_188 = arith.addi %scan3A_160, %add3A_187 : vector<16xi32>
      scf.yield %add3A_188 : vector<16xi32>
    }
    %scan3A_19 = arith.constant 125 : i32
    %add3A_20 = arith.constant 2000 : i32
    %add3A_21 = arith.addi %mul3A_2, %add3A_20 : i32
    "tpu.region"() ({
      %run_scoped3A = tpu.sem_alloc : memref<!tpu.dma_semaphore, #tpu.memory_space<semaphore_mem>>
      %dma_start3A = tpu.memref_slice %arg2[%add3A_21] : memref<320000xi32, #tpu.memory_space<hbm>> -> memref<2000xi32, #tpu.memory_space<hbm>>
      %dma_start3A_159 = tpu.memref_slice %arg2[%add3A_21] : memref<320000xi32, #tpu.memory_space<hbm>> -> memref<2000xi32, #tpu.memory_space<hbm>>
      tpu.enqueue_dma source(%dma_start3A_159 : memref<2000xi32, #tpu.memory_space<hbm>>) target(%arg11 : memref<2000xi32, #tpu.memory_space<vmem>>) target_semaphore(%run_scoped3A : memref<!tpu.dma_semaphore, #tpu.memory_space<semaphore_mem>>)
      %dma_wait3A = tpu.memref_slice %arg2[%add3A_21] : memref<320000xi32, #tpu.memory_space<hbm>> -> memref<2000xi32, #tpu.memory_space<hbm>>
      %dma_wait3A_160 = tpu.memref_slice %arg2[%add3A_21] : memref<320000xi32, #tpu.memory_space<hbm>> -> memref<2000xi32, #tpu.memory_space<hbm>>
      tpu.wait_dma2 semaphore(%run_scoped3A : memref<!tpu.dma_semaphore, #tpu.memory_space<semaphore_mem>>) src(%dma_wait3A_160 : memref<2000xi32, #tpu.memory_space<hbm>>) dst(%arg11 : memref<2000xi32, #tpu.memory_space<vmem>>)
      tpu.yield
    }) : () -> ()
    "tpu.region"() ({
      %run_scoped3A = tpu.sem_alloc : memref<!tpu.dma_semaphore, #tpu.memory_space<semaphore_mem>>
      %dma_start3A = tpu.memref_slice %arg3[%add3A_21] : memref<320000xi32, #tpu.memory_space<hbm>> -> memref<2000xi32, #tpu.memory_space<hbm>>
      %dma_start3A_159 = tpu.memref_slice %arg3[%add3A_21] : memref<320000xi32, #tpu.memory_space<hbm>> -> memref<2000xi32, #tpu.memory_space<hbm>>
      tpu.enqueue_dma source(%dma_start3A_159 : memref<2000xi32, #tpu.memory_space<hbm>>) target(%arg12 : memref<2000xi32, #tpu.memory_space<vmem>>) target_semaphore(%run_scoped3A : memref<!tpu.dma_semaphore, #tpu.memory_space<semaphore_mem>>)
      %dma_wait3A = tpu.memref_slice %arg3[%add3A_21] : memref<320000xi32, #tpu.memory_space<hbm>> -> memref<2000xi32, #tpu.memory_space<hbm>>
      %dma_wait3A_160 = tpu.memref_slice %arg3[%add3A_21] : memref<320000xi32, #tpu.memory_space<hbm>> -> memref<2000xi32, #tpu.memory_space<hbm>>
      tpu.wait_dma2 semaphore(%run_scoped3A : memref<!tpu.dma_semaphore, #tpu.memory_space<semaphore_mem>>) src(%dma_wait3A_160 : memref<2000xi32, #tpu.memory_space<hbm>>) dst(%arg12 : memref<2000xi32, #tpu.memory_space<vmem>>)
      tpu.yield
    }) : () -> ()
    %scan3A_22 = arith.constant 0 : i32
    %scan3A_23 = arith.constant 125 : i32
    %scan3A_24 = arith.addi %scan3A_22, %scan3A_23 : i32
    %scan3A_25 = arith.constant 1 : i32
    %scan3A_26 = scf.for %scan3A_159 = %scan3A_22 to %scan3A_24 step %scan3A_25 iter_args(%scan3A_160 = %scan3A_18) -> (vector<16xi32>)  : i32 {
      %mul3A_161 = arith.constant 16 : i32
      %mul3A_162 = arith.muli %scan3A_159, %mul3A_161 : i32
      %get3A_163 = arith.index_cast %mul3A_162 : i32 to index
      %get3A_164 = tpu.vector_load %arg11[%get3A_163] {strides = array<i32>} : memref<2000xi32, #tpu.memory_space<vmem>>, vector<16xi32>,
      %mul3A_165 = arith.constant 16 : i32
      %mul3A_166 = arith.muli %scan3A_159, %mul3A_165 : i32
      %get3A_167 = arith.index_cast %mul3A_166 : i32 to index
      %get3A_168 = tpu.vector_load %arg12[%get3A_167] {strides = array<i32>} : memref<2000xi32, #tpu.memory_space<vmem>>, vector<16xi32>,
      %gather3A = tpu.vector_load_idx %arg13[%get3A_164] : memref<10240xf32, #tpu.memory_space<vmem>>[vector<16xi32>], vector<16xf32>,
      %mul3A_169 = arith.constant 16 : i32
      %mul3A_170 = arith.muli %scan3A_159, %mul3A_169 : i32
      %add3A_171 = arith.addi %add3A_21, %mul3A_170 : i32
      %iota3A_172 = tpu.iota {dimensions = array<i32: 0>} : vector<16xi32>
      %add3A_173 = vector.broadcast %add3A_171 : i32 to vector<16xi32>
      %add3A_174 = arith.addi %add3A_173, %iota3A_172 : vector<16xi32>
      %gt3A_175 = arith.cmpf ogt, %gather3A, %get3A_7 : vector<16xf32>
      %eq3A = arith.cmpi eq, %get3A_164, %get3A_9 : vector<16xi32>
      %lt3A = arith.cmpi slt, %add3A_174, %get3A_11 : vector<16xi32>
      %and3A_176 = arith.andi %eq3A, %lt3A : vector<16xi1>
      %or3A = arith.ori %gt3A_175, %and3A_176 : vector<16xi1>
      %convert_element_type3A_177 = arith.extui %or3A : vector<16xi1> to vector<16xi32>
      %broadcast_in_dim3A_178 = arith.constant true
      %broadcast_in_dim3A_179 = vector.broadcast %broadcast_in_dim3A_178 : i1 to vector<16xi1>
      %masked_cumsum3A = tpu.scan <sum>, %convert_element_type3A_177 masked %broadcast_in_dim3A_179 : vector<16xi32>, vector<16xi1> -> vector<16xi32>
      %add3A_180 = arith.addi %scan3A_160, %masked_cumsum3A : vector<16xi32>
      %sub3A_181 = arith.constant 1 : i32
      %sub3A_182 = vector.broadcast %sub3A_181 : i32 to vector<16xi32>
      %sub3A_183 = arith.subi %add3A_180, %sub3A_182 : vector<16xi32>
      tpu.vector_store_idx %arg17[%sub3A_183], %get3A_164 masked %or3A : memref<8256xi32, #tpu.memory_space<vmem>>[vector<16xi32>], vector<16xi32>, vector<16xi1>
      tpu.vector_store_idx %arg18[%sub3A_183], %get3A_168 masked %or3A : memref<8256xi32, #tpu.memory_space<vmem>>[vector<16xi32>], vector<16xi32>, vector<16xi1>
      %reduce_sum3A = arith.constant true
      %reduce_sum3A_184 = vector.broadcast %reduce_sum3A : i1 to vector<16xi1>
      %reduce_sum3A_185 = tpu.scan <sum>, %convert_element_type3A_177 masked %reduce_sum3A_184 : vector<16xi32>, vector<16xi1> -> vector<16xi32>
      %reduce_sum3A_186 = vector.extract %reduce_sum3A_185[15] : i32 from vector<16xi32>
      %add3A_187 = vector.broadcast %reduce_sum3A_186 : i32 to vector<16xi32>
      %add3A_188 = arith.addi %scan3A_160, %add3A_187 : vector<16xi32>
      scf.yield %add3A_188 : vector<16xi32>
    }
    %scan3A_27 = arith.constant 125 : i32
    %add3A_28 = arith.constant 4000 : i32
    %add3A_29 = arith.addi %mul3A_2, %add3A_28 : i32
    "tpu.region"() ({
      %run_scoped3A = tpu.sem_alloc : memref<!tpu.dma_semaphore, #tpu.memory_space<semaphore_mem>>
      %dma_start3A = tpu.memref_slice %arg2[%add3A_29] : memref<320000xi32, #tpu.memory_space<hbm>> -> memref<2000xi32, #tpu.memory_space<hbm>>
      %dma_start3A_159 = tpu.memref_slice %arg2[%add3A_29] : memref<320000xi32, #tpu.memory_space<hbm>> -> memref<2000xi32, #tpu.memory_space<hbm>>
      tpu.enqueue_dma source(%dma_start3A_159 : memref<2000xi32, #tpu.memory_space<hbm>>) target(%arg11 : memref<2000xi32, #tpu.memory_space<vmem>>) target_semaphore(%run_scoped3A : memref<!tpu.dma_semaphore, #tpu.memory_space<semaphore_mem>>)
      %dma_wait3A = tpu.memref_slice %arg2[%add3A_29] : memref<320000xi32, #tpu.memory_space<hbm>> -> memref<2000xi32, #tpu.memory_space<hbm>>
      %dma_wait3A_160 = tpu.memref_slice %arg2[%add3A_29] : memref<320000xi32, #tpu.memory_space<hbm>> -> memref<2000xi32, #tpu.memory_space<hbm>>
      tpu.wait_dma2 semaphore(%run_scoped3A : memref<!tpu.dma_semaphore, #tpu.memory_space<semaphore_mem>>) src(%dma_wait3A_160 : memref<2000xi32, #tpu.memory_space<hbm>>) dst(%arg11 : memref<2000xi32, #tpu.memory_space<vmem>>)
      tpu.yield
    }) : () -> ()
    "tpu.region"() ({
      %run_scoped3A = tpu.sem_alloc : memref<!tpu.dma_semaphore, #tpu.memory_space<semaphore_mem>>
      %dma_start3A = tpu.memref_slice %arg3[%add3A_29] : memref<320000xi32, #tpu.memory_space<hbm>> -> memref<2000xi32, #tpu.memory_space<hbm>>
      %dma_start3A_159 = tpu.memref_slice %arg3[%add3A_29] : memref<320000xi32, #tpu.memory_space<hbm>> -> memref<2000xi32, #tpu.memory_space<hbm>>
      tpu.enqueue_dma source(%dma_start3A_159 : memref<2000xi32, #tpu.memory_space<hbm>>) target(%arg12 : memref<2000xi32, #tpu.memory_space<vmem>>) target_semaphore(%run_scoped3A : memref<!tpu.dma_semaphore, #tpu.memory_space<semaphore_mem>>)
      %dma_wait3A = tpu.memref_slice %arg3[%add3A_29] : memref<320000xi32, #tpu.memory_space<hbm>> -> memref<2000xi32, #tpu.memory_space<hbm>>
      %dma_wait3A_160 = tpu.memref_slice %arg3[%add3A_29] : memref<320000xi32, #tpu.memory_space<hbm>> -> memref<2000xi32, #tpu.memory_space<hbm>>
      tpu.wait_dma2 semaphore(%run_scoped3A : memref<!tpu.dma_semaphore, #tpu.memory_space<semaphore_mem>>) src(%dma_wait3A_160 : memref<2000xi32, #tpu.memory_space<hbm>>) dst(%arg12 : memref<2000xi32, #tpu.memory_space<vmem>>)
      tpu.yield
    }) : () -> ()
    %scan3A_30 = arith.constant 0 : i32
    %scan3A_31 = arith.constant 125 : i32
    %scan3A_32 = arith.addi %scan3A_30, %scan3A_31 : i32
    %scan3A_33 = arith.constant 1 : i32
    %scan3A_34 = scf.for %scan3A_159 = %scan3A_30 to %scan3A_32 step %scan3A_33 iter_args(%scan3A_160 = %scan3A_26) -> (vector<16xi32>)  : i32 {
      %mul3A_161 = arith.constant 16 : i32
      %mul3A_162 = arith.muli %scan3A_159, %mul3A_161 : i32
      %get3A_163 = arith.index_cast %mul3A_162 : i32 to index
      %get3A_164 = tpu.vector_load %arg11[%get3A_163] {strides = array<i32>} : memref<2000xi32, #tpu.memory_space<vmem>>, vector<16xi32>,
      %mul3A_165 = arith.constant 16 : i32
      %mul3A_166 = arith.muli %scan3A_159, %mul3A_165 : i32
      %get3A_167 = arith.index_cast %mul3A_166 : i32 to index
      %get3A_168 = tpu.vector_load %arg12[%get3A_167] {strides = array<i32>} : memref<2000xi32, #tpu.memory_space<vmem>>, vector<16xi32>,
      %gather3A = tpu.vector_load_idx %arg13[%get3A_164] : memref<10240xf32, #tpu.memory_space<vmem>>[vector<16xi32>], vector<16xf32>,
      %mul3A_169 = arith.constant 16 : i32
      %mul3A_170 = arith.muli %scan3A_159, %mul3A_169 : i32
      %add3A_171 = arith.addi %add3A_29, %mul3A_170 : i32
      %iota3A_172 = tpu.iota {dimensions = array<i32: 0>} : vector<16xi32>
      %add3A_173 = vector.broadcast %add3A_171 : i32 to vector<16xi32>
      %add3A_174 = arith.addi %add3A_173, %iota3A_172 : vector<16xi32>
      %gt3A_175 = arith.cmpf ogt, %gather3A, %get3A_7 : vector<16xf32>
      %eq3A = arith.cmpi eq, %get3A_164, %get3A_9 : vector<16xi32>
      %lt3A = arith.cmpi slt, %add3A_174, %get3A_11 : vector<16xi32>
      %and3A_176 = arith.andi %eq3A, %lt3A : vector<16xi1>
      %or3A = arith.ori %gt3A_175, %and3A_176 : vector<16xi1>
      %convert_element_type3A_177 = arith.extui %or3A : vector<16xi1> to vector<16xi32>
      %broadcast_in_dim3A_178 = arith.constant true
      %broadcast_in_dim3A_179 = vector.broadcast %broadcast_in_dim3A_178 : i1 to vector<16xi1>
      %masked_cumsum3A = tpu.scan <sum>, %convert_element_type3A_177 masked %broadcast_in_dim3A_179 : vector<16xi32>, vector<16xi1> -> vector<16xi32>
      %add3A_180 = arith.addi %scan3A_160, %masked_cumsum3A : vector<16xi32>
      %sub3A_181 = arith.constant 1 : i32
      %sub3A_182 = vector.broadcast %sub3A_181 : i32 to vector<16xi32>
      %sub3A_183 = arith.subi %add3A_180, %sub3A_182 : vector<16xi32>
      tpu.vector_store_idx %arg17[%sub3A_183], %get3A_164 masked %or3A : memref<8256xi32, #tpu.memory_space<vmem>>[vector<16xi32>], vector<16xi32>, vector<16xi1>
      tpu.vector_store_idx %arg18[%sub3A_183], %get3A_168 masked %or3A : memref<8256xi32, #tpu.memory_space<vmem>>[vector<16xi32>], vector<16xi32>, vector<16xi1>
      %reduce_sum3A = arith.constant true
      %reduce_sum3A_184 = vector.broadcast %reduce_sum3A : i1 to vector<16xi1>
      %reduce_sum3A_185 = tpu.scan <sum>, %convert_element_type3A_177 masked %reduce_sum3A_184 : vector<16xi32>, vector<16xi1> -> vector<16xi32>
      %reduce_sum3A_186 = vector.extract %reduce_sum3A_185[15] : i32 from vector<16xi32>
      %add3A_187 = vector.broadcast %reduce_sum3A_186 : i32 to vector<16xi32>
      %add3A_188 = arith.addi %scan3A_160, %add3A_187 : vector<16xi32>
      scf.yield %add3A_188 : vector<16xi32>
    }
    %scan3A_35 = arith.constant 125 : i32
    %add3A_36 = arith.constant 6000 : i32
    %add3A_37 = arith.addi %mul3A_2, %add3A_36 : i32
    "tpu.region"() ({
      %run_scoped3A = tpu.sem_alloc : memref<!tpu.dma_semaphore, #tpu.memory_space<semaphore_mem>>
      %dma_start3A = tpu.memref_slice %arg2[%add3A_37] : memref<320000xi32, #tpu.memory_space<hbm>> -> memref<2000xi32, #tpu.memory_space<hbm>>
      %dma_start3A_159 = tpu.memref_slice %arg2[%add3A_37] : memref<320000xi32, #tpu.memory_space<hbm>> -> memref<2000xi32, #tpu.memory_space<hbm>>
      tpu.enqueue_dma source(%dma_start3A_159 : memref<2000xi32, #tpu.memory_space<hbm>>) target(%arg11 : memref<2000xi32, #tpu.memory_space<vmem>>) target_semaphore(%run_scoped3A : memref<!tpu.dma_semaphore, #tpu.memory_space<semaphore_mem>>)
      %dma_wait3A = tpu.memref_slice %arg2[%add3A_37] : memref<320000xi32, #tpu.memory_space<hbm>> -> memref<2000xi32, #tpu.memory_space<hbm>>
      %dma_wait3A_160 = tpu.memref_slice %arg2[%add3A_37] : memref<320000xi32, #tpu.memory_space<hbm>> -> memref<2000xi32, #tpu.memory_space<hbm>>
      tpu.wait_dma2 semaphore(%run_scoped3A : memref<!tpu.dma_semaphore, #tpu.memory_space<semaphore_mem>>) src(%dma_wait3A_160 : memref<2000xi32, #tpu.memory_space<hbm>>) dst(%arg11 : memref<2000xi32, #tpu.memory_space<vmem>>)
      tpu.yield
    }) : () -> ()
    "tpu.region"() ({
      %run_scoped3A = tpu.sem_alloc : memref<!tpu.dma_semaphore, #tpu.memory_space<semaphore_mem>>
      %dma_start3A = tpu.memref_slice %arg3[%add3A_37] : memref<320000xi32, #tpu.memory_space<hbm>> -> memref<2000xi32, #tpu.memory_space<hbm>>
      %dma_start3A_159 = tpu.memref_slice %arg3[%add3A_37] : memref<320000xi32, #tpu.memory_space<hbm>> -> memref<2000xi32, #tpu.memory_space<hbm>>
      tpu.enqueue_dma source(%dma_start3A_159 : memref<2000xi32, #tpu.memory_space<hbm>>) target(%arg12 : memref<2000xi32, #tpu.memory_space<vmem>>) target_semaphore(%run_scoped3A : memref<!tpu.dma_semaphore, #tpu.memory_space<semaphore_mem>>)
      %dma_wait3A = tpu.memref_slice %arg3[%add3A_37] : memref<320000xi32, #tpu.memory_space<hbm>> -> memref<2000xi32, #tpu.memory_space<hbm>>
      %dma_wait3A_160 = tpu.memref_slice %arg3[%add3A_37] : memref<320000xi32, #tpu.memory_space<hbm>> -> memref<2000xi32, #tpu.memory_space<hbm>>
      tpu.wait_dma2 semaphore(%run_scoped3A : memref<!tpu.dma_semaphore, #tpu.memory_space<semaphore_mem>>) src(%dma_wait3A_160 : memref<2000xi32, #tpu.memory_space<hbm>>) dst(%arg12 : memref<2000xi32, #tpu.memory_space<vmem>>)
      tpu.yield
    }) : () -> ()
    %scan3A_38 = arith.constant 0 : i32
    %scan3A_39 = arith.constant 125 : i32
    %scan3A_40 = arith.addi %scan3A_38, %scan3A_39 : i32
    %scan3A_41 = arith.constant 1 : i32
    %scan3A_42 = scf.for %scan3A_159 = %scan3A_38 to %scan3A_40 step %scan3A_41 iter_args(%scan3A_160 = %scan3A_34) -> (vector<16xi32>)  : i32 {
      %mul3A_161 = arith.constant 16 : i32
      %mul3A_162 = arith.muli %scan3A_159, %mul3A_161 : i32
      %get3A_163 = arith.index_cast %mul3A_162 : i32 to index
      %get3A_164 = tpu.vector_load %arg11[%get3A_163] {strides = array<i32>} : memref<2000xi32, #tpu.memory_space<vmem>>, vector<16xi32>,
      %mul3A_165 = arith.constant 16 : i32
      %mul3A_166 = arith.muli %scan3A_159, %mul3A_165 : i32
      %get3A_167 = arith.index_cast %mul3A_166 : i32 to index
      %get3A_168 = tpu.vector_load %arg12[%get3A_167] {strides = array<i32>} : memref<2000xi32, #tpu.memory_space<vmem>>, vector<16xi32>,
      %gather3A = tpu.vector_load_idx %arg13[%get3A_164] : memref<10240xf32, #tpu.memory_space<vmem>>[vector<16xi32>], vector<16xf32>,
      %mul3A_169 = arith.constant 16 : i32
      %mul3A_170 = arith.muli %scan3A_159, %mul3A_169 : i32
      %add3A_171 = arith.addi %add3A_37, %mul3A_170 : i32
      %iota3A_172 = tpu.iota {dimensions = array<i32: 0>} : vector<16xi32>
      %add3A_173 = vector.broadcast %add3A_171 : i32 to vector<16xi32>
      %add3A_174 = arith.addi %add3A_173, %iota3A_172 : vector<16xi32>
      %gt3A_175 = arith.cmpf ogt, %gather3A, %get3A_7 : vector<16xf32>
      %eq3A = arith.cmpi eq, %get3A_164, %get3A_9 : vector<16xi32>
      %lt3A = arith.cmpi slt, %add3A_174, %get3A_11 : vector<16xi32>
      %and3A_176 = arith.andi %eq3A, %lt3A : vector<16xi1>
      %or3A = arith.ori %gt3A_175, %and3A_176 : vector<16xi1>
      %convert_element_type3A_177 = arith.extui %or3A : vector<16xi1> to vector<16xi32>
      %broadcast_in_dim3A_178 = arith.constant true
      %broadcast_in_dim3A_179 = vector.broadcast %broadcast_in_dim3A_178 : i1 to vector<16xi1>
      %masked_cumsum3A = tpu.scan <sum>, %convert_element_type3A_177 masked %broadcast_in_dim3A_179 : vector<16xi32>, vector<16xi1> -> vector<16xi32>
      %add3A_180 = arith.addi %scan3A_160, %masked_cumsum3A : vector<16xi32>
      %sub3A_181 = arith.constant 1 : i32
      %sub3A_182 = vector.broadcast %sub3A_181 : i32 to vector<16xi32>
      %sub3A_183 = arith.subi %add3A_180, %sub3A_182 : vector<16xi32>
      tpu.vector_store_idx %arg17[%sub3A_183], %get3A_164 masked %or3A : memref<8256xi32, #tpu.memory_space<vmem>>[vector<16xi32>], vector<16xi32>, vector<16xi1>
      tpu.vector_store_idx %arg18[%sub3A_183], %get3A_168 masked %or3A : memref<8256xi32, #tpu.memory_space<vmem>>[vector<16xi32>], vector<16xi32>, vector<16xi1>
      %reduce_sum3A = arith.constant true
      %reduce_sum3A_184 = vector.broadcast %reduce_sum3A : i1 to vector<16xi1>
      %reduce_sum3A_185 = tpu.scan <sum>, %convert_element_type3A_177 masked %reduce_sum3A_184 : vector<16xi32>, vector<16xi1> -> vector<16xi32>
      %reduce_sum3A_186 = vector.extract %reduce_sum3A_185[15] : i32 from vector<16xi32>
      %add3A_187 = vector.broadcast %reduce_sum3A_186 : i32 to vector<16xi32>
      %add3A_188 = arith.addi %scan3A_160, %add3A_187 : vector<16xi32>
      scf.yield %add3A_188 : vector<16xi32>
    }
    %scan3A_43 = arith.constant 125 : i32
    %add3A_44 = arith.constant 8000 : i32
    %add3A_45 = arith.addi %mul3A_2, %add3A_44 : i32
    "tpu.region"() ({
      %run_scoped3A = tpu.sem_alloc : memref<!tpu.dma_semaphore, #tpu.memory_space<semaphore_mem>>
      %dma_start3A = tpu.memref_slice %arg2[%add3A_45] : memref<320000xi32, #tpu.memory_space<hbm>> -> memref<2000xi32, #tpu.memory_space<hbm>>
      %dma_start3A_159 = tpu.memref_slice %arg2[%add3A_45] : memref<320000xi32, #tpu.memory_space<hbm>> -> memref<2000xi32, #tpu.memory_space<hbm>>
      tpu.enqueue_dma source(%dma_start3A_159 : memref<2000xi32, #tpu.memory_space<hbm>>) target(%arg11 : memref<2000xi32, #tpu.memory_space<vmem>>) target_semaphore(%run_scoped3A : memref<!tpu.dma_semaphore, #tpu.memory_space<semaphore_mem>>)
      %dma_wait3A = tpu.memref_slice %arg2[%add3A_45] : memref<320000xi32, #tpu.memory_space<hbm>> -> memref<2000xi32, #tpu.memory_space<hbm>>
      %dma_wait3A_160 = tpu.memref_slice %arg2[%add3A_45] : memref<320000xi32, #tpu.memory_space<hbm>> -> memref<2000xi32, #tpu.memory_space<hbm>>
      tpu.wait_dma2 semaphore(%run_scoped3A : memref<!tpu.dma_semaphore, #tpu.memory_space<semaphore_mem>>) src(%dma_wait3A_160 : memref<2000xi32, #tpu.memory_space<hbm>>) dst(%arg11 : memref<2000xi32, #tpu.memory_space<vmem>>)
      tpu.yield
    }) : () -> ()
    "tpu.region"() ({
      %run_scoped3A = tpu.sem_alloc : memref<!tpu.dma_semaphore, #tpu.memory_space<semaphore_mem>>
      %dma_start3A = tpu.memref_slice %arg3[%add3A_45] : memref<320000xi32, #tpu.memory_space<hbm>> -> memref<2000xi32, #tpu.memory_space<hbm>>
      %dma_start3A_159 = tpu.memref_slice %arg3[%add3A_45] : memref<320000xi32, #tpu.memory_space<hbm>> -> memref<2000xi32, #tpu.memory_space<hbm>>
      tpu.enqueue_dma source(%dma_start3A_159 : memref<2000xi32, #tpu.memory_space<hbm>>) target(%arg12 : memref<2000xi32, #tpu.memory_space<vmem>>) target_semaphore(%run_scoped3A : memref<!tpu.dma_semaphore, #tpu.memory_space<semaphore_mem>>)
      %dma_wait3A = tpu.memref_slice %arg3[%add3A_45] : memref<320000xi32, #tpu.memory_space<hbm>> -> memref<2000xi32, #tpu.memory_space<hbm>>
      %dma_wait3A_160 = tpu.memref_slice %arg3[%add3A_45] : memref<320000xi32, #tpu.memory_space<hbm>> -> memref<2000xi32, #tpu.memory_space<hbm>>
      tpu.wait_dma2 semaphore(%run_scoped3A : memref<!tpu.dma_semaphore, #tpu.memory_space<semaphore_mem>>) src(%dma_wait3A_160 : memref<2000xi32, #tpu.memory_space<hbm>>) dst(%arg12 : memref<2000xi32, #tpu.memory_space<vmem>>)
      tpu.yield
    }) : () -> ()
    %scan3A_46 = arith.constant 0 : i32
    %scan3A_47 = arith.constant 125 : i32
    %scan3A_48 = arith.addi %scan3A_46, %scan3A_47 : i32
    %scan3A_49 = arith.constant 1 : i32
    %scan3A_50 = scf.for %scan3A_159 = %scan3A_46 to %scan3A_48 step %scan3A_49 iter_args(%scan3A_160 = %scan3A_42) -> (vector<16xi32>)  : i32 {
      %mul3A_161 = arith.constant 16 : i32
      %mul3A_162 = arith.muli %scan3A_159, %mul3A_161 : i32
      %get3A_163 = arith.index_cast %mul3A_162 : i32 to index
      %get3A_164 = tpu.vector_load %arg11[%get3A_163] {strides = array<i32>} : memref<2000xi32, #tpu.memory_space<vmem>>, vector<16xi32>,
      %mul3A_165 = arith.constant 16 : i32
      %mul3A_166 = arith.muli %scan3A_159, %mul3A_165 : i32
      %get3A_167 = arith.index_cast %mul3A_166 : i32 to index
      %get3A_168 = tpu.vector_load %arg12[%get3A_167] {strides = array<i32>} : memref<2000xi32, #tpu.memory_space<vmem>>, vector<16xi32>,
      %gather3A = tpu.vector_load_idx %arg13[%get3A_164] : memref<10240xf32, #tpu.memory_space<vmem>>[vector<16xi32>], vector<16xf32>,
      %mul3A_169 = arith.constant 16 : i32
      %mul3A_170 = arith.muli %scan3A_159, %mul3A_169 : i32
      %add3A_171 = arith.addi %add3A_45, %mul3A_170 : i32
      %iota3A_172 = tpu.iota {dimensions = array<i32: 0>} : vector<16xi32>
      %add3A_173 = vector.broadcast %add3A_171 : i32 to vector<16xi32>
      %add3A_174 = arith.addi %add3A_173, %iota3A_172 : vector<16xi32>
      %gt3A_175 = arith.cmpf ogt, %gather3A, %get3A_7 : vector<16xf32>
      %eq3A = arith.cmpi eq, %get3A_164, %get3A_9 : vector<16xi32>
      %lt3A = arith.cmpi slt, %add3A_174, %get3A_11 : vector<16xi32>
      %and3A_176 = arith.andi %eq3A, %lt3A : vector<16xi1>
      %or3A = arith.ori %gt3A_175, %and3A_176 : vector<16xi1>
      %convert_element_type3A_177 = arith.extui %or3A : vector<16xi1> to vector<16xi32>
      %broadcast_in_dim3A_178 = arith.constant true
      %broadcast_in_dim3A_179 = vector.broadcast %broadcast_in_dim3A_178 : i1 to vector<16xi1>
      %masked_cumsum3A = tpu.scan <sum>, %convert_element_type3A_177 masked %broadcast_in_dim3A_179 : vector<16xi32>, vector<16xi1> -> vector<16xi32>
      %add3A_180 = arith.addi %scan3A_160, %masked_cumsum3A : vector<16xi32>
      %sub3A_181 = arith.constant 1 : i32
      %sub3A_182 = vector.broadcast %sub3A_181 : i32 to vector<16xi32>
      %sub3A_183 = arith.subi %add3A_180, %sub3A_182 : vector<16xi32>
      tpu.vector_store_idx %arg17[%sub3A_183], %get3A_164 masked %or3A : memref<8256xi32, #tpu.memory_space<vmem>>[vector<16xi32>], vector<16xi32>, vector<16xi1>
      tpu.vector_store_idx %arg18[%sub3A_183], %get3A_168 masked %or3A : memref<8256xi32, #tpu.memory_space<vmem>>[vector<16xi32>], vector<16xi32>, vector<16xi1>
      %reduce_sum3A = arith.constant true
      %reduce_sum3A_184 = vector.broadcast %reduce_sum3A : i1 to vector<16xi1>
      %reduce_sum3A_185 = tpu.scan <sum>, %convert_element_type3A_177 masked %reduce_sum3A_184 : vector<16xi32>, vector<16xi1> -> vector<16xi32>
      %reduce_sum3A_186 = vector.extract %reduce_sum3A_185[15] : i32 from vector<16xi32>
      %add3A_187 = vector.broadcast %reduce_sum3A_186 : i32 to vector<16xi32>
      %add3A_188 = arith.addi %scan3A_160, %add3A_187 : vector<16xi32>
      scf.yield %add3A_188 : vector<16xi32>
    }
    %scan3A_51 = arith.constant 125 : i32
    %reduce_max3A = arith.constant true
    %reduce_max3A_52 = vector.broadcast %reduce_max3A : i1 to vector<16xi1>
    %reduce_max3A_53 = arith.constant -2147483648 : i32
    %reduce_max3A_54 = vector.broadcast %reduce_max3A_53 : i32 to vector<16xi32>
    %reduce_max3A_55 = arith.xori %scan3A_50, %reduce_max3A_54 : vector<16xi32>
    %reduce_max3A_56 = tpu.scan <max>, %reduce_max3A_55 masked %reduce_max3A_52 : vector<16xi32>, vector<16xi1> -> vector<16xi32>
    %reduce_max3A_57 = arith.xori %reduce_max3A_56, %reduce_max3A_54 : vector<16xi32>
    %reduce_max3A_58 = vector.extract %reduce_max3A_57[15] : i32 from vector<16xi32>
    %add3A_59 = arith.constant 0 : i32
    %add3A_60 = arith.addi %reduce_max3A_58, %add3A_59 : i32
    %iota3A = tpu.iota {dimensions = array<i32: 0>} : vector<16xi32>
    %add3A_61 = vector.broadcast %add3A_60 : i32 to vector<16xi32>
    %add3A_62 = arith.addi %add3A_61, %iota3A : vector<16xi32>
    %broadcast_in_dim3A_63 = arith.constant 0 : i32
    %broadcast_in_dim3A_64 = vector.broadcast %broadcast_in_dim3A_63 : i32 to vector<16xi32>
    tpu.vector_store_idx %arg17[%add3A_62], %broadcast_in_dim3A_64 : memref<8256xi32, #tpu.memory_space<vmem>>[vector<16xi32>], vector<16xi32>,
    %broadcast_in_dim3A_65 = arith.constant 10000 : i32
    %broadcast_in_dim3A_66 = vector.broadcast %broadcast_in_dim3A_65 : i32 to vector<16xi32>
    tpu.vector_store_idx %arg18[%add3A_62], %broadcast_in_dim3A_66 : memref<8256xi32, #tpu.memory_space<vmem>>[vector<16xi32>], vector<16xi32>,
    %add3A_67 = arith.constant 16 : i32
    %add3A_68 = arith.addi %reduce_max3A_58, %add3A_67 : i32
    %iota3A_69 = tpu.iota {dimensions = array<i32: 0>} : vector<16xi32>
    %add3A_70 = vector.broadcast %add3A_68 : i32 to vector<16xi32>
    %add3A_71 = arith.addi %add3A_70, %iota3A_69 : vector<16xi32>
    %broadcast_in_dim3A_72 = arith.constant 0 : i32
    %broadcast_in_dim3A_73 = vector.broadcast %broadcast_in_dim3A_72 : i32 to vector<16xi32>
    tpu.vector_store_idx %arg17[%add3A_71], %broadcast_in_dim3A_73 : memref<8256xi32, #tpu.memory_space<vmem>>[vector<16xi32>], vector<16xi32>,
    %broadcast_in_dim3A_74 = arith.constant 10000 : i32
    %broadcast_in_dim3A_75 = vector.broadcast %broadcast_in_dim3A_74 : i32 to vector<16xi32>
    tpu.vector_store_idx %arg18[%add3A_71], %broadcast_in_dim3A_75 : memref<8256xi32, #tpu.memory_space<vmem>>[vector<16xi32>], vector<16xi32>,
    %add3A_76 = arith.constant 32 : i32
    %add3A_77 = arith.addi %reduce_max3A_58, %add3A_76 : i32
    %iota3A_78 = tpu.iota {dimensions = array<i32: 0>} : vector<16xi32>
    %add3A_79 = vector.broadcast %add3A_77 : i32 to vector<16xi32>
    %add3A_80 = arith.addi %add3A_79, %iota3A_78 : vector<16xi32>
    %broadcast_in_dim3A_81 = arith.constant 0 : i32
    %broadcast_in_dim3A_82 = vector.broadcast %broadcast_in_dim3A_81 : i32 to vector<16xi32>
    tpu.vector_store_idx %arg17[%add3A_80], %broadcast_in_dim3A_82 : memref<8256xi32, #tpu.memory_space<vmem>>[vector<16xi32>], vector<16xi32>,
    %broadcast_in_dim3A_83 = arith.constant 10000 : i32
    %broadcast_in_dim3A_84 = vector.broadcast %broadcast_in_dim3A_83 : i32 to vector<16xi32>
    tpu.vector_store_idx %arg18[%add3A_80], %broadcast_in_dim3A_84 : memref<8256xi32, #tpu.memory_space<vmem>>[vector<16xi32>], vector<16xi32>,
    %add3A_85 = arith.constant 48 : i32
    %add3A_86 = arith.addi %reduce_max3A_58, %add3A_85 : i32
    %iota3A_87 = tpu.iota {dimensions = array<i32: 0>} : vector<16xi32>
    %add3A_88 = vector.broadcast %add3A_86 : i32 to vector<16xi32>
    %add3A_89 = arith.addi %add3A_88, %iota3A_87 : vector<16xi32>
    %broadcast_in_dim3A_90 = arith.constant 0 : i32
    %broadcast_in_dim3A_91 = vector.broadcast %broadcast_in_dim3A_90 : i32 to vector<16xi32>
    tpu.vector_store_idx %arg17[%add3A_89], %broadcast_in_dim3A_91 : memref<8256xi32, #tpu.memory_space<vmem>>[vector<16xi32>], vector<16xi32>,
    %broadcast_in_dim3A_92 = arith.constant 10000 : i32
    %broadcast_in_dim3A_93 = vector.broadcast %broadcast_in_dim3A_92 : i32 to vector<16xi32>
    tpu.vector_store_idx %arg18[%add3A_89], %broadcast_in_dim3A_93 : memref<8256xi32, #tpu.memory_space<vmem>>[vector<16xi32>], vector<16xi32>,
    %barrier3A = arith.constant 0 : index
    tpu.barrier barrier_id(%barrier3A)
    %add3A_94 = arith.constant 63 : i32
    %add3A_95 = arith.addi %reduce_max3A_58, %add3A_94 : i32
    %jit3A = arith.constant 64 : i32
    %div3A = arith.divsi %add3A_95, %jit3A : i32
    %sign3A = arith.constant 0 : i32
    %sign3A_96 = arith.cmpi sgt, %add3A_95, %sign3A : i32
    %sign3A_97 = arith.extui %sign3A_96 : i1 to i32
    %sign3A_98 = arith.constant 0 : i32
    %sign3A_99 = arith.cmpi slt, %add3A_95, %sign3A_98 : i32
    %sign3A_100 = arith.extui %sign3A_99 : i1 to i32
    %sign3A_101 = arith.subi %sign3A_97, %sign3A_100 : i32
    %sign3A_102 = arith.constant 0 : i32
    %sign3A_103 = arith.cmpi sgt, %jit3A, %sign3A_102 : i32
    %sign3A_104 = arith.extui %sign3A_103 : i1 to i32
    %sign3A_105 = arith.constant 0 : i32
    %sign3A_106 = arith.cmpi slt, %jit3A, %sign3A_105 : i32
    %sign3A_107 = arith.extui %sign3A_106 : i1 to i32
    %sign3A_108 = arith.subi %sign3A_104, %sign3A_107 : i32
    %ne3A = arith.cmpi ne, %sign3A_101, %sign3A_108 : i32
    %rem3A = arith.remsi %add3A_95, %jit3A : i32
    %ne3A_109 = arith.constant 0 : i32
    %ne3A_110 = arith.cmpi ne, %rem3A, %ne3A_109 : i32
    %and3A = arith.andi %ne3A, %ne3A_110 : i1
    %sub3A = arith.constant 1 : i32
    %sub3A_111 = arith.subi %div3A, %sub3A : i32
    %select_n3A = arith.select %and3A, %sub3A_111, %div3A : i32
    %gt3A = arith.constant 0 : i32
    %gt3A_112 = arith.cmpi sgt, %select_n3A, %gt3A : i32
    %convert_element_type3A = arith.extui %gt3A_112 : i1 to i32
    %cond3A = arith.constant 0 : i32
    %cond3A_113 = arith.cmpi ne, %convert_element_type3A, %cond3A : i32
    scf.if %cond3A_113 {
      %dma_start3A = arith.constant 0 : i32
      %dma_start3A_159 = tpu.memref_slice %arg17[%dma_start3A] : memref<8256xi32, #tpu.memory_space<vmem>> -> memref<64xi32, #tpu.memory_space<vmem>>
      %dma_start3A_160 = arith.constant 0 : i32
      %dma_start3A_161 = arith.constant 0 : i32
      %dma_start3A_162 = tpu.memref_slice %arg8[%dma_start3A_160, %dma_start3A_161] : memref<10240x128xf32, #tpu.memory_space<hbm>> -> memref<10240x128xf32, #tpu.memory_space<hbm>>
      tpu.enqueue_indirect_dma source(%dma_start3A_162 : memref<10240x128xf32, #tpu.memory_space<hbm>>) target(%arg19 : memref<64x128xf32, #tpu.memory_space<vmem>>) offsets(%dma_start3A_159 : memref<64xi32, #tpu.memory_space<vmem>>) semaphore(%arg22 : memref<!tpu.dma_semaphore, #tpu.memory_space<semaphore_mem>>)
    } else {
    }
    %gt3A_114 = arith.constant 1 : i32
    %gt3A_115 = arith.cmpi sgt, %select_n3A, %gt3A_114 : i32
    %convert_element_type3A_116 = arith.extui %gt3A_115 : i1 to i32
    %cond3A_117 = arith.constant 0 : i32
    %cond3A_118 = arith.cmpi ne, %convert_element_type3A_116, %cond3A_117 : i32
    scf.if %cond3A_118 {
      %dma_start3A = arith.constant 64 : i32
      %dma_start3A_159 = tpu.memref_slice %arg17[%dma_start3A] : memref<8256xi32, #tpu.memory_space<vmem>> -> memref<64xi32, #tpu.memory_space<vmem>>
      %dma_start3A_160 = arith.constant 0 : i32
      %dma_start3A_161 = arith.constant 0 : i32
      %dma_start3A_162 = tpu.memref_slice %arg8[%dma_start3A_160, %dma_start3A_161] : memref<10240x128xf32, #tpu.memory_space<hbm>> -> memref<10240x128xf32, #tpu.memory_space<hbm>>
      tpu.enqueue_indirect_dma source(%dma_start3A_162 : memref<10240x128xf32, #tpu.memory_space<hbm>>) target(%arg20 : memref<64x128xf32, #tpu.memory_space<vmem>>) offsets(%dma_start3A_159 : memref<64xi32, #tpu.memory_space<vmem>>) semaphore(%arg23 : memref<!tpu.dma_semaphore, #tpu.memory_space<semaphore_mem>>)
    } else {
    }
    %add3A_119 = arith.constant 1 : i32
    %add3A_120 = arith.addi %select_n3A, %add3A_119 : i32
    %jit3A_121 = arith.constant 2 : i32
    %div3A_122 = arith.divsi %add3A_120, %jit3A_121 : i32
    %sign3A_123 = arith.constant 0 : i32
    %sign3A_124 = arith.cmpi sgt, %add3A_120, %sign3A_123 : i32
    %sign3A_125 = arith.extui %sign3A_124 : i1 to i32
    %sign3A_126 = arith.constant 0 : i32
    %sign3A_127 = arith.cmpi slt, %add3A_120, %sign3A_126 : i32
    %sign3A_128 = arith.extui %sign3A_127 : i1 to i32
    %sign3A_129 = arith.subi %sign3A_125, %sign3A_128 : i32
    %sign3A_130 = arith.constant 0 : i32
    %sign3A_131 = arith.cmpi sgt, %jit3A_121, %sign3A_130 : i32
    %sign3A_132 = arith.extui %sign3A_131 : i1 to i32
    %sign3A_133 = arith.constant 0 : i32
    %sign3A_134 = arith.cmpi slt, %jit3A_121, %sign3A_133 : i32
    %sign3A_135 = arith.extui %sign3A_134 : i1 to i32
    %sign3A_136 = arith.subi %sign3A_132, %sign3A_135 : i32
    %ne3A_137 = arith.cmpi ne, %sign3A_129, %sign3A_136 : i32
    %rem3A_138 = arith.remsi %add3A_120, %jit3A_121 : i32
    %ne3A_139 = arith.constant 0 : i32
    %ne3A_140 = arith.cmpi ne, %rem3A_138, %ne3A_139 : i32
    %and3A_141 = arith.andi %ne3A_137, %ne3A_140 : i1
    %sub3A_142 = arith.constant 1 : i32
    %sub3A_143 = arith.subi %div3A_122, %sub3A_142 : i32
    %select_n3A_144 = arith.select %and3A_141, %sub3A_143, %div3A_122 : i32
    %while3A = arith.constant 0 : i32
    %while3A_145 = arith.constant 0 : i32
    %while3A_146 = arith.subi %select_n3A_144, %while3A_145 : i32
    %while3A_147 = arith.addi %while3A_145, %while3A_146 : i32
    %while3A_148 = arith.constant 1 : i32
    %while3A_149 = arith.divsi %while3A_146, %while3A_148 : i32
    %while3A_150 = arith.muli %while3A_149, %while3A_148 : i32
    %while3A_151 = arith.addi %while3A_145, %while3A_150 : i32
    %while3A_152 = arith.constant 1 : i32
    scf.for %while3A_159 = %while3A_145 to %while3A_151 step %while3A_152  : i32 {
      %mul3A_160 = arith.constant 2 : i32
      %mul3A_161 = arith.muli %mul3A_160, %while3A_159 : i32
      %dma_wait3A = arith.constant 0 : i32
      %dma_wait3A_162 = arith.constant 0 : i32
      %dma_wait3A_163 = tpu.memref_slice %arg8[%dma_wait3A, %dma_wait3A_162] : memref<10240x128xf32, #tpu.memory_space<hbm>> -> memref<64x128xf32, #tpu.memory_space<hbm>>
      %dma_wait3A_164 = arith.constant 0 : i32
      %dma_wait3A_165 = arith.constant 0 : i32
      %dma_wait3A_166 = tpu.memref_slice %arg8[%dma_wait3A_164, %dma_wait3A_165] : memref<10240x128xf32, #tpu.memory_space<hbm>> -> memref<64x128xf32, #tpu.memory_space<hbm>>
      tpu.wait_dma2 semaphore(%arg22 : memref<!tpu.dma_semaphore, #tpu.memory_space<semaphore_mem>>) src(%dma_wait3A_166 : memref<64x128xf32, #tpu.memory_space<hbm>>) dst(%arg19 : memref<64x128xf32, #tpu.memory_space<vmem>>)
      %mul3A_167 = arith.constant 64 : i32
      %mul3A_168 = arith.muli %mul3A_161, %mul3A_167 : i32
      %add3A_169 = arith.constant 0 : i32
      %add3A_170 = arith.addi %mul3A_168, %add3A_169 : i32
      %get3A_171 = arith.index_cast %add3A_170 : i32 to index
      %get3A_172 = tpu.vector_load %arg18[%get3A_171] {strides = array<i32>} : memref<8256xi32, #tpu.memory_space<vmem>>, vector<16xi32>,
      "tpu.region"() ({
        %run_scoped3A = tpu.sem_alloc : memref<!tpu.dma_semaphore, #tpu.memory_space<semaphore_mem>>
        %dma_start3A = arith.constant 0 : i32
        %dma_start3A_202 = arith.constant 0 : i32
        %dma_start3A_203 = tpu.memref_slice %arg19[%dma_start3A, %dma_start3A_202] : memref<64x128xf32, #tpu.memory_space<vmem>> -> memref<16x128xf32, #tpu.memory_space<vmem>>
        %dma_start3A_204 = arith.constant 0 : i32
        %dma_start3A_205 = arith.constant 0 : i32
        %dma_start3A_206 = tpu.memref_slice %arg21[%dma_start3A_204, %dma_start3A_205] : memref<10240x128xf32, #tpu.memory_space<vmem_shared>> -> memref<10240x128xf32, #tpu.memory_space<vmem_shared>>
        tpu.enqueue_indirect_dma source(%dma_start3A_203 : memref<16x128xf32, #tpu.memory_space<vmem>>) target(%dma_start3A_206 : memref<10240x128xf32, #tpu.memory_space<vmem_shared>>) offsets(%get3A_172 : vector<16xi32>) semaphore(%run_scoped3A : memref<!tpu.dma_semaphore, #tpu.memory_space<semaphore_mem>>) {add = true}
        %dma_wait3A_207 = arith.constant 0 : i32
        %dma_wait3A_208 = arith.constant 0 : i32
        %dma_wait3A_209 = tpu.memref_slice %arg19[%dma_wait3A_207, %dma_wait3A_208] : memref<64x128xf32, #tpu.memory_space<vmem>> -> memref<16x128xf32, #tpu.memory_space<vmem>>
        %dma_wait3A_210 = arith.constant 0 : i32
        %dma_wait3A_211 = arith.constant 0 : i32
        %dma_wait3A_212 = tpu.memref_slice %arg21[%dma_wait3A_210, %dma_wait3A_211] : memref<10240x128xf32, #tpu.memory_space<vmem_shared>> -> memref<10240x128xf32, #tpu.memory_space<vmem_shared>>
        tpu.wait_indirect_dma semaphore(%run_scoped3A : memref<!tpu.dma_semaphore, #tpu.memory_space<semaphore_mem>>) src(%dma_wait3A_209 : memref<16x128xf32, #tpu.memory_space<vmem>>) dst(%dma_wait3A_212 : memref<10240x128xf32, #tpu.memory_space<vmem_shared>>)
        tpu.yield
      }) : () -> ()
      %mul3A_173 = arith.constant 64 : i32
      %mul3A_174 = arith.muli %mul3A_161, %mul3A_173 : i32
      %add3A_175 = arith.constant 16 : i32
      %add3A_176 = arith.addi %mul3A_174, %add3A_175 : i32
      %get3A_177 = arith.index_cast %add3A_176 : i32 to index
      %get3A_178 = tpu.vector_load %arg18[%get3A_177] {strides = array<i32>} : memref<8256xi32, #tpu.memory_space<vmem>>, vector<16xi32>,
      "tpu.region"() ({
        %run_scoped3A = tpu.sem_alloc : memref<!tpu.dma_semaphore, #tpu.memory_space<semaphore_mem>>
        %dma_start3A = arith.constant 16 : i32
        %dma_start3A_202 = arith.constant 0 : i32
        %dma_start3A_203 = tpu.memref_slice %arg19[%dma_start3A, %dma_start3A_202] : memref<64x128xf32, #tpu.memory_space<vmem>> -> memref<16x128xf32, #tpu.memory_space<vmem>>
        %dma_start3A_204 = arith.constant 0 : i32
        %dma_start3A_205 = arith.constant 0 : i32
        %dma_start3A_206 = tpu.memref_slice %arg21[%dma_start3A_204, %dma_start3A_205] : memref<10240x128xf32, #tpu.memory_space<vmem_shared>> -> memref<10240x128xf32, #tpu.memory_space<vmem_shared>>
        tpu.enqueue_indirect_dma source(%dma_start3A_203 : memref<16x128xf32, #tpu.memory_space<vmem>>) target(%dma_start3A_206 : memref<10240x128xf32, #tpu.memory_space<vmem_shared>>) offsets(%get3A_178 : vector<16xi32>) semaphore(%run_scoped3A : memref<!tpu.dma_semaphore, #tpu.memory_space<semaphore_mem>>) {add = true}
        %dma_wait3A_207 = arith.constant 16 : i32
        %dma_wait3A_208 = arith.constant 0 : i32
        %dma_wait3A_209 = tpu.memref_slice %arg19[%dma_wait3A_207, %dma_wait3A_208] : memref<64x128xf32, #tpu.memory_space<vmem>> -> memref<16x128xf32, #tpu.memory_space<vmem>>
        %dma_wait3A_210 = arith.constant 0 : i32
        %dma_wait3A_211 = arith.constant 0 : i32
        %dma_wait3A_212 = tpu.memref_slice %arg21[%dma_wait3A_210, %dma_wait3A_211] : memref<10240x128xf32, #tpu.memory_space<vmem_shared>> -> memref<10240x128xf32, #tpu.memory_space<vmem_shared>>
        tpu.wait_indirect_dma semaphore(%run_scoped3A : memref<!tpu.dma_semaphore, #tpu.memory_space<semaphore_mem>>) src(%dma_wait3A_209 : memref<16x128xf32, #tpu.memory_space<vmem>>) dst(%dma_wait3A_212 : memref<10240x128xf32, #tpu.memory_space<vmem_shared>>)
        tpu.yield
      }) : () -> ()
      %mul3A_179 = arith.constant 64 : i32
      %mul3A_180 = arith.muli %mul3A_161, %mul3A_179 : i32
      %add3A_181 = arith.constant 32 : i32
      %add3A_182 = arith.addi %mul3A_180, %add3A_181 : i32
      %get3A_183 = arith.index_cast %add3A_182 : i32 to index
      %get3A_184 = tpu.vector_load %arg18[%get3A_183] {strides = array<i32>} : memref<8256xi32, #tpu.memory_space<vmem>>, vector<16xi32>,
      "tpu.region"() ({
        %run_scoped3A = tpu.sem_alloc : memref<!tpu.dma_semaphore, #tpu.memory_space<semaphore_mem>>
        %dma_start3A = arith.constant 32 : i32
        %dma_start3A_202 = arith.constant 0 : i32
        %dma_start3A_203 = tpu.memref_slice %arg19[%dma_start3A, %dma_start3A_202] : memref<64x128xf32, #tpu.memory_space<vmem>> -> memref<16x128xf32, #tpu.memory_space<vmem>>
        %dma_start3A_204 = arith.constant 0 : i32
        %dma_start3A_205 = arith.constant 0 : i32
        %dma_start3A_206 = tpu.memref_slice %arg21[%dma_start3A_204, %dma_start3A_205] : memref<10240x128xf32, #tpu.memory_space<vmem_shared>> -> memref<10240x128xf32, #tpu.memory_space<vmem_shared>>
        tpu.enqueue_indirect_dma source(%dma_start3A_203 : memref<16x128xf32, #tpu.memory_space<vmem>>) target(%dma_start3A_206 : memref<10240x128xf32, #tpu.memory_space<vmem_shared>>) offsets(%get3A_184 : vector<16xi32>) semaphore(%run_scoped3A : memref<!tpu.dma_semaphore, #tpu.memory_space<semaphore_mem>>) {add = true}
        %dma_wait3A_207 = arith.constant 32 : i32
        %dma_wait3A_208 = arith.constant 0 : i32
        %dma_wait3A_209 = tpu.memref_slice %arg19[%dma_wait3A_207, %dma_wait3A_208] : memref<64x128xf32, #tpu.memory_space<vmem>> -> memref<16x128xf32, #tpu.memory_space<vmem>>
        %dma_wait3A_210 = arith.constant 0 : i32
        %dma_wait3A_211 = arith.constant 0 : i32
        %dma_wait3A_212 = tpu.memref_slice %arg21[%dma_wait3A_210, %dma_wait3A_211] : memref<10240x128xf32, #tpu.memory_space<vmem_shared>> -> memref<10240x128xf32, #tpu.memory_space<vmem_shared>>
        tpu.wait_indirect_dma semaphore(%run_scoped3A : memref<!tpu.dma_semaphore, #tpu.memory_space<semaphore_mem>>) src(%dma_wait3A_209 : memref<16x128xf32, #tpu.memory_space<vmem>>) dst(%dma_wait3A_212 : memref<10240x128xf32, #tpu.memory_space<vmem_shared>>)
        tpu.yield
      }) : () -> ()
      %mul3A_185 = arith.constant 64 : i32
      %mul3A_186 = arith.muli %mul3A_161, %mul3A_185 : i32
      %add3A_187 = arith.constant 48 : i32
      %add3A_188 = arith.addi %mul3A_186, %add3A_187 : i32
      %get3A_189 = arith.index_cast %add3A_188 : i32 to index
      %get3A_190 = tpu.vector_load %arg18[%get3A_189] {strides = array<i32>} : memref<8256xi32, #tpu.memory_space<vmem>>, vector<16xi32>,
      "tpu.region"() ({
        %run_scoped3A = tpu.sem_alloc : memref<!tpu.dma_semaphore, #tpu.memory_space<semaphore_mem>>
        %dma_start3A = arith.constant 48 : i32
        %dma_start3A_202 = arith.constant 0 : i32
        %dma_start3A_203 = tpu.memref_slice %arg19[%dma_start3A, %dma_start3A_202] : memref<64x128xf32, #tpu.memory_space<vmem>> -> memref<16x128xf32, #tpu.memory_space<vmem>>
        %dma_start3A_204 = arith.constant 0 : i32
        %dma_start3A_205 = arith.constant 0 : i32
        %dma_start3A_206 = tpu.memref_slice %arg21[%dma_start3A_204, %dma_start3A_205] : memref<10240x128xf32, #tpu.memory_space<vmem_shared>> -> memref<10240x128xf32, #tpu.memory_space<vmem_shared>>
        tpu.enqueue_indirect_dma source(%dma_start3A_203 : memref<16x128xf32, #tpu.memory_space<vmem>>) target(%dma_start3A_206 : memref<10240x128xf32, #tpu.memory_space<vmem_shared>>) offsets(%get3A_190 : vector<16xi32>) semaphore(%run_scoped3A : memref<!tpu.dma_semaphore, #tpu.memory_space<semaphore_mem>>) {add = true}
        %dma_wait3A_207 = arith.constant 48 : i32
        %dma_wait3A_208 = arith.constant 0 : i32
        %dma_wait3A_209 = tpu.memref_slice %arg19[%dma_wait3A_207, %dma_wait3A_208] : memref<64x128xf32, #tpu.memory_space<vmem>> -> memref<16x128xf32, #tpu.memory_space<vmem>>
        %dma_wait3A_210 = arith.constant 0 : i32
        %dma_wait3A_211 = arith.constant 0 : i32
        %dma_wait3A_212 = tpu.memref_slice %arg21[%dma_wait3A_210, %dma_wait3A_211] : memref<10240x128xf32, #tpu.memory_space<vmem_shared>> -> memref<10240x128xf32, #tpu.memory_space<vmem_shared>>
        tpu.wait_indirect_dma semaphore(%run_scoped3A : memref<!tpu.dma_semaphore, #tpu.memory_space<semaphore_mem>>) src(%dma_wait3A_209 : memref<16x128xf32, #tpu.memory_space<vmem>>) dst(%dma_wait3A_212 : memref<10240x128xf32, #tpu.memory_space<vmem_shared>>)
        tpu.yield
      }) : () -> ()
      %add3A_191 = arith.constant 2 : i32
      %add3A_192 = arith.addi %mul3A_161, %add3A_191 : i32
      %lt3A = arith.cmpi slt, %add3A_192, %select_n3A : i32
      %convert_element_type3A_193 = arith.extui %lt3A : i1 to i32
      %cond3A_194 = arith.constant 0 : i32
      %cond3A_195 = arith.cmpi ne, %convert_element_type3A_193, %cond3A_194 : i32
      scf.if %cond3A_195 {
        %add3A_202 = arith.constant 2 : i32
        %add3A_203 = arith.addi %mul3A_161, %add3A_202 : i32
        %mul3A_204 = arith.constant 64 : i32
        %mul3A_205 = arith.muli %add3A_203, %mul3A_204 : i32
        %dma_start3A = tpu.memref_slice %arg17[%mul3A_205] : memref<8256xi32, #tpu.memory_space<vmem>> -> memref<64xi32, #tpu.memory_space<vmem>>
        %dma_start3A_206 = arith.constant 0 : i32
        %dma_start3A_207 = arith.constant 0 : i32
        %dma_start3A_208 = tpu.memref_slice %arg8[%dma_start3A_206, %dma_start3A_207] : memref<10240x128xf32, #tpu.memory_space<hbm>> -> memref<10240x128xf32, #tpu.memory_space<hbm>>
        tpu.enqueue_indirect_dma source(%dma_start3A_208 : memref<10240x128xf32, #tpu.memory_space<hbm>>) target(%arg19 : memref<64x128xf32, #tpu.memory_space<vmem>>) offsets(%dma_start3A : memref<64xi32, #tpu.memory_space<vmem>>) semaphore(%arg22 : memref<!tpu.dma_semaphore, #tpu.memory_space<semaphore_mem>>)
      } else {
      }
      %add3A_196 = arith.constant 1 : i32
      %add3A_197 = arith.addi %mul3A_161, %add3A_196 : i32
      %lt3A_198 = arith.cmpi slt, %add3A_197, %select_n3A : i32
      %convert_element_type3A_199 = arith.extui %lt3A_198 : i1 to i32
      %cond3A_200 = arith.constant 0 : i32
      %cond3A_201 = arith.cmpi ne, %convert_element_type3A_199, %cond3A_200 : i32
      scf.if %cond3A_201 {
        %dma_wait3A_202 = arith.constant 0 : i32
        %dma_wait3A_203 = arith.constant 0 : i32
        %dma_wait3A_204 = tpu.memref_slice %arg8[%dma_wait3A_202, %dma_wait3A_203] : memref<10240x128xf32, #tpu.memory_space<hbm>> -> memref<64x128xf32, #tpu.memory_space<hbm>>
        %dma_wait3A_205 = arith.constant 0 : i32
        %dma_wait3A_206 = arith.constant 0 : i32
        %dma_wait3A_207 = tpu.memref_slice %arg8[%dma_wait3A_205, %dma_wait3A_206] : memref<10240x128xf32, #tpu.memory_space<hbm>> -> memref<64x128xf32, #tpu.memory_space<hbm>>
        tpu.wait_dma2 semaphore(%arg23 : memref<!tpu.dma_semaphore, #tpu.memory_space<semaphore_mem>>) src(%dma_wait3A_207 : memref<64x128xf32, #tpu.memory_space<hbm>>) dst(%arg20 : memref<64x128xf32, #tpu.memory_space<vmem>>)
        %add3A_208 = arith.constant 1 : i32
        %add3A_209 = arith.addi %mul3A_161, %add3A_208 : i32
        %mul3A_210 = arith.constant 64 : i32
        %mul3A_211 = arith.muli %add3A_209, %mul3A_210 : i32
        %add3A_212 = arith.constant 0 : i32
        %add3A_213 = arith.addi %mul3A_211, %add3A_212 : i32
        %get3A_214 = arith.index_cast %add3A_213 : i32 to index
        %get3A_215 = tpu.vector_load %arg18[%get3A_214] {strides = array<i32>} : memref<8256xi32, #tpu.memory_space<vmem>>, vector<16xi32>,
        "tpu.region"() ({
          %run_scoped3A = tpu.sem_alloc : memref<!tpu.dma_semaphore, #tpu.memory_space<semaphore_mem>>
          %dma_start3A = arith.constant 0 : i32
          %dma_start3A_240 = arith.constant 0 : i32
          %dma_start3A_241 = tpu.memref_slice %arg20[%dma_start3A, %dma_start3A_240] : memref<64x128xf32, #tpu.memory_space<vmem>> -> memref<16x128xf32, #tpu.memory_space<vmem>>
          %dma_start3A_242 = arith.constant 0 : i32
          %dma_start3A_243 = arith.constant 0 : i32
          %dma_start3A_244 = tpu.memref_slice %arg21[%dma_start3A_242, %dma_start3A_243] : memref<10240x128xf32, #tpu.memory_space<vmem_shared>> -> memref<10240x128xf32, #tpu.memory_space<vmem_shared>>
          tpu.enqueue_indirect_dma source(%dma_start3A_241 : memref<16x128xf32, #tpu.memory_space<vmem>>) target(%dma_start3A_244 : memref<10240x128xf32, #tpu.memory_space<vmem_shared>>) offsets(%get3A_215 : vector<16xi32>) semaphore(%run_scoped3A : memref<!tpu.dma_semaphore, #tpu.memory_space<semaphore_mem>>) {add = true}
          %dma_wait3A_245 = arith.constant 0 : i32
          %dma_wait3A_246 = arith.constant 0 : i32
          %dma_wait3A_247 = tpu.memref_slice %arg20[%dma_wait3A_245, %dma_wait3A_246] : memref<64x128xf32, #tpu.memory_space<vmem>> -> memref<16x128xf32, #tpu.memory_space<vmem>>
          %dma_wait3A_248 = arith.constant 0 : i32
          %dma_wait3A_249 = arith.constant 0 : i32
          %dma_wait3A_250 = tpu.memref_slice %arg21[%dma_wait3A_248, %dma_wait3A_249] : memref<10240x128xf32, #tpu.memory_space<vmem_shared>> -> memref<10240x128xf32, #tpu.memory_space<vmem_shared>>
          tpu.wait_indirect_dma semaphore(%run_scoped3A : memref<!tpu.dma_semaphore, #tpu.memory_space<semaphore_mem>>) src(%dma_wait3A_247 : memref<16x128xf32, #tpu.memory_space<vmem>>) dst(%dma_wait3A_250 : memref<10240x128xf32, #tpu.memory_space<vmem_shared>>)
          tpu.yield
        }) : () -> ()
        %mul3A_216 = arith.constant 64 : i32
        %mul3A_217 = arith.muli %add3A_209, %mul3A_216 : i32
        %add3A_218 = arith.constant 16 : i32
        %add3A_219 = arith.addi %mul3A_217, %add3A_218 : i32
        %get3A_220 = arith.index_cast %add3A_219 : i32 to index
        %get3A_221 = tpu.vector_load %arg18[%get3A_220] {strides = array<i32>} : memref<8256xi32, #tpu.memory_space<vmem>>, vector<16xi32>,
        "tpu.region"() ({
          %run_scoped3A = tpu.sem_alloc : memref<!tpu.dma_semaphore, #tpu.memory_space<semaphore_mem>>
          %dma_start3A = arith.constant 16 : i32
          %dma_start3A_240 = arith.constant 0 : i32
          %dma_start3A_241 = tpu.memref_slice %arg20[%dma_start3A, %dma_start3A_240] : memref<64x128xf32, #tpu.memory_space<vmem>> -> memref<16x128xf32, #tpu.memory_space<vmem>>
          %dma_start3A_242 = arith.constant 0 : i32
          %dma_start3A_243 = arith.constant 0 : i32
          %dma_start3A_244 = tpu.memref_slice %arg21[%dma_start3A_242, %dma_start3A_243] : memref<10240x128xf32, #tpu.memory_space<vmem_shared>> -> memref<10240x128xf32, #tpu.memory_space<vmem_shared>>
          tpu.enqueue_indirect_dma source(%dma_start3A_241 : memref<16x128xf32, #tpu.memory_space<vmem>>) target(%dma_start3A_244 : memref<10240x128xf32, #tpu.memory_space<vmem_shared>>) offsets(%get3A_221 : vector<16xi32>) semaphore(%run_scoped3A : memref<!tpu.dma_semaphore, #tpu.memory_space<semaphore_mem>>) {add = true}
          %dma_wait3A_245 = arith.constant 16 : i32
          %dma_wait3A_246 = arith.constant 0 : i32
          %dma_wait3A_247 = tpu.memref_slice %arg20[%dma_wait3A_245, %dma_wait3A_246] : memref<64x128xf32, #tpu.memory_space<vmem>> -> memref<16x128xf32, #tpu.memory_space<vmem>>
          %dma_wait3A_248 = arith.constant 0 : i32
          %dma_wait3A_249 = arith.constant 0 : i32
          %dma_wait3A_250 = tpu.memref_slice %arg21[%dma_wait3A_248, %dma_wait3A_249] : memref<10240x128xf32, #tpu.memory_space<vmem_shared>> -> memref<10240x128xf32, #tpu.memory_space<vmem_shared>>
          tpu.wait_indirect_dma semaphore(%run_scoped3A : memref<!tpu.dma_semaphore, #tpu.memory_space<semaphore_mem>>) src(%dma_wait3A_247 : memref<16x128xf32, #tpu.memory_space<vmem>>) dst(%dma_wait3A_250 : memref<10240x128xf32, #tpu.memory_space<vmem_shared>>)
          tpu.yield
        }) : () -> ()
        %mul3A_222 = arith.constant 64 : i32
        %mul3A_223 = arith.muli %add3A_209, %mul3A_222 : i32
        %add3A_224 = arith.constant 32 : i32
        %add3A_225 = arith.addi %mul3A_223, %add3A_224 : i32
        %get3A_226 = arith.index_cast %add3A_225 : i32 to index
        %get3A_227 = tpu.vector_load %arg18[%get3A_226] {strides = array<i32>} : memref<8256xi32, #tpu.memory_space<vmem>>, vector<16xi32>,
        "tpu.region"() ({
          %run_scoped3A = tpu.sem_alloc : memref<!tpu.dma_semaphore, #tpu.memory_space<semaphore_mem>>
          %dma_start3A = arith.constant 32 : i32
          %dma_start3A_240 = arith.constant 0 : i32
          %dma_start3A_241 = tpu.memref_slice %arg20[%dma_start3A, %dma_start3A_240] : memref<64x128xf32, #tpu.memory_space<vmem>> -> memref<16x128xf32, #tpu.memory_space<vmem>>
          %dma_start3A_242 = arith.constant 0 : i32
          %dma_start3A_243 = arith.constant 0 : i32
          %dma_start3A_244 = tpu.memref_slice %arg21[%dma_start3A_242, %dma_start3A_243] : memref<10240x128xf32, #tpu.memory_space<vmem_shared>> -> memref<10240x128xf32, #tpu.memory_space<vmem_shared>>
          tpu.enqueue_indirect_dma source(%dma_start3A_241 : memref<16x128xf32, #tpu.memory_space<vmem>>) target(%dma_start3A_244 : memref<10240x128xf32, #tpu.memory_space<vmem_shared>>) offsets(%get3A_227 : vector<16xi32>) semaphore(%run_scoped3A : memref<!tpu.dma_semaphore, #tpu.memory_space<semaphore_mem>>) {add = true}
          %dma_wait3A_245 = arith.constant 32 : i32
          %dma_wait3A_246 = arith.constant 0 : i32
          %dma_wait3A_247 = tpu.memref_slice %arg20[%dma_wait3A_245, %dma_wait3A_246] : memref<64x128xf32, #tpu.memory_space<vmem>> -> memref<16x128xf32, #tpu.memory_space<vmem>>
          %dma_wait3A_248 = arith.constant 0 : i32
          %dma_wait3A_249 = arith.constant 0 : i32
          %dma_wait3A_250 = tpu.memref_slice %arg21[%dma_wait3A_248, %dma_wait3A_249] : memref<10240x128xf32, #tpu.memory_space<vmem_shared>> -> memref<10240x128xf32, #tpu.memory_space<vmem_shared>>
          tpu.wait_indirect_dma semaphore(%run_scoped3A : memref<!tpu.dma_semaphore, #tpu.memory_space<semaphore_mem>>) src(%dma_wait3A_247 : memref<16x128xf32, #tpu.memory_space<vmem>>) dst(%dma_wait3A_250 : memref<10240x128xf32, #tpu.memory_space<vmem_shared>>)
          tpu.yield
        }) : () -> ()
        %mul3A_228 = arith.constant 64 : i32
        %mul3A_229 = arith.muli %add3A_209, %mul3A_228 : i32
        %add3A_230 = arith.constant 48 : i32
        %add3A_231 = arith.addi %mul3A_229, %add3A_230 : i32
        %get3A_232 = arith.index_cast %add3A_231 : i32 to index
        %get3A_233 = tpu.vector_load %arg18[%get3A_232] {strides = array<i32>} : memref<8256xi32, #tpu.memory_space<vmem>>, vector<16xi32>,
        "tpu.region"() ({
          %run_scoped3A = tpu.sem_alloc : memref<!tpu.dma_semaphore, #tpu.memory_space<semaphore_mem>>
          %dma_start3A = arith.constant 48 : i32
          %dma_start3A_240 = arith.constant 0 : i32
          %dma_start3A_241 = tpu.memref_slice %arg20[%dma_start3A, %dma_start3A_240] : memref<64x128xf32, #tpu.memory_space<vmem>> -> memref<16x128xf32, #tpu.memory_space<vmem>>
          %dma_start3A_242 = arith.constant 0 : i32
          %dma_start3A_243 = arith.constant 0 : i32
          %dma_start3A_244 = tpu.memref_slice %arg21[%dma_start3A_242, %dma_start3A_243] : memref<10240x128xf32, #tpu.memory_space<vmem_shared>> -> memref<10240x128xf32, #tpu.memory_space<vmem_shared>>
          tpu.enqueue_indirect_dma source(%dma_start3A_241 : memref<16x128xf32, #tpu.memory_space<vmem>>) target(%dma_start3A_244 : memref<10240x128xf32, #tpu.memory_space<vmem_shared>>) offsets(%get3A_233 : vector<16xi32>) semaphore(%run_scoped3A : memref<!tpu.dma_semaphore, #tpu.memory_space<semaphore_mem>>) {add = true}
          %dma_wait3A_245 = arith.constant 48 : i32
          %dma_wait3A_246 = arith.constant 0 : i32
          %dma_wait3A_247 = tpu.memref_slice %arg20[%dma_wait3A_245, %dma_wait3A_246] : memref<64x128xf32, #tpu.memory_space<vmem>> -> memref<16x128xf32, #tpu.memory_space<vmem>>
          %dma_wait3A_248 = arith.constant 0 : i32
          %dma_wait3A_249 = arith.constant 0 : i32
          %dma_wait3A_250 = tpu.memref_slice %arg21[%dma_wait3A_248, %dma_wait3A_249] : memref<10240x128xf32, #tpu.memory_space<vmem_shared>> -> memref<10240x128xf32, #tpu.memory_space<vmem_shared>>
          tpu.wait_indirect_dma semaphore(%run_scoped3A : memref<!tpu.dma_semaphore, #tpu.memory_space<semaphore_mem>>) src(%dma_wait3A_247 : memref<16x128xf32, #tpu.memory_space<vmem>>) dst(%dma_wait3A_250 : memref<10240x128xf32, #tpu.memory_space<vmem_shared>>)
          tpu.yield
        }) : () -> ()
        %add3A_234 = arith.constant 3 : i32
        %add3A_235 = arith.addi %mul3A_161, %add3A_234 : i32
        %lt3A_236 = arith.cmpi slt, %add3A_235, %select_n3A : i32
        %convert_element_type3A_237 = arith.extui %lt3A_236 : i1 to i32
        %cond3A_238 = arith.constant 0 : i32
        %cond3A_239 = arith.cmpi ne, %convert_element_type3A_237, %cond3A_238 : i32
        scf.if %cond3A_239 {
          %add3A_240 = arith.constant 3 : i32
          %add3A_241 = arith.addi %mul3A_161, %add3A_240 : i32
          %mul3A_242 = arith.constant 64 : i32
          %mul3A_243 = arith.muli %add3A_241, %mul3A_242 : i32
          %dma_start3A = tpu.memref_slice %arg17[%mul3A_243] : memref<8256xi32, #tpu.memory_space<vmem>> -> memref<64xi32, #tpu.memory_space<vmem>>
          %dma_start3A_244 = arith.constant 0 : i32
          %dma_start3A_245 = arith.constant 0 : i32
          %dma_start3A_246 = tpu.memref_slice %arg8[%dma_start3A_244, %dma_start3A_245] : memref<10240x128xf32, #tpu.memory_space<hbm>> -> memref<10240x128xf32, #tpu.memory_space<hbm>>
          tpu.enqueue_indirect_dma source(%dma_start3A_246 : memref<10240x128xf32, #tpu.memory_space<hbm>>) target(%arg20 : memref<64x128xf32, #tpu.memory_space<vmem>>) offsets(%dma_start3A : memref<64xi32, #tpu.memory_space<vmem>>) semaphore(%arg23 : memref<!tpu.dma_semaphore, #tpu.memory_space<semaphore_mem>>)
        } else {
        }
      } else {
      }
    }
    %while3A_153 = arith.constant 1 : i32
    scf.for %while3A_159 = %while3A_151 to %while3A_147 step %while3A_153  : i32 {
      %mul3A_160 = arith.constant 2 : i32
      %mul3A_161 = arith.muli %mul3A_160, %while3A_159 : i32
      %dma_wait3A = arith.constant 0 : i32
      %dma_wait3A_162 = arith.constant 0 : i32
      %dma_wait3A_163 = tpu.memref_slice %arg8[%dma_wait3A, %dma_wait3A_162] : memref<10240x128xf32, #tpu.memory_space<hbm>> -> memref<64x128xf32, #tpu.memory_space<hbm>>
      %dma_wait3A_164 = arith.constant 0 : i32
      %dma_wait3A_165 = arith.constant 0 : i32
      %dma_wait3A_166 = tpu.memref_slice %arg8[%dma_wait3A_164, %dma_wait3A_165] : memref<10240x128xf32, #tpu.memory_space<hbm>> -> memref<64x128xf32, #tpu.memory_space<hbm>>
      tpu.wait_dma2 semaphore(%arg22 : memref<!tpu.dma_semaphore, #tpu.memory_space<semaphore_mem>>) src(%dma_wait3A_166 : memref<64x128xf32, #tpu.memory_space<hbm>>) dst(%arg19 : memref<64x128xf32, #tpu.memory_space<vmem>>)
      %mul3A_167 = arith.constant 64 : i32
      %mul3A_168 = arith.muli %mul3A_161, %mul3A_167 : i32
      %add3A_169 = arith.constant 0 : i32
      %add3A_170 = arith.addi %mul3A_168, %add3A_169 : i32
      %get3A_171 = arith.index_cast %add3A_170 : i32 to index
      %get3A_172 = tpu.vector_load %arg18[%get3A_171] {strides = array<i32>} : memref<8256xi32, #tpu.memory_space<vmem>>, vector<16xi32>,
      "tpu.region"() ({
        %run_scoped3A = tpu.sem_alloc : memref<!tpu.dma_semaphore, #tpu.memory_space<semaphore_mem>>
        %dma_start3A = arith.constant 0 : i32
        %dma_start3A_202 = arith.constant 0 : i32
        %dma_start3A_203 = tpu.memref_slice %arg19[%dma_start3A, %dma_start3A_202] : memref<64x128xf32, #tpu.memory_space<vmem>> -> memref<16x128xf32, #tpu.memory_space<vmem>>
        %dma_start3A_204 = arith.constant 0 : i32
        %dma_start3A_205 = arith.constant 0 : i32
        %dma_start3A_206 = tpu.memref_slice %arg21[%dma_start3A_204, %dma_start3A_205] : memref<10240x128xf32, #tpu.memory_space<vmem_shared>> -> memref<10240x128xf32, #tpu.memory_space<vmem_shared>>
        tpu.enqueue_indirect_dma source(%dma_start3A_203 : memref<16x128xf32, #tpu.memory_space<vmem>>) target(%dma_start3A_206 : memref<10240x128xf32, #tpu.memory_space<vmem_shared>>) offsets(%get3A_172 : vector<16xi32>) semaphore(%run_scoped3A : memref<!tpu.dma_semaphore, #tpu.memory_space<semaphore_mem>>) {add = true}
        %dma_wait3A_207 = arith.constant 0 : i32
        %dma_wait3A_208 = arith.constant 0 : i32
        %dma_wait3A_209 = tpu.memref_slice %arg19[%dma_wait3A_207, %dma_wait3A_208] : memref<64x128xf32, #tpu.memory_space<vmem>> -> memref<16x128xf32, #tpu.memory_space<vmem>>
        %dma_wait3A_210 = arith.constant 0 : i32
        %dma_wait3A_211 = arith.constant 0 : i32
        %dma_wait3A_212 = tpu.memref_slice %arg21[%dma_wait3A_210, %dma_wait3A_211] : memref<10240x128xf32, #tpu.memory_space<vmem_shared>> -> memref<10240x128xf32, #tpu.memory_space<vmem_shared>>
        tpu.wait_indirect_dma semaphore(%run_scoped3A : memref<!tpu.dma_semaphore, #tpu.memory_space<semaphore_mem>>) src(%dma_wait3A_209 : memref<16x128xf32, #tpu.memory_space<vmem>>) dst(%dma_wait3A_212 : memref<10240x128xf32, #tpu.memory_space<vmem_shared>>)
        tpu.yield
      }) : () -> ()
      %mul3A_173 = arith.constant 64 : i32
      %mul3A_174 = arith.muli %mul3A_161, %mul3A_173 : i32
      %add3A_175 = arith.constant 16 : i32
      %add3A_176 = arith.addi %mul3A_174, %add3A_175 : i32
      %get3A_177 = arith.index_cast %add3A_176 : i32 to index
      %get3A_178 = tpu.vector_load %arg18[%get3A_177] {strides = array<i32>} : memref<8256xi32, #tpu.memory_space<vmem>>, vector<16xi32>,
      "tpu.region"() ({
        %run_scoped3A = tpu.sem_alloc : memref<!tpu.dma_semaphore, #tpu.memory_space<semaphore_mem>>
        %dma_start3A = arith.constant 16 : i32
        %dma_start3A_202 = arith.constant 0 : i32
        %dma_start3A_203 = tpu.memref_slice %arg19[%dma_start3A, %dma_start3A_202] : memref<64x128xf32, #tpu.memory_space<vmem>> -> memref<16x128xf32, #tpu.memory_space<vmem>>
        %dma_start3A_204 = arith.constant 0 : i32
        %dma_start3A_205 = arith.constant 0 : i32
        %dma_start3A_206 = tpu.memref_slice %arg21[%dma_start3A_204, %dma_start3A_205] : memref<10240x128xf32, #tpu.memory_space<vmem_shared>> -> memref<10240x128xf32, #tpu.memory_space<vmem_shared>>
        tpu.enqueue_indirect_dma source(%dma_start3A_203 : memref<16x128xf32, #tpu.memory_space<vmem>>) target(%dma_start3A_206 : memref<10240x128xf32, #tpu.memory_space<vmem_shared>>) offsets(%get3A_178 : vector<16xi32>) semaphore(%run_scoped3A : memref<!tpu.dma_semaphore, #tpu.memory_space<semaphore_mem>>) {add = true}
        %dma_wait3A_207 = arith.constant 16 : i32
        %dma_wait3A_208 = arith.constant 0 : i32
        %dma_wait3A_209 = tpu.memref_slice %arg19[%dma_wait3A_207, %dma_wait3A_208] : memref<64x128xf32, #tpu.memory_space<vmem>> -> memref<16x128xf32, #tpu.memory_space<vmem>>
        %dma_wait3A_210 = arith.constant 0 : i32
        %dma_wait3A_211 = arith.constant 0 : i32
        %dma_wait3A_212 = tpu.memref_slice %arg21[%dma_wait3A_210, %dma_wait3A_211] : memref<10240x128xf32, #tpu.memory_space<vmem_shared>> -> memref<10240x128xf32, #tpu.memory_space<vmem_shared>>
        tpu.wait_indirect_dma semaphore(%run_scoped3A : memref<!tpu.dma_semaphore, #tpu.memory_space<semaphore_mem>>) src(%dma_wait3A_209 : memref<16x128xf32, #tpu.memory_space<vmem>>) dst(%dma_wait3A_212 : memref<10240x128xf32, #tpu.memory_space<vmem_shared>>)
        tpu.yield
      }) : () -> ()
      %mul3A_179 = arith.constant 64 : i32
      %mul3A_180 = arith.muli %mul3A_161, %mul3A_179 : i32
      %add3A_181 = arith.constant 32 : i32
      %add3A_182 = arith.addi %mul3A_180, %add3A_181 : i32
      %get3A_183 = arith.index_cast %add3A_182 : i32 to index
      %get3A_184 = tpu.vector_load %arg18[%get3A_183] {strides = array<i32>} : memref<8256xi32, #tpu.memory_space<vmem>>, vector<16xi32>,
      "tpu.region"() ({
        %run_scoped3A = tpu.sem_alloc : memref<!tpu.dma_semaphore, #tpu.memory_space<semaphore_mem>>
        %dma_start3A = arith.constant 32 : i32
        %dma_start3A_202 = arith.constant 0 : i32
        %dma_start3A_203 = tpu.memref_slice %arg19[%dma_start3A, %dma_start3A_202] : memref<64x128xf32, #tpu.memory_space<vmem>> -> memref<16x128xf32, #tpu.memory_space<vmem>>
        %dma_start3A_204 = arith.constant 0 : i32
        %dma_start3A_205 = arith.constant 0 : i32
        %dma_start3A_206 = tpu.memref_slice %arg21[%dma_start3A_204, %dma_start3A_205] : memref<10240x128xf32, #tpu.memory_space<vmem_shared>> -> memref<10240x128xf32, #tpu.memory_space<vmem_shared>>
        tpu.enqueue_indirect_dma source(%dma_start3A_203 : memref<16x128xf32, #tpu.memory_space<vmem>>) target(%dma_start3A_206 : memref<10240x128xf32, #tpu.memory_space<vmem_shared>>) offsets(%get3A_184 : vector<16xi32>) semaphore(%run_scoped3A : memref<!tpu.dma_semaphore, #tpu.memory_space<semaphore_mem>>) {add = true}
        %dma_wait3A_207 = arith.constant 32 : i32
        %dma_wait3A_208 = arith.constant 0 : i32
        %dma_wait3A_209 = tpu.memref_slice %arg19[%dma_wait3A_207, %dma_wait3A_208] : memref<64x128xf32, #tpu.memory_space<vmem>> -> memref<16x128xf32, #tpu.memory_space<vmem>>
        %dma_wait3A_210 = arith.constant 0 : i32
        %dma_wait3A_211 = arith.constant 0 : i32
        %dma_wait3A_212 = tpu.memref_slice %arg21[%dma_wait3A_210, %dma_wait3A_211] : memref<10240x128xf32, #tpu.memory_space<vmem_shared>> -> memref<10240x128xf32, #tpu.memory_space<vmem_shared>>
        tpu.wait_indirect_dma semaphore(%run_scoped3A : memref<!tpu.dma_semaphore, #tpu.memory_space<semaphore_mem>>) src(%dma_wait3A_209 : memref<16x128xf32, #tpu.memory_space<vmem>>) dst(%dma_wait3A_212 : memref<10240x128xf32, #tpu.memory_space<vmem_shared>>)
        tpu.yield
      }) : () -> ()
      %mul3A_185 = arith.constant 64 : i32
      %mul3A_186 = arith.muli %mul3A_161, %mul3A_185 : i32
      %add3A_187 = arith.constant 48 : i32
      %add3A_188 = arith.addi %mul3A_186, %add3A_187 : i32
      %get3A_189 = arith.index_cast %add3A_188 : i32 to index
      %get3A_190 = tpu.vector_load %arg18[%get3A_189] {strides = array<i32>} : memref<8256xi32, #tpu.memory_space<vmem>>, vector<16xi32>,
      "tpu.region"() ({
        %run_scoped3A = tpu.sem_alloc : memref<!tpu.dma_semaphore, #tpu.memory_space<semaphore_mem>>
        %dma_start3A = arith.constant 48 : i32
        %dma_start3A_202 = arith.constant 0 : i32
        %dma_start3A_203 = tpu.memref_slice %arg19[%dma_start3A, %dma_start3A_202] : memref<64x128xf32, #tpu.memory_space<vmem>> -> memref<16x128xf32, #tpu.memory_space<vmem>>
        %dma_start3A_204 = arith.constant 0 : i32
        %dma_start3A_205 = arith.constant 0 : i32
        %dma_start3A_206 = tpu.memref_slice %arg21[%dma_start3A_204, %dma_start3A_205] : memref<10240x128xf32, #tpu.memory_space<vmem_shared>> -> memref<10240x128xf32, #tpu.memory_space<vmem_shared>>
        tpu.enqueue_indirect_dma source(%dma_start3A_203 : memref<16x128xf32, #tpu.memory_space<vmem>>) target(%dma_start3A_206 : memref<10240x128xf32, #tpu.memory_space<vmem_shared>>) offsets(%get3A_190 : vector<16xi32>) semaphore(%run_scoped3A : memref<!tpu.dma_semaphore, #tpu.memory_space<semaphore_mem>>) {add = true}
        %dma_wait3A_207 = arith.constant 48 : i32
        %dma_wait3A_208 = arith.constant 0 : i32
        %dma_wait3A_209 = tpu.memref_slice %arg19[%dma_wait3A_207, %dma_wait3A_208] : memref<64x128xf32, #tpu.memory_space<vmem>> -> memref<16x128xf32, #tpu.memory_space<vmem>>
        %dma_wait3A_210 = arith.constant 0 : i32
        %dma_wait3A_211 = arith.constant 0 : i32
        %dma_wait3A_212 = tpu.memref_slice %arg21[%dma_wait3A_210, %dma_wait3A_211] : memref<10240x128xf32, #tpu.memory_space<vmem_shared>> -> memref<10240x128xf32, #tpu.memory_space<vmem_shared>>
        tpu.wait_indirect_dma semaphore(%run_scoped3A : memref<!tpu.dma_semaphore, #tpu.memory_space<semaphore_mem>>) src(%dma_wait3A_209 : memref<16x128xf32, #tpu.memory_space<vmem>>) dst(%dma_wait3A_212 : memref<10240x128xf32, #tpu.memory_space<vmem_shared>>)
        tpu.yield
      }) : () -> ()
      %add3A_191 = arith.constant 2 : i32
      %add3A_192 = arith.addi %mul3A_161, %add3A_191 : i32
      %lt3A = arith.cmpi slt, %add3A_192, %select_n3A : i32
      %convert_element_type3A_193 = arith.extui %lt3A : i1 to i32
      %cond3A_194 = arith.constant 0 : i32
      %cond3A_195 = arith.cmpi ne, %convert_element_type3A_193, %cond3A_194 : i32
      scf.if %cond3A_195 {
        %add3A_202 = arith.constant 2 : i32
        %add3A_203 = arith.addi %mul3A_161, %add3A_202 : i32
        %mul3A_204 = arith.constant 64 : i32
        %mul3A_205 = arith.muli %add3A_203, %mul3A_204 : i32
        %dma_start3A = tpu.memref_slice %arg17[%mul3A_205] : memref<8256xi32, #tpu.memory_space<vmem>> -> memref<64xi32, #tpu.memory_space<vmem>>
        %dma_start3A_206 = arith.constant 0 : i32
        %dma_start3A_207 = arith.constant 0 : i32
        %dma_start3A_208 = tpu.memref_slice %arg8[%dma_start3A_206, %dma_start3A_207] : memref<10240x128xf32, #tpu.memory_space<hbm>> -> memref<10240x128xf32, #tpu.memory_space<hbm>>
        tpu.enqueue_indirect_dma source(%dma_start3A_208 : memref<10240x128xf32, #tpu.memory_space<hbm>>) target(%arg19 : memref<64x128xf32, #tpu.memory_space<vmem>>) offsets(%dma_start3A : memref<64xi32, #tpu.memory_space<vmem>>) semaphore(%arg22 : memref<!tpu.dma_semaphore, #tpu.memory_space<semaphore_mem>>)
      } else {
      }
      %add3A_196 = arith.constant 1 : i32
      %add3A_197 = arith.addi %mul3A_161, %add3A_196 : i32
      %lt3A_198 = arith.cmpi slt, %add3A_197, %select_n3A : i32
      %convert_element_type3A_199 = arith.extui %lt3A_198 : i1 to i32
      %cond3A_200 = arith.constant 0 : i32
      %cond3A_201 = arith.cmpi ne, %convert_element_type3A_199, %cond3A_200 : i32
      scf.if %cond3A_201 {
        %dma_wait3A_202 = arith.constant 0 : i32
        %dma_wait3A_203 = arith.constant 0 : i32
        %dma_wait3A_204 = tpu.memref_slice %arg8[%dma_wait3A_202, %dma_wait3A_203] : memref<10240x128xf32, #tpu.memory_space<hbm>> -> memref<64x128xf32, #tpu.memory_space<hbm>>
        %dma_wait3A_205 = arith.constant 0 : i32
        %dma_wait3A_206 = arith.constant 0 : i32
        %dma_wait3A_207 = tpu.memref_slice %arg8[%dma_wait3A_205, %dma_wait3A_206] : memref<10240x128xf32, #tpu.memory_space<hbm>> -> memref<64x128xf32, #tpu.memory_space<hbm>>
        tpu.wait_dma2 semaphore(%arg23 : memref<!tpu.dma_semaphore, #tpu.memory_space<semaphore_mem>>) src(%dma_wait3A_207 : memref<64x128xf32, #tpu.memory_space<hbm>>) dst(%arg20 : memref<64x128xf32, #tpu.memory_space<vmem>>)
        %add3A_208 = arith.constant 1 : i32
        %add3A_209 = arith.addi %mul3A_161, %add3A_208 : i32
        %mul3A_210 = arith.constant 64 : i32
        %mul3A_211 = arith.muli %add3A_209, %mul3A_210 : i32
        %add3A_212 = arith.constant 0 : i32
        %add3A_213 = arith.addi %mul3A_211, %add3A_212 : i32
        %get3A_214 = arith.index_cast %add3A_213 : i32 to index
        %get3A_215 = tpu.vector_load %arg18[%get3A_214] {strides = array<i32>} : memref<8256xi32, #tpu.memory_space<vmem>>, vector<16xi32>,
        "tpu.region"() ({
          %run_scoped3A = tpu.sem_alloc : memref<!tpu.dma_semaphore, #tpu.memory_space<semaphore_mem>>
          %dma_start3A = arith.constant 0 : i32
          %dma_start3A_240 = arith.constant 0 : i32
          %dma_start3A_241 = tpu.memref_slice %arg20[%dma_start3A, %dma_start3A_240] : memref<64x128xf32, #tpu.memory_space<vmem>> -> memref<16x128xf32, #tpu.memory_space<vmem>>
          %dma_start3A_242 = arith.constant 0 : i32
          %dma_start3A_243 = arith.constant 0 : i32
          %dma_start3A_244 = tpu.memref_slice %arg21[%dma_start3A_242, %dma_start3A_243] : memref<10240x128xf32, #tpu.memory_space<vmem_shared>> -> memref<10240x128xf32, #tpu.memory_space<vmem_shared>>
          tpu.enqueue_indirect_dma source(%dma_start3A_241 : memref<16x128xf32, #tpu.memory_space<vmem>>) target(%dma_start3A_244 : memref<10240x128xf32, #tpu.memory_space<vmem_shared>>) offsets(%get3A_215 : vector<16xi32>) semaphore(%run_scoped3A : memref<!tpu.dma_semaphore, #tpu.memory_space<semaphore_mem>>) {add = true}
          %dma_wait3A_245 = arith.constant 0 : i32
          %dma_wait3A_246 = arith.constant 0 : i32
          %dma_wait3A_247 = tpu.memref_slice %arg20[%dma_wait3A_245, %dma_wait3A_246] : memref<64x128xf32, #tpu.memory_space<vmem>> -> memref<16x128xf32, #tpu.memory_space<vmem>>
          %dma_wait3A_248 = arith.constant 0 : i32
          %dma_wait3A_249 = arith.constant 0 : i32
          %dma_wait3A_250 = tpu.memref_slice %arg21[%dma_wait3A_248, %dma_wait3A_249] : memref<10240x128xf32, #tpu.memory_space<vmem_shared>> -> memref<10240x128xf32, #tpu.memory_space<vmem_shared>>
          tpu.wait_indirect_dma semaphore(%run_scoped3A : memref<!tpu.dma_semaphore, #tpu.memory_space<semaphore_mem>>) src(%dma_wait3A_247 : memref<16x128xf32, #tpu.memory_space<vmem>>) dst(%dma_wait3A_250 : memref<10240x128xf32, #tpu.memory_space<vmem_shared>>)
          tpu.yield
        }) : () -> ()
        %mul3A_216 = arith.constant 64 : i32
        %mul3A_217 = arith.muli %add3A_209, %mul3A_216 : i32
        %add3A_218 = arith.constant 16 : i32
        %add3A_219 = arith.addi %mul3A_217, %add3A_218 : i32
        %get3A_220 = arith.index_cast %add3A_219 : i32 to index
        %get3A_221 = tpu.vector_load %arg18[%get3A_220] {strides = array<i32>} : memref<8256xi32, #tpu.memory_space<vmem>>, vector<16xi32>,
        "tpu.region"() ({
          %run_scoped3A = tpu.sem_alloc : memref<!tpu.dma_semaphore, #tpu.memory_space<semaphore_mem>>
          %dma_start3A = arith.constant 16 : i32
          %dma_start3A_240 = arith.constant 0 : i32
          %dma_start3A_241 = tpu.memref_slice %arg20[%dma_start3A, %dma_start3A_240] : memref<64x128xf32, #tpu.memory_space<vmem>> -> memref<16x128xf32, #tpu.memory_space<vmem>>
          %dma_start3A_242 = arith.constant 0 : i32
          %dma_start3A_243 = arith.constant 0 : i32
          %dma_start3A_244 = tpu.memref_slice %arg21[%dma_start3A_242, %dma_start3A_243] : memref<10240x128xf32, #tpu.memory_space<vmem_shared>> -> memref<10240x128xf32, #tpu.memory_space<vmem_shared>>
          tpu.enqueue_indirect_dma source(%dma_start3A_241 : memref<16x128xf32, #tpu.memory_space<vmem>>) target(%dma_start3A_244 : memref<10240x128xf32, #tpu.memory_space<vmem_shared>>) offsets(%get3A_221 : vector<16xi32>) semaphore(%run_scoped3A : memref<!tpu.dma_semaphore, #tpu.memory_space<semaphore_mem>>) {add = true}
          %dma_wait3A_245 = arith.constant 16 : i32
          %dma_wait3A_246 = arith.constant 0 : i32
          %dma_wait3A_247 = tpu.memref_slice %arg20[%dma_wait3A_245, %dma_wait3A_246] : memref<64x128xf32, #tpu.memory_space<vmem>> -> memref<16x128xf32, #tpu.memory_space<vmem>>
          %dma_wait3A_248 = arith.constant 0 : i32
          %dma_wait3A_249 = arith.constant 0 : i32
          %dma_wait3A_250 = tpu.memref_slice %arg21[%dma_wait3A_248, %dma_wait3A_249] : memref<10240x128xf32, #tpu.memory_space<vmem_shared>> -> memref<10240x128xf32, #tpu.memory_space<vmem_shared>>
          tpu.wait_indirect_dma semaphore(%run_scoped3A : memref<!tpu.dma_semaphore, #tpu.memory_space<semaphore_mem>>) src(%dma_wait3A_247 : memref<16x128xf32, #tpu.memory_space<vmem>>) dst(%dma_wait3A_250 : memref<10240x128xf32, #tpu.memory_space<vmem_shared>>)
          tpu.yield
        }) : () -> ()
        %mul3A_222 = arith.constant 64 : i32
        %mul3A_223 = arith.muli %add3A_209, %mul3A_222 : i32
        %add3A_224 = arith.constant 32 : i32
        %add3A_225 = arith.addi %mul3A_223, %add3A_224 : i32
        %get3A_226 = arith.index_cast %add3A_225 : i32 to index
        %get3A_227 = tpu.vector_load %arg18[%get3A_226] {strides = array<i32>} : memref<8256xi32, #tpu.memory_space<vmem>>, vector<16xi32>,
        "tpu.region"() ({
          %run_scoped3A = tpu.sem_alloc : memref<!tpu.dma_semaphore, #tpu.memory_space<semaphore_mem>>
          %dma_start3A = arith.constant 32 : i32
          %dma_start3A_240 = arith.constant 0 : i32
          %dma_start3A_241 = tpu.memref_slice %arg20[%dma_start3A, %dma_start3A_240] : memref<64x128xf32, #tpu.memory_space<vmem>> -> memref<16x128xf32, #tpu.memory_space<vmem>>
          %dma_start3A_242 = arith.constant 0 : i32
          %dma_start3A_243 = arith.constant 0 : i32
          %dma_start3A_244 = tpu.memref_slice %arg21[%dma_start3A_242, %dma_start3A_243] : memref<10240x128xf32, #tpu.memory_space<vmem_shared>> -> memref<10240x128xf32, #tpu.memory_space<vmem_shared>>
          tpu.enqueue_indirect_dma source(%dma_start3A_241 : memref<16x128xf32, #tpu.memory_space<vmem>>) target(%dma_start3A_244 : memref<10240x128xf32, #tpu.memory_space<vmem_shared>>) offsets(%get3A_227 : vector<16xi32>) semaphore(%run_scoped3A : memref<!tpu.dma_semaphore, #tpu.memory_space<semaphore_mem>>) {add = true}
          %dma_wait3A_245 = arith.constant 32 : i32
          %dma_wait3A_246 = arith.constant 0 : i32
          %dma_wait3A_247 = tpu.memref_slice %arg20[%dma_wait3A_245, %dma_wait3A_246] : memref<64x128xf32, #tpu.memory_space<vmem>> -> memref<16x128xf32, #tpu.memory_space<vmem>>
          %dma_wait3A_248 = arith.constant 0 : i32
          %dma_wait3A_249 = arith.constant 0 : i32
          %dma_wait3A_250 = tpu.memref_slice %arg21[%dma_wait3A_248, %dma_wait3A_249] : memref<10240x128xf32, #tpu.memory_space<vmem_shared>> -> memref<10240x128xf32, #tpu.memory_space<vmem_shared>>
          tpu.wait_indirect_dma semaphore(%run_scoped3A : memref<!tpu.dma_semaphore, #tpu.memory_space<semaphore_mem>>) src(%dma_wait3A_247 : memref<16x128xf32, #tpu.memory_space<vmem>>) dst(%dma_wait3A_250 : memref<10240x128xf32, #tpu.memory_space<vmem_shared>>)
          tpu.yield
        }) : () -> ()
        %mul3A_228 = arith.constant 64 : i32
        %mul3A_229 = arith.muli %add3A_209, %mul3A_228 : i32
        %add3A_230 = arith.constant 48 : i32
        %add3A_231 = arith.addi %mul3A_229, %add3A_230 : i32
        %get3A_232 = arith.index_cast %add3A_231 : i32 to index
        %get3A_233 = tpu.vector_load %arg18[%get3A_232] {strides = array<i32>} : memref<8256xi32, #tpu.memory_space<vmem>>, vector<16xi32>,
        "tpu.region"() ({
          %run_scoped3A = tpu.sem_alloc : memref<!tpu.dma_semaphore, #tpu.memory_space<semaphore_mem>>
          %dma_start3A = arith.constant 48 : i32
          %dma_start3A_240 = arith.constant 0 : i32
          %dma_start3A_241 = tpu.memref_slice %arg20[%dma_start3A, %dma_start3A_240] : memref<64x128xf32, #tpu.memory_space<vmem>> -> memref<16x128xf32, #tpu.memory_space<vmem>>
          %dma_start3A_242 = arith.constant 0 : i32
          %dma_start3A_243 = arith.constant 0 : i32
          %dma_start3A_244 = tpu.memref_slice %arg21[%dma_start3A_242, %dma_start3A_243] : memref<10240x128xf32, #tpu.memory_space<vmem_shared>> -> memref<10240x128xf32, #tpu.memory_space<vmem_shared>>
          tpu.enqueue_indirect_dma source(%dma_start3A_241 : memref<16x128xf32, #tpu.memory_space<vmem>>) target(%dma_start3A_244 : memref<10240x128xf32, #tpu.memory_space<vmem_shared>>) offsets(%get3A_233 : vector<16xi32>) semaphore(%run_scoped3A : memref<!tpu.dma_semaphore, #tpu.memory_space<semaphore_mem>>) {add = true}
          %dma_wait3A_245 = arith.constant 48 : i32
          %dma_wait3A_246 = arith.constant 0 : i32
          %dma_wait3A_247 = tpu.memref_slice %arg20[%dma_wait3A_245, %dma_wait3A_246] : memref<64x128xf32, #tpu.memory_space<vmem>> -> memref<16x128xf32, #tpu.memory_space<vmem>>
          %dma_wait3A_248 = arith.constant 0 : i32
          %dma_wait3A_249 = arith.constant 0 : i32
          %dma_wait3A_250 = tpu.memref_slice %arg21[%dma_wait3A_248, %dma_wait3A_249] : memref<10240x128xf32, #tpu.memory_space<vmem_shared>> -> memref<10240x128xf32, #tpu.memory_space<vmem_shared>>
          tpu.wait_indirect_dma semaphore(%run_scoped3A : memref<!tpu.dma_semaphore, #tpu.memory_space<semaphore_mem>>) src(%dma_wait3A_247 : memref<16x128xf32, #tpu.memory_space<vmem>>) dst(%dma_wait3A_250 : memref<10240x128xf32, #tpu.memory_space<vmem_shared>>)
          tpu.yield
        }) : () -> ()
        %add3A_234 = arith.constant 3 : i32
        %add3A_235 = arith.addi %mul3A_161, %add3A_234 : i32
        %lt3A_236 = arith.cmpi slt, %add3A_235, %select_n3A : i32
        %convert_element_type3A_237 = arith.extui %lt3A_236 : i1 to i32
        %cond3A_238 = arith.constant 0 : i32
        %cond3A_239 = arith.cmpi ne, %convert_element_type3A_237, %cond3A_238 : i32
        scf.if %cond3A_239 {
          %add3A_240 = arith.constant 3 : i32
          %add3A_241 = arith.addi %mul3A_161, %add3A_240 : i32
          %mul3A_242 = arith.constant 64 : i32
          %mul3A_243 = arith.muli %add3A_241, %mul3A_242 : i32
          %dma_start3A = tpu.memref_slice %arg17[%mul3A_243] : memref<8256xi32, #tpu.memory_space<vmem>> -> memref<64xi32, #tpu.memory_space<vmem>>
          %dma_start3A_244 = arith.constant 0 : i32
          %dma_start3A_245 = arith.constant 0 : i32
          %dma_start3A_246 = tpu.memref_slice %arg8[%dma_start3A_244, %dma_start3A_245] : memref<10240x128xf32, #tpu.memory_space<hbm>> -> memref<10240x128xf32, #tpu.memory_space<hbm>>
          tpu.enqueue_indirect_dma source(%dma_start3A_246 : memref<10240x128xf32, #tpu.memory_space<hbm>>) target(%arg20 : memref<64x128xf32, #tpu.memory_space<vmem>>) offsets(%dma_start3A : memref<64xi32, #tpu.memory_space<vmem>>) semaphore(%arg23 : memref<!tpu.dma_semaphore, #tpu.memory_space<semaphore_mem>>)
        } else {
        }
      } else {
      }
    }
    %barrier3A_154 = arith.constant 0 : index
    tpu.barrier barrier_id(%barrier3A_154)
    %mul3A_155 = arith.constant 640 : i32
    %mul3A_156 = arith.muli %arg1, %mul3A_155 : i32
    %mul3A_157 = arith.constant 640 : i32
    %mul3A_158 = arith.muli %arg1, %mul3A_157 : i32
    "tpu.region"() ({
      %run_scoped3A = tpu.sem_alloc : memref<!tpu.dma_semaphore, #tpu.memory_space<semaphore_mem>>
      %dma_start3A = arith.constant 0 : i32
      %dma_start3A_159 = arith.constant 0 : i32
      %dma_start3A_160 = tpu.memref_slice %arg10[%arg0, %dma_start3A, %dma_start3A_159] : memref<2x10240x128xf32, #tpu.memory_space<hbm>> -> memref<1x10240x128xf32, #tpu.memory_space<hbm>>
      %dma_start3A_161 = tpu.memref_squeeze %dma_start3A_160 : memref<1x10240x128xf32, #tpu.memory_space<hbm>> -> memref<10240x128xf32, #tpu.memory_space<hbm>>
      %dma_start3A_162 = arith.constant 0 : i32
      %dma_start3A_163 = tpu.memref_slice %dma_start3A_161[%mul3A_158, %dma_start3A_162] : memref<10240x128xf32, #tpu.memory_space<hbm>> -> memref<640x128xf32, #tpu.memory_space<hbm>>
      %dma_start3A_164 = arith.constant 0 : i32
      %dma_start3A_165 = tpu.memref_slice %arg21[%mul3A_156, %dma_start3A_164] : memref<10240x128xf32, #tpu.memory_space<vmem_shared>> -> memref<640x128xf32, #tpu.memory_space<vmem_shared>>
      tpu.enqueue_dma source(%dma_start3A_165 : memref<640x128xf32, #tpu.memory_space<vmem_shared>>) target(%dma_start3A_163 : memref<640x128xf32, #tpu.memory_space<hbm>>) target_semaphore(%run_scoped3A : memref<!tpu.dma_semaphore, #tpu.memory_space<semaphore_mem>>)
      %dma_wait3A = arith.constant 0 : i32
      %dma_wait3A_166 = arith.constant 0 : i32
      %dma_wait3A_167 = tpu.memref_slice %arg10[%arg0, %dma_wait3A, %dma_wait3A_166] : memref<2x10240x128xf32, #tpu.memory_space<hbm>> -> memref<1x10240x128xf32, #tpu.memory_space<hbm>>
      %dma_wait3A_168 = tpu.memref_squeeze %dma_wait3A_167 : memref<1x10240x128xf32, #tpu.memory_space<hbm>> -> memref<10240x128xf32, #tpu.memory_space<hbm>>
      %dma_wait3A_169 = arith.constant 0 : i32
      %dma_wait3A_170 = tpu.memref_slice %dma_wait3A_168[%mul3A_158, %dma_wait3A_169] : memref<10240x128xf32, #tpu.memory_space<hbm>> -> memref<640x128xf32, #tpu.memory_space<hbm>>
      %dma_wait3A_171 = arith.constant 0 : i32
      %dma_wait3A_172 = tpu.memref_slice %arg21[%mul3A_156, %dma_wait3A_171] : memref<10240x128xf32, #tpu.memory_space<vmem_shared>> -> memref<640x128xf32, #tpu.memory_space<vmem_shared>>
      tpu.wait_dma2 semaphore(%run_scoped3A : memref<!tpu.dma_semaphore, #tpu.memory_space<semaphore_mem>>) src(%dma_wait3A_172 : memref<640x128xf32, #tpu.memory_space<vmem_shared>>) dst(%dma_wait3A_170 : memref<640x128xf32, #tpu.memory_space<hbm>>)
      tpu.yield
    }) : () -> ()
    return
  }
}

module attributes {stable_mosaic.version = 14 : i64} {
  func.func @_score_kernel(%arg0: i32, %arg1: memref<2560x128xf32, #tpu.memory_space<vmem>>, %arg2: memref<128x128xf32, #tpu.memory_space<vmem>>, %arg3: memref<1x128xf32, #tpu.memory_space<vmem>>, %arg4: memref<128x256xf32, #tpu.memory_space<vmem>>, %arg5: memref<1x256xf32, #tpu.memory_space<vmem>>, %arg6: memref<256x1xf32, #tpu.memory_space<vmem>>, %arg7: memref<1x1xf32, #tpu.memory_space<vmem>>, %arg8: memref<2560x1xf32, #tpu.memory_space<vmem>>, %arg9: memref<2560x128xf32, #tpu.memory_space<vmem>>) attributes {dimension_semantics = [#tpu.dimension_semantics<arbitrary>], iteration_bounds = array<i64: 4>, scalar_prefetch = 0 : i64, scratch_operands = 0 : i64, tpu.core_type = #tpu.core_type<tc>, window_params = [{transform_indices = @transform_0, window_bounds = array<i64: 2560, 128>}, {pipeline_mode = #tpu.pipeline_mode<synchronous>, transform_indices = @transform_1, window_bounds = array<i64: 128, 128>}, {pipeline_mode = #tpu.pipeline_mode<synchronous>, transform_indices = @transform_2, window_bounds = array<i64: 1, 128>}, {pipeline_mode = #tpu.pipeline_mode<synchronous>, transform_indices = @transform_3, window_bounds = array<i64: 128, 256>}, {pipeline_mode = #tpu.pipeline_mode<synchronous>, transform_indices = @transform_4, window_bounds = array<i64: 1, 256>}, {pipeline_mode = #tpu.pipeline_mode<synchronous>, transform_indices = @transform_5, window_bounds = array<i64: 256, 1>}, {pipeline_mode = #tpu.pipeline_mode<synchronous>, transform_indices = @transform_6, window_bounds = array<i64: 1, 1>}, {transform_indices = @transform_7, window_bounds = array<i64: 2560, 1>}, {transform_indices = @transform_8, window_bounds = array<i64: 2560, 128>}]} {
    %get3A = arith.constant 0 : index
    %get3A_0 = arith.constant 0 : index
    %get3A_1 = vector.load %arg1[%get3A, %get3A_0] : memref<2560x128xf32, #tpu.memory_space<vmem>>, vector<2560x128xf32>
    %get3A_2 = arith.constant 0 : index
    %get3A_3 = arith.constant 0 : index
    %get3A_4 = vector.load %arg2[%get3A_2, %get3A_3] : memref<128x128xf32, #tpu.memory_space<vmem>>, vector<128x128xf32>
    %get3A_5 = arith.constant 0 : index
    %get3A_6 = arith.constant 0 : index
    %get3A_7 = vector.load %arg3[%get3A_5, %get3A_6] : memref<1x128xf32, #tpu.memory_space<vmem>>, vector<1x128xf32>
    %get3A_8 = arith.constant 0 : index
    %get3A_9 = arith.constant 0 : index
    %get3A_10 = vector.load %arg4[%get3A_8, %get3A_9] : memref<128x256xf32, #tpu.memory_space<vmem>>, vector<128x256xf32>
    %get3A_11 = arith.constant 0 : index
    %get3A_12 = arith.constant 0 : index
    %get3A_13 = vector.load %arg5[%get3A_11, %get3A_12] : memref<1x256xf32, #tpu.memory_space<vmem>>, vector<1x256xf32>
    %get3A_14 = arith.constant 0 : index
    %get3A_15 = arith.constant 0 : index
    %get3A_16 = vector.load %arg6[%get3A_14, %get3A_15] : memref<256x1xf32, #tpu.memory_space<vmem>>, vector<256x1xf32>
    %get3A_17 = arith.constant 0 : index
    %get3A_18 = arith.constant 0 : index
    %get3A_19 = vector.load %arg7[%get3A_17, %get3A_18] : memref<1x1xf32, #tpu.memory_space<vmem>>, vector<1x1xf32>
    %dot_general3A = arith.constant dense<0.000000e+00> : vector<2560x128xf32>
    %dot_general3A_20 = tpu.matmul %get3A_1, %get3A_4, %dot_general3A {dimension_numbers = #tpu.dot_dimension_numbers<[1], [0], [0], [1], [0, 0, 1, 1], [], []>, transpose_lhs_hint = false} : vector<2560x128xf32>, vector<128x128xf32>, vector<2560x128xf32> -> vector<2560x128xf32>
    %add3A = vector.broadcast %get3A_7 : vector<1x128xf32> to vector<2560x128xf32>
    %add3A_21 = arith.addf %dot_general3A_20, %add3A : vector<2560x128xf32>
    %mul3A = arith.mulf %get3A_1, %add3A_21 : vector<2560x128xf32>
    %dot_general3A_22 = arith.constant dense<0.000000e+00> : vector<2560x256xf32>
    %dot_general3A_23 = tpu.matmul %mul3A, %get3A_10, %dot_general3A_22 {dimension_numbers = #tpu.dot_dimension_numbers<[1], [0], [0], [1], [0, 0, 1, 1], [], []>, transpose_lhs_hint = false} : vector<2560x128xf32>, vector<128x256xf32>, vector<2560x256xf32> -> vector<2560x256xf32>
    %add3A_24 = vector.broadcast %get3A_13 : vector<1x256xf32> to vector<2560x256xf32>
    %add3A_25 = arith.addf %dot_general3A_23, %add3A_24 : vector<2560x256xf32>
    %max3A = arith.constant 0.000000e+00 : f32
    %max3A_26 = vector.broadcast %max3A : f32 to vector<2560x256xf32>
    %max3A_27 = arith.maximumf %add3A_25, %max3A_26 : vector<2560x256xf32>
    %dot_general3A_28 = arith.constant dense<0.000000e+00> : vector<2560x1xf32>
    %dot_general3A_29 = tpu.matmul %max3A_27, %get3A_16, %dot_general3A_28 {dimension_numbers = #tpu.dot_dimension_numbers<[1], [0], [0], [1], [0, 0, 1, 1], [], []>, transpose_lhs_hint = false} : vector<2560x256xf32>, vector<256x1xf32>, vector<2560x1xf32> -> vector<2560x1xf32>
    %add3A_30 = vector.broadcast %get3A_19 : vector<1x1xf32> to vector<2560x1xf32>
    %add3A_31 = arith.addf %dot_general3A_29, %add3A_30 : vector<2560x1xf32>
    %swap3A = arith.constant 0 : index
    %swap3A_32 = arith.constant 0 : index
    %swap3A_33 = vector.load %arg8[%swap3A, %swap3A_32] : memref<2560x1xf32, #tpu.memory_space<vmem>>, vector<2560x1xf32>
    tpu.vector_store %arg8[%swap3A, %swap3A_32], %add3A_31 {strides = array<i32>} : memref<2560x1xf32, #tpu.memory_space<vmem>>, vector<2560x1xf32>,
    %logistic3A = arith.negf %add3A_31 : vector<2560x1xf32>
    %logistic3A_34 = math.exp %logistic3A : vector<2560x1xf32>
    %logistic3A_35 = arith.constant 1.000000e+00 : f32
    %logistic3A_36 = vector.broadcast %logistic3A_35 : f32 to vector<2560x1xf32>
    %logistic3A_37 = arith.addf %logistic3A_36, %logistic3A_34 : vector<2560x1xf32>
    %logistic3A_38 = arith.divf %logistic3A_36, %logistic3A_37 : vector<2560x1xf32>
    %mul3A_39 = vector.broadcast %logistic3A_38 : vector<2560x1xf32> to vector<2560x128xf32>
    %mul3A_40 = arith.mulf %mul3A_39, %get3A_1 : vector<2560x128xf32>
    %swap3A_41 = arith.constant 0 : index
    %swap3A_42 = arith.constant 0 : index
    %swap3A_43 = vector.load %arg9[%swap3A_41, %swap3A_42] : memref<2560x128xf32, #tpu.memory_space<vmem>>, vector<2560x128xf32>
    tpu.vector_store %arg9[%swap3A_41, %swap3A_42], %mul3A_40 {strides = array<i32>} : memref<2560x128xf32, #tpu.memory_space<vmem>>, vector<2560x128xf32>,
    return
  }
  func.func @transform_0(%arg0: i32) -> (i32, i32) {
    %c0_i32 = arith.constant 0 : i32
    %c0_i32_0 = arith.constant 0 : i32
    return %arg0, %c0_i32 : i32, i32
  }
  func.func @transform_1(%arg0: i32) -> (i32, i32) {
    %c0_i32 = arith.constant 0 : i32
    %c0_i32_0 = arith.constant 0 : i32
    %c0_i32_1 = arith.constant 0 : i32
    return %c0_i32, %c0_i32_0 : i32, i32
  }
  func.func @transform_2(%arg0: i32) -> (i32, i32) {
    %c0_i32 = arith.constant 0 : i32
    %c0_i32_0 = arith.constant 0 : i32
    %c0_i32_1 = arith.constant 0 : i32
    return %c0_i32, %c0_i32_0 : i32, i32
  }
  func.func @transform_3(%arg0: i32) -> (i32, i32) {
    %c0_i32 = arith.constant 0 : i32
    %c0_i32_0 = arith.constant 0 : i32
    %c0_i32_1 = arith.constant 0 : i32
    return %c0_i32, %c0_i32_0 : i32, i32
  }
  func.func @transform_4(%arg0: i32) -> (i32, i32) {
    %c0_i32 = arith.constant 0 : i32
    %c0_i32_0 = arith.constant 0 : i32
    %c0_i32_1 = arith.constant 0 : i32
    return %c0_i32, %c0_i32_0 : i32, i32
  }
  func.func @transform_5(%arg0: i32) -> (i32, i32) {
    %c0_i32 = arith.constant 0 : i32
    %c0_i32_0 = arith.constant 0 : i32
    %c0_i32_1 = arith.constant 0 : i32
    return %c0_i32, %c0_i32_0 : i32, i32
  }
  func.func @transform_6(%arg0: i32) -> (i32, i32) {
    %c0_i32 = arith.constant 0 : i32
    %c0_i32_0 = arith.constant 0 : i32
    %c0_i32_1 = arith.constant 0 : i32
    return %c0_i32, %c0_i32_0 : i32, i32
  }
  func.func @transform_7(%arg0: i32) -> (i32, i32) {
    %c0_i32 = arith.constant 0 : i32
    %c0_i32_0 = arith.constant 0 : i32
    return %arg0, %c0_i32 : i32, i32
  }
  func.func @transform_8(%arg0: i32) -> (i32, i32) {
    %c0_i32 = arith.constant 0 : i32
    %c0_i32_0 = arith.constant 0 : i32
    return %arg0, %c0_i32 : i32, i32
  }
}

module attributes {stable_mosaic.version = 14 : i64} {
  func.func @_update_kernel(%arg0: i32, %arg1: memref<2560x128xf32, #tpu.memory_space<vmem>>, %arg2: memref<2560x128xf32, #tpu.memory_space<vmem>>, %arg3: memref<2560x128xf32, #tpu.memory_space<vmem>>, %arg4: memref<2560x1xf32, #tpu.memory_space<vmem>>, %arg5: memref<128x128xf32, #tpu.memory_space<vmem>>, %arg6: memref<1x128xf32, #tpu.memory_space<vmem>>, %arg7: memref<128x128xf32, #tpu.memory_space<vmem>>, %arg8: memref<1x128xf32, #tpu.memory_space<vmem>>, %arg9: memref<128x256xf32, #tpu.memory_space<vmem>>, %arg10: memref<1x256xf32, #tpu.memory_space<vmem>>, %arg11: memref<256x1xf32, #tpu.memory_space<vmem>>, %arg12: memref<1x1xf32, #tpu.memory_space<vmem>>, %arg13: memref<2560x128xf32, #tpu.memory_space<vmem>>, %arg14: memref<2560x1xf32, #tpu.memory_space<vmem>>, %arg15: memref<2560x128xf32, #tpu.memory_space<vmem>>) attributes {dimension_semantics = [#tpu.dimension_semantics<arbitrary>], iteration_bounds = array<i64: 4>, scalar_prefetch = 0 : i64, scratch_operands = 0 : i64, tpu.core_type = #tpu.core_type<tc>, window_params = [{transform_indices = @transform_0, window_bounds = array<i64: 2560, 128>}, {transform_indices = @transform_1, window_bounds = array<i64: 2560, 128>}, {transform_indices = @transform_2, window_bounds = array<i64: 2560, 128>}, {transform_indices = @transform_3, window_bounds = array<i64: 2560, 1>}, {pipeline_mode = #tpu.pipeline_mode<synchronous>, transform_indices = @transform_4, window_bounds = array<i64: 128, 128>}, {pipeline_mode = #tpu.pipeline_mode<synchronous>, transform_indices = @transform_5, window_bounds = array<i64: 1, 128>}, {pipeline_mode = #tpu.pipeline_mode<synchronous>, transform_indices = @transform_6, window_bounds = array<i64: 128, 128>}, {pipeline_mode = #tpu.pipeline_mode<synchronous>, transform_indices = @transform_7, window_bounds = array<i64: 1, 128>}, {pipeline_mode = #tpu.pipeline_mode<synchronous>, transform_indices = @transform_8, window_bounds = array<i64: 128, 256>}, {pipeline_mode = #tpu.pipeline_mode<synchronous>, transform_indices = @transform_9, window_bounds = array<i64: 1, 256>}, {pipeline_mode = #tpu.pipeline_mode<synchronous>, transform_indices = @transform_10, window_bounds = array<i64: 256, 1>}, {pipeline_mode = #tpu.pipeline_mode<synchronous>, transform_indices = @transform_11, window_bounds = array<i64: 1, 1>}, {transform_indices = @transform_12, window_bounds = array<i64: 2560, 128>}, {transform_indices = @transform_13, window_bounds = array<i64: 2560, 1>}, {transform_indices = @transform_14, window_bounds = array<i64: 2560, 128>}]} {
    %get3A = arith.constant 0 : index
    %get3A_0 = arith.constant 0 : index
    %get3A_1 = vector.load %arg2[%get3A, %get3A_0] : memref<2560x128xf32, #tpu.memory_space<vmem>>, vector<2560x128xf32>
    %get3A_2 = arith.constant 0 : index
    %get3A_3 = arith.constant 0 : index
    %get3A_4 = vector.load %arg3[%get3A_2, %get3A_3] : memref<2560x128xf32, #tpu.memory_space<vmem>>, vector<2560x128xf32>
    %add3A = arith.addf %get3A_1, %get3A_4 : vector<2560x128xf32>
    %get3A_5 = arith.constant 0 : index
    %get3A_6 = arith.constant 0 : index
    %get3A_7 = vector.load %arg5[%get3A_5, %get3A_6] : memref<128x128xf32, #tpu.memory_space<vmem>>, vector<128x128xf32>
    %dot_general3A = arith.constant dense<0.000000e+00> : vector<2560x128xf32>
    %dot_general3A_8 = tpu.matmul %add3A, %get3A_7, %dot_general3A {dimension_numbers = #tpu.dot_dimension_numbers<[1], [0], [0], [1], [0, 0, 1, 1], [], []>, transpose_lhs_hint = false} : vector<2560x128xf32>, vector<128x128xf32>, vector<2560x128xf32> -> vector<2560x128xf32>
    %get3A_9 = arith.constant 0 : index
    %get3A_10 = arith.constant 0 : index
    %get3A_11 = vector.load %arg6[%get3A_9, %get3A_10] : memref<1x128xf32, #tpu.memory_space<vmem>>, vector<1x128xf32>
    %add3A_12 = vector.broadcast %get3A_11 : vector<1x128xf32> to vector<2560x128xf32>
    %add3A_13 = arith.addf %dot_general3A_8, %add3A_12 : vector<2560x128xf32>
    %max3A = arith.constant 0.000000e+00 : f32
    %max3A_14 = vector.broadcast %max3A : f32 to vector<2560x128xf32>
    %max3A_15 = arith.maximumf %add3A_13, %max3A_14 : vector<2560x128xf32>
    %get3A_16 = arith.constant 0 : index
    %get3A_17 = arith.constant 0 : index
    %get3A_18 = vector.load %arg1[%get3A_16, %get3A_17] : memref<2560x128xf32, #tpu.memory_space<vmem>>, vector<2560x128xf32>
    %get3A_19 = arith.constant 0 : index
    %get3A_20 = arith.constant 0 : index
    %get3A_21 = vector.load %arg4[%get3A_19, %get3A_20] : memref<2560x1xf32, #tpu.memory_space<vmem>>, vector<2560x1xf32>
    %mul3A = vector.broadcast %get3A_21 : vector<2560x1xf32> to vector<2560x128xf32>
    %mul3A_22 = arith.mulf %mul3A, %max3A_15 : vector<2560x128xf32>
    %add3A_23 = arith.addf %get3A_18, %mul3A_22 : vector<2560x128xf32>
    %get3A_24 = arith.constant 0 : index
    %get3A_25 = arith.constant 0 : index
    %get3A_26 = vector.load %arg7[%get3A_24, %get3A_25] : memref<128x128xf32, #tpu.memory_space<vmem>>, vector<128x128xf32>
    %get3A_27 = arith.constant 0 : index
    %get3A_28 = arith.constant 0 : index
    %get3A_29 = vector.load %arg8[%get3A_27, %get3A_28] : memref<1x128xf32, #tpu.memory_space<vmem>>, vector<1x128xf32>
    %get3A_30 = arith.constant 0 : index
    %get3A_31 = arith.constant 0 : index
    %get3A_32 = vector.load %arg9[%get3A_30, %get3A_31] : memref<128x256xf32, #tpu.memory_space<vmem>>, vector<128x256xf32>
    %get3A_33 = arith.constant 0 : index
    %get3A_34 = arith.constant 0 : index
    %get3A_35 = vector.load %arg10[%get3A_33, %get3A_34] : memref<1x256xf32, #tpu.memory_space<vmem>>, vector<1x256xf32>
    %get3A_36 = arith.constant 0 : index
    %get3A_37 = arith.constant 0 : index
    %get3A_38 = vector.load %arg11[%get3A_36, %get3A_37] : memref<256x1xf32, #tpu.memory_space<vmem>>, vector<256x1xf32>
    %get3A_39 = arith.constant 0 : index
    %get3A_40 = arith.constant 0 : index
    %get3A_41 = vector.load %arg12[%get3A_39, %get3A_40] : memref<1x1xf32, #tpu.memory_space<vmem>>, vector<1x1xf32>
    %dot_general3A_42 = arith.constant dense<0.000000e+00> : vector<2560x128xf32>
    %dot_general3A_43 = tpu.matmul %add3A_23, %get3A_26, %dot_general3A_42 {dimension_numbers = #tpu.dot_dimension_numbers<[1], [0], [0], [1], [0, 0, 1, 1], [], []>, transpose_lhs_hint = false} : vector<2560x128xf32>, vector<128x128xf32>, vector<2560x128xf32> -> vector<2560x128xf32>
    %add3A_44 = vector.broadcast %get3A_29 : vector<1x128xf32> to vector<2560x128xf32>
    %add3A_45 = arith.addf %dot_general3A_43, %add3A_44 : vector<2560x128xf32>
    %mul3A_46 = arith.mulf %add3A_23, %add3A_45 : vector<2560x128xf32>
    %dot_general3A_47 = arith.constant dense<0.000000e+00> : vector<2560x256xf32>
    %dot_general3A_48 = tpu.matmul %mul3A_46, %get3A_32, %dot_general3A_47 {dimension_numbers = #tpu.dot_dimension_numbers<[1], [0], [0], [1], [0, 0, 1, 1], [], []>, transpose_lhs_hint = false} : vector<2560x128xf32>, vector<128x256xf32>, vector<2560x256xf32> -> vector<2560x256xf32>
    %add3A_49 = vector.broadcast %get3A_35 : vector<1x256xf32> to vector<2560x256xf32>
    %add3A_50 = arith.addf %dot_general3A_48, %add3A_49 : vector<2560x256xf32>
    %max3A_51 = arith.constant 0.000000e+00 : f32
    %max3A_52 = vector.broadcast %max3A_51 : f32 to vector<2560x256xf32>
    %max3A_53 = arith.maximumf %add3A_50, %max3A_52 : vector<2560x256xf32>
    %dot_general3A_54 = arith.constant dense<0.000000e+00> : vector<2560x1xf32>
    %dot_general3A_55 = tpu.matmul %max3A_53, %get3A_38, %dot_general3A_54 {dimension_numbers = #tpu.dot_dimension_numbers<[1], [0], [0], [1], [0, 0, 1, 1], [], []>, transpose_lhs_hint = false} : vector<2560x256xf32>, vector<256x1xf32>, vector<2560x1xf32> -> vector<2560x1xf32>
    %add3A_56 = vector.broadcast %get3A_41 : vector<1x1xf32> to vector<2560x1xf32>
    %add3A_57 = arith.addf %dot_general3A_55, %add3A_56 : vector<2560x1xf32>
    %swap3A = arith.constant 0 : index
    %swap3A_58 = arith.constant 0 : index
    %swap3A_59 = vector.load %arg13[%swap3A, %swap3A_58] : memref<2560x128xf32, #tpu.memory_space<vmem>>, vector<2560x128xf32>
    tpu.vector_store %arg13[%swap3A, %swap3A_58], %add3A_23 {strides = array<i32>} : memref<2560x128xf32, #tpu.memory_space<vmem>>, vector<2560x128xf32>,
    %swap3A_60 = arith.constant 0 : index
    %swap3A_61 = arith.constant 0 : index
    %swap3A_62 = vector.load %arg14[%swap3A_60, %swap3A_61] : memref<2560x1xf32, #tpu.memory_space<vmem>>, vector<2560x1xf32>
    tpu.vector_store %arg14[%swap3A_60, %swap3A_61], %add3A_57 {strides = array<i32>} : memref<2560x1xf32, #tpu.memory_space<vmem>>, vector<2560x1xf32>,
    %logistic3A = arith.negf %add3A_57 : vector<2560x1xf32>
    %logistic3A_63 = math.exp %logistic3A : vector<2560x1xf32>
    %logistic3A_64 = arith.constant 1.000000e+00 : f32
    %logistic3A_65 = vector.broadcast %logistic3A_64 : f32 to vector<2560x1xf32>
    %logistic3A_66 = arith.addf %logistic3A_65, %logistic3A_63 : vector<2560x1xf32>
    %logistic3A_67 = arith.divf %logistic3A_65, %logistic3A_66 : vector<2560x1xf32>
    %mul3A_68 = vector.broadcast %logistic3A_67 : vector<2560x1xf32> to vector<2560x128xf32>
    %mul3A_69 = arith.mulf %mul3A_68, %add3A_23 : vector<2560x128xf32>
    %swap3A_70 = arith.constant 0 : index
    %swap3A_71 = arith.constant 0 : index
    %swap3A_72 = vector.load %arg15[%swap3A_70, %swap3A_71] : memref<2560x128xf32, #tpu.memory_space<vmem>>, vector<2560x128xf32>
    tpu.vector_store %arg15[%swap3A_70, %swap3A_71], %mul3A_69 {strides = array<i32>} : memref<2560x128xf32, #tpu.memory_space<vmem>>, vector<2560x128xf32>,
    return
  }
  func.func @transform_0(%arg0: i32) -> (i32, i32) {
    %c0_i32 = arith.constant 0 : i32
    %c0_i32_0 = arith.constant 0 : i32
    return %arg0, %c0_i32 : i32, i32
  }
  func.func @transform_1(%arg0: i32) -> (i32, i32) {
    %c0_i32 = arith.constant 0 : i32
    %c0_i32_0 = arith.constant 0 : i32
    return %arg0, %c0_i32 : i32, i32
  }
  func.func @transform_2(%arg0: i32) -> (i32, i32) {
    %c0_i32 = arith.constant 0 : i32
    %c0_i32_0 = arith.constant 0 : i32
    return %arg0, %c0_i32 : i32, i32
  }
  func.func @transform_3(%arg0: i32) -> (i32, i32) {
    %c0_i32 = arith.constant 0 : i32
    %c0_i32_0 = arith.constant 0 : i32
    return %arg0, %c0_i32 : i32, i32
  }
  func.func @transform_4(%arg0: i32) -> (i32, i32) {
    %c0_i32 = arith.constant 0 : i32
    %c0_i32_0 = arith.constant 0 : i32
    %c0_i32_1 = arith.constant 0 : i32
    return %c0_i32, %c0_i32_0 : i32, i32
  }
  func.func @transform_5(%arg0: i32) -> (i32, i32) {
    %c0_i32 = arith.constant 0 : i32
    %c0_i32_0 = arith.constant 0 : i32
    %c0_i32_1 = arith.constant 0 : i32
    return %c0_i32, %c0_i32_0 : i32, i32
  }
  func.func @transform_6(%arg0: i32) -> (i32, i32) {
    %c0_i32 = arith.constant 0 : i32
    %c0_i32_0 = arith.constant 0 : i32
    %c0_i32_1 = arith.constant 0 : i32
    return %c0_i32, %c0_i32_0 : i32, i32
  }
  func.func @transform_7(%arg0: i32) -> (i32, i32) {
    %c0_i32 = arith.constant 0 : i32
    %c0_i32_0 = arith.constant 0 : i32
    %c0_i32_1 = arith.constant 0 : i32
    return %c0_i32, %c0_i32_0 : i32, i32
  }
  func.func @transform_8(%arg0: i32) -> (i32, i32) {
    %c0_i32 = arith.constant 0 : i32
    %c0_i32_0 = arith.constant 0 : i32
    %c0_i32_1 = arith.constant 0 : i32
    return %c0_i32, %c0_i32_0 : i32, i32
  }
  func.func @transform_9(%arg0: i32) -> (i32, i32) {
    %c0_i32 = arith.constant 0 : i32
    %c0_i32_0 = arith.constant 0 : i32
    %c0_i32_1 = arith.constant 0 : i32
    return %c0_i32, %c0_i32_0 : i32, i32
  }
  func.func @transform_10(%arg0: i32) -> (i32, i32) {
    %c0_i32 = arith.constant 0 : i32
    %c0_i32_0 = arith.constant 0 : i32
    %c0_i32_1 = arith.constant 0 : i32
    return %c0_i32, %c0_i32_0 : i32, i32
  }
  func.func @transform_11(%arg0: i32) -> (i32, i32) {
    %c0_i32 = arith.constant 0 : i32
    %c0_i32_0 = arith.constant 0 : i32
    %c0_i32_1 = arith.constant 0 : i32
    return %c0_i32, %c0_i32_0 : i32, i32
  }
  func.func @transform_12(%arg0: i32) -> (i32, i32) {
    %c0_i32 = arith.constant 0 : i32
    %c0_i32_0 = arith.constant 0 : i32
    return %arg0, %c0_i32 : i32, i32
  }
  func.func @transform_13(%arg0: i32) -> (i32, i32) {
    %c0_i32 = arith.constant 0 : i32
    %c0_i32_0 = arith.constant 0 : i32
    return %arg0, %c0_i32 : i32, i32
  }
  func.func @transform_14(%arg0: i32) -> (i32, i32) {
    %c0_i32 = arith.constant 0 : i32
    %c0_i32_0 = arith.constant 0 : i32
    return %arg0, %c0_i32 : i32, i32
  }
}

module attributes {stable_mosaic.version = 14 : i64} {
  func.func @_update_kernel(%arg0: i32, %arg1: memref<2560x128xf32, #tpu.memory_space<vmem>>, %arg2: memref<2560x128xf32, #tpu.memory_space<vmem>>, %arg3: memref<2560x128xf32, #tpu.memory_space<vmem>>, %arg4: memref<2560x1xf32, #tpu.memory_space<vmem>>, %arg5: memref<128x128xf32, #tpu.memory_space<vmem>>, %arg6: memref<1x128xf32, #tpu.memory_space<vmem>>, %arg7: memref<128x128xf32, #tpu.memory_space<vmem>>, %arg8: memref<1x128xf32, #tpu.memory_space<vmem>>, %arg9: memref<128x256xf32, #tpu.memory_space<vmem>>, %arg10: memref<1x256xf32, #tpu.memory_space<vmem>>, %arg11: memref<256x1xf32, #tpu.memory_space<vmem>>, %arg12: memref<1x1xf32, #tpu.memory_space<vmem>>, %arg13: memref<2560x128xf32, #tpu.memory_space<vmem>>, %arg14: memref<2560x1xf32, #tpu.memory_space<vmem>>, %arg15: memref<2560x128xf32, #tpu.memory_space<vmem>>) attributes {dimension_semantics = [#tpu.dimension_semantics<arbitrary>], iteration_bounds = array<i64: 4>, scalar_prefetch = 0 : i64, scratch_operands = 0 : i64, tpu.core_type = #tpu.core_type<tc>, window_params = [{transform_indices = @transform_0, window_bounds = array<i64: 2560, 128>}, {transform_indices = @transform_1, window_bounds = array<i64: 2560, 128>}, {transform_indices = @transform_2, window_bounds = array<i64: 2560, 128>}, {transform_indices = @transform_3, window_bounds = array<i64: 2560, 1>}, {pipeline_mode = #tpu.pipeline_mode<synchronous>, transform_indices = @transform_4, window_bounds = array<i64: 128, 128>}, {pipeline_mode = #tpu.pipeline_mode<synchronous>, transform_indices = @transform_5, window_bounds = array<i64: 1, 128>}, {pipeline_mode = #tpu.pipeline_mode<synchronous>, transform_indices = @transform_6, window_bounds = array<i64: 128, 128>}, {pipeline_mode = #tpu.pipeline_mode<synchronous>, transform_indices = @transform_7, window_bounds = array<i64: 1, 128>}, {pipeline_mode = #tpu.pipeline_mode<synchronous>, transform_indices = @transform_8, window_bounds = array<i64: 128, 256>}, {pipeline_mode = #tpu.pipeline_mode<synchronous>, transform_indices = @transform_9, window_bounds = array<i64: 1, 256>}, {pipeline_mode = #tpu.pipeline_mode<synchronous>, transform_indices = @transform_10, window_bounds = array<i64: 256, 1>}, {pipeline_mode = #tpu.pipeline_mode<synchronous>, transform_indices = @transform_11, window_bounds = array<i64: 1, 1>}, {transform_indices = @transform_12, window_bounds = array<i64: 2560, 128>}, {transform_indices = @transform_13, window_bounds = array<i64: 2560, 1>}, {transform_indices = @transform_14, window_bounds = array<i64: 2560, 128>}]} {
    %get3A = arith.constant 0 : index
    %get3A_0 = arith.constant 0 : index
    %get3A_1 = vector.load %arg2[%get3A, %get3A_0] : memref<2560x128xf32, #tpu.memory_space<vmem>>, vector<2560x128xf32>
    %get3A_2 = arith.constant 0 : index
    %get3A_3 = arith.constant 0 : index
    %get3A_4 = vector.load %arg3[%get3A_2, %get3A_3] : memref<2560x128xf32, #tpu.memory_space<vmem>>, vector<2560x128xf32>
    %add3A = arith.addf %get3A_1, %get3A_4 : vector<2560x128xf32>
    %get3A_5 = arith.constant 0 : index
    %get3A_6 = arith.constant 0 : index
    %get3A_7 = vector.load %arg5[%get3A_5, %get3A_6] : memref<128x128xf32, #tpu.memory_space<vmem>>, vector<128x128xf32>
    %dot_general3A = arith.constant dense<0.000000e+00> : vector<2560x128xf32>
    %dot_general3A_8 = tpu.matmul %add3A, %get3A_7, %dot_general3A {dimension_numbers = #tpu.dot_dimension_numbers<[1], [0], [0], [1], [0, 0, 1, 1], [], []>, transpose_lhs_hint = false} : vector<2560x128xf32>, vector<128x128xf32>, vector<2560x128xf32> -> vector<2560x128xf32>
    %get3A_9 = arith.constant 0 : index
    %get3A_10 = arith.constant 0 : index
    %get3A_11 = vector.load %arg6[%get3A_9, %get3A_10] : memref<1x128xf32, #tpu.memory_space<vmem>>, vector<1x128xf32>
    %add3A_12 = vector.broadcast %get3A_11 : vector<1x128xf32> to vector<2560x128xf32>
    %add3A_13 = arith.addf %dot_general3A_8, %add3A_12 : vector<2560x128xf32>
    %max3A = arith.constant 0.000000e+00 : f32
    %max3A_14 = vector.broadcast %max3A : f32 to vector<2560x128xf32>
    %max3A_15 = arith.maximumf %add3A_13, %max3A_14 : vector<2560x128xf32>
    %get3A_16 = arith.constant 0 : index
    %get3A_17 = arith.constant 0 : index
    %get3A_18 = vector.load %arg1[%get3A_16, %get3A_17] : memref<2560x128xf32, #tpu.memory_space<vmem>>, vector<2560x128xf32>
    %get3A_19 = arith.constant 0 : index
    %get3A_20 = arith.constant 0 : index
    %get3A_21 = vector.load %arg4[%get3A_19, %get3A_20] : memref<2560x1xf32, #tpu.memory_space<vmem>>, vector<2560x1xf32>
    %mul3A = vector.broadcast %get3A_21 : vector<2560x1xf32> to vector<2560x128xf32>
    %mul3A_22 = arith.mulf %mul3A, %max3A_15 : vector<2560x128xf32>
    %add3A_23 = arith.addf %get3A_18, %mul3A_22 : vector<2560x128xf32>
    %get3A_24 = arith.constant 0 : index
    %get3A_25 = arith.constant 0 : index
    %get3A_26 = vector.load %arg7[%get3A_24, %get3A_25] : memref<128x128xf32, #tpu.memory_space<vmem>>, vector<128x128xf32>
    %get3A_27 = arith.constant 0 : index
    %get3A_28 = arith.constant 0 : index
    %get3A_29 = vector.load %arg8[%get3A_27, %get3A_28] : memref<1x128xf32, #tpu.memory_space<vmem>>, vector<1x128xf32>
    %get3A_30 = arith.constant 0 : index
    %get3A_31 = arith.constant 0 : index
    %get3A_32 = vector.load %arg9[%get3A_30, %get3A_31] : memref<128x256xf32, #tpu.memory_space<vmem>>, vector<128x256xf32>
    %get3A_33 = arith.constant 0 : index
    %get3A_34 = arith.constant 0 : index
    %get3A_35 = vector.load %arg10[%get3A_33, %get3A_34] : memref<1x256xf32, #tpu.memory_space<vmem>>, vector<1x256xf32>
    %get3A_36 = arith.constant 0 : index
    %get3A_37 = arith.constant 0 : index
    %get3A_38 = vector.load %arg11[%get3A_36, %get3A_37] : memref<256x1xf32, #tpu.memory_space<vmem>>, vector<256x1xf32>
    %get3A_39 = arith.constant 0 : index
    %get3A_40 = arith.constant 0 : index
    %get3A_41 = vector.load %arg12[%get3A_39, %get3A_40] : memref<1x1xf32, #tpu.memory_space<vmem>>, vector<1x1xf32>
    %dot_general3A_42 = arith.constant dense<0.000000e+00> : vector<2560x128xf32>
    %dot_general3A_43 = tpu.matmul %add3A_23, %get3A_26, %dot_general3A_42 {dimension_numbers = #tpu.dot_dimension_numbers<[1], [0], [0], [1], [0, 0, 1, 1], [], []>, transpose_lhs_hint = false} : vector<2560x128xf32>, vector<128x128xf32>, vector<2560x128xf32> -> vector<2560x128xf32>
    %add3A_44 = vector.broadcast %get3A_29 : vector<1x128xf32> to vector<2560x128xf32>
    %add3A_45 = arith.addf %dot_general3A_43, %add3A_44 : vector<2560x128xf32>
    %mul3A_46 = arith.mulf %add3A_23, %add3A_45 : vector<2560x128xf32>
    %dot_general3A_47 = arith.constant dense<0.000000e+00> : vector<2560x256xf32>
    %dot_general3A_48 = tpu.matmul %mul3A_46, %get3A_32, %dot_general3A_47 {dimension_numbers = #tpu.dot_dimension_numbers<[1], [0], [0], [1], [0, 0, 1, 1], [], []>, transpose_lhs_hint = false} : vector<2560x128xf32>, vector<128x256xf32>, vector<2560x256xf32> -> vector<2560x256xf32>
    %add3A_49 = vector.broadcast %get3A_35 : vector<1x256xf32> to vector<2560x256xf32>
    %add3A_50 = arith.addf %dot_general3A_48, %add3A_49 : vector<2560x256xf32>
    %max3A_51 = arith.constant 0.000000e+00 : f32
    %max3A_52 = vector.broadcast %max3A_51 : f32 to vector<2560x256xf32>
    %max3A_53 = arith.maximumf %add3A_50, %max3A_52 : vector<2560x256xf32>
    %dot_general3A_54 = arith.constant dense<0.000000e+00> : vector<2560x1xf32>
    %dot_general3A_55 = tpu.matmul %max3A_53, %get3A_38, %dot_general3A_54 {dimension_numbers = #tpu.dot_dimension_numbers<[1], [0], [0], [1], [0, 0, 1, 1], [], []>, transpose_lhs_hint = false} : vector<2560x256xf32>, vector<256x1xf32>, vector<2560x1xf32> -> vector<2560x1xf32>
    %add3A_56 = vector.broadcast %get3A_41 : vector<1x1xf32> to vector<2560x1xf32>
    %add3A_57 = arith.addf %dot_general3A_55, %add3A_56 : vector<2560x1xf32>
    %swap3A = arith.constant 0 : index
    %swap3A_58 = arith.constant 0 : index
    %swap3A_59 = vector.load %arg13[%swap3A, %swap3A_58] : memref<2560x128xf32, #tpu.memory_space<vmem>>, vector<2560x128xf32>
    tpu.vector_store %arg13[%swap3A, %swap3A_58], %add3A_23 {strides = array<i32>} : memref<2560x128xf32, #tpu.memory_space<vmem>>, vector<2560x128xf32>,
    %swap3A_60 = arith.constant 0 : index
    %swap3A_61 = arith.constant 0 : index
    %swap3A_62 = vector.load %arg14[%swap3A_60, %swap3A_61] : memref<2560x1xf32, #tpu.memory_space<vmem>>, vector<2560x1xf32>
    tpu.vector_store %arg14[%swap3A_60, %swap3A_61], %add3A_57 {strides = array<i32>} : memref<2560x1xf32, #tpu.memory_space<vmem>>, vector<2560x1xf32>,
    %logistic3A = arith.negf %add3A_57 : vector<2560x1xf32>
    %logistic3A_63 = math.exp %logistic3A : vector<2560x1xf32>
    %logistic3A_64 = arith.constant 1.000000e+00 : f32
    %logistic3A_65 = vector.broadcast %logistic3A_64 : f32 to vector<2560x1xf32>
    %logistic3A_66 = arith.addf %logistic3A_65, %logistic3A_63 : vector<2560x1xf32>
    %logistic3A_67 = arith.divf %logistic3A_65, %logistic3A_66 : vector<2560x1xf32>
    %mul3A_68 = vector.broadcast %logistic3A_67 : vector<2560x1xf32> to vector<2560x128xf32>
    %mul3A_69 = arith.mulf %mul3A_68, %add3A_23 : vector<2560x128xf32>
    %swap3A_70 = arith.constant 0 : index
    %swap3A_71 = arith.constant 0 : index
    %swap3A_72 = vector.load %arg15[%swap3A_70, %swap3A_71] : memref<2560x128xf32, #tpu.memory_space<vmem>>, vector<2560x128xf32>
    tpu.vector_store %arg15[%swap3A_70, %swap3A_71], %mul3A_69 {strides = array<i32>} : memref<2560x128xf32, #tpu.memory_space<vmem>>, vector<2560x128xf32>,
    return
  }
  func.func @transform_0(%arg0: i32) -> (i32, i32) {
    %c0_i32 = arith.constant 0 : i32
    %c0_i32_0 = arith.constant 0 : i32
    return %arg0, %c0_i32 : i32, i32
  }
  func.func @transform_1(%arg0: i32) -> (i32, i32) {
    %c0_i32 = arith.constant 0 : i32
    %c0_i32_0 = arith.constant 0 : i32
    return %arg0, %c0_i32 : i32, i32
  }
  func.func @transform_2(%arg0: i32) -> (i32, i32) {
    %c0_i32 = arith.constant 0 : i32
    %c0_i32_0 = arith.constant 0 : i32
    return %arg0, %c0_i32 : i32, i32
  }
  func.func @transform_3(%arg0: i32) -> (i32, i32) {
    %c0_i32 = arith.constant 0 : i32
    %c0_i32_0 = arith.constant 0 : i32
    return %arg0, %c0_i32 : i32, i32
  }
  func.func @transform_4(%arg0: i32) -> (i32, i32) {
    %c0_i32 = arith.constant 0 : i32
    %c0_i32_0 = arith.constant 0 : i32
    %c0_i32_1 = arith.constant 0 : i32
    return %c0_i32, %c0_i32_0 : i32, i32
  }
  func.func @transform_5(%arg0: i32) -> (i32, i32) {
    %c0_i32 = arith.constant 0 : i32
    %c0_i32_0 = arith.constant 0 : i32
    %c0_i32_1 = arith.constant 0 : i32
    return %c0_i32, %c0_i32_0 : i32, i32
  }
  func.func @transform_6(%arg0: i32) -> (i32, i32) {
    %c0_i32 = arith.constant 0 : i32
    %c0_i32_0 = arith.constant 0 : i32
    %c0_i32_1 = arith.constant 0 : i32
    return %c0_i32, %c0_i32_0 : i32, i32
  }
  func.func @transform_7(%arg0: i32) -> (i32, i32) {
    %c0_i32 = arith.constant 0 : i32
    %c0_i32_0 = arith.constant 0 : i32
    %c0_i32_1 = arith.constant 0 : i32
    return %c0_i32, %c0_i32_0 : i32, i32
  }
  func.func @transform_8(%arg0: i32) -> (i32, i32) {
    %c0_i32 = arith.constant 0 : i32
    %c0_i32_0 = arith.constant 0 : i32
    %c0_i32_1 = arith.constant 0 : i32
    return %c0_i32, %c0_i32_0 : i32, i32
  }
  func.func @transform_9(%arg0: i32) -> (i32, i32) {
    %c0_i32 = arith.constant 0 : i32
    %c0_i32_0 = arith.constant 0 : i32
    %c0_i32_1 = arith.constant 0 : i32
    return %c0_i32, %c0_i32_0 : i32, i32
  }
  func.func @transform_10(%arg0: i32) -> (i32, i32) {
    %c0_i32 = arith.constant 0 : i32
    %c0_i32_0 = arith.constant 0 : i32
    %c0_i32_1 = arith.constant 0 : i32
    return %c0_i32, %c0_i32_0 : i32, i32
  }
  func.func @transform_11(%arg0: i32) -> (i32, i32) {
    %c0_i32 = arith.constant 0 : i32
    %c0_i32_0 = arith.constant 0 : i32
    %c0_i32_1 = arith.constant 0 : i32
    return %c0_i32, %c0_i32_0 : i32, i32
  }
  func.func @transform_12(%arg0: i32) -> (i32, i32) {
    %c0_i32 = arith.constant 0 : i32
    %c0_i32_0 = arith.constant 0 : i32
    return %arg0, %c0_i32 : i32, i32
  }
  func.func @transform_13(%arg0: i32) -> (i32, i32) {
    %c0_i32 = arith.constant 0 : i32
    %c0_i32_0 = arith.constant 0 : i32
    return %arg0, %c0_i32 : i32, i32
  }
  func.func @transform_14(%arg0: i32) -> (i32, i32) {
    %c0_i32 = arith.constant 0 : i32
    %c0_i32_0 = arith.constant 0 : i32
    return %arg0, %c0_i32 : i32, i32
  }
}

</mosaic_0001>

<sc_bundles>
// kernel: kernel.10.cloned.1.call-start
scs
__scs_entry_jumppad:
0x0: {  	(pc) =	sbr.rel $0x88, $3  }
0x1: {  	(tag) =	ssettag $0x0;
	lr =	simm.s32 $0x1  }
0x2: {  	[smem:$0x3F96] =	sst lr;
	_ =	strace $0xD0000000  }
0x3: {  	_ = 	snop  }
0x4: {  	_ = 	snop  }
0x5: {  	_ = 	snop  }
0x6: {  	_ = 	snop  }
0x7: {  	_ = 	snop  }
__scs_overlays_trampoline_lowered:
0x8: {  	[smem:$0x3FA5] =	sst s0  }
0x9: {  	[smem:$0x3FA6] =	sst s1  }
0xa: {  	[smem:$0x3FA7] =	sst s2  }
0xb: {  	[smem:$0x3FA8] =	sst s3  }
0xc: {  	[smem:$0x3FA9] =	sst s4  }
0xd: {  	[smem:$0x3FAA] =	sst s5  }
0xe: {  	[smem:$0x3FAB] =	sst s6  }
0xf: {  	[smem:$0x3FAC] =	sst s7  }
0x10: {  	[smem:$0x3FAD] =	sst s8  }
0x11: {  	[smem:$0x3FAE] =	sst s9;
	s0 =	simm.s32 @!p0 $0x0  }
0x12: {  	s1 =	sld [smem:$0x3F94];
	s0 =	simm.s32 @p0 $0x1  }
0x13: {  	[smem:$0x3FAF] =	sst s0;
	s0 =	simm.s32 @!p1 $0x0  }
0x14: {  	s2 =	sld [smem:$0x3F93];
	s0 =	simm.s32 @p1 $0x1  }
0x15: {  	[smem:$0x3FB0] =	sst s0;
	s0 =	simm.s32 @!p2 $0x0  }
0x16: {  	s3 =	sld [smem:$0x3FDB];
	s0 =	simm.s32 @p2 $0x1  }
0x17: {  	s4 =	simm.s32 $0x1BF5;
	[smem:$0x3FB2] =	sst s0  }
0x18: {  	s0 =	sld [smem:$0x3F95];
	_ =	swait.ge [sflag:s4], $0x0  }
0x19: {  	s7 =	sld [smem:$0x3F96]  }
0x1a: {  	s8 =	sadd.s32 $0xFFFFE003, lr  }
0x1b: {  	s9 =	sadd.s32 $0xFFFFFEF7, lr;
	s5 =	simm.s32 $0xFFFFFFFF;
	p2 =	slt.u32 s8, $0xFFFFF086  }
0x1c: {  	p1 =	slt.u32 s9, $0xF7A;
	s5 =	simm.s32 @!p2 $0x0  }
0x1d: {  	s5 =	simm.s32 @p1 $0x1;
	p0 =	seq.s32 s7, s2  }
0x1e: {  	s7 =	smul.u32 @!p0 $0xF7A, s2;
	p2 =	seq.s32 @!p0 s5, $0x0  }
0x1f: {  	s9 =	smul.u32 $0xF7A, s1;
	s8 =	simm.s32 @!p0 $0x1BF5;
	p2 =	por !p2, p0  }
0x20: {  	[sflag:s8] =	ssyncset.s32 @!p0 $0xFFFFF086;
	s6 =	sadd.s32 @!p0 s3, s7;
	s7 =	simm.s32 @!p0 $0x108  }
0x21: {  	s3 =	sadd.s32 s3, s9;
	s6 =	sadd.s32 @!p0 $0x88, s6;
	s7 =	simm.s32 @p2 $0x1082  }
0x22: {  	[simem:s7], [sflag:s8] =	dma.local @!p0 [hbm:s6], $0xF7A  }
0x23: {  	s9 =	sor.u32 $0xD0000000, s2;
	s6 =	simm.s32 $0x108;
	_ =	swait.ge @!p0 [sflag:s8], $0x0  }
0x24: {  	s3 =	sadd.s32 $0x88, s3;
	s6 =	simm.s32 @!p1 $0x1082;
	[sflag:s4] =	ssyncset.s32 $0xFFFFF086  }
0x25: {  	[simem:s6], [sflag:s4] =	dma.local [hbm:s3], $0xF7A  }
0x26: {  	[smem:$0x3F96] =	sst s1;
	(tag) =	ssettag s2;
	_ =	strace s9  }
0x27: {  	s1 =	sld [smem:$0x3FA6]  }
0x28: {  	s2 =	sld [smem:$0x3FA7]  }
0x29: {  	s4 =	sld [smem:$0x3FA9]  }
0x2a: {  	p0 =	seq.s32 s5, $0x0;
	s5 =	sld [smem:$0x3FAA]  }
0x2b: {  	s6 =	sld [smem:$0x3FAB]  }
0x2c: {  	s7 =	sld [smem:$0x3FAC]  }
0x2d: {  	s3 =	simm.s32 $0x108;
	s8 =	sld [smem:$0x3FAD]  }
0x2e: {  	s3 =	simm.s32 @!p0 $0x1082;
	s9 =	sld [smem:$0x3FAE]  }
0x2f: {  	lr =	sadd.s32 s0, s3;
	s0 =	sld [smem:$0x3FA5]  }
0x30: {  	s3 =	sld [smem:$0x3FA8]  }
0x31: {  	[smem:$0x3FB1] =	sst s10  }
0x32: {  	s10 =	sld [smem:$0x3FAF];
	_ =	sdelay $0x3  }
0x33: {  	p0 =	seq.s32 s10, $0x1;
	s10 =	sld [smem:$0x3FB1];
	_ =	sdelay $0x3  }
0x34: {  	[smem:$0x3FB1] =	sst s10  }
0x35: {  	s10 =	sld [smem:$0x3FB0];
	_ =	sdelay $0x3  }
0x36: {  	p1 =	seq.s32 s10, $0x1;
	s10 =	sld [smem:$0x3FB1];
	_ =	sdelay $0x3  }
0x37: {  	[smem:$0x3FB1] =	sst s10  }
0x38: {  	s10 =	sld [smem:$0x3FB2]  }
0x39: {  	_ = 	snop;
	(pc) =	sbr.ind lr, $3  }
0x3a: {  	_ = 	snop  }
0x3b: {  	_ = 	snop  }
0x3c: {  	p2 =	seq.s32 s10, $0x1;
	s10 =	sld [smem:$0x3FB1]  }
0x3d: {  	_ =	shalt  }
0x3e: {  	_ =	shalt  }
0x3f: {  	_ =	shalt  }
0x40: {  	_ =	shalt  }
0x41: {  	_ =	shalt  }
0x42: {  	_ =	shalt  }
0x43: {  	_ =	shalt  }
0x44: {  	_ =	shalt  }
0x45: {  	_ =	shalt  }
0x46: {  	_ =	shalt  }
0x47: {  	_ =	shalt  }
0x48: {  	_ =	shalt  }
0x49: {  	_ =	shalt  }
0x4a: {  	_ =	shalt  }
0x4b: {  	_ =	shalt  }
0x4c: {  	_ =	shalt  }
0x4d: {  	_ =	shalt  }
0x4e: {  	_ =	shalt  }
0x4f: {  	_ =	shalt  }
0x50: {  	_ =	shalt  }
0x51: {  	_ =	shalt  }
0x52: {  	_ =	shalt  }
0x53: {  	_ =	shalt  }
0x54: {  	_ =	shalt  }
0x55: {  	_ =	shalt  }
0x56: {  	_ =	shalt  }
0x57: {  	_ =	shalt  }
0x58: {  	_ =	shalt  }
0x59: {  	_ =	shalt  }
0x5a: {  	_ =	shalt  }
0x5b: {  	_ =	shalt  }
0x5c: {  	_ =	shalt  }
0x5d: {  	_ =	shalt  }
0x5e: {  	_ =	shalt  }
0x5f: {  	_ =	shalt  }
0x60: {  	_ =	shalt  }
0x61: {  	_ =	shalt  }
0x62: {  	_ =	shalt  }
0x63: {  	_ =	shalt  }
0x64: {  	_ =	shalt  }
0x65: {  	_ =	shalt  }
0x66: {  	_ =	shalt  }
0x67: {  	_ =	shalt  }
0x68: {  	_ =	shalt  }
0x69: {  	_ =	shalt  }
0x6a: {  	_ =	shalt  }
0x6b: {  	_ =	shalt  }
0x6c: {  	_ =	shalt  }
0x6d: {  	_ =	shalt  }
0x6e: {  	_ =	shalt  }
0x6f: {  	_ =	shalt  }
0x70: {  	_ =	shalt  }
0x71: {  	_ =	shalt  }
0x72: {  	_ =	shalt  }
0x73: {  	_ =	shalt  }
0x74: {  	_ =	shalt  }
0x75: {  	_ =	shalt  }
0x76: {  	_ =	shalt  }
0x77: {  	_ =	shalt  }
0x78: {  	_ =	shalt  }
0x79: {  	_ =	shalt  }
0x7a: {  	_ =	shalt  }
0x7b: {  	_ =	shalt  }
0x7c: {  	_ =	shalt  }
0x7d: {  	_ =	shalt  }
0x7e: {  	_ =	shalt  }
0x7f: {  	_ =	shalt  }
0x80: {  	_ =	shalt  }
0x81: {  	_ =	shalt  }
0x82: {  	_ =	shalt  }
0x83: {  	_ =	shalt  }
0x84: {  	_ =	shalt  }
0x85: {  	_ =	shalt  }
0x86: {  	_ =	shalt  }
0x87: {  	_ =	shalt  }
.Lfunc_end0:
.L_simem_size_0:
called_computation.2_lowered:
.L_overlay_start_0:
0x88: {  	s2 =	sld [smem:$0x3FD9]  }
0x89: {  	s3 =	sld [smem:$0x3FFE];
	_ =	sdelay $0x1  }
0x8a: {  	s1 =	srdreg.scid  }
0x8b: {  	s0 =	sand.u32 $0x1, s1  }
0x8c: {  	s17 =	sshll.u32 s0, $0xA;
	s2 =	sadd.s32 s3, s2  }
0x8d: {  	s2 =	sadd.s32 s2, s17  }
0x8e: {  	[smem:$0x3FBD] =	sst s2  }
0x8f: {  	_ = 	snop  }
0x90: {  	s2 =	sld [smem:$0x3FD0];
	(tm) =	ssettm $0x1  }
0x91: {  	s18 =	sld [smem:$0x3FFB];
	_ =	sdelay $0x3  }
0x92: {  	_ =	strace s18  }
0x93: {  	s3 =	sld [smem:$0x3FFC];
	_ =	sdelay $0x3  }
0x94: {  	_ =	strace s3  }
0x95: {  	s3 =	sld [smem:$0x3FFD];
	_ =	sdelay $0x3  }
0x96: {  	_ =	strace s3  }
0x97: {  	_ =	strace $0x8FFFFFFF  }
0x98: {  	s19 =	sld [smem:$0x3FDB];
	_ =	sdelay $0x1  }
0x99: {  	s4 =	simm.s32 $_scs_section_size  }
0x9a: {  	s5 =	simm.s32 $_size__tile_overlayer_lowered;
	s6 =	simm.s32 $_tile_overlayer_lowered  }
0x9b: {  	s22 =	simm.s32 $0x1BFF;
	s21 =	sshll.u32 s6, $0x1;
	s3 =	sadd.s32 s4, s19  }
0x9c: {  	s7 =	simm.s32 $0x0;
	s20 =	sshll.u32 s5, $0x1;
	s5 =	sadd.s32 s21, s3  }
0x9d: {  	[timem:s7], [sflag:s22] =	dma.local [hbm:s5], s20  }
0x9e: {  	_ =	swait.ge [sflag:s22], s20  }
0x9f: {  	s4 =	ssub.s32 $0x0, s20;
	[sflag:s22] =	ssyncset.done $0x0  }
0xa0: {  	[sflag:s22] =	ssyncadd.s32 s4;
	_ =	sdelay $0x1  }
0xa1: {  	s23 =	simm.s32 $0x1B8B  }
0xa2: {  	_ =	swait.ge [sflag:s23], $0x1  }
0xa3: {  	[sflag:s23] =	ssyncset.done $0x0  }
0xa4: {  	s25 =	simm.s32 $0x1B8E;
	s24 =	sld [smem:$0x3FFE];
	[sflag:s23] =	ssyncadd.s32 $0xFFFFFFFF  }
0xa5: {  	s26 =	simm.s32 $execute0_lowered;
	[smem:$0x3FD2] =	sst s25  }
0xa6: {  	s5 =	sshll.u32 s26, $0x1;
	_ =	strace $0x8000004C;
	[dreg:$0x1] =	wrdreg $0xFFFFFFFF  }
0xa7: {  	s28 =	simm.s32 $_size_execute0_lowered;
	s3 =	sadd.s32 s3, s5;
	[dreg:$0x0] =	wrdreg $0x0  }
0xa8: {  	s5 =	sshll.u32 s28, $0x1;
	[dreg:$0x2] =	wrdreg s3  }
0xa9: {  	[dreg:$0x3] =	wrdreg s5  }
0xaa: {  	[dreg:$0x4] =	wrdreg $0xC0  }
0xab: {  	_ =	task [dreg:s7], $0x5FFFF  }
0xac: {  	[dreg:$0x1] =	wrdreg $0xFFFFFFFF  }
0xad: {  	[dreg:$0x0] =	wrdreg $0x60  }
0xae: {  	[dreg:$0x2] =	wrdreg s24  }
0xaf: {  	[dreg:$0x3] =	wrdreg s2  }
0xb0: {  	[dreg:$0x4] =	wrdreg $0xBA800  }
0xb1: {  	[dreg:$0x5] =	wrdreg $0x9  }
0xb2: {  	_ =	task.clear_ibuf [dreg:s7], $0x6FFFF;
	_ =	strace $0x9000004C  }
0xb3: {  	s29 =	simm.s32 $0x9;
	_ =	strace $0x8000004E  }
0xb4: {  	_ =	swait.ge [sflag:s29], $0x1  }
0xb5: {  	[sflag:s29] =	ssyncadd.s32 $0xFFFFFFFF  }
0xb6: {  	_ =	strace $0x9000004E  }
0xb7: {  	_ =	sfence  }
0xb8: {  	s30 =	sld [smem:$0x0];
	_ =	sdelay $0x2  }
0xb9: {  	s31 =	sshll.u32 s1, $0xD;
	s1 =	sshrl.u32 s1, $0x2  }
0xba: {  	s3 =	sand.u32 $0x4000, s31;
	s1 =	sadd.s32 s1, s30  }
0xbb: {  	s0 =	sor.u32 s3, s0;
	s1 =	sshll.u32 s1, $0x11  }
0xbc: {  	s0 =	sor.u32 s1, s0  }
0xbd: {  	s0 =	sadd.s32 $0x8F2B, s0  }
0xbe: {  	[sflag:s0] =	ssyncadd.remote.s32 $0x1  }
0xbf: {  	_ =	sfence.sel $0xFFFF  }
0xc0: {  	[dreg:$0x0] =	wrdreg $0xFFFFFFFF;
	(pc) =	sbr.abs _section_cstart, $3  }
0xc1: {  	[dreg:$0x1] =	wrdreg $0xFFFFFFFF  }
0xc2: {  	_ =	task.clear_ibuf [dreg:s7], $0x2FFFF;
	_ =	strace $0x9FFFFFFF  }
0xc3: {  	(tm) =	ssettm $0x7FFFFFFF  }
tec
execute0_lowered:
.L_overlay_start_1:
0x0: {  	(tag) =	ssettag $0x1  }
0x1: {  	s0 =	rddreg [dreg:$0x0]  }
0x2: {  	s2 =	rddreg [dreg:$0x2];
	s3 =	simm.s32 $0x0  }
0x3: {  	s1 =	srdreg.scid;
	s14 =	stileid.u32;
	s29 =	simm.s32 $0x1000  }
0x4: {  	s30 =	simm.s32 $0x3;
	s31 =	simm.s32 $0x800;
	[smem:$0x7FF] =	sst s3  }
0x5: {  	s4 =	sadd.s32 $0xC00, s0;
	s1 =	sand.u32 $0x1, s1;
	s5 =	sadd.s32 $0x85400, s0  }
0x6: {  	s7 =	sadd.s32 $0x400, s0;
	s8 =	sadd.s32 $0x600, s0;
	s10 =	smul.u32 $0x50000, s14  }
0x7: {  	s22 =	smul.u32 $0x2710, s14;
	_ =	strace $0x8000004D;
	[dreg:$0x5] =	wrdreg s7  }
0x8: {  	s25 =	sadd.s32 $0x200, s0;
	s7 =	smul.u32 $0x2800, s14;
	[dreg:$0x6] =	wrdreg s8  }
0x9: {  	s6 =	sshll.u32 s1, $0x4;
	[dreg:$0x7] =	wrdreg s25;
	s11 =	smul.u32 $0x28000, s1  }
0xa: {  	s8 =	sadd.s32 $0xC400, s0;
	s9 =	ssub.s32 $0x2, s1;
	s1 =	smul.u32 $0x27100, s1  }
0xb: {  	s25 =	simm.s32 $0x7A80;
	s6 =	sor.u32 s14, s6;
	s12 =	sshrl.u32 s9, $0x1  }
0xc: {  	s10 =	sshrl.u32 s10, $0x2;
	[dreg:$0x4] =	wrdreg s25;
	s6 =	smul.u32 $0x2710, s6  }
0xd: {  	s23 =	sadd.s32 s11, s0;
	s0 =	sadd.s32 s7, s0;
	s24 =	sadd.s32 s10, s2  }
0xe: {  	[dreg:$0x12] =	wrdreg s24;
	s0 =	sadd.s32 $0x5C600, s0;
	s6 =	sshrl.u32 s6, $0x3  }
0xf: {  	s9 =	ssub.s32 s9, s12;
	[dreg:$0x13] =	wrdreg s0;
	s13 =	sadd.s32 s4, s6  }
0x10: {  	s26 =	sadd.s32 $0xFA, s6;
	s15 =	sadd.s32 s5, s6;
	[dreg:$0x8] =	wrdreg s13  }
0x11: {  	s0 =	simm.s32 $0x3980;
	[dreg:$0x9] =	wrdreg s15;
	s16 =	sadd.s32 s4, s26  }
0x12: {  	s17 =	sadd.s32 $0x1F4, s6;
	s12 =	sadd.s32 s5, s26;
	[dreg:$0xa] =	wrdreg s16  }
0x13: {  	s18 =	sadd.s32 $0x2EE, s6;
	s15 =	sadd.s32 s4, s17;
	[dreg:$0xb] =	wrdreg s12  }
0x14: {  	s6 =	sadd.s32 $0x3E8, s6;
	s19 =	sadd.s32 s4, s18;
	[dreg:$0xc] =	wrdreg s15  }
0x15: {  	s20 =	sadd.s32 s5, s18;
	s4 =	sadd.s32 s4, s6;
	[dreg:$0xe] =	wrdreg s19  }
0x16: {  	s21 =	sadd.s32 s5, s6;
	s26 =	sadd.s32 $0x8F200, s23;
	[dreg:$0xf] =	wrdreg s20  }
0x17: {  	s6 =	simm.s32 $0x8A80;
	s12 =	sadd.s32 s5, s17;
	[dreg:$0x10] =	wrdreg s4  }
.Ltmp0:
0x18: {  	[dreg:$0x11] =	wrdreg s21;
	s21 =	sadd.s32 s22, s1;
	(pc) =	sbr.rel .LBB2_1-.Ltmp0, $4  }
0x19: {  	s22 =	smax.u32 s9, $0x1;
	s24 =	sadd.s32 s7, s26;
	s1 =	simm.s32 $0x5A00  }
0x1a: {  	s4 =	simm.s32 $0x1;
	s5 =	simm.s32 $0x8280;
	s7 =	simm.s32 $0x9280  }
0x1b: {  	v0 =	vlaneseq.u32;
	s9 =	simm.s32 $0x0;
	[dreg:$0xd] =	wrdreg s12;
	s23 =	sadd.s32 $0x7D0, s21  }
0x1c: {  	v1 =	vimm.s32 $0x0;
	v2 =	vimm.s32 $0x2710;
	vm0 =	vmmov $0xffff;
	s25 =	sadd.s32 $0xFA0, s21;
	s26 =	sadd.s32 $0x1770, s21;
	s28 =	sadd.s32 $0x1F40, s21  }
.LBB2_14:
0x1d: {  	s9 =	sadd.s32 $0x1, s9  }
0x1e: {  	p0 =	sne.s32 s9, s22  }
.Ltmp1:
0x1f: {  	[bflag:$0x0] =	sbarrier.arrive $0xFFFF;
	(pc) =	sbr.rel @!p0 .LBB2_15-.Ltmp1, $4  }
0x20: {  	[hbm:s24], [sflag:s10] =	dma.local [spmem:s11], $0x2800  }
0x21: {  	_ =	swait.ge [sflag:s30], $0x2800  }
0x22: {  	[sflag:s30] =	ssyncset.done $0x0  }
0x23: {  	[sflag:s30] =	ssyncadd.s32 $0xFFFFD800  }
.LBB2_1:
0x24: {  	s10 =	rddreg [dreg:$0x1]  }
0x25: {  	[tilespmem:s29], [sflag:$0x3] =	stream.linear.gather [hbm4b:s10+s3], $0x2800, $0x38;
	[tilespmem:$0x1FA80] =	vst v63  }
0x26: {  	_ =	swait.ge [sflag:s30], $0x2800  }
0x27: {  	[sflag:s30] =	ssyncset.done $0x0  }
0x28: {  	s11 =	simm.s32 $0x3800;
	s12 =	rddreg [dreg:$0x5];
	[sflag:s30] =	ssyncadd.s32 $0xFFFFD800  }
0x29: {  	[tilespmem:s11], [sflag:$0x3] =	stream.linear.gather [hbm4b:s12+s3], $0x80, $0x38;
	[tilespmem:$0x1FA80] =	vst v63  }
0x2a: {  	_ =	swait.ge [sflag:s30], $0x80  }
0x2b: {  	[sflag:s30] =	ssyncset.done $0x0  }
0x2c: {  	s14 =	simm.s32 $0x3880;
	s13 =	rddreg [dreg:$0x6];
	[sflag:s30] =	ssyncadd.s32 $0xFFFFFF80  }
0x2d: {  	[tilespmem:s14], [sflag:$0x3] =	stream.linear.gather [hbm4b:s13+s3], $0x80, $0x38;
	[tilespmem:$0x1FA80] =	vst v63  }
0x2e: {  	_ =	swait.ge [sflag:s30], $0x80  }
0x2f: {  	s16 =	simm.s32 $0x3900;
	[sflag:s30] =	ssyncset.done $0x0  }
0x30: {  	s17 =	stileid.u32;
	s15 =	rddreg [dreg:$0x7];
	[sflag:s30] =	ssyncadd.s32 $0xFFFFFF80  }
0x31: {  	[tilespmem:s16], [sflag:$0x3] =	stream.linear.gather [hbm4b:s15+s3], $0x80, $0x38;
	[tilespmem:$0x1FA80] =	vst v63  }
0x32: {  	s10 =	sshll.u32 s17, $0x6;
	_ =	swait.ge [sflag:s30], $0x80  }
0x33: {  	s10 =	sor.u32 $0x1C03, s10;
	[sflag:s30] =	ssyncset.done $0x0;
	s18 =	rddreg [dreg:$0x12]  }
0x34: {  	s12 =	rddreg [dreg:$0x13];
	[sflag:s30] =	ssyncadd.s32 $0xFFFFFF80;
	s11 =	sshrl.u32 s18, $0x3  }
0x35: {  	[spmem:s11], [sflag:s10] =	dma.local [hbm:s12], $0x2800  }
0x36: {  	_ =	swait.ge [sflag:s30], $0x2800  }
0x37: {  	[sflag:s30] =	ssyncset.done $0x0  }
0x38: {  	[sflag:s30] =	ssyncadd.s32 $0xFFFFD800  }
0x39: {  	v3 =	vld [tilespmem:$0x3800]  }
0x3a: {  	s19 =	rddreg [dreg:$0x8];
	v4 =	vld [tilespmem:$0x3880]  }
0x3b: {  	v5 =	vld [tilespmem:$0x3900];
	[tilespmem:s3], [sflag:$0x3] =	stream.linear.gather [hbm4b:s19+s3], $0x7D0, $0x38  }
0x3c: {  	_ =	swait.ge [sflag:s30], $0x7D0  }
0x3d: {  	[sflag:s30] =	ssyncset.done $0x0  }
0x3e: {  	s20 =	rddreg [dreg:$0x9];
	[sflag:s30] =	ssyncadd.s32 $0xFFFFF830  }
0x3f: {  	[tilespmem:s31], [sflag:$0x3] =	stream.linear.gather [hbm4b:s20+s3], $0x7D0, $0x38;
	[tilespmem:$0x1FA80] =	vst v63  }
0x40: {  	_ =	swait.ge [sflag:s30], $0x7D0  }
0x41: {  	[sflag:s30] =	ssyncset.done $0x0  }
0x42: {  	v6 =	vimm.s32 $0x0;
	s13 =	simm.s32 $0x0;
	s12 =	smov.u32 s21;
	[sflag:s30] =	ssyncadd.s32 $0xFFFFF830  }
.LBB2_2:
0x43: {  	s14 =	sshra.s32 s13, $0x2  }
0x44: {  	v7 =	vld [tilespmem:s14+$0x0];
	_ =	sdelay $0x7  }
0x45: {  	v8 =	vld.idx.msk [tilespmem:v7+s29+$0x0], $0xffff;
	_ =	sdelay $0x2  }
0x46: {  	v9 =	vor.u32 s12, v0  }
0x47: {  	vm2 =	vlt.s32 v9, v5;
	vm1 =	veq.s32 v7, v4  }
0x48: {  	vm1 =	vmand vm2, vm1;
	vm3 =	vgt.f32 v8, v3  }
0x49: {  	vm1 =	vmor vm1, vm3  }
0x4a: {  	v8 =	vsel vm1, $0x1, v1  }
0x4b: {  	(xrf0) =	vadd.scan.msk.s32 $0xffff, v8;
	_ =	sdelay $0x5  }
0x4c: {  	v8, _, _ =	vpop (xrf0)  }
0x4d: {  	v63 =	vadd.s32 v8, v6  }
0x4e: {  	v9 =	vadd.s32 $0xFFFFFFFF, v63  }
0x4f: {  	p0 =	sne.s32 s13, $0x1F00;
	v10 =	vld [tilespmem:s14+$0x800]  }
.Ltmp2:
0x50: {  	_ = 	snop;
	(pc) =	sbr.rel @p0 .LBB2_2-.Ltmp2, $4  }
0x51: {  	_ = 	snop  }
0x52: {  	v8 =	vbroadcast v8, $0xF  }
0x53: {  	[tilespmem:v9+s0+$0x0] =	vst.idx.msk vm1, v7  }
0x54: {  	s12 =	sadd.s32 $0x10, s12;
	s13 =	sadd.s32 $0x40, s13;
	v6 =	vadd.s32 v6, v8;
	[tilespmem:v9+s1+$0x0] =	vst.idx.msk vm1, v10  }
0x55: {  	s12 =	simm.s32 $0x0;
	s13 =	rddreg [dreg:$0xa]  }
0x56: {  	[tilespmem:s12], [sflag:$0x3] =	stream.linear.gather [hbm4b:s13+s12], $0x7D0, $0x38;
	[tilespmem:$0x1FA80] =	vst v63  }
0x57: {  	_ =	swait.ge [sflag:s30], $0x7D0  }
0x58: {  	[sflag:s30] =	ssyncset.done $0x0  }
0x59: {  	s20 =	rddreg [dreg:$0xb];
	[sflag:s30] =	ssyncadd.s32 $0xFFFFF830  }
0x5a: {  	[tilespmem:s31], [sflag:$0x3] =	stream.linear.gather [hbm4b:s20+s12], $0x7D0, $0x38;
	[tilespmem:$0x1FA80] =	vst v63  }
0x5b: {  	_ =	swait.ge [sflag:s30], $0x7D0  }
0x5c: {  	[sflag:s30] =	ssyncset.done $0x0  }
0x5d: {  	s13 =	smov.u32 s23;
	[sflag:s30] =	ssyncadd.s32 $0xFFFFF830  }
.LBB2_4:
0x5e: {  	s14 =	sshra.s32 s12, $0x2  }
0x5f: {  	v7 =	vld [tilespmem:s14+$0x0];
	_ =	sdelay $0x7  }
0x60: {  	v8 =	vld.idx.msk [tilespmem:v7+s29+$0x0], $0xffff;
	_ =	sdelay $0x2  }
0x61: {  	v9 =	vor.u32 s13, v0  }
0x62: {  	vm2 =	vlt.s32 v9, v5;
	vm1 =	veq.s32 v7, v4  }
0x63: {  	vm1 =	vmand vm2, vm1;
	vm3 =	vgt.f32 v8, v3  }
0x64: {  	vm1 =	vmor vm1, vm3  }
0x65: {  	v8 =	vsel vm1, $0x1, v1  }
0x66: {  	(xrf0) =	vadd.scan.msk.s32 $0xffff, v8;
	_ =	sdelay $0x5  }
0x67: {  	v8, _, _ =	vpop (xrf0)  }
0x68: {  	v63 =	vadd.s32 v8, v6  }
0x69: {  	v9 =	vadd.s32 $0xFFFFFFFF, v63  }
0x6a: {  	p0 =	sne.s32 s12, $0x1F00;
	v10 =	vld [tilespmem:s14+$0x800]  }
.Ltmp3:
0x6b: {  	_ = 	snop;
	(pc) =	sbr.rel @p0 .LBB2_4-.Ltmp3, $4  }
0x6c: {  	_ = 	snop  }
0x6d: {  	v8 =	vbroadcast v8, $0xF  }
0x6e: {  	[tilespmem:v9+s0+$0x0] =	vst.idx.msk vm1, v7  }
0x6f: {  	s13 =	sadd.s32 $0x10, s13;
	s12 =	sadd.s32 $0x40, s12;
	v6 =	vadd.s32 v6, v8;
	[tilespmem:v9+s1+$0x0] =	vst.idx.msk vm1, v10  }
0x70: {  	s12 =	simm.s32 $0x0;
	s13 =	rddreg [dreg:$0xc]  }
0x71: {  	[tilespmem:s12], [sflag:$0x3] =	stream.linear.gather [hbm4b:s13+s12], $0x7D0, $0x38;
	[tilespmem:$0x1FA80] =	vst v63  }
0x72: {  	_ =	swait.ge [sflag:s30], $0x7D0  }
0x73: {  	[sflag:s30] =	ssyncset.done $0x0  }
0x74: {  	s20 =	rddreg [dreg:$0xd];
	[sflag:s30] =	ssyncadd.s32 $0xFFFFF830  }
0x75: {  	[tilespmem:s31], [sflag:$0x3] =	stream.linear.gather [hbm4b:s20+s12], $0x7D0, $0x38;
	[tilespmem:$0x1FA80] =	vst v63  }
0x76: {  	_ =	swait.ge [sflag:s30], $0x7D0  }
0x77: {  	[sflag:s30] =	ssyncset.done $0x0  }
0x78: {  	s13 =	smov.u32 s25;
	[sflag:s30] =	ssyncadd.s32 $0xFFFFF830  }
.LBB2_6:
0x79: {  	s14 =	sshra.s32 s12, $0x2  }
0x7a: {  	v7 =	vld [tilespmem:s14+$0x0];
	_ =	sdelay $0x7  }
0x7b: {  	v8 =	vld.idx.msk [tilespmem:v7+s29+$0x0], $0xffff;
	_ =	sdelay $0x2  }
0x7c: {  	v9 =	vor.u32 s13, v0  }
0x7d: {  	vm2 =	vlt.s32 v9, v5;
	vm1 =	veq.s32 v7, v4  }
0x7e: {  	vm1 =	vmand vm2, vm1;
	vm3 =	vgt.f32 v8, v3  }
0x7f: {  	vm1 =	vmor vm1, vm3  }
0x80: {  	v8 =	vsel vm1, $0x1, v1  }
0x81: {  	(xrf0) =	vadd.scan.msk.s32 $0xffff, v8;
	_ =	sdelay $0x5  }
0x82: {  	v8, _, _ =	vpop (xrf0)  }
0x83: {  	v63 =	vadd.s32 v8, v6  }
0x84: {  	v9 =	vadd.s32 $0xFFFFFFFF, v63  }
0x85: {  	p0 =	sne.s32 s12, $0x1F00;
	v10 =	vld [tilespmem:s14+$0x800]  }
.Ltmp4:
0x86: {  	_ = 	snop;
	(pc) =	sbr.rel @p0 .LBB2_6-.Ltmp4, $4  }
0x87: {  	_ = 	snop  }
0x88: {  	v8 =	vbroadcast v8, $0xF  }
0x89: {  	[tilespmem:v9+s0+$0x0] =	vst.idx.msk vm1, v7  }
0x8a: {  	s13 =	sadd.s32 $0x10, s13;
	s12 =	sadd.s32 $0x40, s12;
	v6 =	vadd.s32 v6, v8;
	[tilespmem:v9+s1+$0x0] =	vst.idx.msk vm1, v10  }
0x8b: {  	s12 =	simm.s32 $0x0;
	s13 =	rddreg [dreg:$0xe]  }
0x8c: {  	[tilespmem:s12], [sflag:$0x3] =	stream.linear.gather [hbm4b:s13+s12], $0x7D0, $0x38;
	[tilespmem:$0x1FA80] =	vst v63  }
0x8d: {  	_ =	swait.ge [sflag:s30], $0x7D0  }
0x8e: {  	[sflag:s30] =	ssyncset.done $0x0  }
0x8f: {  	s20 =	rddreg [dreg:$0xf];
	[sflag:s30] =	ssyncadd.s32 $0xFFFFF830  }
0x90: {  	[tilespmem:s31], [sflag:$0x3] =	stream.linear.gather [hbm4b:s20+s12], $0x7D0, $0x38;
	[tilespmem:$0x1FA80] =	vst v63  }
0x91: {  	_ =	swait.ge [sflag:s30], $0x7D0  }
0x92: {  	[sflag:s30] =	ssyncset.done $0x0  }
0x93: {  	s13 =	smov.u32 s26;
	[sflag:s30] =	ssyncadd.s32 $0xFFFFF830  }
.LBB2_8:
0x94: {  	s14 =	sshra.s32 s12, $0x2  }
0x95: {  	v7 =	vld [tilespmem:s14+$0x0];
	_ =	sdelay $0x7  }
0x96: {  	v8 =	vld.idx.msk [tilespmem:v7+s29+$0x0], $0xffff;
	_ =	sdelay $0x2  }
0x97: {  	v9 =	vor.u32 s13, v0  }
0x98: {  	vm2 =	vlt.s32 v9, v5;
	vm1 =	veq.s32 v7, v4  }
0x99: {  	vm1 =	vmand vm2, vm1;
	vm3 =	vgt.f32 v8, v3  }
0x9a: {  	vm1 =	vmor vm1, vm3  }
0x9b: {  	v8 =	vsel vm1, $0x1, v1  }
0x9c: {  	(xrf0) =	vadd.scan.msk.s32 $0xffff, v8;
	_ =	sdelay $0x5  }
0x9d: {  	v8, _, _ =	vpop (xrf0)  }
0x9e: {  	v63 =	vadd.s32 v8, v6  }
0x9f: {  	v9 =	vadd.s32 $0xFFFFFFFF, v63  }
0xa0: {  	p0 =	sne.s32 s12, $0x1F00;
	v10 =	vld [tilespmem:s14+$0x800]  }
.Ltmp5:
0xa1: {  	_ = 	snop;
	(pc) =	sbr.rel @p0 .LBB2_8-.Ltmp5, $4  }
0xa2: {  	_ = 	snop  }
0xa3: {  	v8 =	vbroadcast v8, $0xF  }
0xa4: {  	[tilespmem:v9+s0+$0x0] =	vst.idx.msk vm1, v7  }
0xa5: {  	s13 =	sadd.s32 $0x10, s13;
	s12 =	sadd.s32 $0x40, s12;
	v6 =	vadd.s32 v6, v8;
	[tilespmem:v9+s1+$0x0] =	vst.idx.msk vm1, v10  }
0xa6: {  	s12 =	simm.s32 $0x0;
	s13 =	rddreg [dreg:$0x10]  }
0xa7: {  	[tilespmem:s12], [sflag:$0x3] =	stream.linear.gather [hbm4b:s13+s12], $0x7D0, $0x38;
	[tilespmem:$0x1FA80] =	vst v63  }
0xa8: {  	_ =	swait.ge [sflag:s30], $0x7D0  }
0xa9: {  	[sflag:s30] =	ssyncset.done $0x0  }
0xaa: {  	s20 =	rddreg [dreg:$0x11];
	[sflag:s30] =	ssyncadd.s32 $0xFFFFF830  }
0xab: {  	[tilespmem:s31], [sflag:$0x3] =	stream.linear.gather [hbm4b:s20+s12], $0x7D0, $0x38;
	[tilespmem:$0x1FA80] =	vst v63  }
0xac: {  	_ =	swait.ge [sflag:s30], $0x7D0  }
0xad: {  	[sflag:s30] =	ssyncset.done $0x0  }
0xae: {  	s13 =	smov.u32 s28;
	[sflag:s30] =	ssyncadd.s32 $0xFFFFF830  }
.LBB2_10:
0xaf: {  	s14 =	sshra.s32 s12, $0x2  }
0xb0: {  	v7 =	vld [tilespmem:s14+$0x0];
	_ =	sdelay $0x7  }
0xb1: {  	v8 =	vld.idx.msk [tilespmem:v7+s29+$0x0], $0xffff;
	_ =	sdelay $0x2  }
0xb2: {  	v9 =	vor.u32 s13, v0  }
0xb3: {  	vm2 =	vlt.s32 v9, v5;
	vm1 =	veq.s32 v7, v4  }
0xb4: {  	vm1 =	vmand vm2, vm1;
	vm3 =	vgt.f32 v8, v3  }
0xb5: {  	vm1 =	vmor vm1, vm3  }
0xb6: {  	v8 =	vsel vm1, $0x1, v1  }
0xb7: {  	(xrf0) =	vadd.scan.msk.s32 $0xffff, v8;
	_ =	sdelay $0x5  }
0xb8: {  	v8, _, _ =	vpop (xrf0)  }
0xb9: {  	v63 =	vadd.s32 v8, v6  }
0xba: {  	v9 =	vadd.s32 $0xFFFFFFFF, v63  }
0xbb: {  	p0 =	sne.s32 s12, $0x1F00;
	v10 =	vld [tilespmem:s14+$0x800]  }
.Ltmp6:
0xbc: {  	_ = 	snop;
	(pc) =	sbr.rel @p0 .LBB2_10-.Ltmp6, $4  }
0xbd: {  	_ = 	snop  }
0xbe: {  	v8 =	vbroadcast v8, $0xF  }
0xbf: {  	[tilespmem:v9+s0+$0x0] =	vst.idx.msk vm1, v7  }
0xc0: {  	s13 =	sadd.s32 $0x10, s13;
	s12 =	sadd.s32 $0x40, s12;
	v6 =	vadd.s32 v6, v8;
	[tilespmem:v9+s1+$0x0] =	vst.idx.msk vm1, v10  }
0xc1: {  	v3 =	vxor.u32 $0x80000000, v6  }
0xc2: {  	(xrf0) =	vmax.scan.msk.u32 $0xffff, v3;
	_ =	sdelay $0x5  }
0xc3: {  	v3, _, _ =	vpop (xrf0)  }
0xc4: {  	(v2sf) =	vpush v3, $0xF;
	_ =	sdelay $0xe  }
0xc5: {  	s12 =	spop (v2sf)  }
0xc6: {  	s13 =	sxor.u32 $0x80000000, s12  }
0xc7: {  	v3 =	vadd.s32 s13, v0  }
0xc8: {  	s20 =	sadd.s32 $0x80000010, s12  }
0xc9: {  	v4 =	vadd.s32 s20, v0  }
0xca: {  	s14 =	sadd.s32 $0x80000020, s12  }
0xcb: {  	s15 =	sadd.s32 $0x80000030, s12;
	s12 =	sadd.s32 $0x8000003F, s12;
	v5 =	vadd.s32 s14, v0  }
0xcc: {  	s16 =	sand.u32 $0x3F, s12;
	[tilespmem:v3+s0+$0x0] =	vst.idx.msk $0xffff, v1  }
0xcd: {  	s14 =	sshra.s32 s12, $0x1F;
	p0 =	slt.s32 s12, $0x1;
	p1 =	sne.s32 s16, $0x0;
	[tilespmem:v3+s1+$0x0] =	vst.idx.msk $0xffff, v2;
	v3 =	vadd.s32 s15, v0  }
0xce: {  	s17 =	sshrl.u32 s14, $0x1A;
	p0 =	por !p0, !p1;
	[tilespmem:v4+s0+$0x0] =	vst.idx.msk $0xffff, v1  }
0xcf: {  	s13 =	simm.s32 $0x1;
	s12 =	sadd.s32 s17, s12;
	p0 =	por !p0, !p0;
	[tilespmem:v4+s1+$0x0] =	vst.idx.msk $0xffff, v2  }
0xd0: {  	s12 =	sshra.s32 s12, $0x6;
	s13 =	simm.s32 @!p0 $0x0;
	[tilespmem:v5+s0+$0x0] =	vst.idx.msk $0xffff, v1  }
0xd1: {  	s12 =	ssub.s32 s12, s13;
	[tilespmem:v5+s1+$0x0] =	vst.idx.msk $0xffff, v2  }
0xd2: {  	p0 =	slt.s32 s12, $0x1;
	s18 =	sadd.s32 $0x1, s12;
	[tilespmem:v3+s0+$0x0] =	vst.idx.msk $0xffff, v1  }
0xd3: {  	s13 =	simm.s32 @!p0 $0x40;
	s14 =	simm.s32 @!p0 $0x3980;
	s15 =	simm.s32 @!p0 $0x7A80;
	[tilespmem:v3+s1+$0x0] =	vst.idx.msk $0xffff, v2  }
0xd4: {  	p1 =	seq.s32 @!p0 s12, $0x1;
	s19 =	sand.u32 $0x1, s18;
	[bflag:$0x0] =	sbarrier.arrive $0xFFFF  }
0xd5: {  	[tilespmem:s15], [sflag:$0x1] =	stream.indirect.gather @!p0 [hbm4b:s8+s13], $0x80, s14, s13, $0xb8;
	[tilespmem:$0x1FA80] =	vst v63  }
0xd6: {  	p5 =	slt.s32 s12, $0x0;
	p6 =	seq.s32 s19, $0x1;
	p0 =	por p1, p0  }
0xd7: {  	s13 =	simm.s32 @!p0 $0x40;
	s14 =	simm.s32 @!p0 $0x39C0;
	s15 =	simm.s32 @!p0 $0x9A80  }
0xd8: {  	[tilespmem:s15], [sflag:$0x2] =	stream.indirect.gather @!p0 [hbm4b:s8+s13], $0x80, s14, s13, $0xb8;
	[tilespmem:$0x1FA80] =	vst v63  }
0xd9: {  	s20 =	sshrl.u32 s18, $0x1F;
	p0 =	por !p5, !p6  }
0xda: {  	s13 =	sadd.s32 s20, s18;
	s14 =	simm.s32 $0x1;
	p0 =	por !p0, !p0  }
0xdb: {  	s13 =	sshra.s32 s13, $0x1;
	s14 =	simm.s32 @!p0 $0x0  }
0xdc: {  	s13 =	ssub.s32 s13, s14  }
0xdd: {  	p0 =	slt.s32 s13, $0x1  }
.Ltmp7:
0xde: {  	_ = 	snop;
	(pc) =	sbr.rel @p0 .LBB2_14-.Ltmp7, $1  }
0xdf: {  	_ =	sdelay $0x3  }
0xe0: {  	s14 =	simm.s32 $0x3  }
0xe1: {  	s15 =	simm.s32 $0x3A40;
	s16 =	simm.s32 $0x40;
	s17 =	simm.s32 $0x5A20  }
.LBB2_13:
0xe2: {  	_ =	swait.ge [sflag:s4], $0x2000  }
0xe3: {  	[sflag:s4] =	ssyncset.done $0x0  }
0xe4: {  	[sflag:s4] =	ssyncadd.s32 $0xFFFFE000  }
0xe5: {  	v3 =	vld [tilespmem:s17+$0xFFFFFFE0];
	_ =	sdelay $0x6  }
0xe6: {  	s18 =	rddreg [dreg:$0x4]  }
0xe7: {  	[spmem:s2] =	stream.indirect_vreg.scatter.add.f32 [tilespmem:s18], [sflag:$0x3], $0x80, v3, vm0, $0xb8;
	[tilespmem:$0x1FA80] =	vst v63  }
0xe8: {  	_ =	swait.ge [sflag:s30], $0x800  }
0xe9: {  	[sflag:s30] =	ssyncset.done $0x0  }
0xea: {  	[sflag:s30] =	ssyncadd.s32 $0xFFFFF800  }
0xeb: {  	v3 =	vld [tilespmem:s17+$0xFFFFFFF0];
	_ =	sdelay $0x7  }
0xec: {  	[spmem:s2] =	stream.indirect_vreg.scatter.add.f32 [tilespmem:s5], [sflag:$0x3], $0x80, v3, vm0, $0xb8;
	[tilespmem:$0x1FA80] =	vst v63  }
0xed: {  	_ =	swait.ge [sflag:s30], $0x800  }
0xee: {  	[sflag:s30] =	ssyncset.done $0x0  }
0xef: {  	[sflag:s30] =	ssyncadd.s32 $0xFFFFF800  }
0xf0: {  	v3 =	vld [tilespmem:s17+$0x0];
	_ =	sdelay $0x7  }
0xf1: {  	[spmem:s2] =	stream.indirect_vreg.scatter.add.f32 [tilespmem:s6], [sflag:$0x3], $0x80, v3, vm0, $0xb8;
	[tilespmem:$0x1FA80] =	vst v63  }
0xf2: {  	_ =	swait.ge [sflag:s30], $0x800  }
0xf3: {  	[sflag:s30] =	ssyncset.done $0x0  }
0xf4: {  	[sflag:s30] =	ssyncadd.s32 $0xFFFFF800  }
0xf5: {  	v3 =	vld [tilespmem:s17+$0x10];
	_ =	sdelay $0x6  }
0xf6: {  	s19 =	sadd.s32 $0xFFFFFFFF, s14  }
0xf7: {  	[spmem:s2] =	stream.indirect_vreg.scatter.add.f32 [tilespmem:s7], [sflag:$0x3], $0x80, v3, vm0, $0xb8;
	[tilespmem:$0x1FA80] =	vst v63  }
0xf8: {  	p0 =	sge.s32 s19, s12;
	_ =	swait.ge [sflag:s30], $0x800  }
0xf9: {  	s19 =	simm.s32 @!p0 $0x40;
	[sflag:s30] =	ssyncset.done $0x0  }
0xfa: {  	s20 =	simm.s32 @!p0 $0x7A80;
	s18 =	sadd.s32 @!p0 $0xFFFFFFC0, s15;
	[sflag:s30] =	ssyncadd.s32 $0xFFFFF800  }
0xfb: {  	[tilespmem:s20], [sflag:$0x1] =	stream.indirect.gather @!p0 [hbm4b:s8+s19], $0x80, s18, s19, $0xb8;
	[tilespmem:$0x1FA80] =	vst v63  }
0xfc: {  	s20 =	sadd.s32 $0xFFFFFFFE, s14  }
0xfd: {  	p0 =	sge.s32 s20, s12  }
0xfe: {  	s18 =	simm.s32 @!p0 $0x2  }
0xff: {  	_ =	swait.ge @!p0 [sflag:s18], $0x2000  }
0x100: {  	[sflag:s18] =	ssyncset.done @!p0 $0x0  }
0x101: {  	[sflag:s18] =	ssyncadd.s32 @!p0 $0xFFFFE000  }
0x102: {  	v3 =	vld @!p0 [tilespmem:s17+$0x20];
	_ =	sdelay $0x6  }
0x103: {  	vm1 =	vmmov @!p0 $0xffff;
	s18 =	simm.s32 @!p0 $0x9A80  }
0x104: {  	[spmem:s2] =	stream.indirect_vreg.scatter.add.f32 @!p0 [tilespmem:s18], [sflag:$0x3], $0x80, v3, vm1, $0xb8;
	[tilespmem:$0x1FA80] =	vst v63  }
0x105: {  	s18 =	simm.s32 @!p0 $0x3  }
0x106: {  	_ =	swait.ge @!p0 [sflag:s18], $0x800  }
0x107: {  	[sflag:s18] =	ssyncset.done @!p0 $0x0  }
0x108: {  	s19 =	sor.u32 @!p0 $0x50, s16;
	[sflag:s18] =	ssyncadd.s32 @!p0 $0xFFFFF800  }
0x109: {  	v3 =	vld @!p0 [tilespmem:s19+$0x5A00];
	_ =	sdelay $0x6  }
0x10a: {  	s19 =	simm.s32 @!p0 $0xA280  }
0x10b: {  	[spmem:s2] =	stream.indirect_vreg.scatter.add.f32 @!p0 [tilespmem:s19], [sflag:$0x3], $0x80, v3, vm1, $0xb8;
	[tilespmem:$0x1FA80] =	vst v63  }
0x10c: {  	_ =	swait.ge @!p0 [sflag:s18], $0x800  }
0x10d: {  	[sflag:s18] =	ssyncset.done @!p0 $0x0  }
0x10e: {  	s19 =	sor.u32 @!p0 $0x60, s16;
	[sflag:s18] =	ssyncadd.s32 @!p0 $0xFFFFF800  }
0x10f: {  	v3 =	vld @!p0 [tilespmem:s19+$0x5A00];
	_ =	sdelay $0x6  }
0x110: {  	s19 =	simm.s32 @!p0 $0xAA80  }
0x111: {  	[spmem:s2] =	stream.indirect_vreg.scatter.add.f32 @!p0 [tilespmem:s19], [sflag:$0x3], $0x80, v3, vm1, $0xb8;
	[tilespmem:$0x1FA80] =	vst v63  }
0x112: {  	_ =	swait.ge @!p0 [sflag:s18], $0x800  }
0x113: {  	[sflag:s18] =	ssyncset.done @!p0 $0x0  }
0x114: {  	s19 =	sor.u32 @!p0 $0x70, s16;
	[sflag:s18] =	ssyncadd.s32 @!p0 $0xFFFFF800  }
0x115: {  	v3 =	vld @!p0 [tilespmem:s19+$0x5A00];
	_ =	sdelay $0x6  }
0x116: {  	s19 =	simm.s32 @!p0 $0xB280  }
0x117: {  	[spmem:s2] =	stream.indirect_vreg.scatter.add.f32 @!p0 [tilespmem:s19], [sflag:$0x3], $0x80, v3, vm1, $0xb8;
	[tilespmem:$0x1FA80] =	vst v63  }
0x118: {  	_ =	swait.ge @!p0 [sflag:s18], $0x800  }
0x119: {  	s13 =	sadd.s32 $0xFFFFFFFF, s13;
	p1 =	sge.s32 @!p0 s14, s12;
	[sflag:s18] =	ssyncset.done @!p0 $0x0  }
0x11a: {  	p1 =	por p1, p0;
	[sflag:s18] =	ssyncadd.s32 @!p0 $0xFFFFF800;
	p0 =	sne.s32 s13, $0x0  }
.Ltmp8:
0x11b: {  	_ = 	snop;
	(pc) =	sbr.rel @p0 .LBB2_13-.Ltmp8, $4  }
0x11c: {  	_ = 	snop  }
0x11d: {  	s14 =	sadd.s32 $0x2, s14;
	s19 =	simm.s32 @!p1 $0x9A80;
	s18 =	simm.s32 @!p1 $0x40  }
0x11e: {  	[tilespmem:s19], [sflag:$0x2] =	stream.indirect.gather @!p1 [hbm4b:s8+s18], $0x80, s15, s18, $0xb8;
	[tilespmem:$0x1FA80] =	vst v63  }
0x11f: {  	s17 =	sadd.s32 $0x80, s17;
	s16 =	sadd.s32 $0x80, s16;
	s15 =	sadd.s32 $0x80, s15  }
.Ltmp9:
0x120: {  	_ = 	snop;
	(pc) =	sbr.rel .LBB2_14-.Ltmp9, $1  }
0x121: {  	_ =	sdelay $0x3  }
.LBB2_15:
0x122: {  	_ =	sfence.sel $0x180000  }
0x123: {  	[bflag:$0x0] =	sbarrier.arrive $0xFFFF  }
0x124: {  	_ =	strace $0x9000004D  }
0x125: {  	s0 =	stileid.u32;
	[bflag:$0x2] =	sbarrier.arrive $0xFFFF  }
0x126: {  	p0 =	sne.s32 s0, $0x0;
	s0 =	rddreg [dreg:$0x3]  }
0x127: {  	s0 =	sadd.s32 @!p0 $0x100000, s0  }
0x128: {  	[sflag:s0] =	ssyncadd.tile.s32 @!p0 $0x1;
	_ =	shalt  }
.Lfunc_end2:
_tile_overlayer_lowered:
.L_overlay_start_2:
0x129: {  	(tag) =	ssettag $0x2  }
0x12a: {  	s0 =	rddreg [dreg:$0x0];
	s2 =	stileid.u32  }
0x12b: {  	s1 =	rddreg [dreg:$0x1];
	p0 =	sne.s32 s2, $0x0  }
0x12c: {  	s3 =	rddreg [dreg:$0x2];
	[bflag:$0x3] =	sbarrier.arrive $0xFFFF;
	s2 =	simm.s32 @!p0 $0x1C03  }
0x12d: {  	[timem:s3], [sflag:s2] =	dma.local @!p0 [hbm:s0], s1  }
0x12e: {  	s0 =	simm.s32 @!p0 $0x3  }
0x12f: {  	_ =	swait.ge @!p0 [sflag:s0], s1  }
0x130: {  	s1 =	ssub.s32 @!p0 $0x0, s1;
	[sflag:s0] =	ssyncset.done @!p0 $0x0  }
0x131: {  	[sflag:s0] =	ssyncadd.s32 @!p0 s1  }
0x132: {  	[bflag:$0x3] =	sbarrier.arrive $0xFFFF  }
0x133: {  	_ =	shalt  }

// kernel: kernel.7.cloned.1.call-start
scs
__scs_entry_jumppad:
0x0: {  	(pc) =	sbr.rel $0x88, $3  }
0x1: {  	(tag) =	ssettag $0x0;
	lr =	simm.s32 $0x1  }
0x2: {  	[smem:$0x3F96] =	sst lr;
	_ =	strace $0xD0000000  }
0x3: {  	_ = 	snop  }
0x4: {  	_ = 	snop  }
0x5: {  	_ = 	snop  }
0x6: {  	_ = 	snop  }
0x7: {  	_ = 	snop  }
__scs_overlays_trampoline_lowered:
0x8: {  	[smem:$0x3FA5] =	sst s0  }
0x9: {  	[smem:$0x3FA6] =	sst s1  }
0xa: {  	[smem:$0x3FA7] =	sst s2  }
0xb: {  	[smem:$0x3FA8] =	sst s3  }
0xc: {  	[smem:$0x3FA9] =	sst s4  }
0xd: {  	[smem:$0x3FAA] =	sst s5  }
0xe: {  	[smem:$0x3FAB] =	sst s6  }
0xf: {  	[smem:$0x3FAC] =	sst s7  }
0x10: {  	[smem:$0x3FAD] =	sst s8  }
0x11: {  	[smem:$0x3FAE] =	sst s9;
	s0 =	simm.s32 @!p0 $0x0  }
0x12: {  	s1 =	sld [smem:$0x3F94];
	s0 =	simm.s32 @p0 $0x1  }
0x13: {  	[smem:$0x3FAF] =	sst s0;
	s0 =	simm.s32 @!p1 $0x0  }
0x14: {  	s2 =	sld [smem:$0x3F93];
	s0 =	simm.s32 @p1 $0x1  }
0x15: {  	[smem:$0x3FB0] =	sst s0;
	s0 =	simm.s32 @!p2 $0x0  }
0x16: {  	s3 =	sld [smem:$0x3FDB];
	s0 =	simm.s32 @p2 $0x1  }
0x17: {  	s4 =	simm.s32 $0x1BF5;
	[smem:$0x3FB2] =	sst s0  }
0x18: {  	s0 =	sld [smem:$0x3F95];
	_ =	swait.ge [sflag:s4], $0x0  }
0x19: {  	s7 =	sld [smem:$0x3F96]  }
0x1a: {  	s8 =	sadd.s32 $0xFFFFE003, lr  }
0x1b: {  	s9 =	sadd.s32 $0xFFFFFEF7, lr;
	s5 =	simm.s32 $0xFFFFFFFF;
	p2 =	slt.u32 s8, $0xFFFFF086  }
0x1c: {  	p1 =	slt.u32 s9, $0xF7A;
	s5 =	simm.s32 @!p2 $0x0  }
0x1d: {  	s5 =	simm.s32 @p1 $0x1;
	p0 =	seq.s32 s7, s2  }
0x1e: {  	s7 =	smul.u32 @!p0 $0xF7A, s2;
	p2 =	seq.s32 @!p0 s5, $0x0  }
0x1f: {  	s9 =	smul.u32 $0xF7A, s1;
	s8 =	simm.s32 @!p0 $0x1BF5;
	p2 =	por !p2, p0  }
0x20: {  	[sflag:s8] =	ssyncset.s32 @!p0 $0xFFFFF086;
	s6 =	sadd.s32 @!p0 s3, s7;
	s7 =	simm.s32 @!p0 $0x108  }
0x21: {  	s3 =	sadd.s32 s3, s9;
	s6 =	sadd.s32 @!p0 $0x88, s6;
	s7 =	simm.s32 @p2 $0x1082  }
0x22: {  	[simem:s7], [sflag:s8] =	dma.local @!p0 [hbm:s6], $0xF7A  }
0x23: {  	s9 =	sor.u32 $0xD0000000, s2;
	s6 =	simm.s32 $0x108;
	_ =	swait.ge @!p0 [sflag:s8], $0x0  }
0x24: {  	s3 =	sadd.s32 $0x88, s3;
	s6 =	simm.s32 @!p1 $0x1082;
	[sflag:s4] =	ssyncset.s32 $0xFFFFF086  }
0x25: {  	[simem:s6], [sflag:s4] =	dma.local [hbm:s3], $0xF7A  }
0x26: {  	[smem:$0x3F96] =	sst s1;
	(tag) =	ssettag s2;
	_ =	strace s9  }
0x27: {  	s1 =	sld [smem:$0x3FA6]  }
0x28: {  	s2 =	sld [smem:$0x3FA7]  }
0x29: {  	s4 =	sld [smem:$0x3FA9]  }
0x2a: {  	p0 =	seq.s32 s5, $0x0;
	s5 =	sld [smem:$0x3FAA]  }
0x2b: {  	s6 =	sld [smem:$0x3FAB]  }
0x2c: {  	s7 =	sld [smem:$0x3FAC]  }
0x2d: {  	s3 =	simm.s32 $0x108;
	s8 =	sld [smem:$0x3FAD]  }
0x2e: {  	s3 =	simm.s32 @!p0 $0x1082;
	s9 =	sld [smem:$0x3FAE]  }
0x2f: {  	lr =	sadd.s32 s0, s3;
	s0 =	sld [smem:$0x3FA5]  }
0x30: {  	s3 =	sld [smem:$0x3FA8]  }
0x31: {  	[smem:$0x3FB1] =	sst s10  }
0x32: {  	s10 =	sld [smem:$0x3FAF];
	_ =	sdelay $0x3  }
0x33: {  	p0 =	seq.s32 s10, $0x1;
	s10 =	sld [smem:$0x3FB1];
	_ =	sdelay $0x3  }
0x34: {  	[smem:$0x3FB1] =	sst s10  }
0x35: {  	s10 =	sld [smem:$0x3FB0];
	_ =	sdelay $0x3  }
0x36: {  	p1 =	seq.s32 s10, $0x1;
	s10 =	sld [smem:$0x3FB1];
	_ =	sdelay $0x3  }
0x37: {  	[smem:$0x3FB1] =	sst s10  }
0x38: {  	s10 =	sld [smem:$0x3FB2]  }
0x39: {  	_ = 	snop;
	(pc) =	sbr.ind lr, $3  }
0x3a: {  	_ = 	snop  }
0x3b: {  	_ = 	snop  }
0x3c: {  	p2 =	seq.s32 s10, $0x1;
	s10 =	sld [smem:$0x3FB1]  }
0x3d: {  	_ =	shalt  }
0x3e: {  	_ =	shalt  }
0x3f: {  	_ =	shalt  }
0x40: {  	_ =	shalt  }
0x41: {  	_ =	shalt  }
0x42: {  	_ =	shalt  }
0x43: {  	_ =	shalt  }
0x44: {  	_ =	shalt  }
0x45: {  	_ =	shalt  }
0x46: {  	_ =	shalt  }
0x47: {  	_ =	shalt  }
0x48: {  	_ =	shalt  }
0x49: {  	_ =	shalt  }
0x4a: {  	_ =	shalt  }
0x4b: {  	_ =	shalt  }
0x4c: {  	_ =	shalt  }
0x4d: {  	_ =	shalt  }
0x4e: {  	_ =	shalt  }
0x4f: {  	_ =	shalt  }
0x50: {  	_ =	shalt  }
0x51: {  	_ =	shalt  }
0x52: {  	_ =	shalt  }
0x53: {  	_ =	shalt  }
0x54: {  	_ =	shalt  }
0x55: {  	_ =	shalt  }
0x56: {  	_ =	shalt  }
0x57: {  	_ =	shalt  }
0x58: {  	_ =	shalt  }
0x59: {  	_ =	shalt  }
0x5a: {  	_ =	shalt  }
0x5b: {  	_ =	shalt  }
0x5c: {  	_ =	shalt  }
0x5d: {  	_ =	shalt  }
0x5e: {  	_ =	shalt  }
0x5f: {  	_ =	shalt  }
0x60: {  	_ =	shalt  }
0x61: {  	_ =	shalt  }
0x62: {  	_ =	shalt  }
0x63: {  	_ =	shalt  }
0x64: {  	_ =	shalt  }
0x65: {  	_ =	shalt  }
0x66: {  	_ =	shalt  }
0x67: {  	_ =	shalt  }
0x68: {  	_ =	shalt  }
0x69: {  	_ =	shalt  }
0x6a: {  	_ =	shalt  }
0x6b: {  	_ =	shalt  }
0x6c: {  	_ =	shalt  }
0x6d: {  	_ =	shalt  }
0x6e: {  	_ =	shalt  }
0x6f: {  	_ =	shalt  }
0x70: {  	_ =	shalt  }
0x71: {  	_ =	shalt  }
0x72: {  	_ =	shalt  }
0x73: {  	_ =	shalt  }
0x74: {  	_ =	shalt  }
0x75: {  	_ =	shalt  }
0x76: {  	_ =	shalt  }
0x77: {  	_ =	shalt  }
0x78: {  	_ =	shalt  }
0x79: {  	_ =	shalt  }
0x7a: {  	_ =	shalt  }
0x7b: {  	_ =	shalt  }
0x7c: {  	_ =	shalt  }
0x7d: {  	_ =	shalt  }
0x7e: {  	_ =	shalt  }
0x7f: {  	_ =	shalt  }
0x80: {  	_ =	shalt  }
0x81: {  	_ =	shalt  }
0x82: {  	_ =	shalt  }
0x83: {  	_ =	shalt  }
0x84: {  	_ =	shalt  }
0x85: {  	_ =	shalt  }
0x86: {  	_ =	shalt  }
0x87: {  	_ =	shalt  }
.Lfunc_end0:
.L_simem_size_0:
called_computation.1_lowered:
.L_overlay_start_0:
0x88: {  	s2 =	sld [smem:$0x3FD9]  }
0x89: {  	s3 =	sld [smem:$0x3FFE];
	_ =	sdelay $0x1  }
0x8a: {  	s1 =	srdreg.scid  }
0x8b: {  	s0 =	sand.u32 $0x1, s1  }
0x8c: {  	s16 =	sshll.u32 s0, $0xA;
	s2 =	sadd.s32 s3, s2  }
0x8d: {  	s2 =	sadd.s32 s2, s16  }
0x8e: {  	[smem:$0x3FBD] =	sst s2  }
0x8f: {  	_ = 	snop  }
0x90: {  	(tm) =	ssettm $0x1  }
0x91: {  	s17 =	sld [smem:$0x3FFB];
	_ =	sdelay $0x3  }
0x92: {  	_ =	strace s17  }
0x93: {  	s2 =	sld [smem:$0x3FFC];
	_ =	sdelay $0x3  }
0x94: {  	_ =	strace s2  }
0x95: {  	s2 =	sld [smem:$0x3FFD];
	_ =	sdelay $0x3  }
0x96: {  	_ =	strace s2  }
0x97: {  	_ =	strace $0x8FFFFFFF  }
0x98: {  	s18 =	sld [smem:$0x3FDB];
	_ =	sdelay $0x1  }
0x99: {  	s19 =	simm.s32 $_scs_section_size  }
0x9a: {  	s4 =	simm.s32 $_size__tile_overlayer_lowered;
	s5 =	simm.s32 $_tile_overlayer_lowered  }
0x9b: {  	s22 =	simm.s32 $0x1BFF;
	s21 =	sshll.u32 s5, $0x1;
	s2 =	sadd.s32 s19, s18  }
0x9c: {  	s6 =	simm.s32 $0x0;
	s20 =	sshll.u32 s4, $0x1;
	s4 =	sadd.s32 s21, s2  }
0x9d: {  	[timem:s6], [sflag:s22] =	dma.local [hbm:s4], s20  }
0x9e: {  	_ =	swait.ge [sflag:s22], s20  }
0x9f: {  	s3 =	ssub.s32 $0x0, s20;
	[sflag:s22] =	ssyncset.done $0x0  }
0xa0: {  	[sflag:s22] =	ssyncadd.s32 s3;
	_ =	sdelay $0x1  }
0xa1: {  	s23 =	simm.s32 $0x1B8B  }
0xa2: {  	_ =	swait.ge [sflag:s23], $0x1  }
0xa3: {  	[sflag:s23] =	ssyncset.done $0x0  }
0xa4: {  	s25 =	simm.s32 $0x1B8E;
	s24 =	sld [smem:$0x3FFE];
	[sflag:s23] =	ssyncadd.s32 $0xFFFFFFFF  }
0xa5: {  	s26 =	simm.s32 $execute0_lowered;
	[smem:$0x3FD2] =	sst s25  }
0xa6: {  	s4 =	sshll.u32 s26, $0x1;
	_ =	strace $0x80000049;
	[dreg:$0x1] =	wrdreg $0xFFFFFFFF  }
0xa7: {  	s28 =	simm.s32 $_size_execute0_lowered;
	s2 =	sadd.s32 s2, s4;
	[dreg:$0x0] =	wrdreg $0x0  }
0xa8: {  	s4 =	sshll.u32 s28, $0x1;
	[dreg:$0x2] =	wrdreg s2  }
0xa9: {  	[dreg:$0x3] =	wrdreg s4  }
0xaa: {  	[dreg:$0x4] =	wrdreg $0xC0  }
0xab: {  	_ =	task [dreg:s6], $0x5FFFF  }
0xac: {  	[dreg:$0x1] =	wrdreg $0xFFFFFFFF  }
0xad: {  	[dreg:$0x0] =	wrdreg $0x60  }
0xae: {  	[dreg:$0x2] =	wrdreg s24  }
0xaf: {  	[dreg:$0x3] =	wrdreg $0xBA800  }
0xb0: {  	[dreg:$0x4] =	wrdreg $0x9  }
0xb1: {  	_ =	task.clear_ibuf [dreg:s6], $0x5FFFF;
	_ =	strace $0x90000049  }
0xb2: {  	s29 =	simm.s32 $0x9;
	_ =	strace $0x8000004B  }
0xb3: {  	_ =	swait.ge [sflag:s29], $0x1  }
0xb4: {  	[sflag:s29] =	ssyncadd.s32 $0xFFFFFFFF  }
0xb5: {  	_ =	strace $0x9000004B  }
0xb6: {  	_ =	sfence  }
0xb7: {  	s30 =	sld [smem:$0x0];
	_ =	sdelay $0x2  }
0xb8: {  	s31 =	sshll.u32 s1, $0xD;
	s1 =	sshrl.u32 s1, $0x2  }
0xb9: {  	s3 =	sand.u32 $0x4000, s31;
	s1 =	sadd.s32 s1, s30  }
0xba: {  	s0 =	sor.u32 s3, s0;
	s1 =	sshll.u32 s1, $0x11  }
0xbb: {  	s0 =	sor.u32 s1, s0  }
0xbc: {  	s0 =	sadd.s32 $0x8F2B, s0  }
0xbd: {  	[sflag:s0] =	ssyncadd.remote.s32 $0x1  }
0xbe: {  	_ =	sfence.sel $0xFFFF  }
0xbf: {  	[dreg:$0x0] =	wrdreg $0xFFFFFFFF;
	(pc) =	sbr.abs _section_cstart, $3  }
0xc0: {  	[dreg:$0x1] =	wrdreg $0xFFFFFFFF  }
0xc1: {  	_ =	task.clear_ibuf [dreg:s6], $0x2FFFF;
	_ =	strace $0x9FFFFFFF  }
0xc2: {  	(tm) =	ssettm $0x7FFFFFFF  }
0xc3: {  	_ =	shalt  }
tec
execute0_lowered:
.L_overlay_start_1:
0x0: {  	(tag) =	ssettag $0x1  }
0x1: {  	s0 =	rddreg [dreg:$0x0]  }
0x2: {  	s1 =	rddreg [dreg:$0x1]  }
0x3: {  	s2 =	simm.s32 $0x0;
	s3 =	srdreg.scid;
	s14 =	stileid.u32  }
0x4: {  	s29 =	simm.s32 $0x1000;
	s30 =	simm.s32 $0x3;
	s31 =	simm.s32 $0x3980  }
0x5: {  	[smem:$0x7FF] =	sst s2;
	s4 =	sadd.s32 $0xC00, s0;
	s5 =	sadd.s32 $0x85400, s0  }
0x6: {  	s3 =	sand.u32 $0x1, s3;
	s6 =	sadd.s32 $0x8F200, s0;
	s7 =	sadd.s32 $0x200, s0  }
0x7: {  	s10 =	smul.u32 $0x50000, s14;
	_ =	strace $0x8000004A;
	[dreg:$0x4] =	wrdreg s6  }
0x8: {  	s8 =	sadd.s32 $0x400, s0;
	s22 =	smul.u32 $0x2710, s14;
	[dreg:$0x5] =	wrdreg s7  }
0x9: {  	s25 =	sadd.s32 $0x84C00, s0;
	s7 =	smul.u32 $0x2800, s14;
	[dreg:$0x6] =	wrdreg s8  }
0xa: {  	s24 =	sshll.u32 s3, $0x4;
	[dreg:$0x7] =	wrdreg s25;
	s11 =	smul.u32 $0x28000, s3  }
0xb: {  	s8 =	sadd.s32 $0x34600, s0;
	s9 =	ssub.s32 $0x2, s3;
	s3 =	smul.u32 $0x27100, s3  }
0xc: {  	s25 =	simm.s32 $0x7A80;
	s6 =	sor.u32 s14, s24;
	s12 =	sshrl.u32 s9, $0x1  }
0xd: {  	s10 =	sshrl.u32 s10, $0x2;
	[dreg:$0x3] =	wrdreg s25;
	s6 =	smul.u32 $0x2710, s6  }
0xe: {  	s23 =	sadd.s32 s11, s0;
	s0 =	sadd.s32 s7, s0;
	s24 =	sadd.s32 s10, s1  }
0xf: {  	[dreg:$0x12] =	wrdreg s24;
	s0 =	sadd.s32 $0x5C600, s0;
	s6 =	sshrl.u32 s6, $0x3  }
0x10: {  	s9 =	ssub.s32 s9, s12;
	[dreg:$0x13] =	wrdreg s0;
	s13 =	sadd.s32 s4, s6  }
0x11: {  	s26 =	sadd.s32 $0xFA, s6;
	s15 =	sadd.s32 s5, s6;
	[dreg:$0x8] =	wrdreg s13  }
0x12: {  	s0 =	simm.s32 $0x800;
	[dreg:$0x9] =	wrdreg s15;
	s16 =	sadd.s32 s4, s26  }
0x13: {  	s17 =	sadd.s32 $0x1F4, s6;
	s12 =	sadd.s32 s5, s26;
	[dreg:$0xa] =	wrdreg s16  }
0x14: {  	s18 =	sadd.s32 $0x2EE, s6;
	s15 =	sadd.s32 s4, s17;
	[dreg:$0xb] =	wrdreg s12  }
0x15: {  	s6 =	sadd.s32 $0x3E8, s6;
	s19 =	sadd.s32 s4, s18;
	[dreg:$0xc] =	wrdreg s15  }
0x16: {  	s20 =	sadd.s32 s5, s18;
	s4 =	sadd.s32 s4, s6;
	[dreg:$0xe] =	wrdreg s19  }
0x17: {  	s21 =	sadd.s32 s5, s6;
	s26 =	sadd.s32 $0x8F800, s23;
	[dreg:$0xf] =	wrdreg s20  }
0x18: {  	s6 =	simm.s32 $0x8A80;
	s12 =	sadd.s32 s5, s17;
	[dreg:$0x10] =	wrdreg s4  }
.Ltmp0:
0x19: {  	[dreg:$0x11] =	wrdreg s21;
	s21 =	sadd.s32 s22, s3;
	(pc) =	sbr.rel .LBB2_1-.Ltmp0, $4  }
0x1a: {  	s22 =	smax.u32 s9, $0x1;
	s24 =	sadd.s32 s7, s26;
	s3 =	simm.s32 $0x5A00  }
0x1b: {  	s4 =	simm.s32 $0x1;
	s5 =	simm.s32 $0x8280;
	s7 =	simm.s32 $0x9280  }
0x1c: {  	v0 =	vlaneseq.u32;
	s9 =	simm.s32 $0x0;
	[dreg:$0xd] =	wrdreg s12;
	s23 =	sadd.s32 $0x7D0, s21  }
0x1d: {  	v1 =	vimm.s32 $0x0;
	v2 =	vimm.s32 $0x2710;
	vm0 =	vmmov $0xffff;
	s25 =	sadd.s32 $0xFA0, s21;
	s26 =	sadd.s32 $0x1770, s21;
	s28 =	sadd.s32 $0x1F40, s21  }
.LBB2_14:
0x1e: {  	s9 =	sadd.s32 $0x1, s9  }
0x1f: {  	p0 =	sne.s32 s9, s22  }
.Ltmp1:
0x20: {  	[bflag:$0x0] =	sbarrier.arrive $0xFFFF;
	(pc) =	sbr.rel @!p0 .LBB2_15-.Ltmp1, $4  }
0x21: {  	[hbm:s24], [sflag:s10] =	dma.local [spmem:s11], $0x2800  }
0x22: {  	_ =	swait.ge [sflag:s30], $0x2800  }
0x23: {  	[sflag:s30] =	ssyncset.done $0x0  }
0x24: {  	[sflag:s30] =	ssyncadd.s32 $0xFFFFD800  }
.LBB2_1:
0x25: {  	s10 =	rddreg [dreg:$0x4]  }
0x26: {  	[tilespmem:s29], [sflag:$0x3] =	stream.linear.gather [hbm4b:s10+s2], $0x2800, $0x38;
	[tilespmem:$0x1FA80] =	vst v63  }
0x27: {  	_ =	swait.ge [sflag:s30], $0x2800  }
0x28: {  	[sflag:s30] =	ssyncset.done $0x0  }
0x29: {  	s11 =	simm.s32 $0x3800;
	s12 =	rddreg [dreg:$0x5];
	[sflag:s30] =	ssyncadd.s32 $0xFFFFD800  }
0x2a: {  	[tilespmem:s11], [sflag:$0x3] =	stream.linear.gather [hbm4b:s12+s2], $0x80, $0x38;
	[tilespmem:$0x1FA80] =	vst v63  }
0x2b: {  	_ =	swait.ge [sflag:s30], $0x80  }
0x2c: {  	[sflag:s30] =	ssyncset.done $0x0  }
0x2d: {  	s14 =	simm.s32 $0x3880;
	s13 =	rddreg [dreg:$0x6];
	[sflag:s30] =	ssyncadd.s32 $0xFFFFFF80  }
0x2e: {  	[tilespmem:s14], [sflag:$0x3] =	stream.linear.gather [hbm4b:s13+s2], $0x80, $0x38;
	[tilespmem:$0x1FA80] =	vst v63  }
0x2f: {  	_ =	swait.ge [sflag:s30], $0x80  }
0x30: {  	s16 =	simm.s32 $0x3900;
	[sflag:s30] =	ssyncset.done $0x0  }
0x31: {  	s17 =	stileid.u32;
	s15 =	rddreg [dreg:$0x7];
	[sflag:s30] =	ssyncadd.s32 $0xFFFFFF80  }
0x32: {  	[tilespmem:s16], [sflag:$0x3] =	stream.linear.gather [hbm4b:s15+s2], $0x80, $0x38;
	[tilespmem:$0x1FA80] =	vst v63  }
0x33: {  	s10 =	sshll.u32 s17, $0x6;
	_ =	swait.ge [sflag:s30], $0x80  }
0x34: {  	s10 =	sor.u32 $0x1C03, s10;
	[sflag:s30] =	ssyncset.done $0x0;
	s18 =	rddreg [dreg:$0x12]  }
0x35: {  	s12 =	rddreg [dreg:$0x13];
	[sflag:s30] =	ssyncadd.s32 $0xFFFFFF80;
	s11 =	sshrl.u32 s18, $0x3  }
0x36: {  	[spmem:s11], [sflag:s10] =	dma.local [hbm:s12], $0x2800  }
0x37: {  	_ =	swait.ge [sflag:s30], $0x2800  }
0x38: {  	[sflag:s30] =	ssyncset.done $0x0  }
0x39: {  	[sflag:s30] =	ssyncadd.s32 $0xFFFFD800  }
0x3a: {  	v3 =	vld [tilespmem:$0x3800]  }
0x3b: {  	s19 =	rddreg [dreg:$0x8];
	v4 =	vld [tilespmem:$0x3880]  }
0x3c: {  	v5 =	vld [tilespmem:$0x3900];
	[tilespmem:s2], [sflag:$0x3] =	stream.linear.gather [hbm4b:s19+s2], $0x7D0, $0x38  }
0x3d: {  	_ =	swait.ge [sflag:s30], $0x7D0  }
0x3e: {  	[sflag:s30] =	ssyncset.done $0x0  }
0x3f: {  	s20 =	rddreg [dreg:$0x9];
	[sflag:s30] =	ssyncadd.s32 $0xFFFFF830  }
0x40: {  	[tilespmem:s0], [sflag:$0x3] =	stream.linear.gather [hbm4b:s20+s2], $0x7D0, $0x38;
	[tilespmem:$0x1FA80] =	vst v63  }
0x41: {  	_ =	swait.ge [sflag:s30], $0x7D0  }
0x42: {  	[sflag:s30] =	ssyncset.done $0x0  }
0x43: {  	v6 =	vimm.s32 $0x0;
	s13 =	simm.s32 $0x0;
	s12 =	smov.u32 s21;
	[sflag:s30] =	ssyncadd.s32 $0xFFFFF830  }
.LBB2_2:
0x44: {  	s14 =	sshra.s32 s13, $0x2  }
0x45: {  	v7 =	vld [tilespmem:s14+$0x0];
	_ =	sdelay $0x7  }
0x46: {  	v8 =	vld.idx.msk [tilespmem:v7+s29+$0x0], $0xffff;
	_ =	sdelay $0x2  }
0x47: {  	v9 =	vor.u32 s12, v0  }
0x48: {  	vm2 =	vlt.s32 v9, v5;
	vm1 =	veq.s32 v7, v4  }
0x49: {  	vm1 =	vmand vm2, vm1;
	vm3 =	vgt.f32 v8, v3  }
0x4a: {  	vm1 =	vmor vm1, vm3  }
0x4b: {  	v8 =	vsel vm1, $0x1, v1  }
0x4c: {  	(xrf0) =	vadd.scan.msk.s32 $0xffff, v8;
	_ =	sdelay $0x5  }
0x4d: {  	v8, _, _ =	vpop (xrf0)  }
0x4e: {  	v63 =	vadd.s32 v8, v6  }
0x4f: {  	v9 =	vadd.s32 $0xFFFFFFFF, v63  }
0x50: {  	p0 =	sne.s32 s13, $0x1F00;
	v10 =	vld [tilespmem:s14+$0x800]  }
.Ltmp2:
0x51: {  	_ = 	snop;
	(pc) =	sbr.rel @p0 .LBB2_2-.Ltmp2, $4  }
0x52: {  	_ = 	snop  }
0x53: {  	v8 =	vbroadcast v8, $0xF  }
0x54: {  	[tilespmem:v9+s31+$0x0] =	vst.idx.msk vm1, v7  }
0x55: {  	s12 =	sadd.s32 $0x10, s12;
	s13 =	sadd.s32 $0x40, s13;
	v6 =	vadd.s32 v6, v8;
	[tilespmem:v9+s3+$0x0] =	vst.idx.msk vm1, v10  }
0x56: {  	s12 =	simm.s32 $0x0;
	s13 =	rddreg [dreg:$0xa]  }
0x57: {  	[tilespmem:s12], [sflag:$0x3] =	stream.linear.gather [hbm4b:s13+s12], $0x7D0, $0x38;
	[tilespmem:$0x1FA80] =	vst v63  }
0x58: {  	_ =	swait.ge [sflag:s30], $0x7D0  }
0x59: {  	[sflag:s30] =	ssyncset.done $0x0  }
0x5a: {  	s20 =	rddreg [dreg:$0xb];
	[sflag:s30] =	ssyncadd.s32 $0xFFFFF830  }
0x5b: {  	[tilespmem:s0], [sflag:$0x3] =	stream.linear.gather [hbm4b:s20+s12], $0x7D0, $0x38;
	[tilespmem:$0x1FA80] =	vst v63  }
0x5c: {  	_ =	swait.ge [sflag:s30], $0x7D0  }
0x5d: {  	[sflag:s30] =	ssyncset.done $0x0  }
0x5e: {  	s13 =	smov.u32 s23;
	[sflag:s30] =	ssyncadd.s32 $0xFFFFF830  }
.LBB2_4:
0x5f: {  	s14 =	sshra.s32 s12, $0x2  }
0x60: {  	v7 =	vld [tilespmem:s14+$0x0];
	_ =	sdelay $0x7  }
0x61: {  	v8 =	vld.idx.msk [tilespmem:v7+s29+$0x0], $0xffff;
	_ =	sdelay $0x2  }
0x62: {  	v9 =	vor.u32 s13, v0  }
0x63: {  	vm2 =	vlt.s32 v9, v5;
	vm1 =	veq.s32 v7, v4  }
0x64: {  	vm1 =	vmand vm2, vm1;
	vm3 =	vgt.f32 v8, v3  }
0x65: {  	vm1 =	vmor vm1, vm3  }
0x66: {  	v8 =	vsel vm1, $0x1, v1  }
0x67: {  	(xrf0) =	vadd.scan.msk.s32 $0xffff, v8;
	_ =	sdelay $0x5  }
0x68: {  	v8, _, _ =	vpop (xrf0)  }
0x69: {  	v63 =	vadd.s32 v8, v6  }
0x6a: {  	v9 =	vadd.s32 $0xFFFFFFFF, v63  }
0x6b: {  	p0 =	sne.s32 s12, $0x1F00;
	v10 =	vld [tilespmem:s14+$0x800]  }
.Ltmp3:
0x6c: {  	_ = 	snop;
	(pc) =	sbr.rel @p0 .LBB2_4-.Ltmp3, $4  }
0x6d: {  	_ = 	snop  }
0x6e: {  	v8 =	vbroadcast v8, $0xF  }
0x6f: {  	[tilespmem:v9+s31+$0x0] =	vst.idx.msk vm1, v7  }
0x70: {  	s13 =	sadd.s32 $0x10, s13;
	s12 =	sadd.s32 $0x40, s12;
	v6 =	vadd.s32 v6, v8;
	[tilespmem:v9+s3+$0x0] =	vst.idx.msk vm1, v10  }
0x71: {  	s12 =	simm.s32 $0x0;
	s13 =	rddreg [dreg:$0xc]  }
0x72: {  	[tilespmem:s12], [sflag:$0x3] =	stream.linear.gather [hbm4b:s13+s12], $0x7D0, $0x38;
	[tilespmem:$0x1FA80] =	vst v63  }
0x73: {  	_ =	swait.ge [sflag:s30], $0x7D0  }
0x74: {  	[sflag:s30] =	ssyncset.done $0x0  }
0x75: {  	s20 =	rddreg [dreg:$0xd];
	[sflag:s30] =	ssyncadd.s32 $0xFFFFF830  }
0x76: {  	[tilespmem:s0], [sflag:$0x3] =	stream.linear.gather [hbm4b:s20+s12], $0x7D0, $0x38;
	[tilespmem:$0x1FA80] =	vst v63  }
0x77: {  	_ =	swait.ge [sflag:s30], $0x7D0  }
0x78: {  	[sflag:s30] =	ssyncset.done $0x0  }
0x79: {  	s13 =	smov.u32 s25;
	[sflag:s30] =	ssyncadd.s32 $0xFFFFF830  }
.LBB2_6:
0x7a: {  	s14 =	sshra.s32 s12, $0x2  }
0x7b: {  	v7 =	vld [tilespmem:s14+$0x0];
	_ =	sdelay $0x7  }
0x7c: {  	v8 =	vld.idx.msk [tilespmem:v7+s29+$0x0], $0xffff;
	_ =	sdelay $0x2  }
0x7d: {  	v9 =	vor.u32 s13, v0  }
0x7e: {  	vm2 =	vlt.s32 v9, v5;
	vm1 =	veq.s32 v7, v4  }
0x7f: {  	vm1 =	vmand vm2, vm1;
	vm3 =	vgt.f32 v8, v3  }
0x80: {  	vm1 =	vmor vm1, vm3  }
0x81: {  	v8 =	vsel vm1, $0x1, v1  }
0x82: {  	(xrf0) =	vadd.scan.msk.s32 $0xffff, v8;
	_ =	sdelay $0x5  }
0x83: {  	v8, _, _ =	vpop (xrf0)  }
0x84: {  	v63 =	vadd.s32 v8, v6  }
0x85: {  	v9 =	vadd.s32 $0xFFFFFFFF, v63  }
0x86: {  	p0 =	sne.s32 s12, $0x1F00;
	v10 =	vld [tilespmem:s14+$0x800]  }
.Ltmp4:
0x87: {  	_ = 	snop;
	(pc) =	sbr.rel @p0 .LBB2_6-.Ltmp4, $4  }
0x88: {  	_ = 	snop  }
0x89: {  	v8 =	vbroadcast v8, $0xF  }
0x8a: {  	[tilespmem:v9+s31+$0x0] =	vst.idx.msk vm1, v7  }
0x8b: {  	s13 =	sadd.s32 $0x10, s13;
	s12 =	sadd.s32 $0x40, s12;
	v6 =	vadd.s32 v6, v8;
	[tilespmem:v9+s3+$0x0] =	vst.idx.msk vm1, v10  }
0x8c: {  	s12 =	simm.s32 $0x0;
	s13 =	rddreg [dreg:$0xe]  }
0x8d: {  	[tilespmem:s12], [sflag:$0x3] =	stream.linear.gather [hbm4b:s13+s12], $0x7D0, $0x38;
	[tilespmem:$0x1FA80] =	vst v63  }
0x8e: {  	_ =	swait.ge [sflag:s30], $0x7D0  }
0x8f: {  	[sflag:s30] =	ssyncset.done $0x0  }
0x90: {  	s20 =	rddreg [dreg:$0xf];
	[sflag:s30] =	ssyncadd.s32 $0xFFFFF830  }
0x91: {  	[tilespmem:s0], [sflag:$0x3] =	stream.linear.gather [hbm4b:s20+s12], $0x7D0, $0x38;
	[tilespmem:$0x1FA80] =	vst v63  }
0x92: {  	_ =	swait.ge [sflag:s30], $0x7D0  }
0x93: {  	[sflag:s30] =	ssyncset.done $0x0  }
0x94: {  	s13 =	smov.u32 s26;
	[sflag:s30] =	ssyncadd.s32 $0xFFFFF830  }
.LBB2_8:
0x95: {  	s14 =	sshra.s32 s12, $0x2  }
0x96: {  	v7 =	vld [tilespmem:s14+$0x0];
	_ =	sdelay $0x7  }
0x97: {  	v8 =	vld.idx.msk [tilespmem:v7+s29+$0x0], $0xffff;
	_ =	sdelay $0x2  }
0x98: {  	v9 =	vor.u32 s13, v0  }
0x99: {  	vm2 =	vlt.s32 v9, v5;
	vm1 =	veq.s32 v7, v4  }
0x9a: {  	vm1 =	vmand vm2, vm1;
	vm3 =	vgt.f32 v8, v3  }
0x9b: {  	vm1 =	vmor vm1, vm3  }
0x9c: {  	v8 =	vsel vm1, $0x1, v1  }
0x9d: {  	(xrf0) =	vadd.scan.msk.s32 $0xffff, v8;
	_ =	sdelay $0x5  }
0x9e: {  	v8, _, _ =	vpop (xrf0)  }
0x9f: {  	v63 =	vadd.s32 v8, v6  }
0xa0: {  	v9 =	vadd.s32 $0xFFFFFFFF, v63  }
0xa1: {  	p0 =	sne.s32 s12, $0x1F00;
	v10 =	vld [tilespmem:s14+$0x800]  }
.Ltmp5:
0xa2: {  	_ = 	snop;
	(pc) =	sbr.rel @p0 .LBB2_8-.Ltmp5, $4  }
0xa3: {  	_ = 	snop  }
0xa4: {  	v8 =	vbroadcast v8, $0xF  }
0xa5: {  	[tilespmem:v9+s31+$0x0] =	vst.idx.msk vm1, v7  }
0xa6: {  	s13 =	sadd.s32 $0x10, s13;
	s12 =	sadd.s32 $0x40, s12;
	v6 =	vadd.s32 v6, v8;
	[tilespmem:v9+s3+$0x0] =	vst.idx.msk vm1, v10  }
0xa7: {  	s12 =	simm.s32 $0x0;
	s13 =	rddreg [dreg:$0x10]  }
0xa8: {  	[tilespmem:s12], [sflag:$0x3] =	stream.linear.gather [hbm4b:s13+s12], $0x7D0, $0x38;
	[tilespmem:$0x1FA80] =	vst v63  }
0xa9: {  	_ =	swait.ge [sflag:s30], $0x7D0  }
0xaa: {  	[sflag:s30] =	ssyncset.done $0x0  }
0xab: {  	s20 =	rddreg [dreg:$0x11];
	[sflag:s30] =	ssyncadd.s32 $0xFFFFF830  }
0xac: {  	[tilespmem:s0], [sflag:$0x3] =	stream.linear.gather [hbm4b:s20+s12], $0x7D0, $0x38;
	[tilespmem:$0x1FA80] =	vst v63  }
0xad: {  	_ =	swait.ge [sflag:s30], $0x7D0  }
0xae: {  	[sflag:s30] =	ssyncset.done $0x0  }
0xaf: {  	s13 =	smov.u32 s28;
	[sflag:s30] =	ssyncadd.s32 $0xFFFFF830  }
.LBB2_10:
0xb0: {  	s14 =	sshra.s32 s12, $0x2  }
0xb1: {  	v7 =	vld [tilespmem:s14+$0x0];
	_ =	sdelay $0x7  }
0xb2: {  	v8 =	vld.idx.msk [tilespmem:v7+s29+$0x0], $0xffff;
	_ =	sdelay $0x2  }
0xb3: {  	v9 =	vor.u32 s13, v0  }
0xb4: {  	vm2 =	vlt.s32 v9, v5;
	vm1 =	veq.s32 v7, v4  }
0xb5: {  	vm1 =	vmand vm2, vm1;
	vm3 =	vgt.f32 v8, v3  }
0xb6: {  	vm1 =	vmor vm1, vm3  }
0xb7: {  	v8 =	vsel vm1, $0x1, v1  }
0xb8: {  	(xrf0) =	vadd.scan.msk.s32 $0xffff, v8;
	_ =	sdelay $0x5  }
0xb9: {  	v8, _, _ =	vpop (xrf0)  }
0xba: {  	v63 =	vadd.s32 v8, v6  }
0xbb: {  	v9 =	vadd.s32 $0xFFFFFFFF, v63  }
0xbc: {  	p0 =	sne.s32 s12, $0x1F00;
	v10 =	vld [tilespmem:s14+$0x800]  }
.Ltmp6:
0xbd: {  	_ = 	snop;
	(pc) =	sbr.rel @p0 .LBB2_10-.Ltmp6, $4  }
0xbe: {  	_ = 	snop  }
0xbf: {  	v8 =	vbroadcast v8, $0xF  }
0xc0: {  	[tilespmem:v9+s31+$0x0] =	vst.idx.msk vm1, v7  }
0xc1: {  	s13 =	sadd.s32 $0x10, s13;
	s12 =	sadd.s32 $0x40, s12;
	v6 =	vadd.s32 v6, v8;
	[tilespmem:v9+s3+$0x0] =	vst.idx.msk vm1, v10  }
0xc2: {  	v3 =	vxor.u32 $0x80000000, v6  }
0xc3: {  	(xrf0) =	vmax.scan.msk.u32 $0xffff, v3;
	_ =	sdelay $0x5  }
0xc4: {  	v3, _, _ =	vpop (xrf0)  }
0xc5: {  	(v2sf) =	vpush v3, $0xF;
	_ =	sdelay $0xe  }
0xc6: {  	s12 =	spop (v2sf)  }
0xc7: {  	s13 =	sxor.u32 $0x80000000, s12  }
0xc8: {  	v3 =	vadd.s32 s13, v0  }
0xc9: {  	s20 =	sadd.s32 $0x80000010, s12  }
0xca: {  	v4 =	vadd.s32 s20, v0  }
0xcb: {  	s14 =	sadd.s32 $0x80000020, s12  }
0xcc: {  	s15 =	sadd.s32 $0x80000030, s12;
	s12 =	sadd.s32 $0x8000003F, s12;
	v5 =	vadd.s32 s14, v0  }
0xcd: {  	s16 =	sand.u32 $0x3F, s12;
	[tilespmem:v3+s31+$0x0] =	vst.idx.msk $0xffff, v1  }
0xce: {  	s14 =	sshra.s32 s12, $0x1F;
	p0 =	slt.s32 s12, $0x1;
	p1 =	sne.s32 s16, $0x0;
	[tilespmem:v3+s3+$0x0] =	vst.idx.msk $0xffff, v2;
	v3 =	vadd.s32 s15, v0  }
0xcf: {  	s17 =	sshrl.u32 s14, $0x1A;
	p0 =	por !p0, !p1;
	[tilespmem:v4+s31+$0x0] =	vst.idx.msk $0xffff, v1  }
0xd0: {  	s13 =	simm.s32 $0x1;
	s12 =	sadd.s32 s17, s12;
	p0 =	por !p0, !p0;
	[tilespmem:v4+s3+$0x0] =	vst.idx.msk $0xffff, v2  }
0xd1: {  	s12 =	sshra.s32 s12, $0x6;
	s13 =	simm.s32 @!p0 $0x0;
	[tilespmem:v5+s31+$0x0] =	vst.idx.msk $0xffff, v1  }
0xd2: {  	s12 =	ssub.s32 s12, s13;
	[tilespmem:v5+s3+$0x0] =	vst.idx.msk $0xffff, v2  }
0xd3: {  	p0 =	slt.s32 s12, $0x1;
	s18 =	sadd.s32 $0x1, s12;
	[tilespmem:v3+s31+$0x0] =	vst.idx.msk $0xffff, v1  }
0xd4: {  	s13 =	simm.s32 @!p0 $0x40;
	s14 =	simm.s32 @!p0 $0x3980;
	s15 =	simm.s32 @!p0 $0x7A80;
	[tilespmem:v3+s3+$0x0] =	vst.idx.msk $0xffff, v2  }
0xd5: {  	p1 =	seq.s32 @!p0 s12, $0x1;
	s19 =	sand.u32 $0x1, s18;
	[bflag:$0x0] =	sbarrier.arrive $0xFFFF  }
0xd6: {  	[tilespmem:s15], [sflag:$0x1] =	stream.indirect.gather @!p0 [hbm4b:s8+s13], $0x80, s14, s13, $0xb8;
	[tilespmem:$0x1FA80] =	vst v63  }
0xd7: {  	p5 =	slt.s32 s12, $0x0;
	p6 =	seq.s32 s19, $0x1;
	p0 =	por p1, p0  }
0xd8: {  	s13 =	simm.s32 @!p0 $0x40;
	s14 =	simm.s32 @!p0 $0x39C0;
	s15 =	simm.s32 @!p0 $0x9A80  }
0xd9: {  	[tilespmem:s15], [sflag:$0x2] =	stream.indirect.gather @!p0 [hbm4b:s8+s13], $0x80, s14, s13, $0xb8;
	[tilespmem:$0x1FA80] =	vst v63  }
0xda: {  	s20 =	sshrl.u32 s18, $0x1F;
	p0 =	por !p5, !p6  }
0xdb: {  	s13 =	sadd.s32 s20, s18;
	s14 =	simm.s32 $0x1;
	p0 =	por !p0, !p0  }
0xdc: {  	s13 =	sshra.s32 s13, $0x1;
	s14 =	simm.s32 @!p0 $0x0  }
0xdd: {  	s13 =	ssub.s32 s13, s14  }
0xde: {  	p0 =	slt.s32 s13, $0x1  }
.Ltmp7:
0xdf: {  	_ = 	snop;
	(pc) =	sbr.rel @p0 .LBB2_14-.Ltmp7, $1  }
0xe0: {  	_ =	sdelay $0x3  }
0xe1: {  	s14 =	simm.s32 $0x3  }
0xe2: {  	s15 =	simm.s32 $0x3A40;
	s16 =	simm.s32 $0x40;
	s17 =	simm.s32 $0x5A20  }
.LBB2_13:
0xe3: {  	_ =	swait.ge [sflag:s4], $0x2000  }
0xe4: {  	[sflag:s4] =	ssyncset.done $0x0  }
0xe5: {  	[sflag:s4] =	ssyncadd.s32 $0xFFFFE000  }
0xe6: {  	v3 =	vld [tilespmem:s17+$0xFFFFFFE0];
	_ =	sdelay $0x6  }
0xe7: {  	s18 =	rddreg [dreg:$0x3]  }
0xe8: {  	[spmem:s1] =	stream.indirect_vreg.scatter.add.f32 [tilespmem:s18], [sflag:$0x3], $0x80, v3, vm0, $0xb8;
	[tilespmem:$0x1FA80] =	vst v63  }
0xe9: {  	_ =	swait.ge [sflag:s30], $0x800  }
0xea: {  	[sflag:s30] =	ssyncset.done $0x0  }
0xeb: {  	[sflag:s30] =	ssyncadd.s32 $0xFFFFF800  }
0xec: {  	v3 =	vld [tilespmem:s17+$0xFFFFFFF0];
	_ =	sdelay $0x7  }
0xed: {  	[spmem:s1] =	stream.indirect_vreg.scatter.add.f32 [tilespmem:s5], [sflag:$0x3], $0x80, v3, vm0, $0xb8;
	[tilespmem:$0x1FA80] =	vst v63  }
0xee: {  	_ =	swait.ge [sflag:s30], $0x800  }
0xef: {  	[sflag:s30] =	ssyncset.done $0x0  }
0xf0: {  	[sflag:s30] =	ssyncadd.s32 $0xFFFFF800  }
0xf1: {  	v3 =	vld [tilespmem:s17+$0x0];
	_ =	sdelay $0x7  }
0xf2: {  	[spmem:s1] =	stream.indirect_vreg.scatter.add.f32 [tilespmem:s6], [sflag:$0x3], $0x80, v3, vm0, $0xb8;
	[tilespmem:$0x1FA80] =	vst v63  }
0xf3: {  	_ =	swait.ge [sflag:s30], $0x800  }
0xf4: {  	[sflag:s30] =	ssyncset.done $0x0  }
0xf5: {  	[sflag:s30] =	ssyncadd.s32 $0xFFFFF800  }
0xf6: {  	v3 =	vld [tilespmem:s17+$0x10];
	_ =	sdelay $0x6  }
0xf7: {  	s19 =	sadd.s32 $0xFFFFFFFF, s14  }
0xf8: {  	[spmem:s1] =	stream.indirect_vreg.scatter.add.f32 [tilespmem:s7], [sflag:$0x3], $0x80, v3, vm0, $0xb8;
	[tilespmem:$0x1FA80] =	vst v63  }
0xf9: {  	p0 =	sge.s32 s19, s12;
	_ =	swait.ge [sflag:s30], $0x800  }
0xfa: {  	s19 =	simm.s32 @!p0 $0x40;
	[sflag:s30] =	ssyncset.done $0x0  }
0xfb: {  	s20 =	simm.s32 @!p0 $0x7A80;
	s18 =	sadd.s32 @!p0 $0xFFFFFFC0, s15;
	[sflag:s30] =	ssyncadd.s32 $0xFFFFF800  }
0xfc: {  	[tilespmem:s20], [sflag:$0x1] =	stream.indirect.gather @!p0 [hbm4b:s8+s19], $0x80, s18, s19, $0xb8;
	[tilespmem:$0x1FA80] =	vst v63  }
0xfd: {  	s20 =	sadd.s32 $0xFFFFFFFE, s14  }
0xfe: {  	p0 =	sge.s32 s20, s12  }
0xff: {  	s18 =	simm.s32 @!p0 $0x2  }
0x100: {  	_ =	swait.ge @!p0 [sflag:s18], $0x2000  }
0x101: {  	[sflag:s18] =	ssyncset.done @!p0 $0x0  }
0x102: {  	[sflag:s18] =	ssyncadd.s32 @!p0 $0xFFFFE000  }
0x103: {  	v3 =	vld @!p0 [tilespmem:s17+$0x20];
	_ =	sdelay $0x6  }
0x104: {  	vm1 =	vmmov @!p0 $0xffff;
	s18 =	simm.s32 @!p0 $0x9A80  }
0x105: {  	[spmem:s1] =	stream.indirect_vreg.scatter.add.f32 @!p0 [tilespmem:s18], [sflag:$0x3], $0x80, v3, vm1, $0xb8;
	[tilespmem:$0x1FA80] =	vst v63  }
0x106: {  	s18 =	simm.s32 @!p0 $0x3  }
0x107: {  	_ =	swait.ge @!p0 [sflag:s18], $0x800  }
0x108: {  	[sflag:s18] =	ssyncset.done @!p0 $0x0  }
0x109: {  	s19 =	sor.u32 @!p0 $0x50, s16;
	[sflag:s18] =	ssyncadd.s32 @!p0 $0xFFFFF800  }
0x10a: {  	v3 =	vld @!p0 [tilespmem:s19+$0x5A00];
	_ =	sdelay $0x6  }
0x10b: {  	s19 =	simm.s32 @!p0 $0xA280  }
0x10c: {  	[spmem:s1] =	stream.indirect_vreg.scatter.add.f32 @!p0 [tilespmem:s19], [sflag:$0x3], $0x80, v3, vm1, $0xb8;
	[tilespmem:$0x1FA80] =	vst v63  }
0x10d: {  	_ =	swait.ge @!p0 [sflag:s18], $0x800  }
0x10e: {  	[sflag:s18] =	ssyncset.done @!p0 $0x0  }
0x10f: {  	s19 =	sor.u32 @!p0 $0x60, s16;
	[sflag:s18] =	ssyncadd.s32 @!p0 $0xFFFFF800  }
0x110: {  	v3 =	vld @!p0 [tilespmem:s19+$0x5A00];
	_ =	sdelay $0x6  }
0x111: {  	s19 =	simm.s32 @!p0 $0xAA80  }
0x112: {  	[spmem:s1] =	stream.indirect_vreg.scatter.add.f32 @!p0 [tilespmem:s19], [sflag:$0x3], $0x80, v3, vm1, $0xb8;
	[tilespmem:$0x1FA80] =	vst v63  }
0x113: {  	_ =	swait.ge @!p0 [sflag:s18], $0x800  }
0x114: {  	[sflag:s18] =	ssyncset.done @!p0 $0x0  }
0x115: {  	s19 =	sor.u32 @!p0 $0x70, s16;
	[sflag:s18] =	ssyncadd.s32 @!p0 $0xFFFFF800  }
0x116: {  	v3 =	vld @!p0 [tilespmem:s19+$0x5A00];
	_ =	sdelay $0x6  }
0x117: {  	s19 =	simm.s32 @!p0 $0xB280  }
0x118: {  	[spmem:s1] =	stream.indirect_vreg.scatter.add.f32 @!p0 [tilespmem:s19], [sflag:$0x3], $0x80, v3, vm1, $0xb8;
	[tilespmem:$0x1FA80] =	vst v63  }
0x119: {  	_ =	swait.ge @!p0 [sflag:s18], $0x800  }
0x11a: {  	s13 =	sadd.s32 $0xFFFFFFFF, s13;
	p1 =	sge.s32 @!p0 s14, s12;
	[sflag:s18] =	ssyncset.done @!p0 $0x0  }
0x11b: {  	p1 =	por p1, p0;
	[sflag:s18] =	ssyncadd.s32 @!p0 $0xFFFFF800;
	p0 =	sne.s32 s13, $0x0  }
.Ltmp8:
0x11c: {  	_ = 	snop;
	(pc) =	sbr.rel @p0 .LBB2_13-.Ltmp8, $4  }
0x11d: {  	_ = 	snop  }
0x11e: {  	s14 =	sadd.s32 $0x2, s14;
	s19 =	simm.s32 @!p1 $0x9A80;
	s18 =	simm.s32 @!p1 $0x40  }
0x11f: {  	[tilespmem:s19], [sflag:$0x2] =	stream.indirect.gather @!p1 [hbm4b:s8+s18], $0x80, s15, s18, $0xb8;
	[tilespmem:$0x1FA80] =	vst v63  }
0x120: {  	s17 =	sadd.s32 $0x80, s17;
	s16 =	sadd.s32 $0x80, s16;
	s15 =	sadd.s32 $0x80, s15  }
.Ltmp9:
0x121: {  	_ = 	snop;
	(pc) =	sbr.rel .LBB2_14-.Ltmp9, $1  }
0x122: {  	_ =	sdelay $0x3  }
.LBB2_15:
0x123: {  	_ =	sfence.sel $0x180000  }
0x124: {  	[bflag:$0x0] =	sbarrier.arrive $0xFFFF  }
0x125: {  	_ =	strace $0x9000004A  }
0x126: {  	s0 =	stileid.u32;
	[bflag:$0x2] =	sbarrier.arrive $0xFFFF  }
0x127: {  	p0 =	sne.s32 s0, $0x0;
	s0 =	rddreg [dreg:$0x2]  }
0x128: {  	s0 =	sadd.s32 @!p0 $0x100000, s0  }
0x129: {  	[sflag:s0] =	ssyncadd.tile.s32 @!p0 $0x1;
	_ =	shalt  }
.Lfunc_end2:
_tile_overlayer_lowered:
.L_overlay_start_2:
0x12a: {  	(tag) =	ssettag $0x2  }
0x12b: {  	s0 =	rddreg [dreg:$0x0];
	s2 =	stileid.u32  }
0x12c: {  	s1 =	rddreg [dreg:$0x1];
	p0 =	sne.s32 s2, $0x0  }
0x12d: {  	s3 =	rddreg [dreg:$0x2];
	[bflag:$0x3] =	sbarrier.arrive $0xFFFF;
	s2 =	simm.s32 @!p0 $0x1C03  }
0x12e: {  	[timem:s3], [sflag:s2] =	dma.local @!p0 [hbm:s0], s1  }
0x12f: {  	s0 =	simm.s32 @!p0 $0x3  }
0x130: {  	_ =	swait.ge @!p0 [sflag:s0], s1  }
0x131: {  	s1 =	ssub.s32 @!p0 $0x0, s1;
	[sflag:s0] =	ssyncset.done @!p0 $0x0  }
0x132: {  	[sflag:s0] =	ssyncadd.s32 @!p0 s1  }
0x133: {  	[bflag:$0x3] =	sbarrier.arrive $0xFFFF  }
0x134: {  	_ =	shalt  }

// kernel: scatter_offload_async_start
scs
__scs_entry_jumppad:
0x0: {  	(pc) =	sbr.rel $0x88, $3  }
0x1: {  	(tag) =	ssettag $0x0;
	lr =	simm.s32 $0x1  }
0x2: {  	[smem:$0x3F96] =	sst lr;
	_ =	strace $0xD0000000  }
0x3: {  	_ = 	snop  }
0x4: {  	_ = 	snop  }
0x5: {  	_ = 	snop  }
0x6: {  	_ = 	snop  }
0x7: {  	_ = 	snop  }
__scs_overlays_trampoline_lowered:
0x8: {  	[smem:$0x3FA5] =	sst s0  }
0x9: {  	[smem:$0x3FA6] =	sst s1  }
0xa: {  	[smem:$0x3FA7] =	sst s2  }
0xb: {  	[smem:$0x3FA8] =	sst s3  }
0xc: {  	[smem:$0x3FA9] =	sst s4  }
0xd: {  	[smem:$0x3FAA] =	sst s5  }
0xe: {  	[smem:$0x3FAB] =	sst s6  }
0xf: {  	[smem:$0x3FAC] =	sst s7  }
0x10: {  	[smem:$0x3FAD] =	sst s8  }
0x11: {  	[smem:$0x3FAE] =	sst s9;
	s0 =	simm.s32 @!p0 $0x0  }
0x12: {  	s1 =	sld [smem:$0x3F94];
	s0 =	simm.s32 @p0 $0x1  }
0x13: {  	[smem:$0x3FAF] =	sst s0;
	s0 =	simm.s32 @!p1 $0x0  }
0x14: {  	s2 =	sld [smem:$0x3F93];
	s0 =	simm.s32 @p1 $0x1  }
0x15: {  	[smem:$0x3FB0] =	sst s0;
	s0 =	simm.s32 @!p2 $0x0  }
0x16: {  	s3 =	sld [smem:$0x3FDB];
	s0 =	simm.s32 @p2 $0x1  }
0x17: {  	s4 =	simm.s32 $0x1BF5;
	[smem:$0x3FB2] =	sst s0  }
0x18: {  	s0 =	sld [smem:$0x3F95];
	_ =	swait.ge [sflag:s4], $0x0  }
0x19: {  	s7 =	sld [smem:$0x3F96]  }
0x1a: {  	s8 =	sadd.s32 $0xFFFFE003, lr  }
0x1b: {  	s9 =	sadd.s32 $0xFFFFFEF7, lr;
	s5 =	simm.s32 $0xFFFFFFFF;
	p2 =	slt.u32 s8, $0xFFFFF086  }
0x1c: {  	p1 =	slt.u32 s9, $0xF7A;
	s5 =	simm.s32 @!p2 $0x0  }
0x1d: {  	s5 =	simm.s32 @p1 $0x1;
	p0 =	seq.s32 s7, s2  }
0x1e: {  	s7 =	smul.u32 @!p0 $0xF7A, s2;
	p2 =	seq.s32 @!p0 s5, $0x0  }
0x1f: {  	s9 =	smul.u32 $0xF7A, s1;
	s8 =	simm.s32 @!p0 $0x1BF5;
	p2 =	por !p2, p0  }
0x20: {  	[sflag:s8] =	ssyncset.s32 @!p0 $0xFFFFF086;
	s6 =	sadd.s32 @!p0 s3, s7;
	s7 =	simm.s32 @!p0 $0x108  }
0x21: {  	s3 =	sadd.s32 s3, s9;
	s6 =	sadd.s32 @!p0 $0x88, s6;
	s7 =	simm.s32 @p2 $0x1082  }
0x22: {  	[simem:s7], [sflag:s8] =	dma.local @!p0 [hbm:s6], $0xF7A  }
0x23: {  	s9 =	sor.u32 $0xD0000000, s2;
	s6 =	simm.s32 $0x108;
	_ =	swait.ge @!p0 [sflag:s8], $0x0  }
0x24: {  	s3 =	sadd.s32 $0x88, s3;
	s6 =	simm.s32 @!p1 $0x1082;
	[sflag:s4] =	ssyncset.s32 $0xFFFFF086  }
0x25: {  	[simem:s6], [sflag:s4] =	dma.local [hbm:s3], $0xF7A  }
0x26: {  	[smem:$0x3F96] =	sst s1;
	(tag) =	ssettag s2;
	_ =	strace s9  }
0x27: {  	s1 =	sld [smem:$0x3FA6]  }
0x28: {  	s2 =	sld [smem:$0x3FA7]  }
0x29: {  	s4 =	sld [smem:$0x3FA9]  }
0x2a: {  	p0 =	seq.s32 s5, $0x0;
	s5 =	sld [smem:$0x3FAA]  }
0x2b: {  	s6 =	sld [smem:$0x3FAB]  }
0x2c: {  	s7 =	sld [smem:$0x3FAC]  }
0x2d: {  	s3 =	simm.s32 $0x108;
	s8 =	sld [smem:$0x3FAD]  }
0x2e: {  	s3 =	simm.s32 @!p0 $0x1082;
	s9 =	sld [smem:$0x3FAE]  }
0x2f: {  	lr =	sadd.s32 s0, s3;
	s0 =	sld [smem:$0x3FA5]  }
0x30: {  	s3 =	sld [smem:$0x3FA8]  }
0x31: {  	[smem:$0x3FB1] =	sst s10  }
0x32: {  	s10 =	sld [smem:$0x3FAF];
	_ =	sdelay $0x3  }
0x33: {  	p0 =	seq.s32 s10, $0x1;
	s10 =	sld [smem:$0x3FB1];
	_ =	sdelay $0x3  }
0x34: {  	[smem:$0x3FB1] =	sst s10  }
0x35: {  	s10 =	sld [smem:$0x3FB0];
	_ =	sdelay $0x3  }
0x36: {  	p1 =	seq.s32 s10, $0x1;
	s10 =	sld [smem:$0x3FB1];
	_ =	sdelay $0x3  }
0x37: {  	[smem:$0x3FB1] =	sst s10  }
0x38: {  	s10 =	sld [smem:$0x3FB2]  }
0x39: {  	_ = 	snop;
	(pc) =	sbr.ind lr, $3  }
0x3a: {  	_ = 	snop  }
0x3b: {  	_ = 	snop  }
0x3c: {  	p2 =	seq.s32 s10, $0x1;
	s10 =	sld [smem:$0x3FB1]  }
0x3d: {  	_ =	shalt  }
0x3e: {  	_ =	shalt  }
0x3f: {  	_ =	shalt  }
0x40: {  	_ =	shalt  }
0x41: {  	_ =	shalt  }
0x42: {  	_ =	shalt  }
0x43: {  	_ =	shalt  }
0x44: {  	_ =	shalt  }
0x45: {  	_ =	shalt  }
0x46: {  	_ =	shalt  }
0x47: {  	_ =	shalt  }
0x48: {  	_ =	shalt  }
0x49: {  	_ =	shalt  }
0x4a: {  	_ =	shalt  }
0x4b: {  	_ =	shalt  }
0x4c: {  	_ =	shalt  }
0x4d: {  	_ =	shalt  }
0x4e: {  	_ =	shalt  }
0x4f: {  	_ =	shalt  }
0x50: {  	_ =	shalt  }
0x51: {  	_ =	shalt  }
0x52: {  	_ =	shalt  }
0x53: {  	_ =	shalt  }
0x54: {  	_ =	shalt  }
0x55: {  	_ =	shalt  }
0x56: {  	_ =	shalt  }
0x57: {  	_ =	shalt  }
0x58: {  	_ =	shalt  }
0x59: {  	_ =	shalt  }
0x5a: {  	_ =	shalt  }
0x5b: {  	_ =	shalt  }
0x5c: {  	_ =	shalt  }
0x5d: {  	_ =	shalt  }
0x5e: {  	_ =	shalt  }
0x5f: {  	_ =	shalt  }
0x60: {  	_ =	shalt  }
0x61: {  	_ =	shalt  }
0x62: {  	_ =	shalt  }
0x63: {  	_ =	shalt  }
0x64: {  	_ =	shalt  }
0x65: {  	_ =	shalt  }
0x66: {  	_ =	shalt  }
0x67: {  	_ =	shalt  }
0x68: {  	_ =	shalt  }
0x69: {  	_ =	shalt  }
0x6a: {  	_ =	shalt  }
0x6b: {  	_ =	shalt  }
0x6c: {  	_ =	shalt  }
0x6d: {  	_ =	shalt  }
0x6e: {  	_ =	shalt  }
0x6f: {  	_ =	shalt  }
0x70: {  	_ =	shalt  }
0x71: {  	_ =	shalt  }
0x72: {  	_ =	shalt  }
0x73: {  	_ =	shalt  }
0x74: {  	_ =	shalt  }
0x75: {  	_ =	shalt  }
0x76: {  	_ =	shalt  }
0x77: {  	_ =	shalt  }
0x78: {  	_ =	shalt  }
0x79: {  	_ =	shalt  }
0x7a: {  	_ =	shalt  }
0x7b: {  	_ =	shalt  }
0x7c: {  	_ =	shalt  }
0x7d: {  	_ =	shalt  }
0x7e: {  	_ =	shalt  }
0x7f: {  	_ =	shalt  }
0x80: {  	_ =	shalt  }
0x81: {  	_ =	shalt  }
0x82: {  	_ =	shalt  }
0x83: {  	_ =	shalt  }
0x84: {  	_ =	shalt  }
0x85: {  	_ =	shalt  }
0x86: {  	_ =	shalt  }
0x87: {  	_ =	shalt  }
.Lfunc_end0:
.L_simem_size_0:
called_computation_lowered:
.L_overlay_start_0:
0x88: {  	s0 =	sld [smem:$0x3FD9]  }
0x89: {  	s1 =	sld [smem:$0x3FFE];
	_ =	sdelay $0x3  }
0x8a: {  	s0 =	sadd.s32 s1, s0  }
0x8b: {  	[smem:$0x3FBD] =	sst s0  }
0x8c: {  	_ = 	snop  }
0x8d: {  	s0 =	sld [smem:$0x3FD0];
	(tm) =	ssettm $0x1  }
0x8e: {  	s16 =	sld [smem:$0x3FFB];
	_ =	sdelay $0x3  }
0x8f: {  	_ =	strace s16  }
0x90: {  	s1 =	sld [smem:$0x3FFC];
	_ =	sdelay $0x3  }
0x91: {  	_ =	strace s1  }
0x92: {  	s1 =	sld [smem:$0x3FFD];
	_ =	sdelay $0x3  }
0x93: {  	_ =	strace s1  }
0x94: {  	_ =	strace $0x8FFFFFFF  }
0x95: {  	s17 =	sld [smem:$0x3FDB];
	_ =	sdelay $0x1  }
0x96: {  	s2 =	simm.s32 $_scs_section_size  }
0x97: {  	s3 =	simm.s32 $_size__tile_overlayer_lowered;
	s4 =	simm.s32 $_tile_overlayer_lowered  }
0x98: {  	s20 =	simm.s32 $0x1BFF;
	s19 =	sshll.u32 s4, $0x1;
	s1 =	sadd.s32 s2, s17  }
0x99: {  	s5 =	simm.s32 $0x0;
	s18 =	sshll.u32 s3, $0x1;
	s3 =	sadd.s32 s19, s1  }
0x9a: {  	[timem:s5], [sflag:s20] =	dma.local [hbm:s3], s18  }
0x9b: {  	_ =	swait.ge [sflag:s20], s18  }
0x9c: {  	s2 =	ssub.s32 $0x0, s18;
	[sflag:s20] =	ssyncset.done $0x0  }
0x9d: {  	[sflag:s20] =	ssyncadd.s32 s2;
	_ =	sdelay $0x1  }
0x9e: {  	s21 =	simm.s32 $0x1B8B  }
0x9f: {  	_ =	swait.ge [sflag:s21], $0x1  }
0xa0: {  	[sflag:s21] =	ssyncset.done $0x0  }
0xa1: {  	s23 =	simm.s32 $0x1B8E;
	s22 =	sld [smem:$0x3FFE];
	[sflag:s21] =	ssyncadd.s32 $0xFFFFFFFF  }
0xa2: {  	s24 =	simm.s32 $execute0_lowered;
	[smem:$0x3FD2] =	sst s23  }
0xa3: {  	s3 =	sshll.u32 s24, $0x1;
	_ =	strace $0x80000046;
	[dreg:$0x1] =	wrdreg $0xFFFFFFFF  }
0xa4: {  	s25 =	simm.s32 $_size_execute0_lowered;
	s1 =	sadd.s32 s1, s3;
	[dreg:$0x0] =	wrdreg $0x0  }
0xa5: {  	s3 =	sshll.u32 s25, $0x1;
	[dreg:$0x2] =	wrdreg s1  }
0xa6: {  	[dreg:$0x3] =	wrdreg s3  }
0xa7: {  	[dreg:$0x4] =	wrdreg $0xC0  }
0xa8: {  	_ =	task [dreg:s5], $0x5FFFF  }
0xa9: {  	[dreg:$0x1] =	wrdreg $0xFFFFFFFF  }
0xaa: {  	[dreg:$0x0] =	wrdreg $0x60  }
0xab: {  	[dreg:$0x2] =	wrdreg s0  }
0xac: {  	[dreg:$0x3] =	wrdreg s22  }
0xad: {  	[dreg:$0x4] =	wrdreg $0x9  }
0xae: {  	_ =	task.clear_ibuf [dreg:s5], $0x5FFFF;
	_ =	strace $0x90000046  }
0xaf: {  	s26 =	simm.s32 $0x9;
	_ =	strace $0x80000048  }
0xb0: {  	_ =	swait.ge [sflag:s26], $0x1  }
0xb1: {  	[sflag:s26] =	ssyncadd.s32 $0xFFFFFFFF  }
0xb2: {  	_ =	strace $0x90000048  }
0xb3: {  	_ =	sfence  }
0xb4: {  	s28 =	sld [smem:$0x0];
	_ =	sdelay $0x1  }
0xb5: {  	s29 =	srdreg.scid  }
0xb6: {  	s30 =	sshll.u32 s29, $0xD;
	s31 =	sshrl.u32 s29, $0x2  }
0xb7: {  	s2 =	sand.u32 $0x4000, s30;
	s1 =	sand.u32 $0x1, s29;
	s0 =	sadd.s32 s31, s28  }
0xb8: {  	s1 =	sor.u32 s2, s1;
	s0 =	sshll.u32 s0, $0x11  }
0xb9: {  	s0 =	sor.u32 s0, s1  }
0xba: {  	s0 =	sadd.s32 $0x8F2B, s0  }
0xbb: {  	[sflag:s0] =	ssyncadd.remote.s32 $0x1  }
0xbc: {  	_ =	sfence.sel $0xFFFF  }
0xbd: {  	[dreg:$0x0] =	wrdreg $0xFFFFFFFF;
	(pc) =	sbr.abs _section_cstart, $3  }
0xbe: {  	[dreg:$0x1] =	wrdreg $0xFFFFFFFF  }
0xbf: {  	_ =	task.clear_ibuf [dreg:s5], $0x2FFFF;
	_ =	strace $0x9FFFFFFF  }
0xc0: {  	(tm) =	ssettm $0x7FFFFFFF  }
0xc1: {  	_ =	shalt  }
tec
execute0_lowered:
.L_overlay_start_1:
0x0: {  	(tag) =	ssettag $0x1  }
0x1: {  	s1 =	rddreg [dreg:$0x0]  }
0x2: {  	s7 =	rddreg [dreg:$0x1]  }
0x3: {  	s0 =	rddreg [dreg:$0x2]  }
0x4: {  	s3 =	stileid.u32;
	_ =	strace $0x80000047;
	s4 =	simm.s32 $0x3E  }
0x5: {  	p0 =	sne.s32 s3, $0x0;
	[sflag:s4] =	ssyncpa.u1 $0x0;
	s29 =	smin.u32 s3, $0x8  }
0x6: {  	s30 =	sshll.u32 s3, $0x1;
	s2 =	simm.s32 @!p0 $0x1C3E;
	s5 =	simm.s32 @!p0 $0x0  }
0x7: {  	[spmem:s5], [sflag:s2] =	dma.local @!p0 [hbm:s1], $0x500  }
0x8: {  	s2 =	sadd.s32 s29, s30  }
0x9: {  	p1 =	slt.u32 s3, $0x8;
	s3 =	simm.s32 $0x5DC0;
	s2 =	smul.u32 $0x1F40, s2  }
0xa: {  	s3 =	simm.s32 @!p1 $0x3E80  }
0xb: {  	s3 =	sadd.s32 s3, s2  }
0xc: {  	s3 =	smin.u32 s3, $0x4E200  }
0xd: {  	s8 =	ssub.s32 s3, s2  }
0xe: {  	p1 =	sgt.s32 s8, $0x0  }
0xf: {  	s8 =	simm.s32 @!p1 $0x0  }
0x10: {  	s5 =	simm.s32 @!p0 $0x3E;
	s31 =	smulhi.u32 $0x10624DD3, s8  }
0x11: {  	_ =	swait.ge @!p0 [sflag:s5], $0x500  }
0x12: {  	s6 =	simm.s32 $0x2;
	[sflag:s5] =	ssyncset.done @!p0 $0x0;
	s9 =	sshrl.u32 s31, $0x9  }
0x13: {  	s11 =	simm.s32 $0x0;
	[sflag:s5] =	ssyncadd.s32 @!p0 $0xFFFFFB00;
	s10 =	smul.u32 $0x1F40, s9  }
.Ltmp0:
0x14: {  	s5 =	sadd.s32 $0xC00, s7;
	[bflag:$0x0] =	sbarrier.arrive $0xFFFF;
	(pc) =	sbr.rel .LBB2_1-.Ltmp0, $4  }
0x15: {  	s7 =	sadd.s32 $0x85400, s7;
	[sflag:s4] =	ssyncpa.u1 $0x1;
	s4 =	simm.s32 $0x1  }
0x16: {  	[sflag:s4] =	ssyncpa.u1 $0x0;
	p1 =	sne.s32 s8, s10;
	s8 =	simm.s32 $0x1  }
0x17: {  	(ifvalue) =	ssetifvalue $0x2800;
	[sflag:s6] =	ssyncpa.u1 $0x0;
	s8 =	simm.s32 @!p1 $0x0  }
0x18: {  	vm0 =	vmmov $0xffff;
	s10 =	smov.u32 s2;
	s8 =	sadd.s32 s8, s9;
	s9 =	simm.s32 $0x0  }
.LBB2_5:
0x19: {  	p2 =	sne.s32 s11, s8  }
.Ltmp1:
0x1a: {  	_ = 	snop;
	(pc) =	sbr.rel @!p2 .LBB2_6-.Ltmp1, $4  }
0x1b: {  	_ = 	snop  }
0x1c: {  	s12 =	sadd.s32 $0x1F40, s10  }
0x1d: {  	s10 =	smov.u32 s2;
	s13 =	sadd.s32 $0x1, s11;
	p1 =	slt.s32 s12, s3  }
0x1e: {  	s11 =	smov.u32 s13;
	s10 =	smov.u32 @p1 s12  }
.LBB2_1:
0x1f: {  	p1 =	sge.u32 s11, s8  }
0x20: {  	s12 =	sxor.u32 @!p1 $0xFFFFFFFF, s11  }
0x21: {  	s12 =	sand.u32 @!p1 $0x1, s12  }
0x22: {  	s12 =	smul.u32 @!p1 $0x1F40, s12  }
0x23: {  	s13 =	sshrl.u32 @!p1 s10, $0x3  }
0x24: {  	s16 =	sand.u32 @!p1 $0x7, s10;
	s14 =	sadd.s32 @!p1 s5, s13;
	s15 =	sadd.s32 @!p1 $0x280, s12  }
0x25: {  	[tilespmem:s15], [sflag:$0x2] =	stream.linear.gather @!p1 [hbm4b:s14+s16], $0x1F40, $0x38;
	[tilespmem:$0x7F80] =	vst v63  }
0x26: {  	s13 =	sadd.s32 @!p1 s7, s13;
	s12 =	sadd.s32 @!p1 $0x4100, s12  }
0x27: {  	[tilespmem:s12], [sflag:$0x2] =	stream.linear.gather @!p1 [hbm4b:s13+s16], $0x1F40, $0x38;
	[tilespmem:$0x7F80] =	vst v63  }
0x28: {  	p1 =	seq.s32 s11, $0x0  }
.Ltmp2:
0x29: {  	_ = 	snop;
	(pc) =	sbr.rel @p1 .LBB2_5-.Ltmp2, $1  }
0x2a: {  	_ =	sdelay $0x3  }
0x2b: {  	s12 =	sand.u32 $0x1, s11  }
0x2c: {  	_ =	swait.ge [sflag:s6], $0x3E80;
	p1 =	seq.s32 s12, $0x1;
	s12 =	simm.s32 $0x1F40  }
0x2d: {  	[sflag:s6] =	ssyncset.done $0x0;
	s12 =	simm.s32 @!p1 $0x0  }
0x2e: {  	[sflag:s6] =	ssyncadd.s32 $0xFFFFC180;
	s14 =	sadd.s32 $0x280, s12  }
0x2f: {  	v0 =	vld.msk [tilespmem:s14+$0x0 ss:$0x1], $0xffff;
	_ =	sdelay $0x4  }
0x30: {  	v0 =	vmin.u32 v0, $0x2800;
	_ =	sdelay $0x3  }
0x31: {  	s13 =	simm.s32 $0x0;
	s12 =	sadd.s32 $0x4100, s12;
	s14 =	sadd.s32 $0x10, s14  }
0x32: {  	[spmem:s9] =	stream.indirect_vreg.scatter.add.s32 [tilespmem:s12], [sflag:$0x1], $0x1, v0, vm0, $0x4038;
	[tilespmem:$0x7F80] =	vst v63  }
.LBB2_3:
0x33: {  	v0 =	vld.msk [tilespmem:s14+$0x0 ss:$0x1], $0xffff;
	s13 =	sadd.s32 $0x10, s13  }
0x34: {  	p1 =	slt.u32 s13, $0x1F30;
	_ =	sdelay $0x4  }
0x35: {  	v0 =	vmin.u32 v0, $0x2800  }
.Ltmp3:
0x36: {  	(pc) =	sbr.rel @p1 .LBB2_3-.Ltmp3, $3  }
0x37: {  	_ =	sdelay $0x1  }
0x38: {  	s14 =	sadd.s32 $0x10, s14;
	s12 =	sadd.s32 $0x10, s12  }
0x39: {  	[spmem:s9] =	stream.indirect_vreg.scatter.add.s32 [tilespmem:s12], [sflag:$0x1], $0x1, v0, vm0, $0x4038;
	[tilespmem:$0x7F80] =	vst v63  }
.Ltmp4:
0x3a: {  	(pc) =	sbr.rel .LBB2_5-.Ltmp4, $4  }
0x3b: {  	_ = 	snop  }
0x3c: {  	_ =	swait.ge [sflag:s4], $0x1F40  }
0x3d: {  	[sflag:s4] =	ssyncset.done $0x0  }
0x3e: {  	[sflag:s4] =	ssyncadd.s32 $0xFFFFE0C0  }
.LBB2_6:
0x3f: {  	_ =	sfence.sel $0x180000  }
0x40: {  	s2 =	simm.s32 $0x2;
	[bflag:$0x0] =	sbarrier.arrive $0xFFFF  }
0x41: {  	s30 =	simm.s32 $0x1;
	[sflag:s2] =	ssyncpa.u1 $0x1  }
0x42: {  	[sflag:s30] =	ssyncpa.u1 $0x1  }
0x43: {  	_ =	sfence.stream.spmem  }
0x44: {  	s31 =	simm.s32 $0x3D;
	[bflag:$0x0] =	sbarrier.arrive $0xFFFF  }
0x45: {  	s2 =	simm.s32 @p0 $0x3D;
	[sflag:s31] =	ssyncpa.u1 $0x0  }
0x46: {  	[sflag:s2] =	ssyncpa.u1 @p0 $0x1  }
0x47: {  	[bflag:$0x0] =	sbarrier.arrive @p0 $0xFFFF  }
0x48: {  	_ =	strace @p0 $0x90000047  }
0x49: {  	s3 =	simm.s32 @!p0 $0x1C3D;
	s2 =	simm.s32 @!p0 $0x0;
	[bflag:$0x2] =	sbarrier.arrive @p0 $0xFFFF  }
0x4a: {  	[hbm:s1], [sflag:s3] =	dma.local @!p0 [spmem:s2], $0x500  }
0x4b: {  	s1 =	simm.s32 @!p0 $0x3D  }
0x4c: {  	_ =	swait.ge @!p0 [sflag:s1], $0x500  }
0x4d: {  	[sflag:s1] =	ssyncset.done @!p0 $0x0  }
0x4e: {  	[sflag:s1] =	ssyncadd.s32 @!p0 $0xFFFFFB00  }
0x4f: {  	[sflag:s1] =	ssyncpa.u1 @!p0 $0x1  }
0x50: {  	[bflag:$0x0] =	sbarrier.arrive @!p0 $0xFFFF  }
0x51: {  	_ =	strace @!p0 $0x90000047  }
0x52: {  	s0 =	sadd.s32 @!p0 $0x100000, s0;
	[bflag:$0x2] =	sbarrier.arrive @!p0 $0xFFFF  }
0x53: {  	[sflag:s0] =	ssyncadd.tile.s32 @!p0 $0x1;
	_ =	shalt  }
.Lfunc_end2:
_tile_overlayer_lowered:
.L_overlay_start_2:
0x54: {  	(tag) =	ssettag $0x2  }
0x55: {  	s0 =	rddreg [dreg:$0x0];
	s2 =	stileid.u32  }
0x56: {  	s1 =	rddreg [dreg:$0x1];
	p0 =	sne.s32 s2, $0x0  }
0x57: {  	s3 =	rddreg [dreg:$0x2];
	[bflag:$0x3] =	sbarrier.arrive $0xFFFF;
	s2 =	simm.s32 @!p0 $0x1C01  }
0x58: {  	[timem:s3], [sflag:s2] =	dma.local @!p0 [hbm:s0], s1  }
0x59: {  	s0 =	simm.s32 @!p0 $0x1  }
0x5a: {  	_ =	swait.ge @!p0 [sflag:s0], s1  }
0x5b: {  	s1 =	ssub.s32 @!p0 $0x0, s1;
	[sflag:s0] =	ssyncset.done @!p0 $0x0  }
0x5c: {  	[sflag:s0] =	ssyncadd.s32 @!p0 s1  }
0x5d: {  	[bflag:$0x3] =	sbarrier.arrive $0xFFFF  }
0x5e: {  	_ =	shalt  }

</sc_bundles>
